<compile_context>
chip_gen: v7x
topology: tpu7x:2x2x1
jax: 0.10.2.dev20260603
libtpu: 0.0.44.dev20260713+nightly
codegen_flags: <defaults>
</compile_context>

<pallas_src>
import functools
import math

import jax
import jax.numpy as jnp
from jax import lax
from jax.experimental import pallas as pl
from jax.experimental.pallas import tpu as pltpu
from jax.experimental.pallas import tpu_sc as plsc

D_MODEL = 64
SCALE = math.sqrt(D_MODEL)

NUM_CORES = 2
NUM_SUBCORES = 16
LANES = 16
NW = NUM_CORES * NUM_SUBCORES

NBUF = 2


@functools.lru_cache(maxsize=None)
def _build_sc_gather(S0: int, S1: int, V: int):
    assert S0 % (NW * 128) == 0 or S0 == NW * 128
    lanes_per_w = S0 // NW

    mesh = plsc.VectorSubcoreMesh(core_axis_name="c", subcore_axis_name="s")

    @functools.partial(
        pl.kernel,
        out_type=jax.ShapeDtypeStruct((S1, D_MODEL, S0), jnp.float32),
        mesh=mesh,
        scratch_types=[
            pltpu.VMEM((S1, lanes_per_w), jnp.int32),
            pltpu.VMEM((NBUF, lanes_per_w), jnp.int32),
            pltpu.VMEM((NBUF, lanes_per_w, 128), jnp.float32),
            pltpu.VMEM((NBUF, D_MODEL, 130), jnp.float32),
            pltpu.SemaphoreType.DMA,
            pltpu.SemaphoreType.DMA,
        ],
        compiler_params=pltpu.CompilerParams(needs_layout_passes=False),
    )
    def k(xt_hbm, tab_hbm, out_hbm, idx_v, pb_v, rows_v, ob_v, gsem, wsem):
        wid = lax.axis_index("s") * NUM_CORES + lax.axis_index("c")
        base = wid * lanes_per_w
        pltpu.sync_copy(xt_hbm.at[:, pl.ds(base, lanes_per_w)], idx_v)

        def compute_p(g, slot):
            for kk in range(lanes_per_w // LANES):
                sl = pl.ds(kk * LANES, LANES)
                pb_v[slot, sl] = jnp.right_shift(idx_v[g, sl], 1)

        def start_gather(slot):
            pltpu.async_copy(tab_hbm.at[pb_v.at[slot]], rows_v.at[slot], gsem)

        def wait_gather(slot):
            pltpu.make_async_copy(
                tab_hbm.at[pb_v.at[slot]], rows_v.at[slot], gsem
            ).wait()

        def start_write(g, slot):
            pltpu.async_copy(
                ob_v.at[slot, :, pl.ds(0, lanes_per_w)],
                out_hbm.at[g, :, pl.ds(base, lanes_per_w)],
                wsem,
            )

        def wait_write(slot):
            pltpu.make_async_copy(
                ob_v.at[slot, :, pl.ds(0, lanes_per_w)],
                out_hbm.at[0, :, pl.ds(base, lanes_per_w)],
                wsem,
            ).wait()

        iota16 = jax.lax.iota(jnp.int32, LANES)

        def compute_out(g, slot):
            ob = ob_v.at[slot]
            rows = rows_v.at[slot]

            @pl.loop(0, lanes_per_w // LANES)
            def _(kk):
                tok = iota16 + kk * LANES
                hv = jnp.left_shift(
                    jnp.bitwise_and(idx_v[g, pl.ds(kk * LANES, LANES)], 1), 6
                )
                for d in range(LANES):
                    fbase = jnp.bitwise_and(iota16 + d, LANES - 1)
                    cbase = hv + fbase
                    for j in range(D_MODEL // LANES):
                        frow = fbase + j * LANES
                        vals = plsc.load_gather(rows, [tok, cbase + j * LANES])
                        plsc.store_scatter(ob, [frow, tok], vals * SCALE)

        assert S1 % NBUF == 0
        compute_p(0, 0)
        start_gather(0)
        compute_p(1, 1)

        @pl.loop(0, S1, step=NBUF)
        def _(g0):
            for b in range(NBUF):
                g = g0 + b
                nxt = g + 1

                @pl.when(g >= NBUF)
                def _():
                    wait_write(b)

                @pl.when(nxt < S1)
                def _():
                    start_gather((b + 1) % NBUF)

                wait_gather(b)
                compute_out(g, b)

                @pl.when(nxt + 1 < S1)
                def _():
                    compute_p(nxt + 1, b)

                start_write(g, b)

        wait_write(0)
        wait_write(1)

    return k


def kernel(x, lut):
    S0, S1 = x.shape
    V = lut.shape[0]
    tab = lut.reshape(V // 2, 2 * D_MODEL)
    k = _build_sc_gather(S0, S1, V)
    out = k(x.T, tab)
    return out.transpose(2, 0, 1)

# --- scband reference (transcript-rebuilt; emitter-appended) ---
"""Pipeline reference for scband-pos-embeddings-63720134804039 (READ-ONLY COPY).

The authoritative reference and input builder live on the scoring server;
editing this copy changes nothing except your own understanding.
"""

import jax, jax.numpy as jnp
import numpy as np
import math

D_MODEL = 64
VOCAB = 1000000

def setup_inputs(seed: int = 0) -> dict:
    key = jax.random.key(seed)
    k1, k2 = jax.random.split(key)
    x = jax.random.randint(k1, (4096, 200), 0, VOCAB, dtype=jnp.int64 if jax.config.read('jax_enable_x64') else jnp.int32)
    lut = jax.random.normal(k2, (VOCAB, D_MODEL), dtype=jnp.float32)
    return {"x": x, "lut": lut}

def reference(x, lut):
    # Equivalent of nn.Embedding(vocab, d_model)(x) * sqrt(d_model)
    emb = jnp.take(lut, x, axis=0)
    return emb * math.sqrt(D_MODEL)

if __name__ == "__main__":
    import jax
    _d = setup_inputs()
    print(jax.jit(kernel)(*tuple(_d.values())))

</pallas_src>

<mosaic_0001>
#map = affine_map<(d0, d1) -> (0, 0)>
#map1 = affine_map<(d0, d1) -> (0, 0, 0)>
module attributes {stable_mosaic.version = 14 : i64} {
  func.func @k(%arg0: i32, %arg1: i32, %arg2: memref<200x4096xi32, #tpu.memory_space<hbm>>, %arg3: memref<500000x128xf32, #tpu.memory_space<hbm>>, %arg4: memref<200x64x4096xf32, #tpu.memory_space<hbm>>, %arg5: memref<200x128xi32, #tpu.memory_space<vmem>>, %arg6: memref<2x128xi32, #tpu.memory_space<vmem>>, %arg7: memref<2x128x128xf32, #tpu.memory_space<vmem>>, %arg8: memref<2x64x130xf32, #tpu.memory_space<vmem>>, %arg9: memref<!tpu.dma_semaphore, #tpu.memory_space<semaphore_mem>>, %arg10: memref<!tpu.dma_semaphore, #tpu.memory_space<semaphore_mem>>) attributes {dimension_semantics = [#tpu.dimension_semantics<core_parallel>, #tpu.dimension_semantics<subcore_parallel>], iteration_bounds = array<i64: 2, 16>, scalar_prefetch = 0 : i64, scratch_operands = 6 : i64, tpu.core_type = #tpu.core_type<sc_vector_subcore>, window_params = [{transform_indices = #map}, {transform_indices = #map}, {transform_indices = #map1}]} {
    %mul3A = arith.constant 2 : i32
    %mul3A_0 = arith.muli %arg1, %mul3A : i32
    %add3A = arith.addi %mul3A_0, %arg0 : i32
    %mul3A_1 = arith.constant 128 : i32
    %mul3A_2 = arith.muli %add3A, %mul3A_1 : i32
    "tpu.region"() ({
      %run_scoped3A = tpu.sem_alloc : memref<!tpu.dma_semaphore, #tpu.memory_space<semaphore_mem>>
      %dma_start3A_222 = arith.constant 0 : i32
      %dma_start3A_223 = tpu.memref_slice %arg2[%dma_start3A_222, %mul3A_2] : memref<200x4096xi32, #tpu.memory_space<hbm>> -> memref<200x128xi32, #tpu.memory_space<hbm>>
      %dma_start3A_224 = arith.constant 0 : i32
      %dma_start3A_225 = tpu.memref_slice %arg2[%dma_start3A_224, %mul3A_2] : memref<200x4096xi32, #tpu.memory_space<hbm>> -> memref<200x128xi32, #tpu.memory_space<hbm>>
      tpu.enqueue_dma source(%dma_start3A_225 : memref<200x128xi32, #tpu.memory_space<hbm>>) target(%arg5 : memref<200x128xi32, #tpu.memory_space<vmem>>) target_semaphore(%run_scoped3A : memref<!tpu.dma_semaphore, #tpu.memory_space<semaphore_mem>>)
      %dma_wait3A_226 = arith.constant 0 : i32
      %dma_wait3A_227 = tpu.memref_slice %arg2[%dma_wait3A_226, %mul3A_2] : memref<200x4096xi32, #tpu.memory_space<hbm>> -> memref<200x128xi32, #tpu.memory_space<hbm>>
      %dma_wait3A_228 = arith.constant 0 : i32
      %dma_wait3A_229 = tpu.memref_slice %arg2[%dma_wait3A_228, %mul3A_2] : memref<200x4096xi32, #tpu.memory_space<hbm>> -> memref<200x128xi32, #tpu.memory_space<hbm>>
      tpu.wait_dma2 semaphore(%run_scoped3A : memref<!tpu.dma_semaphore, #tpu.memory_space<semaphore_mem>>) src(%dma_wait3A_229 : memref<200x128xi32, #tpu.memory_space<hbm>>) dst(%arg5 : memref<200x128xi32, #tpu.memory_space<vmem>>)
      tpu.yield
    }) : () -> ()
    %iota3A = tpu.iota {dimensions = array<i32: 0>} : vector<16xi32>
    %get3A = arith.constant 0 : i32
    %get3A_3 = arith.index_cast %get3A : i32 to index
    %get3A_4 = arith.constant 0 : index
    %get3A_5 = tpu.vector_load %arg5[%get3A_3, %get3A_4] {strides = array<i32>} : memref<200x128xi32, #tpu.memory_space<vmem>>, vector<16xi32>,
    %shift_right_arithmetic3A = arith.constant 1 : i32
    %shift_right_arithmetic3A_6 = vector.broadcast %shift_right_arithmetic3A : i32 to vector<16xi32>
    %shift_right_arithmetic3A_7 = arith.shrsi %get3A_5, %shift_right_arithmetic3A_6 : vector<16xi32>
    %swap3A = arith.constant 0 : i32
    %swap3A_8 = arith.index_cast %swap3A : i32 to index
    %swap3A_9 = arith.constant 0 : index
    %swap3A_10 = tpu.vector_load %arg6[%swap3A_8, %swap3A_9] {strides = array<i32>} : memref<2x128xi32, #tpu.memory_space<vmem>>, vector<16xi32>,
    tpu.vector_store %arg6[%swap3A_8, %swap3A_9], %shift_right_arithmetic3A_7 {strides = array<i32>} : memref<2x128xi32, #tpu.memory_space<vmem>>, vector<16xi32>,
    %get3A_11 = arith.constant 0 : i32
    %get3A_12 = arith.index_cast %get3A_11 : i32 to index
    %get3A_13 = arith.constant 16 : index
    %get3A_14 = tpu.vector_load %arg5[%get3A_12, %get3A_13] {strides = array<i32>} : memref<200x128xi32, #tpu.memory_space<vmem>>, vector<16xi32>,
    %shift_right_arithmetic3A_15 = arith.constant 1 : i32
    %shift_right_arithmetic3A_16 = vector.broadcast %shift_right_arithmetic3A_15 : i32 to vector<16xi32>
    %shift_right_arithmetic3A_17 = arith.shrsi %get3A_14, %shift_right_arithmetic3A_16 : vector<16xi32>
    %swap3A_18 = arith.constant 0 : i32
    %swap3A_19 = arith.index_cast %swap3A_18 : i32 to index
    %swap3A_20 = arith.constant 16 : index
    %swap3A_21 = tpu.vector_load %arg6[%swap3A_19, %swap3A_20] {strides = array<i32>} : memref<2x128xi32, #tpu.memory_space<vmem>>, vector<16xi32>,
    tpu.vector_store %arg6[%swap3A_19, %swap3A_20], %shift_right_arithmetic3A_17 {strides = array<i32>} : memref<2x128xi32, #tpu.memory_space<vmem>>, vector<16xi32>,
    %get3A_22 = arith.constant 0 : i32
    %get3A_23 = arith.index_cast %get3A_22 : i32 to index
    %get3A_24 = arith.constant 32 : index
    %get3A_25 = tpu.vector_load %arg5[%get3A_23, %get3A_24] {strides = array<i32>} : memref<200x128xi32, #tpu.memory_space<vmem>>, vector<16xi32>,
    %shift_right_arithmetic3A_26 = arith.constant 1 : i32
    %shift_right_arithmetic3A_27 = vector.broadcast %shift_right_arithmetic3A_26 : i32 to vector<16xi32>
    %shift_right_arithmetic3A_28 = arith.shrsi %get3A_25, %shift_right_arithmetic3A_27 : vector<16xi32>
    %swap3A_29 = arith.constant 0 : i32
    %swap3A_30 = arith.index_cast %swap3A_29 : i32 to index
    %swap3A_31 = arith.constant 32 : index
    %swap3A_32 = tpu.vector_load %arg6[%swap3A_30, %swap3A_31] {strides = array<i32>} : memref<2x128xi32, #tpu.memory_space<vmem>>, vector<16xi32>,
    tpu.vector_store %arg6[%swap3A_30, %swap3A_31], %shift_right_arithmetic3A_28 {strides = array<i32>} : memref<2x128xi32, #tpu.memory_space<vmem>>, vector<16xi32>,
    %get3A_33 = arith.constant 0 : i32
    %get3A_34 = arith.index_cast %get3A_33 : i32 to index
    %get3A_35 = arith.constant 48 : index
    %get3A_36 = tpu.vector_load %arg5[%get3A_34, %get3A_35] {strides = array<i32>} : memref<200x128xi32, #tpu.memory_space<vmem>>, vector<16xi32>,
    %shift_right_arithmetic3A_37 = arith.constant 1 : i32
    %shift_right_arithmetic3A_38 = vector.broadcast %shift_right_arithmetic3A_37 : i32 to vector<16xi32>
    %shift_right_arithmetic3A_39 = arith.shrsi %get3A_36, %shift_right_arithmetic3A_38 : vector<16xi32>
    %swap3A_40 = arith.constant 0 : i32
    %swap3A_41 = arith.index_cast %swap3A_40 : i32 to index
    %swap3A_42 = arith.constant 48 : index
    %swap3A_43 = tpu.vector_load %arg6[%swap3A_41, %swap3A_42] {strides = array<i32>} : memref<2x128xi32, #tpu.memory_space<vmem>>, vector<16xi32>,
    tpu.vector_store %arg6[%swap3A_41, %swap3A_42], %shift_right_arithmetic3A_39 {strides = array<i32>} : memref<2x128xi32, #tpu.memory_space<vmem>>, vector<16xi32>,
    %get3A_44 = arith.constant 0 : i32
    %get3A_45 = arith.index_cast %get3A_44 : i32 to index
    %get3A_46 = arith.constant 64 : index
    %get3A_47 = tpu.vector_load %arg5[%get3A_45, %get3A_46] {strides = array<i32>} : memref<200x128xi32, #tpu.memory_space<vmem>>, vector<16xi32>,
    %shift_right_arithmetic3A_48 = arith.constant 1 : i32
    %shift_right_arithmetic3A_49 = vector.broadcast %shift_right_arithmetic3A_48 : i32 to vector<16xi32>
    %shift_right_arithmetic3A_50 = arith.shrsi %get3A_47, %shift_right_arithmetic3A_49 : vector<16xi32>
    %swap3A_51 = arith.constant 0 : i32
    %swap3A_52 = arith.index_cast %swap3A_51 : i32 to index
    %swap3A_53 = arith.constant 64 : index
    %swap3A_54 = tpu.vector_load %arg6[%swap3A_52, %swap3A_53] {strides = array<i32>} : memref<2x128xi32, #tpu.memory_space<vmem>>, vector<16xi32>,
    tpu.vector_store %arg6[%swap3A_52, %swap3A_53], %shift_right_arithmetic3A_50 {strides = array<i32>} : memref<2x128xi32, #tpu.memory_space<vmem>>, vector<16xi32>,
    %get3A_55 = arith.constant 0 : i32
    %get3A_56 = arith.index_cast %get3A_55 : i32 to index
    %get3A_57 = arith.constant 80 : index
    %get3A_58 = tpu.vector_load %arg5[%get3A_56, %get3A_57] {strides = array<i32>} : memref<200x128xi32, #tpu.memory_space<vmem>>, vector<16xi32>,
    %shift_right_arithmetic3A_59 = arith.constant 1 : i32
    %shift_right_arithmetic3A_60 = vector.broadcast %shift_right_arithmetic3A_59 : i32 to vector<16xi32>
    %shift_right_arithmetic3A_61 = arith.shrsi %get3A_58, %shift_right_arithmetic3A_60 : vector<16xi32>
    %swap3A_62 = arith.constant 0 : i32
    %swap3A_63 = arith.index_cast %swap3A_62 : i32 to index
    %swap3A_64 = arith.constant 80 : index
    %swap3A_65 = tpu.vector_load %arg6[%swap3A_63, %swap3A_64] {strides = array<i32>} : memref<2x128xi32, #tpu.memory_space<vmem>>, vector<16xi32>,
    tpu.vector_store %arg6[%swap3A_63, %swap3A_64], %shift_right_arithmetic3A_61 {strides = array<i32>} : memref<2x128xi32, #tpu.memory_space<vmem>>, vector<16xi32>,
    %get3A_66 = arith.constant 0 : i32
    %get3A_67 = arith.index_cast %get3A_66 : i32 to index
    %get3A_68 = arith.constant 96 : index
    %get3A_69 = tpu.vector_load %arg5[%get3A_67, %get3A_68] {strides = array<i32>} : memref<200x128xi32, #tpu.memory_space<vmem>>, vector<16xi32>,
    %shift_right_arithmetic3A_70 = arith.constant 1 : i32
    %shift_right_arithmetic3A_71 = vector.broadcast %shift_right_arithmetic3A_70 : i32 to vector<16xi32>
    %shift_right_arithmetic3A_72 = arith.shrsi %get3A_69, %shift_right_arithmetic3A_71 : vector<16xi32>
    %swap3A_73 = arith.constant 0 : i32
    %swap3A_74 = arith.index_cast %swap3A_73 : i32 to index
    %swap3A_75 = arith.constant 96 : index
    %swap3A_76 = tpu.vector_load %arg6[%swap3A_74, %swap3A_75] {strides = array<i32>} : memref<2x128xi32, #tpu.memory_space<vmem>>, vector<16xi32>,
    tpu.vector_store %arg6[%swap3A_74, %swap3A_75], %shift_right_arithmetic3A_72 {strides = array<i32>} : memref<2x128xi32, #tpu.memory_space<vmem>>, vector<16xi32>,
    %get3A_77 = arith.constant 0 : i32
    %get3A_78 = arith.index_cast %get3A_77 : i32 to index
    %get3A_79 = arith.constant 112 : index
    %get3A_80 = tpu.vector_load %arg5[%get3A_78, %get3A_79] {strides = array<i32>} : memref<200x128xi32, #tpu.memory_space<vmem>>, vector<16xi32>,
    %shift_right_arithmetic3A_81 = arith.constant 1 : i32
    %shift_right_arithmetic3A_82 = vector.broadcast %shift_right_arithmetic3A_81 : i32 to vector<16xi32>
    %shift_right_arithmetic3A_83 = arith.shrsi %get3A_80, %shift_right_arithmetic3A_82 : vector<16xi32>
    %swap3A_84 = arith.constant 0 : i32
    %swap3A_85 = arith.index_cast %swap3A_84 : i32 to index
    %swap3A_86 = arith.constant 112 : index
    %swap3A_87 = tpu.vector_load %arg6[%swap3A_85, %swap3A_86] {strides = array<i32>} : memref<2x128xi32, #tpu.memory_space<vmem>>, vector<16xi32>,
    tpu.vector_store %arg6[%swap3A_85, %swap3A_86], %shift_right_arithmetic3A_83 {strides = array<i32>} : memref<2x128xi32, #tpu.memory_space<vmem>>, vector<16xi32>,
    %dma_start3A = arith.constant 0 : i32
    %dma_start3A_88 = arith.constant 0 : i32
    %dma_start3A_89 = arith.constant 0 : i32
    %dma_start3A_90 = arith.constant 0 : i32
    %dma_start3A_91 = tpu.memref_slice %arg7[%dma_start3A_88, %dma_start3A_89, %dma_start3A_90] : memref<2x128x128xf32, #tpu.memory_space<vmem>> -> memref<1x128x128xf32, #tpu.memory_space<vmem>>
    %dma_start3A_92 = tpu.memref_squeeze %dma_start3A_91 : memref<1x128x128xf32, #tpu.memory_space<vmem>> -> memref<128x128xf32, #tpu.memory_space<vmem>>
    %dma_start3A_93 = arith.constant 0 : i32
    %dma_start3A_94 = tpu.memref_slice %arg6[%dma_start3A, %dma_start3A_93] : memref<2x128xi32, #tpu.memory_space<vmem>> -> memref<1x128xi32, #tpu.memory_space<vmem>>
    %dma_start3A_95 = tpu.memref_squeeze %dma_start3A_94 : memref<1x128xi32, #tpu.memory_space<vmem>> -> memref<128xi32, #tpu.memory_space<vmem>>
    %dma_start3A_96 = arith.constant 0 : i32
    %dma_start3A_97 = arith.constant 0 : i32
    %dma_start3A_98 = tpu.memref_slice %arg3[%dma_start3A_96, %dma_start3A_97] : memref<500000x128xf32, #tpu.memory_space<hbm>> -> memref<500000x128xf32, #tpu.memory_space<hbm>>
    tpu.enqueue_indirect_dma source(%dma_start3A_98 : memref<500000x128xf32, #tpu.memory_space<hbm>>) target(%dma_start3A_92 : memref<128x128xf32, #tpu.memory_space<vmem>>) offsets(%dma_start3A_95 : memref<128xi32, #tpu.memory_space<vmem>>) semaphore(%arg9 : memref<!tpu.dma_semaphore, #tpu.memory_space<semaphore_mem>>)
    %get3A_99 = arith.constant 1 : i32
    %get3A_100 = arith.index_cast %get3A_99 : i32 to index
    %get3A_101 = arith.constant 0 : index
    %get3A_102 = tpu.vector_load %arg5[%get3A_100, %get3A_101] {strides = array<i32>} : memref<200x128xi32, #tpu.memory_space<vmem>>, vector<16xi32>,
    %shift_right_arithmetic3A_103 = arith.constant 1 : i32
    %shift_right_arithmetic3A_104 = vector.broadcast %shift_right_arithmetic3A_103 : i32 to vector<16xi32>
    %shift_right_arithmetic3A_105 = arith.shrsi %get3A_102, %shift_right_arithmetic3A_104 : vector<16xi32>
    %swap3A_106 = arith.constant 1 : i32
    %swap3A_107 = arith.index_cast %swap3A_106 : i32 to index
    %swap3A_108 = arith.constant 0 : index
    %swap3A_109 = tpu.vector_load %arg6[%swap3A_107, %swap3A_108] {strides = array<i32>} : memref<2x128xi32, #tpu.memory_space<vmem>>, vector<16xi32>,
    tpu.vector_store %arg6[%swap3A_107, %swap3A_108], %shift_right_arithmetic3A_105 {strides = array<i32>} : memref<2x128xi32, #tpu.memory_space<vmem>>, vector<16xi32>,
    %get3A_110 = arith.constant 1 : i32
    %get3A_111 = arith.index_cast %get3A_110 : i32 to index
    %get3A_112 = arith.constant 16 : index
    %get3A_113 = tpu.vector_load %arg5[%get3A_111, %get3A_112] {strides = array<i32>} : memref<200x128xi32, #tpu.memory_space<vmem>>, vector<16xi32>,
    %shift_right_arithmetic3A_114 = arith.constant 1 : i32
    %shift_right_arithmetic3A_115 = vector.broadcast %shift_right_arithmetic3A_114 : i32 to vector<16xi32>
    %shift_right_arithmetic3A_116 = arith.shrsi %get3A_113, %shift_right_arithmetic3A_115 : vector<16xi32>
    %swap3A_117 = arith.constant 1 : i32
    %swap3A_118 = arith.index_cast %swap3A_117 : i32 to index
    %swap3A_119 = arith.constant 16 : index
    %swap3A_120 = tpu.vector_load %arg6[%swap3A_118, %swap3A_119] {strides = array<i32>} : memref<2x128xi32, #tpu.memory_space<vmem>>, vector<16xi32>,
    tpu.vector_store %arg6[%swap3A_118, %swap3A_119], %shift_right_arithmetic3A_116 {strides = array<i32>} : memref<2x128xi32, #tpu.memory_space<vmem>>, vector<16xi32>,
    %get3A_121 = arith.constant 1 : i32
    %get3A_122 = arith.index_cast %get3A_121 : i32 to index
    %get3A_123 = arith.constant 32 : index
    %get3A_124 = tpu.vector_load %arg5[%get3A_122, %get3A_123] {strides = array<i32>} : memref<200x128xi32, #tpu.memory_space<vmem>>, vector<16xi32>,
    %shift_right_arithmetic3A_125 = arith.constant 1 : i32
    %shift_right_arithmetic3A_126 = vector.broadcast %shift_right_arithmetic3A_125 : i32 to vector<16xi32>
    %shift_right_arithmetic3A_127 = arith.shrsi %get3A_124, %shift_right_arithmetic3A_126 : vector<16xi32>
    %swap3A_128 = arith.constant 1 : i32
    %swap3A_129 = arith.index_cast %swap3A_128 : i32 to index
    %swap3A_130 = arith.constant 32 : index
    %swap3A_131 = tpu.vector_load %arg6[%swap3A_129, %swap3A_130] {strides = array<i32>} : memref<2x128xi32, #tpu.memory_space<vmem>>, vector<16xi32>,
    tpu.vector_store %arg6[%swap3A_129, %swap3A_130], %shift_right_arithmetic3A_127 {strides = array<i32>} : memref<2x128xi32, #tpu.memory_space<vmem>>, vector<16xi32>,
    %get3A_132 = arith.constant 1 : i32
    %get3A_133 = arith.index_cast %get3A_132 : i32 to index
    %get3A_134 = arith.constant 48 : index
    %get3A_135 = tpu.vector_load %arg5[%get3A_133, %get3A_134] {strides = array<i32>} : memref<200x128xi32, #tpu.memory_space<vmem>>, vector<16xi32>,
    %shift_right_arithmetic3A_136 = arith.constant 1 : i32
    %shift_right_arithmetic3A_137 = vector.broadcast %shift_right_arithmetic3A_136 : i32 to vector<16xi32>
    %shift_right_arithmetic3A_138 = arith.shrsi %get3A_135, %shift_right_arithmetic3A_137 : vector<16xi32>
    %swap3A_139 = arith.constant 1 : i32
    %swap3A_140 = arith.index_cast %swap3A_139 : i32 to index
    %swap3A_141 = arith.constant 48 : index
    %swap3A_142 = tpu.vector_load %arg6[%swap3A_140, %swap3A_141] {strides = array<i32>} : memref<2x128xi32, #tpu.memory_space<vmem>>, vector<16xi32>,
    tpu.vector_store %arg6[%swap3A_140, %swap3A_141], %shift_right_arithmetic3A_138 {strides = array<i32>} : memref<2x128xi32, #tpu.memory_space<vmem>>, vector<16xi32>,
    %get3A_143 = arith.constant 1 : i32
    %get3A_144 = arith.index_cast %get3A_143 : i32 to index
    %get3A_145 = arith.constant 64 : index
    %get3A_146 = tpu.vector_load %arg5[%get3A_144, %get3A_145] {strides = array<i32>} : memref<200x128xi32, #tpu.memory_space<vmem>>, vector<16xi32>,
    %shift_right_arithmetic3A_147 = arith.constant 1 : i32
    %shift_right_arithmetic3A_148 = vector.broadcast %shift_right_arithmetic3A_147 : i32 to vector<16xi32>
    %shift_right_arithmetic3A_149 = arith.shrsi %get3A_146, %shift_right_arithmetic3A_148 : vector<16xi32>
    %swap3A_150 = arith.constant 1 : i32
    %swap3A_151 = arith.index_cast %swap3A_150 : i32 to index
    %swap3A_152 = arith.constant 64 : index
    %swap3A_153 = tpu.vector_load %arg6[%swap3A_151, %swap3A_152] {strides = array<i32>} : memref<2x128xi32, #tpu.memory_space<vmem>>, vector<16xi32>,
    tpu.vector_store %arg6[%swap3A_151, %swap3A_152], %shift_right_arithmetic3A_149 {strides = array<i32>} : memref<2x128xi32, #tpu.memory_space<vmem>>, vector<16xi32>,
    %get3A_154 = arith.constant 1 : i32
    %get3A_155 = arith.index_cast %get3A_154 : i32 to index
    %get3A_156 = arith.constant 80 : index
    %get3A_157 = tpu.vector_load %arg5[%get3A_155, %get3A_156] {strides = array<i32>} : memref<200x128xi32, #tpu.memory_space<vmem>>, vector<16xi32>,
    %shift_right_arithmetic3A_158 = arith.constant 1 : i32
    %shift_right_arithmetic3A_159 = vector.broadcast %shift_right_arithmetic3A_158 : i32 to vector<16xi32>
    %shift_right_arithmetic3A_160 = arith.shrsi %get3A_157, %shift_right_arithmetic3A_159 : vector<16xi32>
    %swap3A_161 = arith.constant 1 : i32
    %swap3A_162 = arith.index_cast %swap3A_161 : i32 to index
    %swap3A_163 = arith.constant 80 : index
    %swap3A_164 = tpu.vector_load %arg6[%swap3A_162, %swap3A_163] {strides = array<i32>} : memref<2x128xi32, #tpu.memory_space<vmem>>, vector<16xi32>,
    tpu.vector_store %arg6[%swap3A_162, %swap3A_163], %shift_right_arithmetic3A_160 {strides = array<i32>} : memref<2x128xi32, #tpu.memory_space<vmem>>, vector<16xi32>,
    %get3A_165 = arith.constant 1 : i32
    %get3A_166 = arith.index_cast %get3A_165 : i32 to index
    %get3A_167 = arith.constant 96 : index
    %get3A_168 = tpu.vector_load %arg5[%get3A_166, %get3A_167] {strides = array<i32>} : memref<200x128xi32, #tpu.memory_space<vmem>>, vector<16xi32>,
    %shift_right_arithmetic3A_169 = arith.constant 1 : i32
    %shift_right_arithmetic3A_170 = vector.broadcast %shift_right_arithmetic3A_169 : i32 to vector<16xi32>
    %shift_right_arithmetic3A_171 = arith.shrsi %get3A_168, %shift_right_arithmetic3A_170 : vector<16xi32>
    %swap3A_172 = arith.constant 1 : i32
    %swap3A_173 = arith.index_cast %swap3A_172 : i32 to index
    %swap3A_174 = arith.constant 96 : index
    %swap3A_175 = tpu.vector_load %arg6[%swap3A_173, %swap3A_174] {strides = array<i32>} : memref<2x128xi32, #tpu.memory_space<vmem>>, vector<16xi32>,
    tpu.vector_store %arg6[%swap3A_173, %swap3A_174], %shift_right_arithmetic3A_171 {strides = array<i32>} : memref<2x128xi32, #tpu.memory_space<vmem>>, vector<16xi32>,
    %get3A_176 = arith.constant 1 : i32
    %get3A_177 = arith.index_cast %get3A_176 : i32 to index
    %get3A_178 = arith.constant 112 : index
    %get3A_179 = tpu.vector_load %arg5[%get3A_177, %get3A_178] {strides = array<i32>} : memref<200x128xi32, #tpu.memory_space<vmem>>, vector<16xi32>,
    %shift_right_arithmetic3A_180 = arith.constant 1 : i32
    %shift_right_arithmetic3A_181 = vector.broadcast %shift_right_arithmetic3A_180 : i32 to vector<16xi32>
    %shift_right_arithmetic3A_182 = arith.shrsi %get3A_179, %shift_right_arithmetic3A_181 : vector<16xi32>
    %swap3A_183 = arith.constant 1 : i32
    %swap3A_184 = arith.index_cast %swap3A_183 : i32 to index
    %swap3A_185 = arith.constant 112 : index
    %swap3A_186 = tpu.vector_load %arg6[%swap3A_184, %swap3A_185] {strides = array<i32>} : memref<2x128xi32, #tpu.memory_space<vmem>>, vector<16xi32>,
    tpu.vector_store %arg6[%swap3A_184, %swap3A_185], %shift_right_arithmetic3A_182 {strides = array<i32>} : memref<2x128xi32, #tpu.memory_space<vmem>>, vector<16xi32>,
    %scan3A = arith.constant 0 : i32
    %scan3A_187 = arith.constant 100 : i32
    %scan3A_188 = arith.addi %scan3A, %scan3A_187 : i32
    %scan3A_189 = arith.constant 1 : i32
    scf.for %scan3A_222 = %scan3A to %scan3A_188 step %scan3A_189  : i32 {
      %mul3A_223 = arith.constant 2 : i32
      %mul3A_224 = arith.muli %scan3A_222, %mul3A_223 : i32
      %add3A_225 = arith.constant 0 : i32
      %add3A_226 = arith.addi %add3A_225, %mul3A_224 : i32
      %add3A_227 = arith.constant 0 : i32
      %add3A_228 = arith.addi %add3A_226, %add3A_227 : i32
      %add3A_229 = arith.constant 1 : i32
      %add3A_230 = arith.addi %add3A_228, %add3A_229 : i32
      %ge3A = arith.constant 2 : i32
      %ge3A_231 = arith.cmpi sge, %add3A_228, %ge3A : i32
      %convert_element_type3A = arith.extui %ge3A_231 : i1 to i32
      %cond3A = arith.constant 0 : i32
      %cond3A_232 = arith.cmpi ne, %convert_element_type3A, %cond3A : i32
      scf.if %cond3A_232 {
        %dma_wait3A_333 = arith.constant 0 : i32
        %dma_wait3A_334 = arith.constant 0 : i32
        %dma_wait3A_335 = arith.constant 0 : i32
        %dma_wait3A_336 = arith.constant 0 : i32
        %dma_wait3A_337 = tpu.memref_slice %arg8[%dma_wait3A_333, %dma_wait3A_335, %dma_wait3A_336] : memref<2x64x130xf32, #tpu.memory_space<vmem>> -> memref<1x64x128xf32, #tpu.memory_space<vmem>>
        %dma_wait3A_338 = tpu.memref_squeeze %dma_wait3A_337 : memref<1x64x128xf32, #tpu.memory_space<vmem>> -> memref<64x128xf32, #tpu.memory_space<vmem>>
        %dma_wait3A_339 = arith.constant 0 : i32
        %dma_wait3A_340 = tpu.memref_slice %arg4[%dma_wait3A_334, %dma_wait3A_339, %mul3A_2] : memref<200x64x4096xf32, #tpu.memory_space<hbm>> -> memref<1x64x128xf32, #tpu.memory_space<hbm>>
        %dma_wait3A_341 = tpu.memref_squeeze %dma_wait3A_340 : memref<1x64x128xf32, #tpu.memory_space<hbm>> -> memref<64x128xf32, #tpu.memory_space<hbm>>
        %dma_wait3A_342 = arith.constant 0 : i32
        %dma_wait3A_343 = tpu.memref_slice %arg4[%dma_wait3A_334, %dma_wait3A_342, %mul3A_2] : memref<200x64x4096xf32, #tpu.memory_space<hbm>> -> memref<1x64x128xf32, #tpu.memory_space<hbm>>
        %dma_wait3A_344 = tpu.memref_squeeze %dma_wait3A_343 : memref<1x64x128xf32, #tpu.memory_space<hbm>> -> memref<64x128xf32, #tpu.memory_space<hbm>>
        %dma_wait3A_345 = arith.constant 0 : i32
        %dma_wait3A_346 = arith.constant 0 : i32
        %dma_wait3A_347 = tpu.memref_slice %arg8[%dma_wait3A_333, %dma_wait3A_345, %dma_wait3A_346] : memref<2x64x130xf32, #tpu.memory_space<vmem>> -> memref<1x64x128xf32, #tpu.memory_space<vmem>>
        %dma_wait3A_348 = tpu.memref_squeeze %dma_wait3A_347 : memref<1x64x128xf32, #tpu.memory_space<vmem>> -> memref<64x128xf32, #tpu.memory_space<vmem>>
        tpu.wait_dma2 semaphore(%arg10 : memref<!tpu.dma_semaphore, #tpu.memory_space<semaphore_mem>>) src(%dma_wait3A_348 : memref<64x128xf32, #tpu.memory_space<vmem>>) dst(%dma_wait3A_344 : memref<64x128xf32, #tpu.memory_space<hbm>>)
      } else {
      }
      %lt3A = arith.constant 200 : i32
      %lt3A_233 = arith.cmpi slt, %add3A_230, %lt3A : i32
      %convert_element_type3A_234 = arith.extui %lt3A_233 : i1 to i32
      %cond3A_235 = arith.constant 0 : i32
      %cond3A_236 = arith.cmpi ne, %convert_element_type3A_234, %cond3A_235 : i32
      scf.if %cond3A_236 {
        %dma_start3A_333 = arith.constant 1 : i32
        %dma_start3A_334 = arith.constant 1 : i32
        %dma_start3A_335 = arith.constant 0 : i32
        %dma_start3A_336 = arith.constant 0 : i32
        %dma_start3A_337 = tpu.memref_slice %arg7[%dma_start3A_334, %dma_start3A_335, %dma_start3A_336] : memref<2x128x128xf32, #tpu.memory_space<vmem>> -> memref<1x128x128xf32, #tpu.memory_space<vmem>>
        %dma_start3A_338 = tpu.memref_squeeze %dma_start3A_337 : memref<1x128x128xf32, #tpu.memory_space<vmem>> -> memref<128x128xf32, #tpu.memory_space<vmem>>
        %dma_start3A_339 = arith.constant 0 : i32
        %dma_start3A_340 = tpu.memref_slice %arg6[%dma_start3A_333, %dma_start3A_339] : memref<2x128xi32, #tpu.memory_space<vmem>> -> memref<1x128xi32, #tpu.memory_space<vmem>>
        %dma_start3A_341 = tpu.memref_squeeze %dma_start3A_340 : memref<1x128xi32, #tpu.memory_space<vmem>> -> memref<128xi32, #tpu.memory_space<vmem>>
        %dma_start3A_342 = arith.constant 0 : i32
        %dma_start3A_343 = arith.constant 0 : i32
        %dma_start3A_344 = tpu.memref_slice %arg3[%dma_start3A_342, %dma_start3A_343] : memref<500000x128xf32, #tpu.memory_space<hbm>> -> memref<500000x128xf32, #tpu.memory_space<hbm>>
        tpu.enqueue_indirect_dma source(%dma_start3A_344 : memref<500000x128xf32, #tpu.memory_space<hbm>>) target(%dma_start3A_338 : memref<128x128xf32, #tpu.memory_space<vmem>>) offsets(%dma_start3A_341 : memref<128xi32, #tpu.memory_space<vmem>>) semaphore(%arg9 : memref<!tpu.dma_semaphore, #tpu.memory_space<semaphore_mem>>)
      } else {
      }
      %dma_wait3A_237 = arith.constant 0 : i32
      %dma_wait3A_238 = arith.constant 0 : i32
      %dma_wait3A_239 = arith.constant 0 : i32
      %dma_wait3A_240 = arith.constant 0 : i32
      %dma_wait3A_241 = tpu.memref_slice %arg7[%dma_wait3A_238, %dma_wait3A_239, %dma_wait3A_240] : memref<2x128x128xf32, #tpu.memory_space<vmem>> -> memref<1x128x128xf32, #tpu.memory_space<vmem>>
      %dma_wait3A_242 = tpu.memref_squeeze %dma_wait3A_241 : memref<1x128x128xf32, #tpu.memory_space<vmem>> -> memref<128x128xf32, #tpu.memory_space<vmem>>
      %dma_wait3A_243 = arith.constant 0 : i32
      %dma_wait3A_244 = tpu.memref_slice %arg6[%dma_wait3A_237, %dma_wait3A_243] : memref<2x128xi32, #tpu.memory_space<vmem>> -> memref<1x128xi32, #tpu.memory_space<vmem>>
      %dma_wait3A_245 = tpu.memref_squeeze %dma_wait3A_244 : memref<1x128xi32, #tpu.memory_space<vmem>> -> memref<128xi32, #tpu.memory_space<vmem>>
      %dma_wait3A_246 = arith.constant 0 : i32
      %dma_wait3A_247 = arith.constant 0 : i32
      %dma_wait3A_248 = tpu.memref_slice %arg3[%dma_wait3A_246, %dma_wait3A_247] : memref<500000x128xf32, #tpu.memory_space<hbm>> -> memref<500000x128xf32, #tpu.memory_space<hbm>>
      tpu.wait_indirect_dma semaphore(%arg9 : memref<!tpu.dma_semaphore, #tpu.memory_space<semaphore_mem>>) src(%dma_wait3A_248 : memref<500000x128xf32, #tpu.memory_space<hbm>>) dst(%dma_wait3A_242 : memref<128x128xf32, #tpu.memory_space<vmem>>)
      %scan3A_249 = arith.constant 0 : i32
      %scan3A_250 = arith.constant 0 : i32
      %scan3A_251 = arith.constant 0 : i32
      %scan3A_252 = arith.constant 8 : i32
      %scan3A_253 = arith.addi %scan3A_251, %scan3A_252 : i32
      %scan3A_254 = arith.constant 1 : i32
      scf.for %scan3A_333 = %scan3A_251 to %scan3A_253 step %scan3A_254  : i32 {
        %mul3A_334 = arith.constant 1 : i32
        %mul3A_335 = arith.muli %scan3A_333, %mul3A_334 : i32
        %add3A_336 = arith.constant 0 : i32
        %add3A_337 = arith.addi %add3A_336, %mul3A_335 : i32
        %mul3A_338 = arith.constant 16 : i32
        %mul3A_339 = arith.muli %add3A_337, %mul3A_338 : i32
        %add3A_340 = vector.broadcast %mul3A_339 : i32 to vector<16xi32>
        %add3A_341 = arith.addi %iota3A, %add3A_340 : vector<16xi32>
        %mul3A_342 = arith.constant 16 : i32
        %mul3A_343 = arith.muli %add3A_337, %mul3A_342 : i32
        %get3A_344 = arith.index_cast %add3A_228 : i32 to index
        %get3A_345 = arith.index_cast %mul3A_343 : i32 to index
        %get3A_346 = tpu.vector_load %arg5[%get3A_344, %get3A_345] {strides = array<i32>} : memref<200x128xi32, #tpu.memory_space<vmem>>, vector<16xi32>,
        %and3A = arith.constant 1 : i32
        %and3A_347 = vector.broadcast %and3A : i32 to vector<16xi32>
        %and3A_348 = arith.andi %get3A_346, %and3A_347 : vector<16xi32>
        %shift_left3A = arith.constant 6 : i32
        %shift_left3A_349 = vector.broadcast %shift_left3A : i32 to vector<16xi32>
        %shift_left3A_350 = arith.shli %and3A_348, %shift_left3A_349 : vector<16xi32>
        %add3A_351 = arith.constant 0 : i32
        %add3A_352 = vector.broadcast %add3A_351 : i32 to vector<16xi32>
        %add3A_353 = arith.addi %iota3A, %add3A_352 : vector<16xi32>
        %and3A_354 = arith.constant 15 : i32
        %and3A_355 = vector.broadcast %and3A_354 : i32 to vector<16xi32>
        %and3A_356 = arith.andi %add3A_353, %and3A_355 : vector<16xi32>
        %add3A_357 = arith.addi %shift_left3A_350, %and3A_356 : vector<16xi32>
        %add3A_358 = arith.constant 0 : i32
        %add3A_359 = vector.broadcast %add3A_358 : i32 to vector<16xi32>
        %add3A_360 = arith.addi %and3A_356, %add3A_359 : vector<16xi32>
        %add3A_361 = arith.constant 0 : i32
        %add3A_362 = vector.broadcast %add3A_361 : i32 to vector<16xi32>
        %add3A_363 = arith.addi %add3A_357, %add3A_362 : vector<16xi32>
        %gather3A = arith.constant 0 : i32
        %gather3A_364 = arith.constant 0 : i32
        %gather3A_365 = tpu.memref_slice %arg7[%scan3A_249, %gather3A, %gather3A_364] : memref<2x128x128xf32, #tpu.memory_space<vmem>> -> memref<1x128x128xf32, #tpu.memory_space<vmem>>
        %gather3A_366 = tpu.memref_squeeze %gather3A_365 : memref<1x128x128xf32, #tpu.memory_space<vmem>> -> memref<128x128xf32, #tpu.memory_space<vmem>>
        %gather3A_367 = tpu.vector_load_idx %gather3A_366[%add3A_341, %add3A_363] : memref<128x128xf32, #tpu.memory_space<vmem>>[vector<16xi32>, vector<16xi32>], vector<16xf32>,
        %mul3A_368 = arith.constant 8.000000e+00 : f32
        %mul3A_369 = vector.broadcast %mul3A_368 : f32 to vector<16xf32>
        %mul3A_370 = arith.mulf %gather3A_367, %mul3A_369 : vector<16xf32>
        %scatter3A = arith.constant 0 : i32
        %scatter3A_371 = arith.constant 0 : i32
        %scatter3A_372 = tpu.memref_slice %arg8[%scan3A_250, %scatter3A, %scatter3A_371] : memref<2x64x130xf32, #tpu.memory_space<vmem>> -> memref<1x64x130xf32, #tpu.memory_space<vmem>>
        %scatter3A_373 = tpu.memref_squeeze %scatter3A_372 : memref<1x64x130xf32, #tpu.memory_space<vmem>> -> memref<64x130xf32, #tpu.memory_space<vmem>>
        tpu.vector_store_idx %scatter3A_373[%add3A_360, %add3A_341], %mul3A_370 : memref<64x130xf32, #tpu.memory_space<vmem>>[vector<16xi32>, vector<16xi32>], vector<16xf32>,
        %add3A_374 = arith.constant 16 : i32
        %add3A_375 = vector.broadcast %add3A_374 : i32 to vector<16xi32>
        %add3A_376 = arith.addi %and3A_356, %add3A_375 : vector<16xi32>
        %add3A_377 = arith.constant 16 : i32
        %add3A_378 = vector.broadcast %add3A_377 : i32 to vector<16xi32>
        %add3A_379 = arith.addi %add3A_357, %add3A_378 : vector<16xi32>
        %gather3A_380 = arith.constant 0 : i32
        %gather3A_381 = arith.constant 0 : i32
        %gather3A_382 = tpu.memref_slice %arg7[%scan3A_249, %gather3A_380, %gather3A_381] : memref<2x128x128xf32, #tpu.memory_space<vmem>> -> memref<1x128x128xf32, #tpu.memory_space<vmem>>
        %gather3A_383 = tpu.memref_squeeze %gather3A_382 : memref<1x128x128xf32, #tpu.memory_space<vmem>> -> memref<128x128xf32, #tpu.memory_space<vmem>>
        %gather3A_384 = tpu.vector_load_idx %gather3A_383[%add3A_341, %add3A_379] : memref<128x128xf32, #tpu.memory_space<vmem>>[vector<16xi32>, vector<16xi32>], vector<16xf32>,
        %mul3A_385 = arith.constant 8.000000e+00 : f32
        %mul3A_386 = vector.broadcast %mul3A_385 : f32 to vector<16xf32>
        %mul3A_387 = arith.mulf %gather3A_384, %mul3A_386 : vector<16xf32>
        %scatter3A_388 = arith.constant 0 : i32
        %scatter3A_389 = arith.constant 0 : i32
        %scatter3A_390 = tpu.memref_slice %arg8[%scan3A_250, %scatter3A_388, %scatter3A_389] : memref<2x64x130xf32, #tpu.memory_space<vmem>> -> memref<1x64x130xf32, #tpu.memory_space<vmem>>
        %scatter3A_391 = tpu.memref_squeeze %scatter3A_390 : memref<1x64x130xf32, #tpu.memory_space<vmem>> -> memref<64x130xf32, #tpu.memory_space<vmem>>
        tpu.vector_store_idx %scatter3A_391[%add3A_376, %add3A_341], %mul3A_387 : memref<64x130xf32, #tpu.memory_space<vmem>>[vector<16xi32>, vector<16xi32>], vector<16xf32>,
        %add3A_392 = arith.constant 32 : i32
        %add3A_393 = vector.broadcast %add3A_392 : i32 to vector<16xi32>
        %add3A_394 = arith.addi %and3A_356, %add3A_393 : vector<16xi32>
        %add3A_395 = arith.constant 32 : i32
        %add3A_396 = vector.broadcast %add3A_395 : i32 to vector<16xi32>
        %add3A_397 = arith.addi %add3A_357, %add3A_396 : vector<16xi32>
        %gather3A_398 = arith.constant 0 : i32
        %gather3A_399 = arith.constant 0 : i32
        %gather3A_400 = tpu.memref_slice %arg7[%scan3A_249, %gather3A_398, %gather3A_399] : memref<2x128x128xf32, #tpu.memory_space<vmem>> -> memref<1x128x128xf32, #tpu.memory_space<vmem>>
        %gather3A_401 = tpu.memref_squeeze %gather3A_400 : memref<1x128x128xf32, #tpu.memory_space<vmem>> -> memref<128x128xf32, #tpu.memory_space<vmem>>
        %gather3A_402 = tpu.vector_load_idx %gather3A_401[%add3A_341, %add3A_397] : memref<128x128xf32, #tpu.memory_space<vmem>>[vector<16xi32>, vector<16xi32>], vector<16xf32>,
        %mul3A_403 = arith.constant 8.000000e+00 : f32
        %mul3A_404 = vector.broadcast %mul3A_403 : f32 to vector<16xf32>
        %mul3A_405 = arith.mulf %gather3A_402, %mul3A_404 : vector<16xf32>
        %scatter3A_406 = arith.constant 0 : i32
        %scatter3A_407 = arith.constant 0 : i32
        %scatter3A_408 = tpu.memref_slice %arg8[%scan3A_250, %scatter3A_406, %scatter3A_407] : memref<2x64x130xf32, #tpu.memory_space<vmem>> -> memref<1x64x130xf32, #tpu.memory_space<vmem>>
        %scatter3A_409 = tpu.memref_squeeze %scatter3A_408 : memref<1x64x130xf32, #tpu.memory_space<vmem>> -> memref<64x130xf32, #tpu.memory_space<vmem>>
        tpu.vector_store_idx %scatter3A_409[%add3A_394, %add3A_341], %mul3A_405 : memref<64x130xf32, #tpu.memory_space<vmem>>[vector<16xi32>, vector<16xi32>], vector<16xf32>,
        %add3A_410 = arith.constant 48 : i32
        %add3A_411 = vector.broadcast %add3A_410 : i32 to vector<16xi32>
        %add3A_412 = arith.addi %and3A_356, %add3A_411 : vector<16xi32>
        %add3A_413 = arith.constant 48 : i32
        %add3A_414 = vector.broadcast %add3A_413 : i32 to vector<16xi32>
        %add3A_415 = arith.addi %add3A_357, %add3A_414 : vector<16xi32>
        %gather3A_416 = arith.constant 0 : i32
        %gather3A_417 = arith.constant 0 : i32
        %gather3A_418 = tpu.memref_slice %arg7[%scan3A_249, %gather3A_416, %gather3A_417] : memref<2x128x128xf32, #tpu.memory_space<vmem>> -> memref<1x128x128xf32, #tpu.memory_space<vmem>>
        %gather3A_419 = tpu.memref_squeeze %gather3A_418 : memref<1x128x128xf32, #tpu.memory_space<vmem>> -> memref<128x128xf32, #tpu.memory_space<vmem>>
        %gather3A_420 = tpu.vector_load_idx %gather3A_419[%add3A_341, %add3A_415] : memref<128x128xf32, #tpu.memory_space<vmem>>[vector<16xi32>, vector<16xi32>], vector<16xf32>,
        %mul3A_421 = arith.constant 8.000000e+00 : f32
        %mul3A_422 = vector.broadcast %mul3A_421 : f32 to vector<16xf32>
        %mul3A_423 = arith.mulf %gather3A_420, %mul3A_422 : vector<16xf32>
        %scatter3A_424 = arith.constant 0 : i32
        %scatter3A_425 = arith.constant 0 : i32
        %scatter3A_426 = tpu.memref_slice %arg8[%scan3A_250, %scatter3A_424, %scatter3A_425] : memref<2x64x130xf32, #tpu.memory_space<vmem>> -> memref<1x64x130xf32, #tpu.memory_space<vmem>>
        %scatter3A_427 = tpu.memref_squeeze %scatter3A_426 : memref<1x64x130xf32, #tpu.memory_space<vmem>> -> memref<64x130xf32, #tpu.memory_space<vmem>>
        tpu.vector_store_idx %scatter3A_427[%add3A_412, %add3A_341], %mul3A_423 : memref<64x130xf32, #tpu.memory_space<vmem>>[vector<16xi32>, vector<16xi32>], vector<16xf32>,
        %add3A_428 = arith.constant 1 : i32
        %add3A_429 = vector.broadcast %add3A_428 : i32 to vector<16xi32>
        %add3A_430 = arith.addi %iota3A, %add3A_429 : vector<16xi32>
        %and3A_431 = arith.constant 15 : i32
        %and3A_432 = vector.broadcast %and3A_431 : i32 to vector<16xi32>
        %and3A_433 = arith.andi %add3A_430, %and3A_432 : vector<16xi32>
        %add3A_434 = arith.addi %shift_left3A_350, %and3A_433 : vector<16xi32>
        %add3A_435 = arith.constant 0 : i32
        %add3A_436 = vector.broadcast %add3A_435 : i32 to vector<16xi32>
        %add3A_437 = arith.addi %and3A_433, %add3A_436 : vector<16xi32>
        %add3A_438 = arith.constant 0 : i32
        %add3A_439 = vector.broadcast %add3A_438 : i32 to vector<16xi32>
        %add3A_440 = arith.addi %add3A_434, %add3A_439 : vector<16xi32>
        %gather3A_441 = arith.constant 0 : i32
        %gather3A_442 = arith.constant 0 : i32
        %gather3A_443 = tpu.memref_slice %arg7[%scan3A_249, %gather3A_441, %gather3A_442] : memref<2x128x128xf32, #tpu.memory_space<vmem>> -> memref<1x128x128xf32, #tpu.memory_space<vmem>>
        %gather3A_444 = tpu.memref_squeeze %gather3A_443 : memref<1x128x128xf32, #tpu.memory_space<vmem>> -> memref<128x128xf32, #tpu.memory_space<vmem>>
        %gather3A_445 = tpu.vector_load_idx %gather3A_444[%add3A_341, %add3A_440] : memref<128x128xf32, #tpu.memory_space<vmem>>[vector<16xi32>, vector<16xi32>], vector<16xf32>,
        %mul3A_446 = arith.constant 8.000000e+00 : f32
        %mul3A_447 = vector.broadcast %mul3A_446 : f32 to vector<16xf32>
        %mul3A_448 = arith.mulf %gather3A_445, %mul3A_447 : vector<16xf32>
        %scatter3A_449 = arith.constant 0 : i32
        %scatter3A_450 = arith.constant 0 : i32
        %scatter3A_451 = tpu.memref_slice %arg8[%scan3A_250, %scatter3A_449, %scatter3A_450] : memref<2x64x130xf32, #tpu.memory_space<vmem>> -> memref<1x64x130xf32, #tpu.memory_space<vmem>>
        %scatter3A_452 = tpu.memref_squeeze %scatter3A_451 : memref<1x64x130xf32, #tpu.memory_space<vmem>> -> memref<64x130xf32, #tpu.memory_space<vmem>>
        tpu.vector_store_idx %scatter3A_452[%add3A_437, %add3A_341], %mul3A_448 : memref<64x130xf32, #tpu.memory_space<vmem>>[vector<16xi32>, vector<16xi32>], vector<16xf32>,
        %add3A_453 = arith.constant 16 : i32
        %add3A_454 = vector.broadcast %add3A_453 : i32 to vector<16xi32>
        %add3A_455 = arith.addi %and3A_433, %add3A_454 : vector<16xi32>
        %add3A_456 = arith.constant 16 : i32
        %add3A_457 = vector.broadcast %add3A_456 : i32 to vector<16xi32>
        %add3A_458 = arith.addi %add3A_434, %add3A_457 : vector<16xi32>
        %gather3A_459 = arith.constant 0 : i32
        %gather3A_460 = arith.constant 0 : i32
        %gather3A_461 = tpu.memref_slice %arg7[%scan3A_249, %gather3A_459, %gather3A_460] : memref<2x128x128xf32, #tpu.memory_space<vmem>> -> memref<1x128x128xf32, #tpu.memory_space<vmem>>
        %gather3A_462 = tpu.memref_squeeze %gather3A_461 : memref<1x128x128xf32, #tpu.memory_space<vmem>> -> memref<128x128xf32, #tpu.memory_space<vmem>>
        %gather3A_463 = tpu.vector_load_idx %gather3A_462[%add3A_341, %add3A_458] : memref<128x128xf32, #tpu.memory_space<vmem>>[vector<16xi32>, vector<16xi32>], vector<16xf32>,
        %mul3A_464 = arith.constant 8.000000e+00 : f32
        %mul3A_465 = vector.broadcast %mul3A_464 : f32 to vector<16xf32>
        %mul3A_466 = arith.mulf %gather3A_463, %mul3A_465 : vector<16xf32>
        %scatter3A_467 = arith.constant 0 : i32
        %scatter3A_468 = arith.constant 0 : i32
        %scatter3A_469 = tpu.memref_slice %arg8[%scan3A_250, %scatter3A_467, %scatter3A_468] : memref<2x64x130xf32, #tpu.memory_space<vmem>> -> memref<1x64x130xf32, #tpu.memory_space<vmem>>
        %scatter3A_470 = tpu.memref_squeeze %scatter3A_469 : memref<1x64x130xf32, #tpu.memory_space<vmem>> -> memref<64x130xf32, #tpu.memory_space<vmem>>
        tpu.vector_store_idx %scatter3A_470[%add3A_455, %add3A_341], %mul3A_466 : memref<64x130xf32, #tpu.memory_space<vmem>>[vector<16xi32>, vector<16xi32>], vector<16xf32>,
        %add3A_471 = arith.constant 32 : i32
        %add3A_472 = vector.broadcast %add3A_471 : i32 to vector<16xi32>
        %add3A_473 = arith.addi %and3A_433, %add3A_472 : vector<16xi32>
        %add3A_474 = arith.constant 32 : i32
        %add3A_475 = vector.broadcast %add3A_474 : i32 to vector<16xi32>
        %add3A_476 = arith.addi %add3A_434, %add3A_475 : vector<16xi32>
        %gather3A_477 = arith.constant 0 : i32
        %gather3A_478 = arith.constant 0 : i32
        %gather3A_479 = tpu.memref_slice %arg7[%scan3A_249, %gather3A_477, %gather3A_478] : memref<2x128x128xf32, #tpu.memory_space<vmem>> -> memref<1x128x128xf32, #tpu.memory_space<vmem>>
        %gather3A_480 = tpu.memref_squeeze %gather3A_479 : memref<1x128x128xf32, #tpu.memory_space<vmem>> -> memref<128x128xf32, #tpu.memory_space<vmem>>
        %gather3A_481 = tpu.vector_load_idx %gather3A_480[%add3A_341, %add3A_476] : memref<128x128xf32, #tpu.memory_space<vmem>>[vector<16xi32>, vector<16xi32>], vector<16xf32>,
        %mul3A_482 = arith.constant 8.000000e+00 : f32
        %mul3A_483 = vector.broadcast %mul3A_482 : f32 to vector<16xf32>
        %mul3A_484 = arith.mulf %gather3A_481, %mul3A_483 : vector<16xf32>
        %scatter3A_485 = arith.constant 0 : i32
        %scatter3A_486 = arith.constant 0 : i32
        %scatter3A_487 = tpu.memref_slice %arg8[%scan3A_250, %scatter3A_485, %scatter3A_486] : memref<2x64x130xf32, #tpu.memory_space<vmem>> -> memref<1x64x130xf32, #tpu.memory_space<vmem>>
        %scatter3A_488 = tpu.memref_squeeze %scatter3A_487 : memref<1x64x130xf32, #tpu.memory_space<vmem>> -> memref<64x130xf32, #tpu.memory_space<vmem>>
        tpu.vector_store_idx %scatter3A_488[%add3A_473, %add3A_341], %mul3A_484 : memref<64x130xf32, #tpu.memory_space<vmem>>[vector<16xi32>, vector<16xi32>], vector<16xf32>,
        %add3A_489 = arith.constant 48 : i32
        %add3A_490 = vector.broadcast %add3A_489 : i32 to vector<16xi32>
        %add3A_491 = arith.addi %and3A_433, %add3A_490 : vector<16xi32>
        %add3A_492 = arith.constant 48 : i32
        %add3A_493 = vector.broadcast %add3A_492 : i32 to vector<16xi32>
        %add3A_494 = arith.addi %add3A_434, %add3A_493 : vector<16xi32>
        %gather3A_495 = arith.constant 0 : i32
        %gather3A_496 = arith.constant 0 : i32
        %gather3A_497 = tpu.memref_slice %arg7[%scan3A_249, %gather3A_495, %gather3A_496] : memref<2x128x128xf32, #tpu.memory_space<vmem>> -> memref<1x128x128xf32, #tpu.memory_space<vmem>>
        %gather3A_498 = tpu.memref_squeeze %gather3A_497 : memref<1x128x128xf32, #tpu.memory_space<vmem>> -> memref<128x128xf32, #tpu.memory_space<vmem>>
        %gather3A_499 = tpu.vector_load_idx %gather3A_498[%add3A_341, %add3A_494] : memref<128x128xf32, #tpu.memory_space<vmem>>[vector<16xi32>, vector<16xi32>], vector<16xf32>,
        %mul3A_500 = arith.constant 8.000000e+00 : f32
        %mul3A_501 = vector.broadcast %mul3A_500 : f32 to vector<16xf32>
        %mul3A_502 = arith.mulf %gather3A_499, %mul3A_501 : vector<16xf32>
        %scatter3A_503 = arith.constant 0 : i32
        %scatter3A_504 = arith.constant 0 : i32
        %scatter3A_505 = tpu.memref_slice %arg8[%scan3A_250, %scatter3A_503, %scatter3A_504] : memref<2x64x130xf32, #tpu.memory_space<vmem>> -> memref<1x64x130xf32, #tpu.memory_space<vmem>>
        %scatter3A_506 = tpu.memref_squeeze %scatter3A_505 : memref<1x64x130xf32, #tpu.memory_space<vmem>> -> memref<64x130xf32, #tpu.memory_space<vmem>>
        tpu.vector_store_idx %scatter3A_506[%add3A_491, %add3A_341], %mul3A_502 : memref<64x130xf32, #tpu.memory_space<vmem>>[vector<16xi32>, vector<16xi32>], vector<16xf32>,
        %add3A_507 = arith.constant 2 : i32
        %add3A_508 = vector.broadcast %add3A_507 : i32 to vector<16xi32>
        %add3A_509 = arith.addi %iota3A, %add3A_508 : vector<16xi32>
        %and3A_510 = arith.constant 15 : i32
        %and3A_511 = vector.broadcast %and3A_510 : i32 to vector<16xi32>
        %and3A_512 = arith.andi %add3A_509, %and3A_511 : vector<16xi32>
        %add3A_513 = arith.addi %shift_left3A_350, %and3A_512 : vector<16xi32>
        %add3A_514 = arith.constant 0 : i32
        %add3A_515 = vector.broadcast %add3A_514 : i32 to vector<16xi32>
        %add3A_516 = arith.addi %and3A_512, %add3A_515 : vector<16xi32>
        %add3A_517 = arith.constant 0 : i32
        %add3A_518 = vector.broadcast %add3A_517 : i32 to vector<16xi32>
        %add3A_519 = arith.addi %add3A_513, %add3A_518 : vector<16xi32>
        %gather3A_520 = arith.constant 0 : i32
        %gather3A_521 = arith.constant 0 : i32
        %gather3A_522 = tpu.memref_slice %arg7[%scan3A_249, %gather3A_520, %gather3A_521] : memref<2x128x128xf32, #tpu.memory_space<vmem>> -> memref<1x128x128xf32, #tpu.memory_space<vmem>>
        %gather3A_523 = tpu.memref_squeeze %gather3A_522 : memref<1x128x128xf32, #tpu.memory_space<vmem>> -> memref<128x128xf32, #tpu.memory_space<vmem>>
        %gather3A_524 = tpu.vector_load_idx %gather3A_523[%add3A_341, %add3A_519] : memref<128x128xf32, #tpu.memory_space<vmem>>[vector<16xi32>, vector<16xi32>], vector<16xf32>,
        %mul3A_525 = arith.constant 8.000000e+00 : f32
        %mul3A_526 = vector.broadcast %mul3A_525 : f32 to vector<16xf32>
        %mul3A_527 = arith.mulf %gather3A_524, %mul3A_526 : vector<16xf32>
        %scatter3A_528 = arith.constant 0 : i32
        %scatter3A_529 = arith.constant 0 : i32
        %scatter3A_530 = tpu.memref_slice %arg8[%scan3A_250, %scatter3A_528, %scatter3A_529] : memref<2x64x130xf32, #tpu.memory_space<vmem>> -> memref<1x64x130xf32, #tpu.memory_space<vmem>>
        %scatter3A_531 = tpu.memref_squeeze %scatter3A_530 : memref<1x64x130xf32, #tpu.memory_space<vmem>> -> memref<64x130xf32, #tpu.memory_space<vmem>>
        tpu.vector_store_idx %scatter3A_531[%add3A_516, %add3A_341], %mul3A_527 : memref<64x130xf32, #tpu.memory_space<vmem>>[vector<16xi32>, vector<16xi32>], vector<16xf32>,
        %add3A_532 = arith.constant 16 : i32
        %add3A_533 = vector.broadcast %add3A_532 : i32 to vector<16xi32>
        %add3A_534 = arith.addi %and3A_512, %add3A_533 : vector<16xi32>
        %add3A_535 = arith.constant 16 : i32
        %add3A_536 = vector.broadcast %add3A_535 : i32 to vector<16xi32>
        %add3A_537 = arith.addi %add3A_513, %add3A_536 : vector<16xi32>
        %gather3A_538 = arith.constant 0 : i32
        %gather3A_539 = arith.constant 0 : i32
        %gather3A_540 = tpu.memref_slice %arg7[%scan3A_249, %gather3A_538, %gather3A_539] : memref<2x128x128xf32, #tpu.memory_space<vmem>> -> memref<1x128x128xf32, #tpu.memory_space<vmem>>
        %gather3A_541 = tpu.memref_squeeze %gather3A_540 : memref<1x128x128xf32, #tpu.memory_space<vmem>> -> memref<128x128xf32, #tpu.memory_space<vmem>>
        %gather3A_542 = tpu.vector_load_idx %gather3A_541[%add3A_341, %add3A_537] : memref<128x128xf32, #tpu.memory_space<vmem>>[vector<16xi32>, vector<16xi32>], vector<16xf32>,
        %mul3A_543 = arith.constant 8.000000e+00 : f32
        %mul3A_544 = vector.broadcast %mul3A_543 : f32 to vector<16xf32>
        %mul3A_545 = arith.mulf %gather3A_542, %mul3A_544 : vector<16xf32>
        %scatter3A_546 = arith.constant 0 : i32
        %scatter3A_547 = arith.constant 0 : i32
        %scatter3A_548 = tpu.memref_slice %arg8[%scan3A_250, %scatter3A_546, %scatter3A_547] : memref<2x64x130xf32, #tpu.memory_space<vmem>> -> memref<1x64x130xf32, #tpu.memory_space<vmem>>
        %scatter3A_549 = tpu.memref_squeeze %scatter3A_548 : memref<1x64x130xf32, #tpu.memory_space<vmem>> -> memref<64x130xf32, #tpu.memory_space<vmem>>
        tpu.vector_store_idx %scatter3A_549[%add3A_534, %add3A_341], %mul3A_545 : memref<64x130xf32, #tpu.memory_space<vmem>>[vector<16xi32>, vector<16xi32>], vector<16xf32>,
        %add3A_550 = arith.constant 32 : i32
        %add3A_551 = vector.broadcast %add3A_550 : i32 to vector<16xi32>
        %add3A_552 = arith.addi %and3A_512, %add3A_551 : vector<16xi32>
        %add3A_553 = arith.constant 32 : i32
        %add3A_554 = vector.broadcast %add3A_553 : i32 to vector<16xi32>
        %add3A_555 = arith.addi %add3A_513, %add3A_554 : vector<16xi32>
        %gather3A_556 = arith.constant 0 : i32
        %gather3A_557 = arith.constant 0 : i32
        %gather3A_558 = tpu.memref_slice %arg7[%scan3A_249, %gather3A_556, %gather3A_557] : memref<2x128x128xf32, #tpu.memory_space<vmem>> -> memref<1x128x128xf32, #tpu.memory_space<vmem>>
        %gather3A_559 = tpu.memref_squeeze %gather3A_558 : memref<1x128x128xf32, #tpu.memory_space<vmem>> -> memref<128x128xf32, #tpu.memory_space<vmem>>
        %gather3A_560 = tpu.vector_load_idx %gather3A_559[%add3A_341, %add3A_555] : memref<128x128xf32, #tpu.memory_space<vmem>>[vector<16xi32>, vector<16xi32>], vector<16xf32>,
        %mul3A_561 = arith.constant 8.000000e+00 : f32
        %mul3A_562 = vector.broadcast %mul3A_561 : f32 to vector<16xf32>
        %mul3A_563 = arith.mulf %gather3A_560, %mul3A_562 : vector<16xf32>
        %scatter3A_564 = arith.constant 0 : i32
        %scatter3A_565 = arith.constant 0 : i32
        %scatter3A_566 = tpu.memref_slice %arg8[%scan3A_250, %scatter3A_564, %scatter3A_565] : memref<2x64x130xf32, #tpu.memory_space<vmem>> -> memref<1x64x130xf32, #tpu.memory_space<vmem>>
        %scatter3A_567 = tpu.memref_squeeze %scatter3A_566 : memref<1x64x130xf32, #tpu.memory_space<vmem>> -> memref<64x130xf32, #tpu.memory_space<vmem>>
        tpu.vector_store_idx %scatter3A_567[%add3A_552, %add3A_341], %mul3A_563 : memref<64x130xf32, #tpu.memory_space<vmem>>[vector<16xi32>, vector<16xi32>], vector<16xf32>,
        %add3A_568 = arith.constant 48 : i32
        %add3A_569 = vector.broadcast %add3A_568 : i32 to vector<16xi32>
        %add3A_570 = arith.addi %and3A_512, %add3A_569 : vector<16xi32>
        %add3A_571 = arith.constant 48 : i32
        %add3A_572 = vector.broadcast %add3A_571 : i32 to vector<16xi32>
        %add3A_573 = arith.addi %add3A_513, %add3A_572 : vector<16xi32>
        %gather3A_574 = arith.constant 0 : i32
        %gather3A_575 = arith.constant 0 : i32
        %gather3A_576 = tpu.memref_slice %arg7[%scan3A_249, %gather3A_574, %gather3A_575] : memref<2x128x128xf32, #tpu.memory_space<vmem>> -> memref<1x128x128xf32, #tpu.memory_space<vmem>>
        %gather3A_577 = tpu.memref_squeeze %gather3A_576 : memref<1x128x128xf32, #tpu.memory_space<vmem>> -> memref<128x128xf32, #tpu.memory_space<vmem>>
        %gather3A_578 = tpu.vector_load_idx %gather3A_577[%add3A_341, %add3A_573] : memref<128x128xf32, #tpu.memory_space<vmem>>[vector<16xi32>, vector<16xi32>], vector<16xf32>,
        %mul3A_579 = arith.constant 8.000000e+00 : f32
        %mul3A_580 = vector.broadcast %mul3A_579 : f32 to vector<16xf32>
        %mul3A_581 = arith.mulf %gather3A_578, %mul3A_580 : vector<16xf32>
        %scatter3A_582 = arith.constant 0 : i32
        %scatter3A_583 = arith.constant 0 : i32
        %scatter3A_584 = tpu.memref_slice %arg8[%scan3A_250, %scatter3A_582, %scatter3A_583] : memref<2x64x130xf32, #tpu.memory_space<vmem>> -> memref<1x64x130xf32, #tpu.memory_space<vmem>>
        %scatter3A_585 = tpu.memref_squeeze %scatter3A_584 : memref<1x64x130xf32, #tpu.memory_space<vmem>> -> memref<64x130xf32, #tpu.memory_space<vmem>>
        tpu.vector_store_idx %scatter3A_585[%add3A_570, %add3A_341], %mul3A_581 : memref<64x130xf32, #tpu.memory_space<vmem>>[vector<16xi32>, vector<16xi32>], vector<16xf32>,
        %add3A_586 = arith.constant 3 : i32
        %add3A_587 = vector.broadcast %add3A_586 : i32 to vector<16xi32>
        %add3A_588 = arith.addi %iota3A, %add3A_587 : vector<16xi32>
        %and3A_589 = arith.constant 15 : i32
        %and3A_590 = vector.broadcast %and3A_589 : i32 to vector<16xi32>
        %and3A_591 = arith.andi %add3A_588, %and3A_590 : vector<16xi32>
        %add3A_592 = arith.addi %shift_left3A_350, %and3A_591 : vector<16xi32>
        %add3A_593 = arith.constant 0 : i32
        %add3A_594 = vector.broadcast %add3A_593 : i32 to vector<16xi32>
        %add3A_595 = arith.addi %and3A_591, %add3A_594 : vector<16xi32>
        %add3A_596 = arith.constant 0 : i32
        %add3A_597 = vector.broadcast %add3A_596 : i32 to vector<16xi32>
        %add3A_598 = arith.addi %add3A_592, %add3A_597 : vector<16xi32>
        %gather3A_599 = arith.constant 0 : i32
        %gather3A_600 = arith.constant 0 : i32
        %gather3A_601 = tpu.memref_slice %arg7[%scan3A_249, %gather3A_599, %gather3A_600] : memref<2x128x128xf32, #tpu.memory_space<vmem>> -> memref<1x128x128xf32, #tpu.memory_space<vmem>>
        %gather3A_602 = tpu.memref_squeeze %gather3A_601 : memref<1x128x128xf32, #tpu.memory_space<vmem>> -> memref<128x128xf32, #tpu.memory_space<vmem>>
        %gather3A_603 = tpu.vector_load_idx %gather3A_602[%add3A_341, %add3A_598] : memref<128x128xf32, #tpu.memory_space<vmem>>[vector<16xi32>, vector<16xi32>], vector<16xf32>,
        %mul3A_604 = arith.constant 8.000000e+00 : f32
        %mul3A_605 = vector.broadcast %mul3A_604 : f32 to vector<16xf32>
        %mul3A_606 = arith.mulf %gather3A_603, %mul3A_605 : vector<16xf32>
        %scatter3A_607 = arith.constant 0 : i32
        %scatter3A_608 = arith.constant 0 : i32
        %scatter3A_609 = tpu.memref_slice %arg8[%scan3A_250, %scatter3A_607, %scatter3A_608] : memref<2x64x130xf32, #tpu.memory_space<vmem>> -> memref<1x64x130xf32, #tpu.memory_space<vmem>>
        %scatter3A_610 = tpu.memref_squeeze %scatter3A_609 : memref<1x64x130xf32, #tpu.memory_space<vmem>> -> memref<64x130xf32, #tpu.memory_space<vmem>>
        tpu.vector_store_idx %scatter3A_610[%add3A_595, %add3A_341], %mul3A_606 : memref<64x130xf32, #tpu.memory_space<vmem>>[vector<16xi32>, vector<16xi32>], vector<16xf32>,
        %add3A_611 = arith.constant 16 : i32
        %add3A_612 = vector.broadcast %add3A_611 : i32 to vector<16xi32>
        %add3A_613 = arith.addi %and3A_591, %add3A_612 : vector<16xi32>
        %add3A_614 = arith.constant 16 : i32
        %add3A_615 = vector.broadcast %add3A_614 : i32 to vector<16xi32>
        %add3A_616 = arith.addi %add3A_592, %add3A_615 : vector<16xi32>
        %gather3A_617 = arith.constant 0 : i32
        %gather3A_618 = arith.constant 0 : i32
        %gather3A_619 = tpu.memref_slice %arg7[%scan3A_249, %gather3A_617, %gather3A_618] : memref<2x128x128xf32, #tpu.memory_space<vmem>> -> memref<1x128x128xf32, #tpu.memory_space<vmem>>
        %gather3A_620 = tpu.memref_squeeze %gather3A_619 : memref<1x128x128xf32, #tpu.memory_space<vmem>> -> memref<128x128xf32, #tpu.memory_space<vmem>>
        %gather3A_621 = tpu.vector_load_idx %gather3A_620[%add3A_341, %add3A_616] : memref<128x128xf32, #tpu.memory_space<vmem>>[vector<16xi32>, vector<16xi32>], vector<16xf32>,
        %mul3A_622 = arith.constant 8.000000e+00 : f32
        %mul3A_623 = vector.broadcast %mul3A_622 : f32 to vector<16xf32>
        %mul3A_624 = arith.mulf %gather3A_621, %mul3A_623 : vector<16xf32>
        %scatter3A_625 = arith.constant 0 : i32
        %scatter3A_626 = arith.constant 0 : i32
        %scatter3A_627 = tpu.memref_slice %arg8[%scan3A_250, %scatter3A_625, %scatter3A_626] : memref<2x64x130xf32, #tpu.memory_space<vmem>> -> memref<1x64x130xf32, #tpu.memory_space<vmem>>
        %scatter3A_628 = tpu.memref_squeeze %scatter3A_627 : memref<1x64x130xf32, #tpu.memory_space<vmem>> -> memref<64x130xf32, #tpu.memory_space<vmem>>
        tpu.vector_store_idx %scatter3A_628[%add3A_613, %add3A_341], %mul3A_624 : memref<64x130xf32, #tpu.memory_space<vmem>>[vector<16xi32>, vector<16xi32>], vector<16xf32>,
        %add3A_629 = arith.constant 32 : i32
        %add3A_630 = vector.broadcast %add3A_629 : i32 to vector<16xi32>
        %add3A_631 = arith.addi %and3A_591, %add3A_630 : vector<16xi32>
        %add3A_632 = arith.constant 32 : i32
        %add3A_633 = vector.broadcast %add3A_632 : i32 to vector<16xi32>
        %add3A_634 = arith.addi %add3A_592, %add3A_633 : vector<16xi32>
        %gather3A_635 = arith.constant 0 : i32
        %gather3A_636 = arith.constant 0 : i32
        %gather3A_637 = tpu.memref_slice %arg7[%scan3A_249, %gather3A_635, %gather3A_636] : memref<2x128x128xf32, #tpu.memory_space<vmem>> -> memref<1x128x128xf32, #tpu.memory_space<vmem>>
        %gather3A_638 = tpu.memref_squeeze %gather3A_637 : memref<1x128x128xf32, #tpu.memory_space<vmem>> -> memref<128x128xf32, #tpu.memory_space<vmem>>
        %gather3A_639 = tpu.vector_load_idx %gather3A_638[%add3A_341, %add3A_634] : memref<128x128xf32, #tpu.memory_space<vmem>>[vector<16xi32>, vector<16xi32>], vector<16xf32>,
        %mul3A_640 = arith.constant 8.000000e+00 : f32
        %mul3A_641 = vector.broadcast %mul3A_640 : f32 to vector<16xf32>
        %mul3A_642 = arith.mulf %gather3A_639, %mul3A_641 : vector<16xf32>
        %scatter3A_643 = arith.constant 0 : i32
        %scatter3A_644 = arith.constant 0 : i32
        %scatter3A_645 = tpu.memref_slice %arg8[%scan3A_250, %scatter3A_643, %scatter3A_644] : memref<2x64x130xf32, #tpu.memory_space<vmem>> -> memref<1x64x130xf32, #tpu.memory_space<vmem>>
        %scatter3A_646 = tpu.memref_squeeze %scatter3A_645 : memref<1x64x130xf32, #tpu.memory_space<vmem>> -> memref<64x130xf32, #tpu.memory_space<vmem>>
        tpu.vector_store_idx %scatter3A_646[%add3A_631, %add3A_341], %mul3A_642 : memref<64x130xf32, #tpu.memory_space<vmem>>[vector<16xi32>, vector<16xi32>], vector<16xf32>,
        %add3A_647 = arith.constant 48 : i32
        %add3A_648 = vector.broadcast %add3A_647 : i32 to vector<16xi32>
        %add3A_649 = arith.addi %and3A_591, %add3A_648 : vector<16xi32>
        %add3A_650 = arith.constant 48 : i32
        %add3A_651 = vector.broadcast %add3A_650 : i32 to vector<16xi32>
        %add3A_652 = arith.addi %add3A_592, %add3A_651 : vector<16xi32>
        %gather3A_653 = arith.constant 0 : i32
        %gather3A_654 = arith.constant 0 : i32
        %gather3A_655 = tpu.memref_slice %arg7[%scan3A_249, %gather3A_653, %gather3A_654] : memref<2x128x128xf32, #tpu.memory_space<vmem>> -> memref<1x128x128xf32, #tpu.memory_space<vmem>>
        %gather3A_656 = tpu.memref_squeeze %gather3A_655 : memref<1x128x128xf32, #tpu.memory_space<vmem>> -> memref<128x128xf32, #tpu.memory_space<vmem>>
        %gather3A_657 = tpu.vector_load_idx %gather3A_656[%add3A_341, %add3A_652] : memref<128x128xf32, #tpu.memory_space<vmem>>[vector<16xi32>, vector<16xi32>], vector<16xf32>,
        %mul3A_658 = arith.constant 8.000000e+00 : f32
        %mul3A_659 = vector.broadcast %mul3A_658 : f32 to vector<16xf32>
        %mul3A_660 = arith.mulf %gather3A_657, %mul3A_659 : vector<16xf32>
        %scatter3A_661 = arith.constant 0 : i32
        %scatter3A_662 = arith.constant 0 : i32
        %scatter3A_663 = tpu.memref_slice %arg8[%scan3A_250, %scatter3A_661, %scatter3A_662] : memref<2x64x130xf32, #tpu.memory_space<vmem>> -> memref<1x64x130xf32, #tpu.memory_space<vmem>>
        %scatter3A_664 = tpu.memref_squeeze %scatter3A_663 : memref<1x64x130xf32, #tpu.memory_space<vmem>> -> memref<64x130xf32, #tpu.memory_space<vmem>>
        tpu.vector_store_idx %scatter3A_664[%add3A_649, %add3A_341], %mul3A_660 : memref<64x130xf32, #tpu.memory_space<vmem>>[vector<16xi32>, vector<16xi32>], vector<16xf32>,
        %add3A_665 = arith.constant 4 : i32
        %add3A_666 = vector.broadcast %add3A_665 : i32 to vector<16xi32>
        %add3A_667 = arith.addi %iota3A, %add3A_666 : vector<16xi32>
        %and3A_668 = arith.constant 15 : i32
        %and3A_669 = vector.broadcast %and3A_668 : i32 to vector<16xi32>
        %and3A_670 = arith.andi %add3A_667, %and3A_669 : vector<16xi32>
        %add3A_671 = arith.addi %shift_left3A_350, %and3A_670 : vector<16xi32>
        %add3A_672 = arith.constant 0 : i32
        %add3A_673 = vector.broadcast %add3A_672 : i32 to vector<16xi32>
        %add3A_674 = arith.addi %and3A_670, %add3A_673 : vector<16xi32>
        %add3A_675 = arith.constant 0 : i32
        %add3A_676 = vector.broadcast %add3A_675 : i32 to vector<16xi32>
        %add3A_677 = arith.addi %add3A_671, %add3A_676 : vector<16xi32>
        %gather3A_678 = arith.constant 0 : i32
        %gather3A_679 = arith.constant 0 : i32
        %gather3A_680 = tpu.memref_slice %arg7[%scan3A_249, %gather3A_678, %gather3A_679] : memref<2x128x128xf32, #tpu.memory_space<vmem>> -> memref<1x128x128xf32, #tpu.memory_space<vmem>>
        %gather3A_681 = tpu.memref_squeeze %gather3A_680 : memref<1x128x128xf32, #tpu.memory_space<vmem>> -> memref<128x128xf32, #tpu.memory_space<vmem>>
        %gather3A_682 = tpu.vector_load_idx %gather3A_681[%add3A_341, %add3A_677] : memref<128x128xf32, #tpu.memory_space<vmem>>[vector<16xi32>, vector<16xi32>], vector<16xf32>,
        %mul3A_683 = arith.constant 8.000000e+00 : f32
        %mul3A_684 = vector.broadcast %mul3A_683 : f32 to vector<16xf32>
        %mul3A_685 = arith.mulf %gather3A_682, %mul3A_684 : vector<16xf32>
        %scatter3A_686 = arith.constant 0 : i32
        %scatter3A_687 = arith.constant 0 : i32
        %scatter3A_688 = tpu.memref_slice %arg8[%scan3A_250, %scatter3A_686, %scatter3A_687] : memref<2x64x130xf32, #tpu.memory_space<vmem>> -> memref<1x64x130xf32, #tpu.memory_space<vmem>>
        %scatter3A_689 = tpu.memref_squeeze %scatter3A_688 : memref<1x64x130xf32, #tpu.memory_space<vmem>> -> memref<64x130xf32, #tpu.memory_space<vmem>>
        tpu.vector_store_idx %scatter3A_689[%add3A_674, %add3A_341], %mul3A_685 : memref<64x130xf32, #tpu.memory_space<vmem>>[vector<16xi32>, vector<16xi32>], vector<16xf32>,
        %add3A_690 = arith.constant 16 : i32
        %add3A_691 = vector.broadcast %add3A_690 : i32 to vector<16xi32>
        %add3A_692 = arith.addi %and3A_670, %add3A_691 : vector<16xi32>
        %add3A_693 = arith.constant 16 : i32
        %add3A_694 = vector.broadcast %add3A_693 : i32 to vector<16xi32>
        %add3A_695 = arith.addi %add3A_671, %add3A_694 : vector<16xi32>
        %gather3A_696 = arith.constant 0 : i32
        %gather3A_697 = arith.constant 0 : i32
        %gather3A_698 = tpu.memref_slice %arg7[%scan3A_249, %gather3A_696, %gather3A_697] : memref<2x128x128xf32, #tpu.memory_space<vmem>> -> memref<1x128x128xf32, #tpu.memory_space<vmem>>
        %gather3A_699 = tpu.memref_squeeze %gather3A_698 : memref<1x128x128xf32, #tpu.memory_space<vmem>> -> memref<128x128xf32, #tpu.memory_space<vmem>>
        %gather3A_700 = tpu.vector_load_idx %gather3A_699[%add3A_341, %add3A_695] : memref<128x128xf32, #tpu.memory_space<vmem>>[vector<16xi32>, vector<16xi32>], vector<16xf32>,
        %mul3A_701 = arith.constant 8.000000e+00 : f32
        %mul3A_702 = vector.broadcast %mul3A_701 : f32 to vector<16xf32>
        %mul3A_703 = arith.mulf %gather3A_700, %mul3A_702 : vector<16xf32>
        %scatter3A_704 = arith.constant 0 : i32
        %scatter3A_705 = arith.constant 0 : i32
        %scatter3A_706 = tpu.memref_slice %arg8[%scan3A_250, %scatter3A_704, %scatter3A_705] : memref<2x64x130xf32, #tpu.memory_space<vmem>> -> memref<1x64x130xf32, #tpu.memory_space<vmem>>
        %scatter3A_707 = tpu.memref_squeeze %scatter3A_706 : memref<1x64x130xf32, #tpu.memory_space<vmem>> -> memref<64x130xf32, #tpu.memory_space<vmem>>
        tpu.vector_store_idx %scatter3A_707[%add3A_692, %add3A_341], %mul3A_703 : memref<64x130xf32, #tpu.memory_space<vmem>>[vector<16xi32>, vector<16xi32>], vector<16xf32>,
        %add3A_708 = arith.constant 32 : i32
        %add3A_709 = vector.broadcast %add3A_708 : i32 to vector<16xi32>
        %add3A_710 = arith.addi %and3A_670, %add3A_709 : vector<16xi32>
        %add3A_711 = arith.constant 32 : i32
        %add3A_712 = vector.broadcast %add3A_711 : i32 to vector<16xi32>
        %add3A_713 = arith.addi %add3A_671, %add3A_712 : vector<16xi32>
        %gather3A_714 = arith.constant 0 : i32
        %gather3A_715 = arith.constant 0 : i32
        %gather3A_716 = tpu.memref_slice %arg7[%scan3A_249, %gather3A_714, %gather3A_715] : memref<2x128x128xf32, #tpu.memory_space<vmem>> -> memref<1x128x128xf32, #tpu.memory_space<vmem>>
        %gather3A_717 = tpu.memref_squeeze %gather3A_716 : memref<1x128x128xf32, #tpu.memory_space<vmem>> -> memref<128x128xf32, #tpu.memory_space<vmem>>
        %gather3A_718 = tpu.vector_load_idx %gather3A_717[%add3A_341, %add3A_713] : memref<128x128xf32, #tpu.memory_space<vmem>>[vector<16xi32>, vector<16xi32>], vector<16xf32>,
        %mul3A_719 = arith.constant 8.000000e+00 : f32
        %mul3A_720 = vector.broadcast %mul3A_719 : f32 to vector<16xf32>
        %mul3A_721 = arith.mulf %gather3A_718, %mul3A_720 : vector<16xf32>
        %scatter3A_722 = arith.constant 0 : i32
        %scatter3A_723 = arith.constant 0 : i32
        %scatter3A_724 = tpu.memref_slice %arg8[%scan3A_250, %scatter3A_722, %scatter3A_723] : memref<2x64x130xf32, #tpu.memory_space<vmem>> -> memref<1x64x130xf32, #tpu.memory_space<vmem>>
        %scatter3A_725 = tpu.memref_squeeze %scatter3A_724 : memref<1x64x130xf32, #tpu.memory_space<vmem>> -> memref<64x130xf32, #tpu.memory_space<vmem>>
        tpu.vector_store_idx %scatter3A_725[%add3A_710, %add3A_341], %mul3A_721 : memref<64x130xf32, #tpu.memory_space<vmem>>[vector<16xi32>, vector<16xi32>], vector<16xf32>,
        %add3A_726 = arith.constant 48 : i32
        %add3A_727 = vector.broadcast %add3A_726 : i32 to vector<16xi32>
        %add3A_728 = arith.addi %and3A_670, %add3A_727 : vector<16xi32>
        %add3A_729 = arith.constant 48 : i32
        %add3A_730 = vector.broadcast %add3A_729 : i32 to vector<16xi32>
        %add3A_731 = arith.addi %add3A_671, %add3A_730 : vector<16xi32>
        %gather3A_732 = arith.constant 0 : i32
        %gather3A_733 = arith.constant 0 : i32
        %gather3A_734 = tpu.memref_slice %arg7[%scan3A_249, %gather3A_732, %gather3A_733] : memref<2x128x128xf32, #tpu.memory_space<vmem>> -> memref<1x128x128xf32, #tpu.memory_space<vmem>>
        %gather3A_735 = tpu.memref_squeeze %gather3A_734 : memref<1x128x128xf32, #tpu.memory_space<vmem>> -> memref<128x128xf32, #tpu.memory_space<vmem>>
        %gather3A_736 = tpu.vector_load_idx %gather3A_735[%add3A_341, %add3A_731] : memref<128x128xf32, #tpu.memory_space<vmem>>[vector<16xi32>, vector<16xi32>], vector<16xf32>,
        %mul3A_737 = arith.constant 8.000000e+00 : f32
        %mul3A_738 = vector.broadcast %mul3A_737 : f32 to vector<16xf32>
        %mul3A_739 = arith.mulf %gather3A_736, %mul3A_738 : vector<16xf32>
        %scatter3A_740 = arith.constant 0 : i32
        %scatter3A_741 = arith.constant 0 : i32
        %scatter3A_742 = tpu.memref_slice %arg8[%scan3A_250, %scatter3A_740, %scatter3A_741] : memref<2x64x130xf32, #tpu.memory_space<vmem>> -> memref<1x64x130xf32, #tpu.memory_space<vmem>>
        %scatter3A_743 = tpu.memref_squeeze %scatter3A_742 : memref<1x64x130xf32, #tpu.memory_space<vmem>> -> memref<64x130xf32, #tpu.memory_space<vmem>>
        tpu.vector_store_idx %scatter3A_743[%add3A_728, %add3A_341], %mul3A_739 : memref<64x130xf32, #tpu.memory_space<vmem>>[vector<16xi32>, vector<16xi32>], vector<16xf32>,
        %add3A_744 = arith.constant 5 : i32
        %add3A_745 = vector.broadcast %add3A_744 : i32 to vector<16xi32>
        %add3A_746 = arith.addi %iota3A, %add3A_745 : vector<16xi32>
        %and3A_747 = arith.constant 15 : i32
        %and3A_748 = vector.broadcast %and3A_747 : i32 to vector<16xi32>
        %and3A_749 = arith.andi %add3A_746, %and3A_748 : vector<16xi32>
        %add3A_750 = arith.addi %shift_left3A_350, %and3A_749 : vector<16xi32>
        %add3A_751 = arith.constant 0 : i32
        %add3A_752 = vector.broadcast %add3A_751 : i32 to vector<16xi32>
        %add3A_753 = arith.addi %and3A_749, %add3A_752 : vector<16xi32>
        %add3A_754 = arith.constant 0 : i32
        %add3A_755 = vector.broadcast %add3A_754 : i32 to vector<16xi32>
        %add3A_756 = arith.addi %add3A_750, %add3A_755 : vector<16xi32>
        %gather3A_757 = arith.constant 0 : i32
        %gather3A_758 = arith.constant 0 : i32
        %gather3A_759 = tpu.memref_slice %arg7[%scan3A_249, %gather3A_757, %gather3A_758] : memref<2x128x128xf32, #tpu.memory_space<vmem>> -> memref<1x128x128xf32, #tpu.memory_space<vmem>>
        %gather3A_760 = tpu.memref_squeeze %gather3A_759 : memref<1x128x128xf32, #tpu.memory_space<vmem>> -> memref<128x128xf32, #tpu.memory_space<vmem>>
        %gather3A_761 = tpu.vector_load_idx %gather3A_760[%add3A_341, %add3A_756] : memref<128x128xf32, #tpu.memory_space<vmem>>[vector<16xi32>, vector<16xi32>], vector<16xf32>,
        %mul3A_762 = arith.constant 8.000000e+00 : f32
        %mul3A_763 = vector.broadcast %mul3A_762 : f32 to vector<16xf32>
        %mul3A_764 = arith.mulf %gather3A_761, %mul3A_763 : vector<16xf32>
        %scatter3A_765 = arith.constant 0 : i32
        %scatter3A_766 = arith.constant 0 : i32
        %scatter3A_767 = tpu.memref_slice %arg8[%scan3A_250, %scatter3A_765, %scatter3A_766] : memref<2x64x130xf32, #tpu.memory_space<vmem>> -> memref<1x64x130xf32, #tpu.memory_space<vmem>>
        %scatter3A_768 = tpu.memref_squeeze %scatter3A_767 : memref<1x64x130xf32, #tpu.memory_space<vmem>> -> memref<64x130xf32, #tpu.memory_space<vmem>>
        tpu.vector_store_idx %scatter3A_768[%add3A_753, %add3A_341], %mul3A_764 : memref<64x130xf32, #tpu.memory_space<vmem>>[vector<16xi32>, vector<16xi32>], vector<16xf32>,
        %add3A_769 = arith.constant 16 : i32
        %add3A_770 = vector.broadcast %add3A_769 : i32 to vector<16xi32>
        %add3A_771 = arith.addi %and3A_749, %add3A_770 : vector<16xi32>
        %add3A_772 = arith.constant 16 : i32
        %add3A_773 = vector.broadcast %add3A_772 : i32 to vector<16xi32>
        %add3A_774 = arith.addi %add3A_750, %add3A_773 : vector<16xi32>
        %gather3A_775 = arith.constant 0 : i32
        %gather3A_776 = arith.constant 0 : i32
        %gather3A_777 = tpu.memref_slice %arg7[%scan3A_249, %gather3A_775, %gather3A_776] : memref<2x128x128xf32, #tpu.memory_space<vmem>> -> memref<1x128x128xf32, #tpu.memory_space<vmem>>
        %gather3A_778 = tpu.memref_squeeze %gather3A_777 : memref<1x128x128xf32, #tpu.memory_space<vmem>> -> memref<128x128xf32, #tpu.memory_space<vmem>>
        %gather3A_779 = tpu.vector_load_idx %gather3A_778[%add3A_341, %add3A_774] : memref<128x128xf32, #tpu.memory_space<vmem>>[vector<16xi32>, vector<16xi32>], vector<16xf32>,
        %mul3A_780 = arith.constant 8.000000e+00 : f32
        %mul3A_781 = vector.broadcast %mul3A_780 : f32 to vector<16xf32>
        %mul3A_782 = arith.mulf %gather3A_779, %mul3A_781 : vector<16xf32>
        %scatter3A_783 = arith.constant 0 : i32
        %scatter3A_784 = arith.constant 0 : i32
        %scatter3A_785 = tpu.memref_slice %arg8[%scan3A_250, %scatter3A_783, %scatter3A_784] : memref<2x64x130xf32, #tpu.memory_space<vmem>> -> memref<1x64x130xf32, #tpu.memory_space<vmem>>
        %scatter3A_786 = tpu.memref_squeeze %scatter3A_785 : memref<1x64x130xf32, #tpu.memory_space<vmem>> -> memref<64x130xf32, #tpu.memory_space<vmem>>
        tpu.vector_store_idx %scatter3A_786[%add3A_771, %add3A_341], %mul3A_782 : memref<64x130xf32, #tpu.memory_space<vmem>>[vector<16xi32>, vector<16xi32>], vector<16xf32>,
        %add3A_787 = arith.constant 32 : i32
        %add3A_788 = vector.broadcast %add3A_787 : i32 to vector<16xi32>
        %add3A_789 = arith.addi %and3A_749, %add3A_788 : vector<16xi32>
        %add3A_790 = arith.constant 32 : i32
        %add3A_791 = vector.broadcast %add3A_790 : i32 to vector<16xi32>
        %add3A_792 = arith.addi %add3A_750, %add3A_791 : vector<16xi32>
        %gather3A_793 = arith.constant 0 : i32
        %gather3A_794 = arith.constant 0 : i32
        %gather3A_795 = tpu.memref_slice %arg7[%scan3A_249, %gather3A_793, %gather3A_794] : memref<2x128x128xf32, #tpu.memory_space<vmem>> -> memref<1x128x128xf32, #tpu.memory_space<vmem>>
        %gather3A_796 = tpu.memref_squeeze %gather3A_795 : memref<1x128x128xf32, #tpu.memory_space<vmem>> -> memref<128x128xf32, #tpu.memory_space<vmem>>
        %gather3A_797 = tpu.vector_load_idx %gather3A_796[%add3A_341, %add3A_792] : memref<128x128xf32, #tpu.memory_space<vmem>>[vector<16xi32>, vector<16xi32>], vector<16xf32>,
        %mul3A_798 = arith.constant 8.000000e+00 : f32
        %mul3A_799 = vector.broadcast %mul3A_798 : f32 to vector<16xf32>
        %mul3A_800 = arith.mulf %gather3A_797, %mul3A_799 : vector<16xf32>
        %scatter3A_801 = arith.constant 0 : i32
        %scatter3A_802 = arith.constant 0 : i32
        %scatter3A_803 = tpu.memref_slice %arg8[%scan3A_250, %scatter3A_801, %scatter3A_802] : memref<2x64x130xf32, #tpu.memory_space<vmem>> -> memref<1x64x130xf32, #tpu.memory_space<vmem>>
        %scatter3A_804 = tpu.memref_squeeze %scatter3A_803 : memref<1x64x130xf32, #tpu.memory_space<vmem>> -> memref<64x130xf32, #tpu.memory_space<vmem>>
        tpu.vector_store_idx %scatter3A_804[%add3A_789, %add3A_341], %mul3A_800 : memref<64x130xf32, #tpu.memory_space<vmem>>[vector<16xi32>, vector<16xi32>], vector<16xf32>,
        %add3A_805 = arith.constant 48 : i32
        %add3A_806 = vector.broadcast %add3A_805 : i32 to vector<16xi32>
        %add3A_807 = arith.addi %and3A_749, %add3A_806 : vector<16xi32>
        %add3A_808 = arith.constant 48 : i32
        %add3A_809 = vector.broadcast %add3A_808 : i32 to vector<16xi32>
        %add3A_810 = arith.addi %add3A_750, %add3A_809 : vector<16xi32>
        %gather3A_811 = arith.constant 0 : i32
        %gather3A_812 = arith.constant 0 : i32
        %gather3A_813 = tpu.memref_slice %arg7[%scan3A_249, %gather3A_811, %gather3A_812] : memref<2x128x128xf32, #tpu.memory_space<vmem>> -> memref<1x128x128xf32, #tpu.memory_space<vmem>>
        %gather3A_814 = tpu.memref_squeeze %gather3A_813 : memref<1x128x128xf32, #tpu.memory_space<vmem>> -> memref<128x128xf32, #tpu.memory_space<vmem>>
        %gather3A_815 = tpu.vector_load_idx %gather3A_814[%add3A_341, %add3A_810] : memref<128x128xf32, #tpu.memory_space<vmem>>[vector<16xi32>, vector<16xi32>], vector<16xf32>,
        %mul3A_816 = arith.constant 8.000000e+00 : f32
        %mul3A_817 = vector.broadcast %mul3A_816 : f32 to vector<16xf32>
        %mul3A_818 = arith.mulf %gather3A_815, %mul3A_817 : vector<16xf32>
        %scatter3A_819 = arith.constant 0 : i32
        %scatter3A_820 = arith.constant 0 : i32
        %scatter3A_821 = tpu.memref_slice %arg8[%scan3A_250, %scatter3A_819, %scatter3A_820] : memref<2x64x130xf32, #tpu.memory_space<vmem>> -> memref<1x64x130xf32, #tpu.memory_space<vmem>>
        %scatter3A_822 = tpu.memref_squeeze %scatter3A_821 : memref<1x64x130xf32, #tpu.memory_space<vmem>> -> memref<64x130xf32, #tpu.memory_space<vmem>>
        tpu.vector_store_idx %scatter3A_822[%add3A_807, %add3A_341], %mul3A_818 : memref<64x130xf32, #tpu.memory_space<vmem>>[vector<16xi32>, vector<16xi32>], vector<16xf32>,
        %add3A_823 = arith.constant 6 : i32
        %add3A_824 = vector.broadcast %add3A_823 : i32 to vector<16xi32>
        %add3A_825 = arith.addi %iota3A, %add3A_824 : vector<16xi32>
        %and3A_826 = arith.constant 15 : i32
        %and3A_827 = vector.broadcast %and3A_826 : i32 to vector<16xi32>
        %and3A_828 = arith.andi %add3A_825, %and3A_827 : vector<16xi32>
        %add3A_829 = arith.addi %shift_left3A_350, %and3A_828 : vector<16xi32>
        %add3A_830 = arith.constant 0 : i32
        %add3A_831 = vector.broadcast %add3A_830 : i32 to vector<16xi32>
        %add3A_832 = arith.addi %and3A_828, %add3A_831 : vector<16xi32>
        %add3A_833 = arith.constant 0 : i32
        %add3A_834 = vector.broadcast %add3A_833 : i32 to vector<16xi32>
        %add3A_835 = arith.addi %add3A_829, %add3A_834 : vector<16xi32>
        %gather3A_836 = arith.constant 0 : i32
        %gather3A_837 = arith.constant 0 : i32
        %gather3A_838 = tpu.memref_slice %arg7[%scan3A_249, %gather3A_836, %gather3A_837] : memref<2x128x128xf32, #tpu.memory_space<vmem>> -> memref<1x128x128xf32, #tpu.memory_space<vmem>>
        %gather3A_839 = tpu.memref_squeeze %gather3A_838 : memref<1x128x128xf32, #tpu.memory_space<vmem>> -> memref<128x128xf32, #tpu.memory_space<vmem>>
        %gather3A_840 = tpu.vector_load_idx %gather3A_839[%add3A_341, %add3A_835] : memref<128x128xf32, #tpu.memory_space<vmem>>[vector<16xi32>, vector<16xi32>], vector<16xf32>,
        %mul3A_841 = arith.constant 8.000000e+00 : f32
        %mul3A_842 = vector.broadcast %mul3A_841 : f32 to vector<16xf32>
        %mul3A_843 = arith.mulf %gather3A_840, %mul3A_842 : vector<16xf32>
        %scatter3A_844 = arith.constant 0 : i32
        %scatter3A_845 = arith.constant 0 : i32
        %scatter3A_846 = tpu.memref_slice %arg8[%scan3A_250, %scatter3A_844, %scatter3A_845] : memref<2x64x130xf32, #tpu.memory_space<vmem>> -> memref<1x64x130xf32, #tpu.memory_space<vmem>>
        %scatter3A_847 = tpu.memref_squeeze %scatter3A_846 : memref<1x64x130xf32, #tpu.memory_space<vmem>> -> memref<64x130xf32, #tpu.memory_space<vmem>>
        tpu.vector_store_idx %scatter3A_847[%add3A_832, %add3A_341], %mul3A_843 : memref<64x130xf32, #tpu.memory_space<vmem>>[vector<16xi32>, vector<16xi32>], vector<16xf32>,
        %add3A_848 = arith.constant 16 : i32
        %add3A_849 = vector.broadcast %add3A_848 : i32 to vector<16xi32>
        %add3A_850 = arith.addi %and3A_828, %add3A_849 : vector<16xi32>
        %add3A_851 = arith.constant 16 : i32
        %add3A_852 = vector.broadcast %add3A_851 : i32 to vector<16xi32>
        %add3A_853 = arith.addi %add3A_829, %add3A_852 : vector<16xi32>
        %gather3A_854 = arith.constant 0 : i32
        %gather3A_855 = arith.constant 0 : i32
        %gather3A_856 = tpu.memref_slice %arg7[%scan3A_249, %gather3A_854, %gather3A_855] : memref<2x128x128xf32, #tpu.memory_space<vmem>> -> memref<1x128x128xf32, #tpu.memory_space<vmem>>
        %gather3A_857 = tpu.memref_squeeze %gather3A_856 : memref<1x128x128xf32, #tpu.memory_space<vmem>> -> memref<128x128xf32, #tpu.memory_space<vmem>>
        %gather3A_858 = tpu.vector_load_idx %gather3A_857[%add3A_341, %add3A_853] : memref<128x128xf32, #tpu.memory_space<vmem>>[vector<16xi32>, vector<16xi32>], vector<16xf32>,
        %mul3A_859 = arith.constant 8.000000e+00 : f32
        %mul3A_860 = vector.broadcast %mul3A_859 : f32 to vector<16xf32>
        %mul3A_861 = arith.mulf %gather3A_858, %mul3A_860 : vector<16xf32>
        %scatter3A_862 = arith.constant 0 : i32
        %scatter3A_863 = arith.constant 0 : i32
        %scatter3A_864 = tpu.memref_slice %arg8[%scan3A_250, %scatter3A_862, %scatter3A_863] : memref<2x64x130xf32, #tpu.memory_space<vmem>> -> memref<1x64x130xf32, #tpu.memory_space<vmem>>
        %scatter3A_865 = tpu.memref_squeeze %scatter3A_864 : memref<1x64x130xf32, #tpu.memory_space<vmem>> -> memref<64x130xf32, #tpu.memory_space<vmem>>
        tpu.vector_store_idx %scatter3A_865[%add3A_850, %add3A_341], %mul3A_861 : memref<64x130xf32, #tpu.memory_space<vmem>>[vector<16xi32>, vector<16xi32>], vector<16xf32>,
        %add3A_866 = arith.constant 32 : i32
        %add3A_867 = vector.broadcast %add3A_866 : i32 to vector<16xi32>
        %add3A_868 = arith.addi %and3A_828, %add3A_867 : vector<16xi32>
        %add3A_869 = arith.constant 32 : i32
        %add3A_870 = vector.broadcast %add3A_869 : i32 to vector<16xi32>
        %add3A_871 = arith.addi %add3A_829, %add3A_870 : vector<16xi32>
        %gather3A_872 = arith.constant 0 : i32
        %gather3A_873 = arith.constant 0 : i32
        %gather3A_874 = tpu.memref_slice %arg7[%scan3A_249, %gather3A_872, %gather3A_873] : memref<2x128x128xf32, #tpu.memory_space<vmem>> -> memref<1x128x128xf32, #tpu.memory_space<vmem>>
        %gather3A_875 = tpu.memref_squeeze %gather3A_874 : memref<1x128x128xf32, #tpu.memory_space<vmem>> -> memref<128x128xf32, #tpu.memory_space<vmem>>
        %gather3A_876 = tpu.vector_load_idx %gather3A_875[%add3A_341, %add3A_871] : memref<128x128xf32, #tpu.memory_space<vmem>>[vector<16xi32>, vector<16xi32>], vector<16xf32>,
        %mul3A_877 = arith.constant 8.000000e+00 : f32
        %mul3A_878 = vector.broadcast %mul3A_877 : f32 to vector<16xf32>
        %mul3A_879 = arith.mulf %gather3A_876, %mul3A_878 : vector<16xf32>
        %scatter3A_880 = arith.constant 0 : i32
        %scatter3A_881 = arith.constant 0 : i32
        %scatter3A_882 = tpu.memref_slice %arg8[%scan3A_250, %scatter3A_880, %scatter3A_881] : memref<2x64x130xf32, #tpu.memory_space<vmem>> -> memref<1x64x130xf32, #tpu.memory_space<vmem>>
        %scatter3A_883 = tpu.memref_squeeze %scatter3A_882 : memref<1x64x130xf32, #tpu.memory_space<vmem>> -> memref<64x130xf32, #tpu.memory_space<vmem>>
        tpu.vector_store_idx %scatter3A_883[%add3A_868, %add3A_341], %mul3A_879 : memref<64x130xf32, #tpu.memory_space<vmem>>[vector<16xi32>, vector<16xi32>], vector<16xf32>,
        %add3A_884 = arith.constant 48 : i32
        %add3A_885 = vector.broadcast %add3A_884 : i32 to vector<16xi32>
        %add3A_886 = arith.addi %and3A_828, %add3A_885 : vector<16xi32>
        %add3A_887 = arith.constant 48 : i32
        %add3A_888 = vector.broadcast %add3A_887 : i32 to vector<16xi32>
        %add3A_889 = arith.addi %add3A_829, %add3A_888 : vector<16xi32>
        %gather3A_890 = arith.constant 0 : i32
        %gather3A_891 = arith.constant 0 : i32
        %gather3A_892 = tpu.memref_slice %arg7[%scan3A_249, %gather3A_890, %gather3A_891] : memref<2x128x128xf32, #tpu.memory_space<vmem>> -> memref<1x128x128xf32, #tpu.memory_space<vmem>>
        %gather3A_893 = tpu.memref_squeeze %gather3A_892 : memref<1x128x128xf32, #tpu.memory_space<vmem>> -> memref<128x128xf32, #tpu.memory_space<vmem>>
        %gather3A_894 = tpu.vector_load_idx %gather3A_893[%add3A_341, %add3A_889] : memref<128x128xf32, #tpu.memory_space<vmem>>[vector<16xi32>, vector<16xi32>], vector<16xf32>,
        %mul3A_895 = arith.constant 8.000000e+00 : f32
        %mul3A_896 = vector.broadcast %mul3A_895 : f32 to vector<16xf32>
        %mul3A_897 = arith.mulf %gather3A_894, %mul3A_896 : vector<16xf32>
        %scatter3A_898 = arith.constant 0 : i32
        %scatter3A_899 = arith.constant 0 : i32
        %scatter3A_900 = tpu.memref_slice %arg8[%scan3A_250, %scatter3A_898, %scatter3A_899] : memref<2x64x130xf32, #tpu.memory_space<vmem>> -> memref<1x64x130xf32, #tpu.memory_space<vmem>>
        %scatter3A_901 = tpu.memref_squeeze %scatter3A_900 : memref<1x64x130xf32, #tpu.memory_space<vmem>> -> memref<64x130xf32, #tpu.memory_space<vmem>>
        tpu.vector_store_idx %scatter3A_901[%add3A_886, %add3A_341], %mul3A_897 : memref<64x130xf32, #tpu.memory_space<vmem>>[vector<16xi32>, vector<16xi32>], vector<16xf32>,
        %add3A_902 = arith.constant 7 : i32
        %add3A_903 = vector.broadcast %add3A_902 : i32 to vector<16xi32>
        %add3A_904 = arith.addi %iota3A, %add3A_903 : vector<16xi32>
        %and3A_905 = arith.constant 15 : i32
        %and3A_906 = vector.broadcast %and3A_905 : i32 to vector<16xi32>
        %and3A_907 = arith.andi %add3A_904, %and3A_906 : vector<16xi32>
        %add3A_908 = arith.addi %shift_left3A_350, %and3A_907 : vector<16xi32>
        %add3A_909 = arith.constant 0 : i32
        %add3A_910 = vector.broadcast %add3A_909 : i32 to vector<16xi32>
        %add3A_911 = arith.addi %and3A_907, %add3A_910 : vector<16xi32>
        %add3A_912 = arith.constant 0 : i32
        %add3A_913 = vector.broadcast %add3A_912 : i32 to vector<16xi32>
        %add3A_914 = arith.addi %add3A_908, %add3A_913 : vector<16xi32>
        %gather3A_915 = arith.constant 0 : i32
        %gather3A_916 = arith.constant 0 : i32
        %gather3A_917 = tpu.memref_slice %arg7[%scan3A_249, %gather3A_915, %gather3A_916] : memref<2x128x128xf32, #tpu.memory_space<vmem>> -> memref<1x128x128xf32, #tpu.memory_space<vmem>>
        %gather3A_918 = tpu.memref_squeeze %gather3A_917 : memref<1x128x128xf32, #tpu.memory_space<vmem>> -> memref<128x128xf32, #tpu.memory_space<vmem>>
        %gather3A_919 = tpu.vector_load_idx %gather3A_918[%add3A_341, %add3A_914] : memref<128x128xf32, #tpu.memory_space<vmem>>[vector<16xi32>, vector<16xi32>], vector<16xf32>,
        %mul3A_920 = arith.constant 8.000000e+00 : f32
        %mul3A_921 = vector.broadcast %mul3A_920 : f32 to vector<16xf32>
        %mul3A_922 = arith.mulf %gather3A_919, %mul3A_921 : vector<16xf32>
        %scatter3A_923 = arith.constant 0 : i32
        %scatter3A_924 = arith.constant 0 : i32
        %scatter3A_925 = tpu.memref_slice %arg8[%scan3A_250, %scatter3A_923, %scatter3A_924] : memref<2x64x130xf32, #tpu.memory_space<vmem>> -> memref<1x64x130xf32, #tpu.memory_space<vmem>>
        %scatter3A_926 = tpu.memref_squeeze %scatter3A_925 : memref<1x64x130xf32, #tpu.memory_space<vmem>> -> memref<64x130xf32, #tpu.memory_space<vmem>>
        tpu.vector_store_idx %scatter3A_926[%add3A_911, %add3A_341], %mul3A_922 : memref<64x130xf32, #tpu.memory_space<vmem>>[vector<16xi32>, vector<16xi32>], vector<16xf32>,
        %add3A_927 = arith.constant 16 : i32
        %add3A_928 = vector.broadcast %add3A_927 : i32 to vector<16xi32>
        %add3A_929 = arith.addi %and3A_907, %add3A_928 : vector<16xi32>
        %add3A_930 = arith.constant 16 : i32
        %add3A_931 = vector.broadcast %add3A_930 : i32 to vector<16xi32>
        %add3A_932 = arith.addi %add3A_908, %add3A_931 : vector<16xi32>
        %gather3A_933 = arith.constant 0 : i32
        %gather3A_934 = arith.constant 0 : i32
        %gather3A_935 = tpu.memref_slice %arg7[%scan3A_249, %gather3A_933, %gather3A_934] : memref<2x128x128xf32, #tpu.memory_space<vmem>> -> memref<1x128x128xf32, #tpu.memory_space<vmem>>
        %gather3A_936 = tpu.memref_squeeze %gather3A_935 : memref<1x128x128xf32, #tpu.memory_space<vmem>> -> memref<128x128xf32, #tpu.memory_space<vmem>>
        %gather3A_937 = tpu.vector_load_idx %gather3A_936[%add3A_341, %add3A_932] : memref<128x128xf32, #tpu.memory_space<vmem>>[vector<16xi32>, vector<16xi32>], vector<16xf32>,
        %mul3A_938 = arith.constant 8.000000e+00 : f32
        %mul3A_939 = vector.broadcast %mul3A_938 : f32 to vector<16xf32>
        %mul3A_940 = arith.mulf %gather3A_937, %mul3A_939 : vector<16xf32>
        %scatter3A_941 = arith.constant 0 : i32
        %scatter3A_942 = arith.constant 0 : i32
        %scatter3A_943 = tpu.memref_slice %arg8[%scan3A_250, %scatter3A_941, %scatter3A_942] : memref<2x64x130xf32, #tpu.memory_space<vmem>> -> memref<1x64x130xf32, #tpu.memory_space<vmem>>
        %scatter3A_944 = tpu.memref_squeeze %scatter3A_943 : memref<1x64x130xf32, #tpu.memory_space<vmem>> -> memref<64x130xf32, #tpu.memory_space<vmem>>
        tpu.vector_store_idx %scatter3A_944[%add3A_929, %add3A_341], %mul3A_940 : memref<64x130xf32, #tpu.memory_space<vmem>>[vector<16xi32>, vector<16xi32>], vector<16xf32>,
        %add3A_945 = arith.constant 32 : i32
        %add3A_946 = vector.broadcast %add3A_945 : i32 to vector<16xi32>
        %add3A_947 = arith.addi %and3A_907, %add3A_946 : vector<16xi32>
        %add3A_948 = arith.constant 32 : i32
        %add3A_949 = vector.broadcast %add3A_948 : i32 to vector<16xi32>
        %add3A_950 = arith.addi %add3A_908, %add3A_949 : vector<16xi32>
        %gather3A_951 = arith.constant 0 : i32
        %gather3A_952 = arith.constant 0 : i32
        %gather3A_953 = tpu.memref_slice %arg7[%scan3A_249, %gather3A_951, %gather3A_952] : memref<2x128x128xf32, #tpu.memory_space<vmem>> -> memref<1x128x128xf32, #tpu.memory_space<vmem>>
        %gather3A_954 = tpu.memref_squeeze %gather3A_953 : memref<1x128x128xf32, #tpu.memory_space<vmem>> -> memref<128x128xf32, #tpu.memory_space<vmem>>
        %gather3A_955 = tpu.vector_load_idx %gather3A_954[%add3A_341, %add3A_950] : memref<128x128xf32, #tpu.memory_space<vmem>>[vector<16xi32>, vector<16xi32>], vector<16xf32>,
        %mul3A_956 = arith.constant 8.000000e+00 : f32
        %mul3A_957 = vector.broadcast %mul3A_956 : f32 to vector<16xf32>
        %mul3A_958 = arith.mulf %gather3A_955, %mul3A_957 : vector<16xf32>
        %scatter3A_959 = arith.constant 0 : i32
        %scatter3A_960 = arith.constant 0 : i32
        %scatter3A_961 = tpu.memref_slice %arg8[%scan3A_250, %scatter3A_959, %scatter3A_960] : memref<2x64x130xf32, #tpu.memory_space<vmem>> -> memref<1x64x130xf32, #tpu.memory_space<vmem>>
        %scatter3A_962 = tpu.memref_squeeze %scatter3A_961 : memref<1x64x130xf32, #tpu.memory_space<vmem>> -> memref<64x130xf32, #tpu.memory_space<vmem>>
        tpu.vector_store_idx %scatter3A_962[%add3A_947, %add3A_341], %mul3A_958 : memref<64x130xf32, #tpu.memory_space<vmem>>[vector<16xi32>, vector<16xi32>], vector<16xf32>,
        %add3A_963 = arith.constant 48 : i32
        %add3A_964 = vector.broadcast %add3A_963 : i32 to vector<16xi32>
        %add3A_965 = arith.addi %and3A_907, %add3A_964 : vector<16xi32>
        %add3A_966 = arith.constant 48 : i32
        %add3A_967 = vector.broadcast %add3A_966 : i32 to vector<16xi32>
        %add3A_968 = arith.addi %add3A_908, %add3A_967 : vector<16xi32>
        %gather3A_969 = arith.constant 0 : i32
        %gather3A_970 = arith.constant 0 : i32
        %gather3A_971 = tpu.memref_slice %arg7[%scan3A_249, %gather3A_969, %gather3A_970] : memref<2x128x128xf32, #tpu.memory_space<vmem>> -> memref<1x128x128xf32, #tpu.memory_space<vmem>>
        %gather3A_972 = tpu.memref_squeeze %gather3A_971 : memref<1x128x128xf32, #tpu.memory_space<vmem>> -> memref<128x128xf32, #tpu.memory_space<vmem>>
        %gather3A_973 = tpu.vector_load_idx %gather3A_972[%add3A_341, %add3A_968] : memref<128x128xf32, #tpu.memory_space<vmem>>[vector<16xi32>, vector<16xi32>], vector<16xf32>,
        %mul3A_974 = arith.constant 8.000000e+00 : f32
        %mul3A_975 = vector.broadcast %mul3A_974 : f32 to vector<16xf32>
        %mul3A_976 = arith.mulf %gather3A_973, %mul3A_975 : vector<16xf32>
        %scatter3A_977 = arith.constant 0 : i32
        %scatter3A_978 = arith.constant 0 : i32
        %scatter3A_979 = tpu.memref_slice %arg8[%scan3A_250, %scatter3A_977, %scatter3A_978] : memref<2x64x130xf32, #tpu.memory_space<vmem>> -> memref<1x64x130xf32, #tpu.memory_space<vmem>>
        %scatter3A_980 = tpu.memref_squeeze %scatter3A_979 : memref<1x64x130xf32, #tpu.memory_space<vmem>> -> memref<64x130xf32, #tpu.memory_space<vmem>>
        tpu.vector_store_idx %scatter3A_980[%add3A_965, %add3A_341], %mul3A_976 : memref<64x130xf32, #tpu.memory_space<vmem>>[vector<16xi32>, vector<16xi32>], vector<16xf32>,
        %add3A_981 = arith.constant 8 : i32
        %add3A_982 = vector.broadcast %add3A_981 : i32 to vector<16xi32>
        %add3A_983 = arith.addi %iota3A, %add3A_982 : vector<16xi32>
        %and3A_984 = arith.constant 15 : i32
        %and3A_985 = vector.broadcast %and3A_984 : i32 to vector<16xi32>
        %and3A_986 = arith.andi %add3A_983, %and3A_985 : vector<16xi32>
        %add3A_987 = arith.addi %shift_left3A_350, %and3A_986 : vector<16xi32>
        %add3A_988 = arith.constant 0 : i32
        %add3A_989 = vector.broadcast %add3A_988 : i32 to vector<16xi32>
        %add3A_990 = arith.addi %and3A_986, %add3A_989 : vector<16xi32>
        %add3A_991 = arith.constant 0 : i32
        %add3A_992 = vector.broadcast %add3A_991 : i32 to vector<16xi32>
        %add3A_993 = arith.addi %add3A_987, %add3A_992 : vector<16xi32>
        %gather3A_994 = arith.constant 0 : i32
        %gather3A_995 = arith.constant 0 : i32
        %gather3A_996 = tpu.memref_slice %arg7[%scan3A_249, %gather3A_994, %gather3A_995] : memref<2x128x128xf32, #tpu.memory_space<vmem>> -> memref<1x128x128xf32, #tpu.memory_space<vmem>>
        %gather3A_997 = tpu.memref_squeeze %gather3A_996 : memref<1x128x128xf32, #tpu.memory_space<vmem>> -> memref<128x128xf32, #tpu.memory_space<vmem>>
        %gather3A_998 = tpu.vector_load_idx %gather3A_997[%add3A_341, %add3A_993] : memref<128x128xf32, #tpu.memory_space<vmem>>[vector<16xi32>, vector<16xi32>], vector<16xf32>,
        %mul3A_999 = arith.constant 8.000000e+00 : f32
        %mul3A_1000 = vector.broadcast %mul3A_999 : f32 to vector<16xf32>
        %mul3A_1001 = arith.mulf %gather3A_998, %mul3A_1000 : vector<16xf32>
        %scatter3A_1002 = arith.constant 0 : i32
        %scatter3A_1003 = arith.constant 0 : i32
        %scatter3A_1004 = tpu.memref_slice %arg8[%scan3A_250, %scatter3A_1002, %scatter3A_1003] : memref<2x64x130xf32, #tpu.memory_space<vmem>> -> memref<1x64x130xf32, #tpu.memory_space<vmem>>
        %scatter3A_1005 = tpu.memref_squeeze %scatter3A_1004 : memref<1x64x130xf32, #tpu.memory_space<vmem>> -> memref<64x130xf32, #tpu.memory_space<vmem>>
        tpu.vector_store_idx %scatter3A_1005[%add3A_990, %add3A_341], %mul3A_1001 : memref<64x130xf32, #tpu.memory_space<vmem>>[vector<16xi32>, vector<16xi32>], vector<16xf32>,
        %add3A_1006 = arith.constant 16 : i32
        %add3A_1007 = vector.broadcast %add3A_1006 : i32 to vector<16xi32>
        %add3A_1008 = arith.addi %and3A_986, %add3A_1007 : vector<16xi32>
        %add3A_1009 = arith.constant 16 : i32
        %add3A_1010 = vector.broadcast %add3A_1009 : i32 to vector<16xi32>
        %add3A_1011 = arith.addi %add3A_987, %add3A_1010 : vector<16xi32>
        %gather3A_1012 = arith.constant 0 : i32
        %gather3A_1013 = arith.constant 0 : i32
        %gather3A_1014 = tpu.memref_slice %arg7[%scan3A_249, %gather3A_1012, %gather3A_1013] : memref<2x128x128xf32, #tpu.memory_space<vmem>> -> memref<1x128x128xf32, #tpu.memory_space<vmem>>
        %gather3A_1015 = tpu.memref_squeeze %gather3A_1014 : memref<1x128x128xf32, #tpu.memory_space<vmem>> -> memref<128x128xf32, #tpu.memory_space<vmem>>
        %gather3A_1016 = tpu.vector_load_idx %gather3A_1015[%add3A_341, %add3A_1011] : memref<128x128xf32, #tpu.memory_space<vmem>>[vector<16xi32>, vector<16xi32>], vector<16xf32>,
        %mul3A_1017 = arith.constant 8.000000e+00 : f32
        %mul3A_1018 = vector.broadcast %mul3A_1017 : f32 to vector<16xf32>
        %mul3A_1019 = arith.mulf %gather3A_1016, %mul3A_1018 : vector<16xf32>
        %scatter3A_1020 = arith.constant 0 : i32
        %scatter3A_1021 = arith.constant 0 : i32
        %scatter3A_1022 = tpu.memref_slice %arg8[%scan3A_250, %scatter3A_1020, %scatter3A_1021] : memref<2x64x130xf32, #tpu.memory_space<vmem>> -> memref<1x64x130xf32, #tpu.memory_space<vmem>>
        %scatter3A_1023 = tpu.memref_squeeze %scatter3A_1022 : memref<1x64x130xf32, #tpu.memory_space<vmem>> -> memref<64x130xf32, #tpu.memory_space<vmem>>
        tpu.vector_store_idx %scatter3A_1023[%add3A_1008, %add3A_341], %mul3A_1019 : memref<64x130xf32, #tpu.memory_space<vmem>>[vector<16xi32>, vector<16xi32>], vector<16xf32>,
        %add3A_1024 = arith.constant 32 : i32
        %add3A_1025 = vector.broadcast %add3A_1024 : i32 to vector<16xi32>
        %add3A_1026 = arith.addi %and3A_986, %add3A_1025 : vector<16xi32>
        %add3A_1027 = arith.constant 32 : i32
        %add3A_1028 = vector.broadcast %add3A_1027 : i32 to vector<16xi32>
        %add3A_1029 = arith.addi %add3A_987, %add3A_1028 : vector<16xi32>
        %gather3A_1030 = arith.constant 0 : i32
        %gather3A_1031 = arith.constant 0 : i32
        %gather3A_1032 = tpu.memref_slice %arg7[%scan3A_249, %gather3A_1030, %gather3A_1031] : memref<2x128x128xf32, #tpu.memory_space<vmem>> -> memref<1x128x128xf32, #tpu.memory_space<vmem>>
        %gather3A_1033 = tpu.memref_squeeze %gather3A_1032 : memref<1x128x128xf32, #tpu.memory_space<vmem>> -> memref<128x128xf32, #tpu.memory_space<vmem>>
        %gather3A_1034 = tpu.vector_load_idx %gather3A_1033[%add3A_341, %add3A_1029] : memref<128x128xf32, #tpu.memory_space<vmem>>[vector<16xi32>, vector<16xi32>], vector<16xf32>,
        %mul3A_1035 = arith.constant 8.000000e+00 : f32
        %mul3A_1036 = vector.broadcast %mul3A_1035 : f32 to vector<16xf32>
        %mul3A_1037 = arith.mulf %gather3A_1034, %mul3A_1036 : vector<16xf32>
        %scatter3A_1038 = arith.constant 0 : i32
        %scatter3A_1039 = arith.constant 0 : i32
        %scatter3A_1040 = tpu.memref_slice %arg8[%scan3A_250, %scatter3A_1038, %scatter3A_1039] : memref<2x64x130xf32, #tpu.memory_space<vmem>> -> memref<1x64x130xf32, #tpu.memory_space<vmem>>
        %scatter3A_1041 = tpu.memref_squeeze %scatter3A_1040 : memref<1x64x130xf32, #tpu.memory_space<vmem>> -> memref<64x130xf32, #tpu.memory_space<vmem>>
        tpu.vector_store_idx %scatter3A_1041[%add3A_1026, %add3A_341], %mul3A_1037 : memref<64x130xf32, #tpu.memory_space<vmem>>[vector<16xi32>, vector<16xi32>], vector<16xf32>,
        %add3A_1042 = arith.constant 48 : i32
        %add3A_1043 = vector.broadcast %add3A_1042 : i32 to vector<16xi32>
        %add3A_1044 = arith.addi %and3A_986, %add3A_1043 : vector<16xi32>
        %add3A_1045 = arith.constant 48 : i32
        %add3A_1046 = vector.broadcast %add3A_1045 : i32 to vector<16xi32>
        %add3A_1047 = arith.addi %add3A_987, %add3A_1046 : vector<16xi32>
        %gather3A_1048 = arith.constant 0 : i32
        %gather3A_1049 = arith.constant 0 : i32
        %gather3A_1050 = tpu.memref_slice %arg7[%scan3A_249, %gather3A_1048, %gather3A_1049] : memref<2x128x128xf32, #tpu.memory_space<vmem>> -> memref<1x128x128xf32, #tpu.memory_space<vmem>>
        %gather3A_1051 = tpu.memref_squeeze %gather3A_1050 : memref<1x128x128xf32, #tpu.memory_space<vmem>> -> memref<128x128xf32, #tpu.memory_space<vmem>>
        %gather3A_1052 = tpu.vector_load_idx %gather3A_1051[%add3A_341, %add3A_1047] : memref<128x128xf32, #tpu.memory_space<vmem>>[vector<16xi32>, vector<16xi32>], vector<16xf32>,
        %mul3A_1053 = arith.constant 8.000000e+00 : f32
        %mul3A_1054 = vector.broadcast %mul3A_1053 : f32 to vector<16xf32>
        %mul3A_1055 = arith.mulf %gather3A_1052, %mul3A_1054 : vector<16xf32>
        %scatter3A_1056 = arith.constant 0 : i32
        %scatter3A_1057 = arith.constant 0 : i32
        %scatter3A_1058 = tpu.memref_slice %arg8[%scan3A_250, %scatter3A_1056, %scatter3A_1057] : memref<2x64x130xf32, #tpu.memory_space<vmem>> -> memref<1x64x130xf32, #tpu.memory_space<vmem>>
        %scatter3A_1059 = tpu.memref_squeeze %scatter3A_1058 : memref<1x64x130xf32, #tpu.memory_space<vmem>> -> memref<64x130xf32, #tpu.memory_space<vmem>>
        tpu.vector_store_idx %scatter3A_1059[%add3A_1044, %add3A_341], %mul3A_1055 : memref<64x130xf32, #tpu.memory_space<vmem>>[vector<16xi32>, vector<16xi32>], vector<16xf32>,
        %add3A_1060 = arith.constant 9 : i32
        %add3A_1061 = vector.broadcast %add3A_1060 : i32 to vector<16xi32>
        %add3A_1062 = arith.addi %iota3A, %add3A_1061 : vector<16xi32>
        %and3A_1063 = arith.constant 15 : i32
        %and3A_1064 = vector.broadcast %and3A_1063 : i32 to vector<16xi32>
        %and3A_1065 = arith.andi %add3A_1062, %and3A_1064 : vector<16xi32>
        %add3A_1066 = arith.addi %shift_left3A_350, %and3A_1065 : vector<16xi32>
        %add3A_1067 = arith.constant 0 : i32
        %add3A_1068 = vector.broadcast %add3A_1067 : i32 to vector<16xi32>
        %add3A_1069 = arith.addi %and3A_1065, %add3A_1068 : vector<16xi32>
        %add3A_1070 = arith.constant 0 : i32
        %add3A_1071 = vector.broadcast %add3A_1070 : i32 to vector<16xi32>
        %add3A_1072 = arith.addi %add3A_1066, %add3A_1071 : vector<16xi32>
        %gather3A_1073 = arith.constant 0 : i32
        %gather3A_1074 = arith.constant 0 : i32
        %gather3A_1075 = tpu.memref_slice %arg7[%scan3A_249, %gather3A_1073, %gather3A_1074] : memref<2x128x128xf32, #tpu.memory_space<vmem>> -> memref<1x128x128xf32, #tpu.memory_space<vmem>>
        %gather3A_1076 = tpu.memref_squeeze %gather3A_1075 : memref<1x128x128xf32, #tpu.memory_space<vmem>> -> memref<128x128xf32, #tpu.memory_space<vmem>>
        %gather3A_1077 = tpu.vector_load_idx %gather3A_1076[%add3A_341, %add3A_1072] : memref<128x128xf32, #tpu.memory_space<vmem>>[vector<16xi32>, vector<16xi32>], vector<16xf32>,
        %mul3A_1078 = arith.constant 8.000000e+00 : f32
        %mul3A_1079 = vector.broadcast %mul3A_1078 : f32 to vector<16xf32>
        %mul3A_1080 = arith.mulf %gather3A_1077, %mul3A_1079 : vector<16xf32>
        %scatter3A_1081 = arith.constant 0 : i32
        %scatter3A_1082 = arith.constant 0 : i32
        %scatter3A_1083 = tpu.memref_slice %arg8[%scan3A_250, %scatter3A_1081, %scatter3A_1082] : memref<2x64x130xf32, #tpu.memory_space<vmem>> -> memref<1x64x130xf32, #tpu.memory_space<vmem>>
        %scatter3A_1084 = tpu.memref_squeeze %scatter3A_1083 : memref<1x64x130xf32, #tpu.memory_space<vmem>> -> memref<64x130xf32, #tpu.memory_space<vmem>>
        tpu.vector_store_idx %scatter3A_1084[%add3A_1069, %add3A_341], %mul3A_1080 : memref<64x130xf32, #tpu.memory_space<vmem>>[vector<16xi32>, vector<16xi32>], vector<16xf32>,
        %add3A_1085 = arith.constant 16 : i32
        %add3A_1086 = vector.broadcast %add3A_1085 : i32 to vector<16xi32>
        %add3A_1087 = arith.addi %and3A_1065, %add3A_1086 : vector<16xi32>
        %add3A_1088 = arith.constant 16 : i32
        %add3A_1089 = vector.broadcast %add3A_1088 : i32 to vector<16xi32>
        %add3A_1090 = arith.addi %add3A_1066, %add3A_1089 : vector<16xi32>
        %gather3A_1091 = arith.constant 0 : i32
        %gather3A_1092 = arith.constant 0 : i32
        %gather3A_1093 = tpu.memref_slice %arg7[%scan3A_249, %gather3A_1091, %gather3A_1092] : memref<2x128x128xf32, #tpu.memory_space<vmem>> -> memref<1x128x128xf32, #tpu.memory_space<vmem>>
        %gather3A_1094 = tpu.memref_squeeze %gather3A_1093 : memref<1x128x128xf32, #tpu.memory_space<vmem>> -> memref<128x128xf32, #tpu.memory_space<vmem>>
        %gather3A_1095 = tpu.vector_load_idx %gather3A_1094[%add3A_341, %add3A_1090] : memref<128x128xf32, #tpu.memory_space<vmem>>[vector<16xi32>, vector<16xi32>], vector<16xf32>,
        %mul3A_1096 = arith.constant 8.000000e+00 : f32
        %mul3A_1097 = vector.broadcast %mul3A_1096 : f32 to vector<16xf32>
        %mul3A_1098 = arith.mulf %gather3A_1095, %mul3A_1097 : vector<16xf32>
        %scatter3A_1099 = arith.constant 0 : i32
        %scatter3A_1100 = arith.constant 0 : i32
        %scatter3A_1101 = tpu.memref_slice %arg8[%scan3A_250, %scatter3A_1099, %scatter3A_1100] : memref<2x64x130xf32, #tpu.memory_space<vmem>> -> memref<1x64x130xf32, #tpu.memory_space<vmem>>
        %scatter3A_1102 = tpu.memref_squeeze %scatter3A_1101 : memref<1x64x130xf32, #tpu.memory_space<vmem>> -> memref<64x130xf32, #tpu.memory_space<vmem>>
        tpu.vector_store_idx %scatter3A_1102[%add3A_1087, %add3A_341], %mul3A_1098 : memref<64x130xf32, #tpu.memory_space<vmem>>[vector<16xi32>, vector<16xi32>], vector<16xf32>,
        %add3A_1103 = arith.constant 32 : i32
        %add3A_1104 = vector.broadcast %add3A_1103 : i32 to vector<16xi32>
        %add3A_1105 = arith.addi %and3A_1065, %add3A_1104 : vector<16xi32>
        %add3A_1106 = arith.constant 32 : i32
        %add3A_1107 = vector.broadcast %add3A_1106 : i32 to vector<16xi32>
        %add3A_1108 = arith.addi %add3A_1066, %add3A_1107 : vector<16xi32>
        %gather3A_1109 = arith.constant 0 : i32
        %gather3A_1110 = arith.constant 0 : i32
        %gather3A_1111 = tpu.memref_slice %arg7[%scan3A_249, %gather3A_1109, %gather3A_1110] : memref<2x128x128xf32, #tpu.memory_space<vmem>> -> memref<1x128x128xf32, #tpu.memory_space<vmem>>
        %gather3A_1112 = tpu.memref_squeeze %gather3A_1111 : memref<1x128x128xf32, #tpu.memory_space<vmem>> -> memref<128x128xf32, #tpu.memory_space<vmem>>
        %gather3A_1113 = tpu.vector_load_idx %gather3A_1112[%add3A_341, %add3A_1108] : memref<128x128xf32, #tpu.memory_space<vmem>>[vector<16xi32>, vector<16xi32>], vector<16xf32>,
        %mul3A_1114 = arith.constant 8.000000e+00 : f32
        %mul3A_1115 = vector.broadcast %mul3A_1114 : f32 to vector<16xf32>
        %mul3A_1116 = arith.mulf %gather3A_1113, %mul3A_1115 : vector<16xf32>
        %scatter3A_1117 = arith.constant 0 : i32
        %scatter3A_1118 = arith.constant 0 : i32
        %scatter3A_1119 = tpu.memref_slice %arg8[%scan3A_250, %scatter3A_1117, %scatter3A_1118] : memref<2x64x130xf32, #tpu.memory_space<vmem>> -> memref<1x64x130xf32, #tpu.memory_space<vmem>>
        %scatter3A_1120 = tpu.memref_squeeze %scatter3A_1119 : memref<1x64x130xf32, #tpu.memory_space<vmem>> -> memref<64x130xf32, #tpu.memory_space<vmem>>
        tpu.vector_store_idx %scatter3A_1120[%add3A_1105, %add3A_341], %mul3A_1116 : memref<64x130xf32, #tpu.memory_space<vmem>>[vector<16xi32>, vector<16xi32>], vector<16xf32>,
        %add3A_1121 = arith.constant 48 : i32
        %add3A_1122 = vector.broadcast %add3A_1121 : i32 to vector<16xi32>
        %add3A_1123 = arith.addi %and3A_1065, %add3A_1122 : vector<16xi32>
        %add3A_1124 = arith.constant 48 : i32
        %add3A_1125 = vector.broadcast %add3A_1124 : i32 to vector<16xi32>
        %add3A_1126 = arith.addi %add3A_1066, %add3A_1125 : vector<16xi32>
        %gather3A_1127 = arith.constant 0 : i32
        %gather3A_1128 = arith.constant 0 : i32
        %gather3A_1129 = tpu.memref_slice %arg7[%scan3A_249, %gather3A_1127, %gather3A_1128] : memref<2x128x128xf32, #tpu.memory_space<vmem>> -> memref<1x128x128xf32, #tpu.memory_space<vmem>>
        %gather3A_1130 = tpu.memref_squeeze %gather3A_1129 : memref<1x128x128xf32, #tpu.memory_space<vmem>> -> memref<128x128xf32, #tpu.memory_space<vmem>>
        %gather3A_1131 = tpu.vector_load_idx %gather3A_1130[%add3A_341, %add3A_1126] : memref<128x128xf32, #tpu.memory_space<vmem>>[vector<16xi32>, vector<16xi32>], vector<16xf32>,
        %mul3A_1132 = arith.constant 8.000000e+00 : f32
        %mul3A_1133 = vector.broadcast %mul3A_1132 : f32 to vector<16xf32>
        %mul3A_1134 = arith.mulf %gather3A_1131, %mul3A_1133 : vector<16xf32>
        %scatter3A_1135 = arith.constant 0 : i32
        %scatter3A_1136 = arith.constant 0 : i32
        %scatter3A_1137 = tpu.memref_slice %arg8[%scan3A_250, %scatter3A_1135, %scatter3A_1136] : memref<2x64x130xf32, #tpu.memory_space<vmem>> -> memref<1x64x130xf32, #tpu.memory_space<vmem>>
        %scatter3A_1138 = tpu.memref_squeeze %scatter3A_1137 : memref<1x64x130xf32, #tpu.memory_space<vmem>> -> memref<64x130xf32, #tpu.memory_space<vmem>>
        tpu.vector_store_idx %scatter3A_1138[%add3A_1123, %add3A_341], %mul3A_1134 : memref<64x130xf32, #tpu.memory_space<vmem>>[vector<16xi32>, vector<16xi32>], vector<16xf32>,
        %add3A_1139 = arith.constant 10 : i32
        %add3A_1140 = vector.broadcast %add3A_1139 : i32 to vector<16xi32>
        %add3A_1141 = arith.addi %iota3A, %add3A_1140 : vector<16xi32>
        %and3A_1142 = arith.constant 15 : i32
        %and3A_1143 = vector.broadcast %and3A_1142 : i32 to vector<16xi32>
        %and3A_1144 = arith.andi %add3A_1141, %and3A_1143 : vector<16xi32>
        %add3A_1145 = arith.addi %shift_left3A_350, %and3A_1144 : vector<16xi32>
        %add3A_1146 = arith.constant 0 : i32
        %add3A_1147 = vector.broadcast %add3A_1146 : i32 to vector<16xi32>
        %add3A_1148 = arith.addi %and3A_1144, %add3A_1147 : vector<16xi32>
        %add3A_1149 = arith.constant 0 : i32
        %add3A_1150 = vector.broadcast %add3A_1149 : i32 to vector<16xi32>
        %add3A_1151 = arith.addi %add3A_1145, %add3A_1150 : vector<16xi32>
        %gather3A_1152 = arith.constant 0 : i32
        %gather3A_1153 = arith.constant 0 : i32
        %gather3A_1154 = tpu.memref_slice %arg7[%scan3A_249, %gather3A_1152, %gather3A_1153] : memref<2x128x128xf32, #tpu.memory_space<vmem>> -> memref<1x128x128xf32, #tpu.memory_space<vmem>>
        %gather3A_1155 = tpu.memref_squeeze %gather3A_1154 : memref<1x128x128xf32, #tpu.memory_space<vmem>> -> memref<128x128xf32, #tpu.memory_space<vmem>>
        %gather3A_1156 = tpu.vector_load_idx %gather3A_1155[%add3A_341, %add3A_1151] : memref<128x128xf32, #tpu.memory_space<vmem>>[vector<16xi32>, vector<16xi32>], vector<16xf32>,
        %mul3A_1157 = arith.constant 8.000000e+00 : f32
        %mul3A_1158 = vector.broadcast %mul3A_1157 : f32 to vector<16xf32>
        %mul3A_1159 = arith.mulf %gather3A_1156, %mul3A_1158 : vector<16xf32>
        %scatter3A_1160 = arith.constant 0 : i32
        %scatter3A_1161 = arith.constant 0 : i32
        %scatter3A_1162 = tpu.memref_slice %arg8[%scan3A_250, %scatter3A_1160, %scatter3A_1161] : memref<2x64x130xf32, #tpu.memory_space<vmem>> -> memref<1x64x130xf32, #tpu.memory_space<vmem>>
        %scatter3A_1163 = tpu.memref_squeeze %scatter3A_1162 : memref<1x64x130xf32, #tpu.memory_space<vmem>> -> memref<64x130xf32, #tpu.memory_space<vmem>>
        tpu.vector_store_idx %scatter3A_1163[%add3A_1148, %add3A_341], %mul3A_1159 : memref<64x130xf32, #tpu.memory_space<vmem>>[vector<16xi32>, vector<16xi32>], vector<16xf32>,
        %add3A_1164 = arith.constant 16 : i32
        %add3A_1165 = vector.broadcast %add3A_1164 : i32 to vector<16xi32>
        %add3A_1166 = arith.addi %and3A_1144, %add3A_1165 : vector<16xi32>
        %add3A_1167 = arith.constant 16 : i32
        %add3A_1168 = vector.broadcast %add3A_1167 : i32 to vector<16xi32>
        %add3A_1169 = arith.addi %add3A_1145, %add3A_1168 : vector<16xi32>
        %gather3A_1170 = arith.constant 0 : i32
        %gather3A_1171 = arith.constant 0 : i32
        %gather3A_1172 = tpu.memref_slice %arg7[%scan3A_249, %gather3A_1170, %gather3A_1171] : memref<2x128x128xf32, #tpu.memory_space<vmem>> -> memref<1x128x128xf32, #tpu.memory_space<vmem>>
        %gather3A_1173 = tpu.memref_squeeze %gather3A_1172 : memref<1x128x128xf32, #tpu.memory_space<vmem>> -> memref<128x128xf32, #tpu.memory_space<vmem>>
        %gather3A_1174 = tpu.vector_load_idx %gather3A_1173[%add3A_341, %add3A_1169] : memref<128x128xf32, #tpu.memory_space<vmem>>[vector<16xi32>, vector<16xi32>], vector<16xf32>,
        %mul3A_1175 = arith.constant 8.000000e+00 : f32
        %mul3A_1176 = vector.broadcast %mul3A_1175 : f32 to vector<16xf32>
        %mul3A_1177 = arith.mulf %gather3A_1174, %mul3A_1176 : vector<16xf32>
        %scatter3A_1178 = arith.constant 0 : i32
        %scatter3A_1179 = arith.constant 0 : i32
        %scatter3A_1180 = tpu.memref_slice %arg8[%scan3A_250, %scatter3A_1178, %scatter3A_1179] : memref<2x64x130xf32, #tpu.memory_space<vmem>> -> memref<1x64x130xf32, #tpu.memory_space<vmem>>
        %scatter3A_1181 = tpu.memref_squeeze %scatter3A_1180 : memref<1x64x130xf32, #tpu.memory_space<vmem>> -> memref<64x130xf32, #tpu.memory_space<vmem>>
        tpu.vector_store_idx %scatter3A_1181[%add3A_1166, %add3A_341], %mul3A_1177 : memref<64x130xf32, #tpu.memory_space<vmem>>[vector<16xi32>, vector<16xi32>], vector<16xf32>,
        %add3A_1182 = arith.constant 32 : i32
        %add3A_1183 = vector.broadcast %add3A_1182 : i32 to vector<16xi32>
        %add3A_1184 = arith.addi %and3A_1144, %add3A_1183 : vector<16xi32>
        %add3A_1185 = arith.constant 32 : i32
        %add3A_1186 = vector.broadcast %add3A_1185 : i32 to vector<16xi32>
        %add3A_1187 = arith.addi %add3A_1145, %add3A_1186 : vector<16xi32>
        %gather3A_1188 = arith.constant 0 : i32
        %gather3A_1189 = arith.constant 0 : i32
        %gather3A_1190 = tpu.memref_slice %arg7[%scan3A_249, %gather3A_1188, %gather3A_1189] : memref<2x128x128xf32, #tpu.memory_space<vmem>> -> memref<1x128x128xf32, #tpu.memory_space<vmem>>
        %gather3A_1191 = tpu.memref_squeeze %gather3A_1190 : memref<1x128x128xf32, #tpu.memory_space<vmem>> -> memref<128x128xf32, #tpu.memory_space<vmem>>
        %gather3A_1192 = tpu.vector_load_idx %gather3A_1191[%add3A_341, %add3A_1187] : memref<128x128xf32, #tpu.memory_space<vmem>>[vector<16xi32>, vector<16xi32>], vector<16xf32>,
        %mul3A_1193 = arith.constant 8.000000e+00 : f32
        %mul3A_1194 = vector.broadcast %mul3A_1193 : f32 to vector<16xf32>
        %mul3A_1195 = arith.mulf %gather3A_1192, %mul3A_1194 : vector<16xf32>
        %scatter3A_1196 = arith.constant 0 : i32
        %scatter3A_1197 = arith.constant 0 : i32
        %scatter3A_1198 = tpu.memref_slice %arg8[%scan3A_250, %scatter3A_1196, %scatter3A_1197] : memref<2x64x130xf32, #tpu.memory_space<vmem>> -> memref<1x64x130xf32, #tpu.memory_space<vmem>>
        %scatter3A_1199 = tpu.memref_squeeze %scatter3A_1198 : memref<1x64x130xf32, #tpu.memory_space<vmem>> -> memref<64x130xf32, #tpu.memory_space<vmem>>
        tpu.vector_store_idx %scatter3A_1199[%add3A_1184, %add3A_341], %mul3A_1195 : memref<64x130xf32, #tpu.memory_space<vmem>>[vector<16xi32>, vector<16xi32>], vector<16xf32>,
        %add3A_1200 = arith.constant 48 : i32
        %add3A_1201 = vector.broadcast %add3A_1200 : i32 to vector<16xi32>
        %add3A_1202 = arith.addi %and3A_1144, %add3A_1201 : vector<16xi32>
        %add3A_1203 = arith.constant 48 : i32
        %add3A_1204 = vector.broadcast %add3A_1203 : i32 to vector<16xi32>
        %add3A_1205 = arith.addi %add3A_1145, %add3A_1204 : vector<16xi32>
        %gather3A_1206 = arith.constant 0 : i32
        %gather3A_1207 = arith.constant 0 : i32
        %gather3A_1208 = tpu.memref_slice %arg7[%scan3A_249, %gather3A_1206, %gather3A_1207] : memref<2x128x128xf32, #tpu.memory_space<vmem>> -> memref<1x128x128xf32, #tpu.memory_space<vmem>>
        %gather3A_1209 = tpu.memref_squeeze %gather3A_1208 : memref<1x128x128xf32, #tpu.memory_space<vmem>> -> memref<128x128xf32, #tpu.memory_space<vmem>>
        %gather3A_1210 = tpu.vector_load_idx %gather3A_1209[%add3A_341, %add3A_1205] : memref<128x128xf32, #tpu.memory_space<vmem>>[vector<16xi32>, vector<16xi32>], vector<16xf32>,
        %mul3A_1211 = arith.constant 8.000000e+00 : f32
        %mul3A_1212 = vector.broadcast %mul3A_1211 : f32 to vector<16xf32>
        %mul3A_1213 = arith.mulf %gather3A_1210, %mul3A_1212 : vector<16xf32>
        %scatter3A_1214 = arith.constant 0 : i32
        %scatter3A_1215 = arith.constant 0 : i32
        %scatter3A_1216 = tpu.memref_slice %arg8[%scan3A_250, %scatter3A_1214, %scatter3A_1215] : memref<2x64x130xf32, #tpu.memory_space<vmem>> -> memref<1x64x130xf32, #tpu.memory_space<vmem>>
        %scatter3A_1217 = tpu.memref_squeeze %scatter3A_1216 : memref<1x64x130xf32, #tpu.memory_space<vmem>> -> memref<64x130xf32, #tpu.memory_space<vmem>>
        tpu.vector_store_idx %scatter3A_1217[%add3A_1202, %add3A_341], %mul3A_1213 : memref<64x130xf32, #tpu.memory_space<vmem>>[vector<16xi32>, vector<16xi32>], vector<16xf32>,
        %add3A_1218 = arith.constant 11 : i32
        %add3A_1219 = vector.broadcast %add3A_1218 : i32 to vector<16xi32>
        %add3A_1220 = arith.addi %iota3A, %add3A_1219 : vector<16xi32>
        %and3A_1221 = arith.constant 15 : i32
        %and3A_1222 = vector.broadcast %and3A_1221 : i32 to vector<16xi32>
        %and3A_1223 = arith.andi %add3A_1220, %and3A_1222 : vector<16xi32>
        %add3A_1224 = arith.addi %shift_left3A_350, %and3A_1223 : vector<16xi32>
        %add3A_1225 = arith.constant 0 : i32
        %add3A_1226 = vector.broadcast %add3A_1225 : i32 to vector<16xi32>
        %add3A_1227 = arith.addi %and3A_1223, %add3A_1226 : vector<16xi32>
        %add3A_1228 = arith.constant 0 : i32
        %add3A_1229 = vector.broadcast %add3A_1228 : i32 to vector<16xi32>
        %add3A_1230 = arith.addi %add3A_1224, %add3A_1229 : vector<16xi32>
        %gather3A_1231 = arith.constant 0 : i32
        %gather3A_1232 = arith.constant 0 : i32
        %gather3A_1233 = tpu.memref_slice %arg7[%scan3A_249, %gather3A_1231, %gather3A_1232] : memref<2x128x128xf32, #tpu.memory_space<vmem>> -> memref<1x128x128xf32, #tpu.memory_space<vmem>>
        %gather3A_1234 = tpu.memref_squeeze %gather3A_1233 : memref<1x128x128xf32, #tpu.memory_space<vmem>> -> memref<128x128xf32, #tpu.memory_space<vmem>>
        %gather3A_1235 = tpu.vector_load_idx %gather3A_1234[%add3A_341, %add3A_1230] : memref<128x128xf32, #tpu.memory_space<vmem>>[vector<16xi32>, vector<16xi32>], vector<16xf32>,
        %mul3A_1236 = arith.constant 8.000000e+00 : f32
        %mul3A_1237 = vector.broadcast %mul3A_1236 : f32 to vector<16xf32>
        %mul3A_1238 = arith.mulf %gather3A_1235, %mul3A_1237 : vector<16xf32>
        %scatter3A_1239 = arith.constant 0 : i32
        %scatter3A_1240 = arith.constant 0 : i32
        %scatter3A_1241 = tpu.memref_slice %arg8[%scan3A_250, %scatter3A_1239, %scatter3A_1240] : memref<2x64x130xf32, #tpu.memory_space<vmem>> -> memref<1x64x130xf32, #tpu.memory_space<vmem>>
        %scatter3A_1242 = tpu.memref_squeeze %scatter3A_1241 : memref<1x64x130xf32, #tpu.memory_space<vmem>> -> memref<64x130xf32, #tpu.memory_space<vmem>>
        tpu.vector_store_idx %scatter3A_1242[%add3A_1227, %add3A_341], %mul3A_1238 : memref<64x130xf32, #tpu.memory_space<vmem>>[vector<16xi32>, vector<16xi32>], vector<16xf32>,
        %add3A_1243 = arith.constant 16 : i32
        %add3A_1244 = vector.broadcast %add3A_1243 : i32 to vector<16xi32>
        %add3A_1245 = arith.addi %and3A_1223, %add3A_1244 : vector<16xi32>
        %add3A_1246 = arith.constant 16 : i32
        %add3A_1247 = vector.broadcast %add3A_1246 : i32 to vector<16xi32>
        %add3A_1248 = arith.addi %add3A_1224, %add3A_1247 : vector<16xi32>
        %gather3A_1249 = arith.constant 0 : i32
        %gather3A_1250 = arith.constant 0 : i32
        %gather3A_1251 = tpu.memref_slice %arg7[%scan3A_249, %gather3A_1249, %gather3A_1250] : memref<2x128x128xf32, #tpu.memory_space<vmem>> -> memref<1x128x128xf32, #tpu.memory_space<vmem>>
        %gather3A_1252 = tpu.memref_squeeze %gather3A_1251 : memref<1x128x128xf32, #tpu.memory_space<vmem>> -> memref<128x128xf32, #tpu.memory_space<vmem>>
        %gather3A_1253 = tpu.vector_load_idx %gather3A_1252[%add3A_341, %add3A_1248] : memref<128x128xf32, #tpu.memory_space<vmem>>[vector<16xi32>, vector<16xi32>], vector<16xf32>,
        %mul3A_1254 = arith.constant 8.000000e+00 : f32
        %mul3A_1255 = vector.broadcast %mul3A_1254 : f32 to vector<16xf32>
        %mul3A_1256 = arith.mulf %gather3A_1253, %mul3A_1255 : vector<16xf32>
        %scatter3A_1257 = arith.constant 0 : i32
        %scatter3A_1258 = arith.constant 0 : i32
        %scatter3A_1259 = tpu.memref_slice %arg8[%scan3A_250, %scatter3A_1257, %scatter3A_1258] : memref<2x64x130xf32, #tpu.memory_space<vmem>> -> memref<1x64x130xf32, #tpu.memory_space<vmem>>
        %scatter3A_1260 = tpu.memref_squeeze %scatter3A_1259 : memref<1x64x130xf32, #tpu.memory_space<vmem>> -> memref<64x130xf32, #tpu.memory_space<vmem>>
        tpu.vector_store_idx %scatter3A_1260[%add3A_1245, %add3A_341], %mul3A_1256 : memref<64x130xf32, #tpu.memory_space<vmem>>[vector<16xi32>, vector<16xi32>], vector<16xf32>,
        %add3A_1261 = arith.constant 32 : i32
        %add3A_1262 = vector.broadcast %add3A_1261 : i32 to vector<16xi32>
        %add3A_1263 = arith.addi %and3A_1223, %add3A_1262 : vector<16xi32>
        %add3A_1264 = arith.constant 32 : i32
        %add3A_1265 = vector.broadcast %add3A_1264 : i32 to vector<16xi32>
        %add3A_1266 = arith.addi %add3A_1224, %add3A_1265 : vector<16xi32>
        %gather3A_1267 = arith.constant 0 : i32
        %gather3A_1268 = arith.constant 0 : i32
        %gather3A_1269 = tpu.memref_slice %arg7[%scan3A_249, %gather3A_1267, %gather3A_1268] : memref<2x128x128xf32, #tpu.memory_space<vmem>> -> memref<1x128x128xf32, #tpu.memory_space<vmem>>
        %gather3A_1270 = tpu.memref_squeeze %gather3A_1269 : memref<1x128x128xf32, #tpu.memory_space<vmem>> -> memref<128x128xf32, #tpu.memory_space<vmem>>
        %gather3A_1271 = tpu.vector_load_idx %gather3A_1270[%add3A_341, %add3A_1266] : memref<128x128xf32, #tpu.memory_space<vmem>>[vector<16xi32>, vector<16xi32>], vector<16xf32>,
        %mul3A_1272 = arith.constant 8.000000e+00 : f32
        %mul3A_1273 = vector.broadcast %mul3A_1272 : f32 to vector<16xf32>
        %mul3A_1274 = arith.mulf %gather3A_1271, %mul3A_1273 : vector<16xf32>
        %scatter3A_1275 = arith.constant 0 : i32
        %scatter3A_1276 = arith.constant 0 : i32
        %scatter3A_1277 = tpu.memref_slice %arg8[%scan3A_250, %scatter3A_1275, %scatter3A_1276] : memref<2x64x130xf32, #tpu.memory_space<vmem>> -> memref<1x64x130xf32, #tpu.memory_space<vmem>>
        %scatter3A_1278 = tpu.memref_squeeze %scatter3A_1277 : memref<1x64x130xf32, #tpu.memory_space<vmem>> -> memref<64x130xf32, #tpu.memory_space<vmem>>
        tpu.vector_store_idx %scatter3A_1278[%add3A_1263, %add3A_341], %mul3A_1274 : memref<64x130xf32, #tpu.memory_space<vmem>>[vector<16xi32>, vector<16xi32>], vector<16xf32>,
        %add3A_1279 = arith.constant 48 : i32
        %add3A_1280 = vector.broadcast %add3A_1279 : i32 to vector<16xi32>
        %add3A_1281 = arith.addi %and3A_1223, %add3A_1280 : vector<16xi32>
        %add3A_1282 = arith.constant 48 : i32
        %add3A_1283 = vector.broadcast %add3A_1282 : i32 to vector<16xi32>
        %add3A_1284 = arith.addi %add3A_1224, %add3A_1283 : vector<16xi32>
        %gather3A_1285 = arith.constant 0 : i32
        %gather3A_1286 = arith.constant 0 : i32
        %gather3A_1287 = tpu.memref_slice %arg7[%scan3A_249, %gather3A_1285, %gather3A_1286] : memref<2x128x128xf32, #tpu.memory_space<vmem>> -> memref<1x128x128xf32, #tpu.memory_space<vmem>>
        %gather3A_1288 = tpu.memref_squeeze %gather3A_1287 : memref<1x128x128xf32, #tpu.memory_space<vmem>> -> memref<128x128xf32, #tpu.memory_space<vmem>>
        %gather3A_1289 = tpu.vector_load_idx %gather3A_1288[%add3A_341, %add3A_1284] : memref<128x128xf32, #tpu.memory_space<vmem>>[vector<16xi32>, vector<16xi32>], vector<16xf32>,
        %mul3A_1290 = arith.constant 8.000000e+00 : f32
        %mul3A_1291 = vector.broadcast %mul3A_1290 : f32 to vector<16xf32>
        %mul3A_1292 = arith.mulf %gather3A_1289, %mul3A_1291 : vector<16xf32>
        %scatter3A_1293 = arith.constant 0 : i32
        %scatter3A_1294 = arith.constant 0 : i32
        %scatter3A_1295 = tpu.memref_slice %arg8[%scan3A_250, %scatter3A_1293, %scatter3A_1294] : memref<2x64x130xf32, #tpu.memory_space<vmem>> -> memref<1x64x130xf32, #tpu.memory_space<vmem>>
        %scatter3A_1296 = tpu.memref_squeeze %scatter3A_1295 : memref<1x64x130xf32, #tpu.memory_space<vmem>> -> memref<64x130xf32, #tpu.memory_space<vmem>>
        tpu.vector_store_idx %scatter3A_1296[%add3A_1281, %add3A_341], %mul3A_1292 : memref<64x130xf32, #tpu.memory_space<vmem>>[vector<16xi32>, vector<16xi32>], vector<16xf32>,
        %add3A_1297 = arith.constant 12 : i32
        %add3A_1298 = vector.broadcast %add3A_1297 : i32 to vector<16xi32>
        %add3A_1299 = arith.addi %iota3A, %add3A_1298 : vector<16xi32>
        %and3A_1300 = arith.constant 15 : i32
        %and3A_1301 = vector.broadcast %and3A_1300 : i32 to vector<16xi32>
        %and3A_1302 = arith.andi %add3A_1299, %and3A_1301 : vector<16xi32>
        %add3A_1303 = arith.addi %shift_left3A_350, %and3A_1302 : vector<16xi32>
        %add3A_1304 = arith.constant 0 : i32
        %add3A_1305 = vector.broadcast %add3A_1304 : i32 to vector<16xi32>
        %add3A_1306 = arith.addi %and3A_1302, %add3A_1305 : vector<16xi32>
        %add3A_1307 = arith.constant 0 : i32
        %add3A_1308 = vector.broadcast %add3A_1307 : i32 to vector<16xi32>
        %add3A_1309 = arith.addi %add3A_1303, %add3A_1308 : vector<16xi32>
        %gather3A_1310 = arith.constant 0 : i32
        %gather3A_1311 = arith.constant 0 : i32
        %gather3A_1312 = tpu.memref_slice %arg7[%scan3A_249, %gather3A_1310, %gather3A_1311] : memref<2x128x128xf32, #tpu.memory_space<vmem>> -> memref<1x128x128xf32, #tpu.memory_space<vmem>>
        %gather3A_1313 = tpu.memref_squeeze %gather3A_1312 : memref<1x128x128xf32, #tpu.memory_space<vmem>> -> memref<128x128xf32, #tpu.memory_space<vmem>>
        %gather3A_1314 = tpu.vector_load_idx %gather3A_1313[%add3A_341, %add3A_1309] : memref<128x128xf32, #tpu.memory_space<vmem>>[vector<16xi32>, vector<16xi32>], vector<16xf32>,
        %mul3A_1315 = arith.constant 8.000000e+00 : f32
        %mul3A_1316 = vector.broadcast %mul3A_1315 : f32 to vector<16xf32>
        %mul3A_1317 = arith.mulf %gather3A_1314, %mul3A_1316 : vector<16xf32>
        %scatter3A_1318 = arith.constant 0 : i32
        %scatter3A_1319 = arith.constant 0 : i32
        %scatter3A_1320 = tpu.memref_slice %arg8[%scan3A_250, %scatter3A_1318, %scatter3A_1319] : memref<2x64x130xf32, #tpu.memory_space<vmem>> -> memref<1x64x130xf32, #tpu.memory_space<vmem>>
        %scatter3A_1321 = tpu.memref_squeeze %scatter3A_1320 : memref<1x64x130xf32, #tpu.memory_space<vmem>> -> memref<64x130xf32, #tpu.memory_space<vmem>>
        tpu.vector_store_idx %scatter3A_1321[%add3A_1306, %add3A_341], %mul3A_1317 : memref<64x130xf32, #tpu.memory_space<vmem>>[vector<16xi32>, vector<16xi32>], vector<16xf32>,
        %add3A_1322 = arith.constant 16 : i32
        %add3A_1323 = vector.broadcast %add3A_1322 : i32 to vector<16xi32>
        %add3A_1324 = arith.addi %and3A_1302, %add3A_1323 : vector<16xi32>
        %add3A_1325 = arith.constant 16 : i32
        %add3A_1326 = vector.broadcast %add3A_1325 : i32 to vector<16xi32>
        %add3A_1327 = arith.addi %add3A_1303, %add3A_1326 : vector<16xi32>
        %gather3A_1328 = arith.constant 0 : i32
        %gather3A_1329 = arith.constant 0 : i32
        %gather3A_1330 = tpu.memref_slice %arg7[%scan3A_249, %gather3A_1328, %gather3A_1329] : memref<2x128x128xf32, #tpu.memory_space<vmem>> -> memref<1x128x128xf32, #tpu.memory_space<vmem>>
        %gather3A_1331 = tpu.memref_squeeze %gather3A_1330 : memref<1x128x128xf32, #tpu.memory_space<vmem>> -> memref<128x128xf32, #tpu.memory_space<vmem>>
        %gather3A_1332 = tpu.vector_load_idx %gather3A_1331[%add3A_341, %add3A_1327] : memref<128x128xf32, #tpu.memory_space<vmem>>[vector<16xi32>, vector<16xi32>], vector<16xf32>,
        %mul3A_1333 = arith.constant 8.000000e+00 : f32
        %mul3A_1334 = vector.broadcast %mul3A_1333 : f32 to vector<16xf32>
        %mul3A_1335 = arith.mulf %gather3A_1332, %mul3A_1334 : vector<16xf32>
        %scatter3A_1336 = arith.constant 0 : i32
        %scatter3A_1337 = arith.constant 0 : i32
        %scatter3A_1338 = tpu.memref_slice %arg8[%scan3A_250, %scatter3A_1336, %scatter3A_1337] : memref<2x64x130xf32, #tpu.memory_space<vmem>> -> memref<1x64x130xf32, #tpu.memory_space<vmem>>
        %scatter3A_1339 = tpu.memref_squeeze %scatter3A_1338 : memref<1x64x130xf32, #tpu.memory_space<vmem>> -> memref<64x130xf32, #tpu.memory_space<vmem>>
        tpu.vector_store_idx %scatter3A_1339[%add3A_1324, %add3A_341], %mul3A_1335 : memref<64x130xf32, #tpu.memory_space<vmem>>[vector<16xi32>, vector<16xi32>], vector<16xf32>,
        %add3A_1340 = arith.constant 32 : i32
        %add3A_1341 = vector.broadcast %add3A_1340 : i32 to vector<16xi32>
        %add3A_1342 = arith.addi %and3A_1302, %add3A_1341 : vector<16xi32>
        %add3A_1343 = arith.constant 32 : i32
        %add3A_1344 = vector.broadcast %add3A_1343 : i32 to vector<16xi32>
        %add3A_1345 = arith.addi %add3A_1303, %add3A_1344 : vector<16xi32>
        %gather3A_1346 = arith.constant 0 : i32
        %gather3A_1347 = arith.constant 0 : i32
        %gather3A_1348 = tpu.memref_slice %arg7[%scan3A_249, %gather3A_1346, %gather3A_1347] : memref<2x128x128xf32, #tpu.memory_space<vmem>> -> memref<1x128x128xf32, #tpu.memory_space<vmem>>
        %gather3A_1349 = tpu.memref_squeeze %gather3A_1348 : memref<1x128x128xf32, #tpu.memory_space<vmem>> -> memref<128x128xf32, #tpu.memory_space<vmem>>
        %gather3A_1350 = tpu.vector_load_idx %gather3A_1349[%add3A_341, %add3A_1345] : memref<128x128xf32, #tpu.memory_space<vmem>>[vector<16xi32>, vector<16xi32>], vector<16xf32>,
        %mul3A_1351 = arith.constant 8.000000e+00 : f32
        %mul3A_1352 = vector.broadcast %mul3A_1351 : f32 to vector<16xf32>
        %mul3A_1353 = arith.mulf %gather3A_1350, %mul3A_1352 : vector<16xf32>
        %scatter3A_1354 = arith.constant 0 : i32
        %scatter3A_1355 = arith.constant 0 : i32
        %scatter3A_1356 = tpu.memref_slice %arg8[%scan3A_250, %scatter3A_1354, %scatter3A_1355] : memref<2x64x130xf32, #tpu.memory_space<vmem>> -> memref<1x64x130xf32, #tpu.memory_space<vmem>>
        %scatter3A_1357 = tpu.memref_squeeze %scatter3A_1356 : memref<1x64x130xf32, #tpu.memory_space<vmem>> -> memref<64x130xf32, #tpu.memory_space<vmem>>
        tpu.vector_store_idx %scatter3A_1357[%add3A_1342, %add3A_341], %mul3A_1353 : memref<64x130xf32, #tpu.memory_space<vmem>>[vector<16xi32>, vector<16xi32>], vector<16xf32>,
        %add3A_1358 = arith.constant 48 : i32
        %add3A_1359 = vector.broadcast %add3A_1358 : i32 to vector<16xi32>
        %add3A_1360 = arith.addi %and3A_1302, %add3A_1359 : vector<16xi32>
        %add3A_1361 = arith.constant 48 : i32
        %add3A_1362 = vector.broadcast %add3A_1361 : i32 to vector<16xi32>
        %add3A_1363 = arith.addi %add3A_1303, %add3A_1362 : vector<16xi32>
        %gather3A_1364 = arith.constant 0 : i32
        %gather3A_1365 = arith.constant 0 : i32
        %gather3A_1366 = tpu.memref_slice %arg7[%scan3A_249, %gather3A_1364, %gather3A_1365] : memref<2x128x128xf32, #tpu.memory_space<vmem>> -> memref<1x128x128xf32, #tpu.memory_space<vmem>>
        %gather3A_1367 = tpu.memref_squeeze %gather3A_1366 : memref<1x128x128xf32, #tpu.memory_space<vmem>> -> memref<128x128xf32, #tpu.memory_space<vmem>>
        %gather3A_1368 = tpu.vector_load_idx %gather3A_1367[%add3A_341, %add3A_1363] : memref<128x128xf32, #tpu.memory_space<vmem>>[vector<16xi32>, vector<16xi32>], vector<16xf32>,
        %mul3A_1369 = arith.constant 8.000000e+00 : f32
        %mul3A_1370 = vector.broadcast %mul3A_1369 : f32 to vector<16xf32>
        %mul3A_1371 = arith.mulf %gather3A_1368, %mul3A_1370 : vector<16xf32>
        %scatter3A_1372 = arith.constant 0 : i32
        %scatter3A_1373 = arith.constant 0 : i32
        %scatter3A_1374 = tpu.memref_slice %arg8[%scan3A_250, %scatter3A_1372, %scatter3A_1373] : memref<2x64x130xf32, #tpu.memory_space<vmem>> -> memref<1x64x130xf32, #tpu.memory_space<vmem>>
        %scatter3A_1375 = tpu.memref_squeeze %scatter3A_1374 : memref<1x64x130xf32, #tpu.memory_space<vmem>> -> memref<64x130xf32, #tpu.memory_space<vmem>>
        tpu.vector_store_idx %scatter3A_1375[%add3A_1360, %add3A_341], %mul3A_1371 : memref<64x130xf32, #tpu.memory_space<vmem>>[vector<16xi32>, vector<16xi32>], vector<16xf32>,
        %add3A_1376 = arith.constant 13 : i32
        %add3A_1377 = vector.broadcast %add3A_1376 : i32 to vector<16xi32>
        %add3A_1378 = arith.addi %iota3A, %add3A_1377 : vector<16xi32>
        %and3A_1379 = arith.constant 15 : i32
        %and3A_1380 = vector.broadcast %and3A_1379 : i32 to vector<16xi32>
        %and3A_1381 = arith.andi %add3A_1378, %and3A_1380 : vector<16xi32>
        %add3A_1382 = arith.addi %shift_left3A_350, %and3A_1381 : vector<16xi32>
        %add3A_1383 = arith.constant 0 : i32
        %add3A_1384 = vector.broadcast %add3A_1383 : i32 to vector<16xi32>
        %add3A_1385 = arith.addi %and3A_1381, %add3A_1384 : vector<16xi32>
        %add3A_1386 = arith.constant 0 : i32
        %add3A_1387 = vector.broadcast %add3A_1386 : i32 to vector<16xi32>
        %add3A_1388 = arith.addi %add3A_1382, %add3A_1387 : vector<16xi32>
        %gather3A_1389 = arith.constant 0 : i32
        %gather3A_1390 = arith.constant 0 : i32
        %gather3A_1391 = tpu.memref_slice %arg7[%scan3A_249, %gather3A_1389, %gather3A_1390] : memref<2x128x128xf32, #tpu.memory_space<vmem>> -> memref<1x128x128xf32, #tpu.memory_space<vmem>>
        %gather3A_1392 = tpu.memref_squeeze %gather3A_1391 : memref<1x128x128xf32, #tpu.memory_space<vmem>> -> memref<128x128xf32, #tpu.memory_space<vmem>>
        %gather3A_1393 = tpu.vector_load_idx %gather3A_1392[%add3A_341, %add3A_1388] : memref<128x128xf32, #tpu.memory_space<vmem>>[vector<16xi32>, vector<16xi32>], vector<16xf32>,
        %mul3A_1394 = arith.constant 8.000000e+00 : f32
        %mul3A_1395 = vector.broadcast %mul3A_1394 : f32 to vector<16xf32>
        %mul3A_1396 = arith.mulf %gather3A_1393, %mul3A_1395 : vector<16xf32>
        %scatter3A_1397 = arith.constant 0 : i32
        %scatter3A_1398 = arith.constant 0 : i32
        %scatter3A_1399 = tpu.memref_slice %arg8[%scan3A_250, %scatter3A_1397, %scatter3A_1398] : memref<2x64x130xf32, #tpu.memory_space<vmem>> -> memref<1x64x130xf32, #tpu.memory_space<vmem>>
        %scatter3A_1400 = tpu.memref_squeeze %scatter3A_1399 : memref<1x64x130xf32, #tpu.memory_space<vmem>> -> memref<64x130xf32, #tpu.memory_space<vmem>>
        tpu.vector_store_idx %scatter3A_1400[%add3A_1385, %add3A_341], %mul3A_1396 : memref<64x130xf32, #tpu.memory_space<vmem>>[vector<16xi32>, vector<16xi32>], vector<16xf32>,
        %add3A_1401 = arith.constant 16 : i32
        %add3A_1402 = vector.broadcast %add3A_1401 : i32 to vector<16xi32>
        %add3A_1403 = arith.addi %and3A_1381, %add3A_1402 : vector<16xi32>
        %add3A_1404 = arith.constant 16 : i32
        %add3A_1405 = vector.broadcast %add3A_1404 : i32 to vector<16xi32>
        %add3A_1406 = arith.addi %add3A_1382, %add3A_1405 : vector<16xi32>
        %gather3A_1407 = arith.constant 0 : i32
        %gather3A_1408 = arith.constant 0 : i32
        %gather3A_1409 = tpu.memref_slice %arg7[%scan3A_249, %gather3A_1407, %gather3A_1408] : memref<2x128x128xf32, #tpu.memory_space<vmem>> -> memref<1x128x128xf32, #tpu.memory_space<vmem>>
        %gather3A_1410 = tpu.memref_squeeze %gather3A_1409 : memref<1x128x128xf32, #tpu.memory_space<vmem>> -> memref<128x128xf32, #tpu.memory_space<vmem>>
        %gather3A_1411 = tpu.vector_load_idx %gather3A_1410[%add3A_341, %add3A_1406] : memref<128x128xf32, #tpu.memory_space<vmem>>[vector<16xi32>, vector<16xi32>], vector<16xf32>,
        %mul3A_1412 = arith.constant 8.000000e+00 : f32
        %mul3A_1413 = vector.broadcast %mul3A_1412 : f32 to vector<16xf32>
        %mul3A_1414 = arith.mulf %gather3A_1411, %mul3A_1413 : vector<16xf32>
        %scatter3A_1415 = arith.constant 0 : i32
        %scatter3A_1416 = arith.constant 0 : i32
        %scatter3A_1417 = tpu.memref_slice %arg8[%scan3A_250, %scatter3A_1415, %scatter3A_1416] : memref<2x64x130xf32, #tpu.memory_space<vmem>> -> memref<1x64x130xf32, #tpu.memory_space<vmem>>
        %scatter3A_1418 = tpu.memref_squeeze %scatter3A_1417 : memref<1x64x130xf32, #tpu.memory_space<vmem>> -> memref<64x130xf32, #tpu.memory_space<vmem>>
        tpu.vector_store_idx %scatter3A_1418[%add3A_1403, %add3A_341], %mul3A_1414 : memref<64x130xf32, #tpu.memory_space<vmem>>[vector<16xi32>, vector<16xi32>], vector<16xf32>,
        %add3A_1419 = arith.constant 32 : i32
        %add3A_1420 = vector.broadcast %add3A_1419 : i32 to vector<16xi32>
        %add3A_1421 = arith.addi %and3A_1381, %add3A_1420 : vector<16xi32>
        %add3A_1422 = arith.constant 32 : i32
        %add3A_1423 = vector.broadcast %add3A_1422 : i32 to vector<16xi32>
        %add3A_1424 = arith.addi %add3A_1382, %add3A_1423 : vector<16xi32>
        %gather3A_1425 = arith.constant 0 : i32
        %gather3A_1426 = arith.constant 0 : i32
        %gather3A_1427 = tpu.memref_slice %arg7[%scan3A_249, %gather3A_1425, %gather3A_1426] : memref<2x128x128xf32, #tpu.memory_space<vmem>> -> memref<1x128x128xf32, #tpu.memory_space<vmem>>
        %gather3A_1428 = tpu.memref_squeeze %gather3A_1427 : memref<1x128x128xf32, #tpu.memory_space<vmem>> -> memref<128x128xf32, #tpu.memory_space<vmem>>
        %gather3A_1429 = tpu.vector_load_idx %gather3A_1428[%add3A_341, %add3A_1424] : memref<128x128xf32, #tpu.memory_space<vmem>>[vector<16xi32>, vector<16xi32>], vector<16xf32>,
        %mul3A_1430 = arith.constant 8.000000e+00 : f32
        %mul3A_1431 = vector.broadcast %mul3A_1430 : f32 to vector<16xf32>
        %mul3A_1432 = arith.mulf %gather3A_1429, %mul3A_1431 : vector<16xf32>
        %scatter3A_1433 = arith.constant 0 : i32
        %scatter3A_1434 = arith.constant 0 : i32
        %scatter3A_1435 = tpu.memref_slice %arg8[%scan3A_250, %scatter3A_1433, %scatter3A_1434] : memref<2x64x130xf32, #tpu.memory_space<vmem>> -> memref<1x64x130xf32, #tpu.memory_space<vmem>>
        %scatter3A_1436 = tpu.memref_squeeze %scatter3A_1435 : memref<1x64x130xf32, #tpu.memory_space<vmem>> -> memref<64x130xf32, #tpu.memory_space<vmem>>
        tpu.vector_store_idx %scatter3A_1436[%add3A_1421, %add3A_341], %mul3A_1432 : memref<64x130xf32, #tpu.memory_space<vmem>>[vector<16xi32>, vector<16xi32>], vector<16xf32>,
        %add3A_1437 = arith.constant 48 : i32
        %add3A_1438 = vector.broadcast %add3A_1437 : i32 to vector<16xi32>
        %add3A_1439 = arith.addi %and3A_1381, %add3A_1438 : vector<16xi32>
        %add3A_1440 = arith.constant 48 : i32
        %add3A_1441 = vector.broadcast %add3A_1440 : i32 to vector<16xi32>
        %add3A_1442 = arith.addi %add3A_1382, %add3A_1441 : vector<16xi32>
        %gather3A_1443 = arith.constant 0 : i32
        %gather3A_1444 = arith.constant 0 : i32
        %gather3A_1445 = tpu.memref_slice %arg7[%scan3A_249, %gather3A_1443, %gather3A_1444] : memref<2x128x128xf32, #tpu.memory_space<vmem>> -> memref<1x128x128xf32, #tpu.memory_space<vmem>>
        %gather3A_1446 = tpu.memref_squeeze %gather3A_1445 : memref<1x128x128xf32, #tpu.memory_space<vmem>> -> memref<128x128xf32, #tpu.memory_space<vmem>>
        %gather3A_1447 = tpu.vector_load_idx %gather3A_1446[%add3A_341, %add3A_1442] : memref<128x128xf32, #tpu.memory_space<vmem>>[vector<16xi32>, vector<16xi32>], vector<16xf32>,
        %mul3A_1448 = arith.constant 8.000000e+00 : f32
        %mul3A_1449 = vector.broadcast %mul3A_1448 : f32 to vector<16xf32>
        %mul3A_1450 = arith.mulf %gather3A_1447, %mul3A_1449 : vector<16xf32>
        %scatter3A_1451 = arith.constant 0 : i32
        %scatter3A_1452 = arith.constant 0 : i32
        %scatter3A_1453 = tpu.memref_slice %arg8[%scan3A_250, %scatter3A_1451, %scatter3A_1452] : memref<2x64x130xf32, #tpu.memory_space<vmem>> -> memref<1x64x130xf32, #tpu.memory_space<vmem>>
        %scatter3A_1454 = tpu.memref_squeeze %scatter3A_1453 : memref<1x64x130xf32, #tpu.memory_space<vmem>> -> memref<64x130xf32, #tpu.memory_space<vmem>>
        tpu.vector_store_idx %scatter3A_1454[%add3A_1439, %add3A_341], %mul3A_1450 : memref<64x130xf32, #tpu.memory_space<vmem>>[vector<16xi32>, vector<16xi32>], vector<16xf32>,
        %add3A_1455 = arith.constant 14 : i32
        %add3A_1456 = vector.broadcast %add3A_1455 : i32 to vector<16xi32>
        %add3A_1457 = arith.addi %iota3A, %add3A_1456 : vector<16xi32>
        %and3A_1458 = arith.constant 15 : i32
        %and3A_1459 = vector.broadcast %and3A_1458 : i32 to vector<16xi32>
        %and3A_1460 = arith.andi %add3A_1457, %and3A_1459 : vector<16xi32>
        %add3A_1461 = arith.addi %shift_left3A_350, %and3A_1460 : vector<16xi32>
        %add3A_1462 = arith.constant 0 : i32
        %add3A_1463 = vector.broadcast %add3A_1462 : i32 to vector<16xi32>
        %add3A_1464 = arith.addi %and3A_1460, %add3A_1463 : vector<16xi32>
        %add3A_1465 = arith.constant 0 : i32
        %add3A_1466 = vector.broadcast %add3A_1465 : i32 to vector<16xi32>
        %add3A_1467 = arith.addi %add3A_1461, %add3A_1466 : vector<16xi32>
        %gather3A_1468 = arith.constant 0 : i32
        %gather3A_1469 = arith.constant 0 : i32
        %gather3A_1470 = tpu.memref_slice %arg7[%scan3A_249, %gather3A_1468, %gather3A_1469] : memref<2x128x128xf32, #tpu.memory_space<vmem>> -> memref<1x128x128xf32, #tpu.memory_space<vmem>>
        %gather3A_1471 = tpu.memref_squeeze %gather3A_1470 : memref<1x128x128xf32, #tpu.memory_space<vmem>> -> memref<128x128xf32, #tpu.memory_space<vmem>>
        %gather3A_1472 = tpu.vector_load_idx %gather3A_1471[%add3A_341, %add3A_1467] : memref<128x128xf32, #tpu.memory_space<vmem>>[vector<16xi32>, vector<16xi32>], vector<16xf32>,
        %mul3A_1473 = arith.constant 8.000000e+00 : f32
        %mul3A_1474 = vector.broadcast %mul3A_1473 : f32 to vector<16xf32>
        %mul3A_1475 = arith.mulf %gather3A_1472, %mul3A_1474 : vector<16xf32>
        %scatter3A_1476 = arith.constant 0 : i32
        %scatter3A_1477 = arith.constant 0 : i32
        %scatter3A_1478 = tpu.memref_slice %arg8[%scan3A_250, %scatter3A_1476, %scatter3A_1477] : memref<2x64x130xf32, #tpu.memory_space<vmem>> -> memref<1x64x130xf32, #tpu.memory_space<vmem>>
        %scatter3A_1479 = tpu.memref_squeeze %scatter3A_1478 : memref<1x64x130xf32, #tpu.memory_space<vmem>> -> memref<64x130xf32, #tpu.memory_space<vmem>>
        tpu.vector_store_idx %scatter3A_1479[%add3A_1464, %add3A_341], %mul3A_1475 : memref<64x130xf32, #tpu.memory_space<vmem>>[vector<16xi32>, vector<16xi32>], vector<16xf32>,
        %add3A_1480 = arith.constant 16 : i32
        %add3A_1481 = vector.broadcast %add3A_1480 : i32 to vector<16xi32>
        %add3A_1482 = arith.addi %and3A_1460, %add3A_1481 : vector<16xi32>
        %add3A_1483 = arith.constant 16 : i32
        %add3A_1484 = vector.broadcast %add3A_1483 : i32 to vector<16xi32>
        %add3A_1485 = arith.addi %add3A_1461, %add3A_1484 : vector<16xi32>
        %gather3A_1486 = arith.constant 0 : i32
        %gather3A_1487 = arith.constant 0 : i32
        %gather3A_1488 = tpu.memref_slice %arg7[%scan3A_249, %gather3A_1486, %gather3A_1487] : memref<2x128x128xf32, #tpu.memory_space<vmem>> -> memref<1x128x128xf32, #tpu.memory_space<vmem>>
        %gather3A_1489 = tpu.memref_squeeze %gather3A_1488 : memref<1x128x128xf32, #tpu.memory_space<vmem>> -> memref<128x128xf32, #tpu.memory_space<vmem>>
        %gather3A_1490 = tpu.vector_load_idx %gather3A_1489[%add3A_341, %add3A_1485] : memref<128x128xf32, #tpu.memory_space<vmem>>[vector<16xi32>, vector<16xi32>], vector<16xf32>,
        %mul3A_1491 = arith.constant 8.000000e+00 : f32
        %mul3A_1492 = vector.broadcast %mul3A_1491 : f32 to vector<16xf32>
        %mul3A_1493 = arith.mulf %gather3A_1490, %mul3A_1492 : vector<16xf32>
        %scatter3A_1494 = arith.constant 0 : i32
        %scatter3A_1495 = arith.constant 0 : i32
        %scatter3A_1496 = tpu.memref_slice %arg8[%scan3A_250, %scatter3A_1494, %scatter3A_1495] : memref<2x64x130xf32, #tpu.memory_space<vmem>> -> memref<1x64x130xf32, #tpu.memory_space<vmem>>
        %scatter3A_1497 = tpu.memref_squeeze %scatter3A_1496 : memref<1x64x130xf32, #tpu.memory_space<vmem>> -> memref<64x130xf32, #tpu.memory_space<vmem>>
        tpu.vector_store_idx %scatter3A_1497[%add3A_1482, %add3A_341], %mul3A_1493 : memref<64x130xf32, #tpu.memory_space<vmem>>[vector<16xi32>, vector<16xi32>], vector<16xf32>,
        %add3A_1498 = arith.constant 32 : i32
        %add3A_1499 = vector.broadcast %add3A_1498 : i32 to vector<16xi32>
        %add3A_1500 = arith.addi %and3A_1460, %add3A_1499 : vector<16xi32>
        %add3A_1501 = arith.constant 32 : i32
        %add3A_1502 = vector.broadcast %add3A_1501 : i32 to vector<16xi32>
        %add3A_1503 = arith.addi %add3A_1461, %add3A_1502 : vector<16xi32>
        %gather3A_1504 = arith.constant 0 : i32
        %gather3A_1505 = arith.constant 0 : i32
        %gather3A_1506 = tpu.memref_slice %arg7[%scan3A_249, %gather3A_1504, %gather3A_1505] : memref<2x128x128xf32, #tpu.memory_space<vmem>> -> memref<1x128x128xf32, #tpu.memory_space<vmem>>
        %gather3A_1507 = tpu.memref_squeeze %gather3A_1506 : memref<1x128x128xf32, #tpu.memory_space<vmem>> -> memref<128x128xf32, #tpu.memory_space<vmem>>
        %gather3A_1508 = tpu.vector_load_idx %gather3A_1507[%add3A_341, %add3A_1503] : memref<128x128xf32, #tpu.memory_space<vmem>>[vector<16xi32>, vector<16xi32>], vector<16xf32>,
        %mul3A_1509 = arith.constant 8.000000e+00 : f32
        %mul3A_1510 = vector.broadcast %mul3A_1509 : f32 to vector<16xf32>
        %mul3A_1511 = arith.mulf %gather3A_1508, %mul3A_1510 : vector<16xf32>
        %scatter3A_1512 = arith.constant 0 : i32
        %scatter3A_1513 = arith.constant 0 : i32
        %scatter3A_1514 = tpu.memref_slice %arg8[%scan3A_250, %scatter3A_1512, %scatter3A_1513] : memref<2x64x130xf32, #tpu.memory_space<vmem>> -> memref<1x64x130xf32, #tpu.memory_space<vmem>>
        %scatter3A_1515 = tpu.memref_squeeze %scatter3A_1514 : memref<1x64x130xf32, #tpu.memory_space<vmem>> -> memref<64x130xf32, #tpu.memory_space<vmem>>
        tpu.vector_store_idx %scatter3A_1515[%add3A_1500, %add3A_341], %mul3A_1511 : memref<64x130xf32, #tpu.memory_space<vmem>>[vector<16xi32>, vector<16xi32>], vector<16xf32>,
        %add3A_1516 = arith.constant 48 : i32
        %add3A_1517 = vector.broadcast %add3A_1516 : i32 to vector<16xi32>
        %add3A_1518 = arith.addi %and3A_1460, %add3A_1517 : vector<16xi32>
        %add3A_1519 = arith.constant 48 : i32
        %add3A_1520 = vector.broadcast %add3A_1519 : i32 to vector<16xi32>
        %add3A_1521 = arith.addi %add3A_1461, %add3A_1520 : vector<16xi32>
        %gather3A_1522 = arith.constant 0 : i32
        %gather3A_1523 = arith.constant 0 : i32
        %gather3A_1524 = tpu.memref_slice %arg7[%scan3A_249, %gather3A_1522, %gather3A_1523] : memref<2x128x128xf32, #tpu.memory_space<vmem>> -> memref<1x128x128xf32, #tpu.memory_space<vmem>>
        %gather3A_1525 = tpu.memref_squeeze %gather3A_1524 : memref<1x128x128xf32, #tpu.memory_space<vmem>> -> memref<128x128xf32, #tpu.memory_space<vmem>>
        %gather3A_1526 = tpu.vector_load_idx %gather3A_1525[%add3A_341, %add3A_1521] : memref<128x128xf32, #tpu.memory_space<vmem>>[vector<16xi32>, vector<16xi32>], vector<16xf32>,
        %mul3A_1527 = arith.constant 8.000000e+00 : f32
        %mul3A_1528 = vector.broadcast %mul3A_1527 : f32 to vector<16xf32>
        %mul3A_1529 = arith.mulf %gather3A_1526, %mul3A_1528 : vector<16xf32>
        %scatter3A_1530 = arith.constant 0 : i32
        %scatter3A_1531 = arith.constant 0 : i32
        %scatter3A_1532 = tpu.memref_slice %arg8[%scan3A_250, %scatter3A_1530, %scatter3A_1531] : memref<2x64x130xf32, #tpu.memory_space<vmem>> -> memref<1x64x130xf32, #tpu.memory_space<vmem>>
        %scatter3A_1533 = tpu.memref_squeeze %scatter3A_1532 : memref<1x64x130xf32, #tpu.memory_space<vmem>> -> memref<64x130xf32, #tpu.memory_space<vmem>>
        tpu.vector_store_idx %scatter3A_1533[%add3A_1518, %add3A_341], %mul3A_1529 : memref<64x130xf32, #tpu.memory_space<vmem>>[vector<16xi32>, vector<16xi32>], vector<16xf32>,
        %add3A_1534 = arith.constant 15 : i32
        %add3A_1535 = vector.broadcast %add3A_1534 : i32 to vector<16xi32>
        %add3A_1536 = arith.addi %iota3A, %add3A_1535 : vector<16xi32>
        %and3A_1537 = arith.constant 15 : i32
        %and3A_1538 = vector.broadcast %and3A_1537 : i32 to vector<16xi32>
        %and3A_1539 = arith.andi %add3A_1536, %and3A_1538 : vector<16xi32>
        %add3A_1540 = arith.addi %shift_left3A_350, %and3A_1539 : vector<16xi32>
        %add3A_1541 = arith.constant 0 : i32
        %add3A_1542 = vector.broadcast %add3A_1541 : i32 to vector<16xi32>
        %add3A_1543 = arith.addi %and3A_1539, %add3A_1542 : vector<16xi32>
        %add3A_1544 = arith.constant 0 : i32
        %add3A_1545 = vector.broadcast %add3A_1544 : i32 to vector<16xi32>
        %add3A_1546 = arith.addi %add3A_1540, %add3A_1545 : vector<16xi32>
        %gather3A_1547 = arith.constant 0 : i32
        %gather3A_1548 = arith.constant 0 : i32
        %gather3A_1549 = tpu.memref_slice %arg7[%scan3A_249, %gather3A_1547, %gather3A_1548] : memref<2x128x128xf32, #tpu.memory_space<vmem>> -> memref<1x128x128xf32, #tpu.memory_space<vmem>>
        %gather3A_1550 = tpu.memref_squeeze %gather3A_1549 : memref<1x128x128xf32, #tpu.memory_space<vmem>> -> memref<128x128xf32, #tpu.memory_space<vmem>>
        %gather3A_1551 = tpu.vector_load_idx %gather3A_1550[%add3A_341, %add3A_1546] : memref<128x128xf32, #tpu.memory_space<vmem>>[vector<16xi32>, vector<16xi32>], vector<16xf32>,
        %mul3A_1552 = arith.constant 8.000000e+00 : f32
        %mul3A_1553 = vector.broadcast %mul3A_1552 : f32 to vector<16xf32>
        %mul3A_1554 = arith.mulf %gather3A_1551, %mul3A_1553 : vector<16xf32>
        %scatter3A_1555 = arith.constant 0 : i32
        %scatter3A_1556 = arith.constant 0 : i32
        %scatter3A_1557 = tpu.memref_slice %arg8[%scan3A_250, %scatter3A_1555, %scatter3A_1556] : memref<2x64x130xf32, #tpu.memory_space<vmem>> -> memref<1x64x130xf32, #tpu.memory_space<vmem>>
        %scatter3A_1558 = tpu.memref_squeeze %scatter3A_1557 : memref<1x64x130xf32, #tpu.memory_space<vmem>> -> memref<64x130xf32, #tpu.memory_space<vmem>>
        tpu.vector_store_idx %scatter3A_1558[%add3A_1543, %add3A_341], %mul3A_1554 : memref<64x130xf32, #tpu.memory_space<vmem>>[vector<16xi32>, vector<16xi32>], vector<16xf32>,
        %add3A_1559 = arith.constant 16 : i32
        %add3A_1560 = vector.broadcast %add3A_1559 : i32 to vector<16xi32>
        %add3A_1561 = arith.addi %and3A_1539, %add3A_1560 : vector<16xi32>
        %add3A_1562 = arith.constant 16 : i32
        %add3A_1563 = vector.broadcast %add3A_1562 : i32 to vector<16xi32>
        %add3A_1564 = arith.addi %add3A_1540, %add3A_1563 : vector<16xi32>
        %gather3A_1565 = arith.constant 0 : i32
        %gather3A_1566 = arith.constant 0 : i32
        %gather3A_1567 = tpu.memref_slice %arg7[%scan3A_249, %gather3A_1565, %gather3A_1566] : memref<2x128x128xf32, #tpu.memory_space<vmem>> -> memref<1x128x128xf32, #tpu.memory_space<vmem>>
        %gather3A_1568 = tpu.memref_squeeze %gather3A_1567 : memref<1x128x128xf32, #tpu.memory_space<vmem>> -> memref<128x128xf32, #tpu.memory_space<vmem>>
        %gather3A_1569 = tpu.vector_load_idx %gather3A_1568[%add3A_341, %add3A_1564] : memref<128x128xf32, #tpu.memory_space<vmem>>[vector<16xi32>, vector<16xi32>], vector<16xf32>,
        %mul3A_1570 = arith.constant 8.000000e+00 : f32
        %mul3A_1571 = vector.broadcast %mul3A_1570 : f32 to vector<16xf32>
        %mul3A_1572 = arith.mulf %gather3A_1569, %mul3A_1571 : vector<16xf32>
        %scatter3A_1573 = arith.constant 0 : i32
        %scatter3A_1574 = arith.constant 0 : i32
        %scatter3A_1575 = tpu.memref_slice %arg8[%scan3A_250, %scatter3A_1573, %scatter3A_1574] : memref<2x64x130xf32, #tpu.memory_space<vmem>> -> memref<1x64x130xf32, #tpu.memory_space<vmem>>
        %scatter3A_1576 = tpu.memref_squeeze %scatter3A_1575 : memref<1x64x130xf32, #tpu.memory_space<vmem>> -> memref<64x130xf32, #tpu.memory_space<vmem>>
        tpu.vector_store_idx %scatter3A_1576[%add3A_1561, %add3A_341], %mul3A_1572 : memref<64x130xf32, #tpu.memory_space<vmem>>[vector<16xi32>, vector<16xi32>], vector<16xf32>,
        %add3A_1577 = arith.constant 32 : i32
        %add3A_1578 = vector.broadcast %add3A_1577 : i32 to vector<16xi32>
        %add3A_1579 = arith.addi %and3A_1539, %add3A_1578 : vector<16xi32>
        %add3A_1580 = arith.constant 32 : i32
        %add3A_1581 = vector.broadcast %add3A_1580 : i32 to vector<16xi32>
        %add3A_1582 = arith.addi %add3A_1540, %add3A_1581 : vector<16xi32>
        %gather3A_1583 = arith.constant 0 : i32
        %gather3A_1584 = arith.constant 0 : i32
        %gather3A_1585 = tpu.memref_slice %arg7[%scan3A_249, %gather3A_1583, %gather3A_1584] : memref<2x128x128xf32, #tpu.memory_space<vmem>> -> memref<1x128x128xf32, #tpu.memory_space<vmem>>
        %gather3A_1586 = tpu.memref_squeeze %gather3A_1585 : memref<1x128x128xf32, #tpu.memory_space<vmem>> -> memref<128x128xf32, #tpu.memory_space<vmem>>
        %gather3A_1587 = tpu.vector_load_idx %gather3A_1586[%add3A_341, %add3A_1582] : memref<128x128xf32, #tpu.memory_space<vmem>>[vector<16xi32>, vector<16xi32>], vector<16xf32>,
        %mul3A_1588 = arith.constant 8.000000e+00 : f32
        %mul3A_1589 = vector.broadcast %mul3A_1588 : f32 to vector<16xf32>
        %mul3A_1590 = arith.mulf %gather3A_1587, %mul3A_1589 : vector<16xf32>
        %scatter3A_1591 = arith.constant 0 : i32
        %scatter3A_1592 = arith.constant 0 : i32
        %scatter3A_1593 = tpu.memref_slice %arg8[%scan3A_250, %scatter3A_1591, %scatter3A_1592] : memref<2x64x130xf32, #tpu.memory_space<vmem>> -> memref<1x64x130xf32, #tpu.memory_space<vmem>>
        %scatter3A_1594 = tpu.memref_squeeze %scatter3A_1593 : memref<1x64x130xf32, #tpu.memory_space<vmem>> -> memref<64x130xf32, #tpu.memory_space<vmem>>
        tpu.vector_store_idx %scatter3A_1594[%add3A_1579, %add3A_341], %mul3A_1590 : memref<64x130xf32, #tpu.memory_space<vmem>>[vector<16xi32>, vector<16xi32>], vector<16xf32>,
        %add3A_1595 = arith.constant 48 : i32
        %add3A_1596 = vector.broadcast %add3A_1595 : i32 to vector<16xi32>
        %add3A_1597 = arith.addi %and3A_1539, %add3A_1596 : vector<16xi32>
        %add3A_1598 = arith.constant 48 : i32
        %add3A_1599 = vector.broadcast %add3A_1598 : i32 to vector<16xi32>
        %add3A_1600 = arith.addi %add3A_1540, %add3A_1599 : vector<16xi32>
        %gather3A_1601 = arith.constant 0 : i32
        %gather3A_1602 = arith.constant 0 : i32
        %gather3A_1603 = tpu.memref_slice %arg7[%scan3A_249, %gather3A_1601, %gather3A_1602] : memref<2x128x128xf32, #tpu.memory_space<vmem>> -> memref<1x128x128xf32, #tpu.memory_space<vmem>>
        %gather3A_1604 = tpu.memref_squeeze %gather3A_1603 : memref<1x128x128xf32, #tpu.memory_space<vmem>> -> memref<128x128xf32, #tpu.memory_space<vmem>>
        %gather3A_1605 = tpu.vector_load_idx %gather3A_1604[%add3A_341, %add3A_1600] : memref<128x128xf32, #tpu.memory_space<vmem>>[vector<16xi32>, vector<16xi32>], vector<16xf32>,
        %mul3A_1606 = arith.constant 8.000000e+00 : f32
        %mul3A_1607 = vector.broadcast %mul3A_1606 : f32 to vector<16xf32>
        %mul3A_1608 = arith.mulf %gather3A_1605, %mul3A_1607 : vector<16xf32>
        %scatter3A_1609 = arith.constant 0 : i32
        %scatter3A_1610 = arith.constant 0 : i32
        %scatter3A_1611 = tpu.memref_slice %arg8[%scan3A_250, %scatter3A_1609, %scatter3A_1610] : memref<2x64x130xf32, #tpu.memory_space<vmem>> -> memref<1x64x130xf32, #tpu.memory_space<vmem>>
        %scatter3A_1612 = tpu.memref_squeeze %scatter3A_1611 : memref<1x64x130xf32, #tpu.memory_space<vmem>> -> memref<64x130xf32, #tpu.memory_space<vmem>>
        tpu.vector_store_idx %scatter3A_1612[%add3A_1597, %add3A_341], %mul3A_1608 : memref<64x130xf32, #tpu.memory_space<vmem>>[vector<16xi32>, vector<16xi32>], vector<16xf32>,
      }
      %scan3A_255 = arith.constant 8 : i32
      %add3A_256 = arith.constant 1 : i32
      %add3A_257 = arith.addi %add3A_230, %add3A_256 : i32
      %lt3A_258 = arith.constant 200 : i32
      %lt3A_259 = arith.cmpi slt, %add3A_257, %lt3A_258 : i32
      %convert_element_type3A_260 = arith.extui %lt3A_259 : i1 to i32
      %cond3A_261 = arith.constant 0 : i32
      %cond3A_262 = arith.cmpi ne, %convert_element_type3A_260, %cond3A_261 : i32
      scf.if %cond3A_262 {
        %add3A_333 = arith.constant 1 : i32
        %add3A_334 = arith.addi %add3A_230, %add3A_333 : i32
        %get3A_335 = arith.index_cast %add3A_334 : i32 to index
        %get3A_336 = arith.constant 0 : index
        %get3A_337 = tpu.vector_load %arg5[%get3A_335, %get3A_336] {strides = array<i32>} : memref<200x128xi32, #tpu.memory_space<vmem>>, vector<16xi32>,
        %shift_right_arithmetic3A_338 = arith.constant 1 : i32
        %shift_right_arithmetic3A_339 = vector.broadcast %shift_right_arithmetic3A_338 : i32 to vector<16xi32>
        %shift_right_arithmetic3A_340 = arith.shrsi %get3A_337, %shift_right_arithmetic3A_339 : vector<16xi32>
        %swap3A_341 = arith.constant 0 : i32
        %swap3A_342 = arith.index_cast %swap3A_341 : i32 to index
        %swap3A_343 = arith.constant 0 : index
        %swap3A_344 = tpu.vector_load %arg6[%swap3A_342, %swap3A_343] {strides = array<i32>} : memref<2x128xi32, #tpu.memory_space<vmem>>, vector<16xi32>,
        tpu.vector_store %arg6[%swap3A_342, %swap3A_343], %shift_right_arithmetic3A_340 {strides = array<i32>} : memref<2x128xi32, #tpu.memory_space<vmem>>, vector<16xi32>,
        %get3A_345 = arith.index_cast %add3A_334 : i32 to index
        %get3A_346 = arith.constant 16 : index
        %get3A_347 = tpu.vector_load %arg5[%get3A_345, %get3A_346] {strides = array<i32>} : memref<200x128xi32, #tpu.memory_space<vmem>>, vector<16xi32>,
        %shift_right_arithmetic3A_348 = arith.constant 1 : i32
        %shift_right_arithmetic3A_349 = vector.broadcast %shift_right_arithmetic3A_348 : i32 to vector<16xi32>
        %shift_right_arithmetic3A_350 = arith.shrsi %get3A_347, %shift_right_arithmetic3A_349 : vector<16xi32>
        %swap3A_351 = arith.constant 0 : i32
        %swap3A_352 = arith.index_cast %swap3A_351 : i32 to index
        %swap3A_353 = arith.constant 16 : index
        %swap3A_354 = tpu.vector_load %arg6[%swap3A_352, %swap3A_353] {strides = array<i32>} : memref<2x128xi32, #tpu.memory_space<vmem>>, vector<16xi32>,
        tpu.vector_store %arg6[%swap3A_352, %swap3A_353], %shift_right_arithmetic3A_350 {strides = array<i32>} : memref<2x128xi32, #tpu.memory_space<vmem>>, vector<16xi32>,
        %get3A_355 = arith.index_cast %add3A_334 : i32 to index
        %get3A_356 = arith.constant 32 : index
        %get3A_357 = tpu.vector_load %arg5[%get3A_355, %get3A_356] {strides = array<i32>} : memref<200x128xi32, #tpu.memory_space<vmem>>, vector<16xi32>,
        %shift_right_arithmetic3A_358 = arith.constant 1 : i32
        %shift_right_arithmetic3A_359 = vector.broadcast %shift_right_arithmetic3A_358 : i32 to vector<16xi32>
        %shift_right_arithmetic3A_360 = arith.shrsi %get3A_357, %shift_right_arithmetic3A_359 : vector<16xi32>
        %swap3A_361 = arith.constant 0 : i32
        %swap3A_362 = arith.index_cast %swap3A_361 : i32 to index
        %swap3A_363 = arith.constant 32 : index
        %swap3A_364 = tpu.vector_load %arg6[%swap3A_362, %swap3A_363] {strides = array<i32>} : memref<2x128xi32, #tpu.memory_space<vmem>>, vector<16xi32>,
        tpu.vector_store %arg6[%swap3A_362, %swap3A_363], %shift_right_arithmetic3A_360 {strides = array<i32>} : memref<2x128xi32, #tpu.memory_space<vmem>>, vector<16xi32>,
        %get3A_365 = arith.index_cast %add3A_334 : i32 to index
        %get3A_366 = arith.constant 48 : index
        %get3A_367 = tpu.vector_load %arg5[%get3A_365, %get3A_366] {strides = array<i32>} : memref<200x128xi32, #tpu.memory_space<vmem>>, vector<16xi32>,
        %shift_right_arithmetic3A_368 = arith.constant 1 : i32
        %shift_right_arithmetic3A_369 = vector.broadcast %shift_right_arithmetic3A_368 : i32 to vector<16xi32>
        %shift_right_arithmetic3A_370 = arith.shrsi %get3A_367, %shift_right_arithmetic3A_369 : vector<16xi32>
        %swap3A_371 = arith.constant 0 : i32
        %swap3A_372 = arith.index_cast %swap3A_371 : i32 to index
        %swap3A_373 = arith.constant 48 : index
        %swap3A_374 = tpu.vector_load %arg6[%swap3A_372, %swap3A_373] {strides = array<i32>} : memref<2x128xi32, #tpu.memory_space<vmem>>, vector<16xi32>,
        tpu.vector_store %arg6[%swap3A_372, %swap3A_373], %shift_right_arithmetic3A_370 {strides = array<i32>} : memref<2x128xi32, #tpu.memory_space<vmem>>, vector<16xi32>,
        %get3A_375 = arith.index_cast %add3A_334 : i32 to index
        %get3A_376 = arith.constant 64 : index
        %get3A_377 = tpu.vector_load %arg5[%get3A_375, %get3A_376] {strides = array<i32>} : memref<200x128xi32, #tpu.memory_space<vmem>>, vector<16xi32>,
        %shift_right_arithmetic3A_378 = arith.constant 1 : i32
        %shift_right_arithmetic3A_379 = vector.broadcast %shift_right_arithmetic3A_378 : i32 to vector<16xi32>
        %shift_right_arithmetic3A_380 = arith.shrsi %get3A_377, %shift_right_arithmetic3A_379 : vector<16xi32>
        %swap3A_381 = arith.constant 0 : i32
        %swap3A_382 = arith.index_cast %swap3A_381 : i32 to index
        %swap3A_383 = arith.constant 64 : index
        %swap3A_384 = tpu.vector_load %arg6[%swap3A_382, %swap3A_383] {strides = array<i32>} : memref<2x128xi32, #tpu.memory_space<vmem>>, vector<16xi32>,
        tpu.vector_store %arg6[%swap3A_382, %swap3A_383], %shift_right_arithmetic3A_380 {strides = array<i32>} : memref<2x128xi32, #tpu.memory_space<vmem>>, vector<16xi32>,
        %get3A_385 = arith.index_cast %add3A_334 : i32 to index
        %get3A_386 = arith.constant 80 : index
        %get3A_387 = tpu.vector_load %arg5[%get3A_385, %get3A_386] {strides = array<i32>} : memref<200x128xi32, #tpu.memory_space<vmem>>, vector<16xi32>,
        %shift_right_arithmetic3A_388 = arith.constant 1 : i32
        %shift_right_arithmetic3A_389 = vector.broadcast %shift_right_arithmetic3A_388 : i32 to vector<16xi32>
        %shift_right_arithmetic3A_390 = arith.shrsi %get3A_387, %shift_right_arithmetic3A_389 : vector<16xi32>
        %swap3A_391 = arith.constant 0 : i32
        %swap3A_392 = arith.index_cast %swap3A_391 : i32 to index
        %swap3A_393 = arith.constant 80 : index
        %swap3A_394 = tpu.vector_load %arg6[%swap3A_392, %swap3A_393] {strides = array<i32>} : memref<2x128xi32, #tpu.memory_space<vmem>>, vector<16xi32>,
        tpu.vector_store %arg6[%swap3A_392, %swap3A_393], %shift_right_arithmetic3A_390 {strides = array<i32>} : memref<2x128xi32, #tpu.memory_space<vmem>>, vector<16xi32>,
        %get3A_395 = arith.index_cast %add3A_334 : i32 to index
        %get3A_396 = arith.constant 96 : index
        %get3A_397 = tpu.vector_load %arg5[%get3A_395, %get3A_396] {strides = array<i32>} : memref<200x128xi32, #tpu.memory_space<vmem>>, vector<16xi32>,
        %shift_right_arithmetic3A_398 = arith.constant 1 : i32
        %shift_right_arithmetic3A_399 = vector.broadcast %shift_right_arithmetic3A_398 : i32 to vector<16xi32>
        %shift_right_arithmetic3A_400 = arith.shrsi %get3A_397, %shift_right_arithmetic3A_399 : vector<16xi32>
        %swap3A_401 = arith.constant 0 : i32
        %swap3A_402 = arith.index_cast %swap3A_401 : i32 to index
        %swap3A_403 = arith.constant 96 : index
        %swap3A_404 = tpu.vector_load %arg6[%swap3A_402, %swap3A_403] {strides = array<i32>} : memref<2x128xi32, #tpu.memory_space<vmem>>, vector<16xi32>,
        tpu.vector_store %arg6[%swap3A_402, %swap3A_403], %shift_right_arithmetic3A_400 {strides = array<i32>} : memref<2x128xi32, #tpu.memory_space<vmem>>, vector<16xi32>,
        %get3A_405 = arith.index_cast %add3A_334 : i32 to index
        %get3A_406 = arith.constant 112 : index
        %get3A_407 = tpu.vector_load %arg5[%get3A_405, %get3A_406] {strides = array<i32>} : memref<200x128xi32, #tpu.memory_space<vmem>>, vector<16xi32>,
        %shift_right_arithmetic3A_408 = arith.constant 1 : i32
        %shift_right_arithmetic3A_409 = vector.broadcast %shift_right_arithmetic3A_408 : i32 to vector<16xi32>
        %shift_right_arithmetic3A_410 = arith.shrsi %get3A_407, %shift_right_arithmetic3A_409 : vector<16xi32>
        %swap3A_411 = arith.constant 0 : i32
        %swap3A_412 = arith.index_cast %swap3A_411 : i32 to index
        %swap3A_413 = arith.constant 112 : index
        %swap3A_414 = tpu.vector_load %arg6[%swap3A_412, %swap3A_413] {strides = array<i32>} : memref<2x128xi32, #tpu.memory_space<vmem>>, vector<16xi32>,
        tpu.vector_store %arg6[%swap3A_412, %swap3A_413], %shift_right_arithmetic3A_410 {strides = array<i32>} : memref<2x128xi32, #tpu.memory_space<vmem>>, vector<16xi32>,
      } else {
      }
      %dma_start3A_263 = arith.constant 0 : i32
      %dma_start3A_264 = arith.constant 0 : i32
      %dma_start3A_265 = arith.constant 0 : i32
      %dma_start3A_266 = tpu.memref_slice %arg8[%dma_start3A_263, %dma_start3A_264, %dma_start3A_265] : memref<2x64x130xf32, #tpu.memory_space<vmem>> -> memref<1x64x128xf32, #tpu.memory_space<vmem>>
      %dma_start3A_267 = tpu.memref_squeeze %dma_start3A_266 : memref<1x64x128xf32, #tpu.memory_space<vmem>> -> memref<64x128xf32, #tpu.memory_space<vmem>>
      %dma_start3A_268 = arith.constant 0 : i32
      %dma_start3A_269 = tpu.memref_slice %arg4[%add3A_228, %dma_start3A_268, %mul3A_2] : memref<200x64x4096xf32, #tpu.memory_space<hbm>> -> memref<1x64x128xf32, #tpu.memory_space<hbm>>
      %dma_start3A_270 = tpu.memref_squeeze %dma_start3A_269 : memref<1x64x128xf32, #tpu.memory_space<hbm>> -> memref<64x128xf32, #tpu.memory_space<hbm>>
      %dma_start3A_271 = arith.constant 0 : i32
      %dma_start3A_272 = tpu.memref_slice %arg4[%add3A_228, %dma_start3A_271, %mul3A_2] : memref<200x64x4096xf32, #tpu.memory_space<hbm>> -> memref<1x64x128xf32, #tpu.memory_space<hbm>>
      %dma_start3A_273 = tpu.memref_squeeze %dma_start3A_272 : memref<1x64x128xf32, #tpu.memory_space<hbm>> -> memref<64x128xf32, #tpu.memory_space<hbm>>
      %dma_start3A_274 = arith.constant 0 : i32
      %dma_start3A_275 = arith.constant 0 : i32
      %dma_start3A_276 = tpu.memref_slice %arg8[%dma_start3A_263, %dma_start3A_274, %dma_start3A_275] : memref<2x64x130xf32, #tpu.memory_space<vmem>> -> memref<1x64x128xf32, #tpu.memory_space<vmem>>
      %dma_start3A_277 = tpu.memref_squeeze %dma_start3A_276 : memref<1x64x128xf32, #tpu.memory_space<vmem>> -> memref<64x128xf32, #tpu.memory_space<vmem>>
      tpu.enqueue_dma source(%dma_start3A_277 : memref<64x128xf32, #tpu.memory_space<vmem>>) target(%dma_start3A_273 : memref<64x128xf32, #tpu.memory_space<hbm>>) target_semaphore(%arg10 : memref<!tpu.dma_semaphore, #tpu.memory_space<semaphore_mem>>)
      %add3A_278 = arith.constant 1 : i32
      %add3A_279 = arith.addi %add3A_226, %add3A_278 : i32
      %add3A_280 = arith.constant 1 : i32
      %add3A_281 = arith.addi %add3A_279, %add3A_280 : i32
      %ge3A_282 = arith.constant 2 : i32
      %ge3A_283 = arith.cmpi sge, %add3A_279, %ge3A_282 : i32
      %convert_element_type3A_284 = arith.extui %ge3A_283 : i1 to i32
      %cond3A_285 = arith.constant 0 : i32
      %cond3A_286 = arith.cmpi ne, %convert_element_type3A_284, %cond3A_285 : i32
      scf.if %cond3A_286 {
        %dma_wait3A_333 = arith.constant 1 : i32
        %dma_wait3A_334 = arith.constant 0 : i32
        %dma_wait3A_335 = arith.constant 0 : i32
        %dma_wait3A_336 = arith.constant 0 : i32
        %dma_wait3A_337 = tpu.memref_slice %arg8[%dma_wait3A_333, %dma_wait3A_335, %dma_wait3A_336] : memref<2x64x130xf32, #tpu.memory_space<vmem>> -> memref<1x64x128xf32, #tpu.memory_space<vmem>>
        %dma_wait3A_338 = tpu.memref_squeeze %dma_wait3A_337 : memref<1x64x128xf32, #tpu.memory_space<vmem>> -> memref<64x128xf32, #tpu.memory_space<vmem>>
        %dma_wait3A_339 = arith.constant 0 : i32
        %dma_wait3A_340 = tpu.memref_slice %arg4[%dma_wait3A_334, %dma_wait3A_339, %mul3A_2] : memref<200x64x4096xf32, #tpu.memory_space<hbm>> -> memref<1x64x128xf32, #tpu.memory_space<hbm>>
        %dma_wait3A_341 = tpu.memref_squeeze %dma_wait3A_340 : memref<1x64x128xf32, #tpu.memory_space<hbm>> -> memref<64x128xf32, #tpu.memory_space<hbm>>
        %dma_wait3A_342 = arith.constant 0 : i32
        %dma_wait3A_343 = tpu.memref_slice %arg4[%dma_wait3A_334, %dma_wait3A_342, %mul3A_2] : memref<200x64x4096xf32, #tpu.memory_space<hbm>> -> memref<1x64x128xf32, #tpu.memory_space<hbm>>
        %dma_wait3A_344 = tpu.memref_squeeze %dma_wait3A_343 : memref<1x64x128xf32, #tpu.memory_space<hbm>> -> memref<64x128xf32, #tpu.memory_space<hbm>>
        %dma_wait3A_345 = arith.constant 0 : i32
        %dma_wait3A_346 = arith.constant 0 : i32
        %dma_wait3A_347 = tpu.memref_slice %arg8[%dma_wait3A_333, %dma_wait3A_345, %dma_wait3A_346] : memref<2x64x130xf32, #tpu.memory_space<vmem>> -> memref<1x64x128xf32, #tpu.memory_space<vmem>>
        %dma_wait3A_348 = tpu.memref_squeeze %dma_wait3A_347 : memref<1x64x128xf32, #tpu.memory_space<vmem>> -> memref<64x128xf32, #tpu.memory_space<vmem>>
        tpu.wait_dma2 semaphore(%arg10 : memref<!tpu.dma_semaphore, #tpu.memory_space<semaphore_mem>>) src(%dma_wait3A_348 : memref<64x128xf32, #tpu.memory_space<vmem>>) dst(%dma_wait3A_344 : memref<64x128xf32, #tpu.memory_space<hbm>>)
      } else {
      }
      %lt3A_287 = arith.constant 200 : i32
      %lt3A_288 = arith.cmpi slt, %add3A_281, %lt3A_287 : i32
      %convert_element_type3A_289 = arith.extui %lt3A_288 : i1 to i32
      %cond3A_290 = arith.constant 0 : i32
      %cond3A_291 = arith.cmpi ne, %convert_element_type3A_289, %cond3A_290 : i32
      scf.if %cond3A_291 {
        %dma_start3A_333 = arith.constant 0 : i32
        %dma_start3A_334 = arith.constant 0 : i32
        %dma_start3A_335 = arith.constant 0 : i32
        %dma_start3A_336 = arith.constant 0 : i32
        %dma_start3A_337 = tpu.memref_slice %arg7[%dma_start3A_334, %dma_start3A_335, %dma_start3A_336] : memref<2x128x128xf32, #tpu.memory_space<vmem>> -> memref<1x128x128xf32, #tpu.memory_space<vmem>>
        %dma_start3A_338 = tpu.memref_squeeze %dma_start3A_337 : memref<1x128x128xf32, #tpu.memory_space<vmem>> -> memref<128x128xf32, #tpu.memory_space<vmem>>
        %dma_start3A_339 = arith.constant 0 : i32
        %dma_start3A_340 = tpu.memref_slice %arg6[%dma_start3A_333, %dma_start3A_339] : memref<2x128xi32, #tpu.memory_space<vmem>> -> memref<1x128xi32, #tpu.memory_space<vmem>>
        %dma_start3A_341 = tpu.memref_squeeze %dma_start3A_340 : memref<1x128xi32, #tpu.memory_space<vmem>> -> memref<128xi32, #tpu.memory_space<vmem>>
        %dma_start3A_342 = arith.constant 0 : i32
        %dma_start3A_343 = arith.constant 0 : i32
        %dma_start3A_344 = tpu.memref_slice %arg3[%dma_start3A_342, %dma_start3A_343] : memref<500000x128xf32, #tpu.memory_space<hbm>> -> memref<500000x128xf32, #tpu.memory_space<hbm>>
        tpu.enqueue_indirect_dma source(%dma_start3A_344 : memref<500000x128xf32, #tpu.memory_space<hbm>>) target(%dma_start3A_338 : memref<128x128xf32, #tpu.memory_space<vmem>>) offsets(%dma_start3A_341 : memref<128xi32, #tpu.memory_space<vmem>>) semaphore(%arg9 : memref<!tpu.dma_semaphore, #tpu.memory_space<semaphore_mem>>)
      } else {
      }
      %dma_wait3A_292 = arith.constant 1 : i32
      %dma_wait3A_293 = arith.constant 1 : i32
      %dma_wait3A_294 = arith.constant 0 : i32
      %dma_wait3A_295 = arith.constant 0 : i32
      %dma_wait3A_296 = tpu.memref_slice %arg7[%dma_wait3A_293, %dma_wait3A_294, %dma_wait3A_295] : memref<2x128x128xf32, #tpu.memory_space<vmem>> -> memref<1x128x128xf32, #tpu.memory_space<vmem>>
      %dma_wait3A_297 = tpu.memref_squeeze %dma_wait3A_296 : memref<1x128x128xf32, #tpu.memory_space<vmem>> -> memref<128x128xf32, #tpu.memory_space<vmem>>
      %dma_wait3A_298 = arith.constant 0 : i32
      %dma_wait3A_299 = tpu.memref_slice %arg6[%dma_wait3A_292, %dma_wait3A_298] : memref<2x128xi32, #tpu.memory_space<vmem>> -> memref<1x128xi32, #tpu.memory_space<vmem>>
      %dma_wait3A_300 = tpu.memref_squeeze %dma_wait3A_299 : memref<1x128xi32, #tpu.memory_space<vmem>> -> memref<128xi32, #tpu.memory_space<vmem>>
      %dma_wait3A_301 = arith.constant 0 : i32
      %dma_wait3A_302 = arith.constant 0 : i32
      %dma_wait3A_303 = tpu.memref_slice %arg3[%dma_wait3A_301, %dma_wait3A_302] : memref<500000x128xf32, #tpu.memory_space<hbm>> -> memref<500000x128xf32, #tpu.memory_space<hbm>>
      tpu.wait_indirect_dma semaphore(%arg9 : memref<!tpu.dma_semaphore, #tpu.memory_space<semaphore_mem>>) src(%dma_wait3A_303 : memref<500000x128xf32, #tpu.memory_space<hbm>>) dst(%dma_wait3A_297 : memref<128x128xf32, #tpu.memory_space<vmem>>)
      %scan3A_304 = arith.constant 1 : i32
      %scan3A_305 = arith.constant 1 : i32
      %scan3A_306 = arith.constant 0 : i32
      %scan3A_307 = arith.constant 8 : i32
      %scan3A_308 = arith.addi %scan3A_306, %scan3A_307 : i32
      %scan3A_309 = arith.constant 1 : i32
      scf.for %scan3A_333 = %scan3A_306 to %scan3A_308 step %scan3A_309  : i32 {
        %mul3A_334 = arith.constant 1 : i32
        %mul3A_335 = arith.muli %scan3A_333, %mul3A_334 : i32
        %add3A_336 = arith.constant 0 : i32
        %add3A_337 = arith.addi %add3A_336, %mul3A_335 : i32
        %mul3A_338 = arith.constant 16 : i32
        %mul3A_339 = arith.muli %add3A_337, %mul3A_338 : i32
        %add3A_340 = vector.broadcast %mul3A_339 : i32 to vector<16xi32>
        %add3A_341 = arith.addi %iota3A, %add3A_340 : vector<16xi32>
        %mul3A_342 = arith.constant 16 : i32
        %mul3A_343 = arith.muli %add3A_337, %mul3A_342 : i32
        %get3A_344 = arith.index_cast %add3A_279 : i32 to index
        %get3A_345 = arith.index_cast %mul3A_343 : i32 to index
        %get3A_346 = tpu.vector_load %arg5[%get3A_344, %get3A_345] {strides = array<i32>} : memref<200x128xi32, #tpu.memory_space<vmem>>, vector<16xi32>,
        %and3A = arith.constant 1 : i32
        %and3A_347 = vector.broadcast %and3A : i32 to vector<16xi32>
        %and3A_348 = arith.andi %get3A_346, %and3A_347 : vector<16xi32>
        %shift_left3A = arith.constant 6 : i32
        %shift_left3A_349 = vector.broadcast %shift_left3A : i32 to vector<16xi32>
        %shift_left3A_350 = arith.shli %and3A_348, %shift_left3A_349 : vector<16xi32>
        %add3A_351 = arith.constant 0 : i32
        %add3A_352 = vector.broadcast %add3A_351 : i32 to vector<16xi32>
        %add3A_353 = arith.addi %iota3A, %add3A_352 : vector<16xi32>
        %and3A_354 = arith.constant 15 : i32
        %and3A_355 = vector.broadcast %and3A_354 : i32 to vector<16xi32>
        %and3A_356 = arith.andi %add3A_353, %and3A_355 : vector<16xi32>
        %add3A_357 = arith.addi %shift_left3A_350, %and3A_356 : vector<16xi32>
        %add3A_358 = arith.constant 0 : i32
        %add3A_359 = vector.broadcast %add3A_358 : i32 to vector<16xi32>
        %add3A_360 = arith.addi %and3A_356, %add3A_359 : vector<16xi32>
        %add3A_361 = arith.constant 0 : i32
        %add3A_362 = vector.broadcast %add3A_361 : i32 to vector<16xi32>
        %add3A_363 = arith.addi %add3A_357, %add3A_362 : vector<16xi32>
        %gather3A = arith.constant 0 : i32
        %gather3A_364 = arith.constant 0 : i32
        %gather3A_365 = tpu.memref_slice %arg7[%scan3A_304, %gather3A, %gather3A_364] : memref<2x128x128xf32, #tpu.memory_space<vmem>> -> memref<1x128x128xf32, #tpu.memory_space<vmem>>
        %gather3A_366 = tpu.memref_squeeze %gather3A_365 : memref<1x128x128xf32, #tpu.memory_space<vmem>> -> memref<128x128xf32, #tpu.memory_space<vmem>>
        %gather3A_367 = tpu.vector_load_idx %gather3A_366[%add3A_341, %add3A_363] : memref<128x128xf32, #tpu.memory_space<vmem>>[vector<16xi32>, vector<16xi32>], vector<16xf32>,
        %mul3A_368 = arith.constant 8.000000e+00 : f32
        %mul3A_369 = vector.broadcast %mul3A_368 : f32 to vector<16xf32>
        %mul3A_370 = arith.mulf %gather3A_367, %mul3A_369 : vector<16xf32>
        %scatter3A = arith.constant 0 : i32
        %scatter3A_371 = arith.constant 0 : i32
        %scatter3A_372 = tpu.memref_slice %arg8[%scan3A_305, %scatter3A, %scatter3A_371] : memref<2x64x130xf32, #tpu.memory_space<vmem>> -> memref<1x64x130xf32, #tpu.memory_space<vmem>>
        %scatter3A_373 = tpu.memref_squeeze %scatter3A_372 : memref<1x64x130xf32, #tpu.memory_space<vmem>> -> memref<64x130xf32, #tpu.memory_space<vmem>>
        tpu.vector_store_idx %scatter3A_373[%add3A_360, %add3A_341], %mul3A_370 : memref<64x130xf32, #tpu.memory_space<vmem>>[vector<16xi32>, vector<16xi32>], vector<16xf32>,
        %add3A_374 = arith.constant 16 : i32
        %add3A_375 = vector.broadcast %add3A_374 : i32 to vector<16xi32>
        %add3A_376 = arith.addi %and3A_356, %add3A_375 : vector<16xi32>
        %add3A_377 = arith.constant 16 : i32
        %add3A_378 = vector.broadcast %add3A_377 : i32 to vector<16xi32>
        %add3A_379 = arith.addi %add3A_357, %add3A_378 : vector<16xi32>
        %gather3A_380 = arith.constant 0 : i32
        %gather3A_381 = arith.constant 0 : i32
        %gather3A_382 = tpu.memref_slice %arg7[%scan3A_304, %gather3A_380, %gather3A_381] : memref<2x128x128xf32, #tpu.memory_space<vmem>> -> memref<1x128x128xf32, #tpu.memory_space<vmem>>
        %gather3A_383 = tpu.memref_squeeze %gather3A_382 : memref<1x128x128xf32, #tpu.memory_space<vmem>> -> memref<128x128xf32, #tpu.memory_space<vmem>>
        %gather3A_384 = tpu.vector_load_idx %gather3A_383[%add3A_341, %add3A_379] : memref<128x128xf32, #tpu.memory_space<vmem>>[vector<16xi32>, vector<16xi32>], vector<16xf32>,
        %mul3A_385 = arith.constant 8.000000e+00 : f32
        %mul3A_386 = vector.broadcast %mul3A_385 : f32 to vector<16xf32>
        %mul3A_387 = arith.mulf %gather3A_384, %mul3A_386 : vector<16xf32>
        %scatter3A_388 = arith.constant 0 : i32
        %scatter3A_389 = arith.constant 0 : i32
        %scatter3A_390 = tpu.memref_slice %arg8[%scan3A_305, %scatter3A_388, %scatter3A_389] : memref<2x64x130xf32, #tpu.memory_space<vmem>> -> memref<1x64x130xf32, #tpu.memory_space<vmem>>
        %scatter3A_391 = tpu.memref_squeeze %scatter3A_390 : memref<1x64x130xf32, #tpu.memory_space<vmem>> -> memref<64x130xf32, #tpu.memory_space<vmem>>
        tpu.vector_store_idx %scatter3A_391[%add3A_376, %add3A_341], %mul3A_387 : memref<64x130xf32, #tpu.memory_space<vmem>>[vector<16xi32>, vector<16xi32>], vector<16xf32>,
        %add3A_392 = arith.constant 32 : i32
        %add3A_393 = vector.broadcast %add3A_392 : i32 to vector<16xi32>
        %add3A_394 = arith.addi %and3A_356, %add3A_393 : vector<16xi32>
        %add3A_395 = arith.constant 32 : i32
        %add3A_396 = vector.broadcast %add3A_395 : i32 to vector<16xi32>
        %add3A_397 = arith.addi %add3A_357, %add3A_396 : vector<16xi32>
        %gather3A_398 = arith.constant 0 : i32
        %gather3A_399 = arith.constant 0 : i32
        %gather3A_400 = tpu.memref_slice %arg7[%scan3A_304, %gather3A_398, %gather3A_399] : memref<2x128x128xf32, #tpu.memory_space<vmem>> -> memref<1x128x128xf32, #tpu.memory_space<vmem>>
        %gather3A_401 = tpu.memref_squeeze %gather3A_400 : memref<1x128x128xf32, #tpu.memory_space<vmem>> -> memref<128x128xf32, #tpu.memory_space<vmem>>
        %gather3A_402 = tpu.vector_load_idx %gather3A_401[%add3A_341, %add3A_397] : memref<128x128xf32, #tpu.memory_space<vmem>>[vector<16xi32>, vector<16xi32>], vector<16xf32>,
        %mul3A_403 = arith.constant 8.000000e+00 : f32
        %mul3A_404 = vector.broadcast %mul3A_403 : f32 to vector<16xf32>
        %mul3A_405 = arith.mulf %gather3A_402, %mul3A_404 : vector<16xf32>
        %scatter3A_406 = arith.constant 0 : i32
        %scatter3A_407 = arith.constant 0 : i32
        %scatter3A_408 = tpu.memref_slice %arg8[%scan3A_305, %scatter3A_406, %scatter3A_407] : memref<2x64x130xf32, #tpu.memory_space<vmem>> -> memref<1x64x130xf32, #tpu.memory_space<vmem>>
        %scatter3A_409 = tpu.memref_squeeze %scatter3A_408 : memref<1x64x130xf32, #tpu.memory_space<vmem>> -> memref<64x130xf32, #tpu.memory_space<vmem>>
        tpu.vector_store_idx %scatter3A_409[%add3A_394, %add3A_341], %mul3A_405 : memref<64x130xf32, #tpu.memory_space<vmem>>[vector<16xi32>, vector<16xi32>], vector<16xf32>,
        %add3A_410 = arith.constant 48 : i32
        %add3A_411 = vector.broadcast %add3A_410 : i32 to vector<16xi32>
        %add3A_412 = arith.addi %and3A_356, %add3A_411 : vector<16xi32>
        %add3A_413 = arith.constant 48 : i32
        %add3A_414 = vector.broadcast %add3A_413 : i32 to vector<16xi32>
        %add3A_415 = arith.addi %add3A_357, %add3A_414 : vector<16xi32>
        %gather3A_416 = arith.constant 0 : i32
        %gather3A_417 = arith.constant 0 : i32
        %gather3A_418 = tpu.memref_slice %arg7[%scan3A_304, %gather3A_416, %gather3A_417] : memref<2x128x128xf32, #tpu.memory_space<vmem>> -> memref<1x128x128xf32, #tpu.memory_space<vmem>>
        %gather3A_419 = tpu.memref_squeeze %gather3A_418 : memref<1x128x128xf32, #tpu.memory_space<vmem>> -> memref<128x128xf32, #tpu.memory_space<vmem>>
        %gather3A_420 = tpu.vector_load_idx %gather3A_419[%add3A_341, %add3A_415] : memref<128x128xf32, #tpu.memory_space<vmem>>[vector<16xi32>, vector<16xi32>], vector<16xf32>,
        %mul3A_421 = arith.constant 8.000000e+00 : f32
        %mul3A_422 = vector.broadcast %mul3A_421 : f32 to vector<16xf32>
        %mul3A_423 = arith.mulf %gather3A_420, %mul3A_422 : vector<16xf32>
        %scatter3A_424 = arith.constant 0 : i32
        %scatter3A_425 = arith.constant 0 : i32
        %scatter3A_426 = tpu.memref_slice %arg8[%scan3A_305, %scatter3A_424, %scatter3A_425] : memref<2x64x130xf32, #tpu.memory_space<vmem>> -> memref<1x64x130xf32, #tpu.memory_space<vmem>>
        %scatter3A_427 = tpu.memref_squeeze %scatter3A_426 : memref<1x64x130xf32, #tpu.memory_space<vmem>> -> memref<64x130xf32, #tpu.memory_space<vmem>>
        tpu.vector_store_idx %scatter3A_427[%add3A_412, %add3A_341], %mul3A_423 : memref<64x130xf32, #tpu.memory_space<vmem>>[vector<16xi32>, vector<16xi32>], vector<16xf32>,
        %add3A_428 = arith.constant 1 : i32
        %add3A_429 = vector.broadcast %add3A_428 : i32 to vector<16xi32>
        %add3A_430 = arith.addi %iota3A, %add3A_429 : vector<16xi32>
        %and3A_431 = arith.constant 15 : i32
        %and3A_432 = vector.broadcast %and3A_431 : i32 to vector<16xi32>
        %and3A_433 = arith.andi %add3A_430, %and3A_432 : vector<16xi32>
        %add3A_434 = arith.addi %shift_left3A_350, %and3A_433 : vector<16xi32>
        %add3A_435 = arith.constant 0 : i32
        %add3A_436 = vector.broadcast %add3A_435 : i32 to vector<16xi32>
        %add3A_437 = arith.addi %and3A_433, %add3A_436 : vector<16xi32>
        %add3A_438 = arith.constant 0 : i32
        %add3A_439 = vector.broadcast %add3A_438 : i32 to vector<16xi32>
        %add3A_440 = arith.addi %add3A_434, %add3A_439 : vector<16xi32>
        %gather3A_441 = arith.constant 0 : i32
        %gather3A_442 = arith.constant 0 : i32
        %gather3A_443 = tpu.memref_slice %arg7[%scan3A_304, %gather3A_441, %gather3A_442] : memref<2x128x128xf32, #tpu.memory_space<vmem>> -> memref<1x128x128xf32, #tpu.memory_space<vmem>>
        %gather3A_444 = tpu.memref_squeeze %gather3A_443 : memref<1x128x128xf32, #tpu.memory_space<vmem>> -> memref<128x128xf32, #tpu.memory_space<vmem>>
        %gather3A_445 = tpu.vector_load_idx %gather3A_444[%add3A_341, %add3A_440] : memref<128x128xf32, #tpu.memory_space<vmem>>[vector<16xi32>, vector<16xi32>], vector<16xf32>,
        %mul3A_446 = arith.constant 8.000000e+00 : f32
        %mul3A_447 = vector.broadcast %mul3A_446 : f32 to vector<16xf32>
        %mul3A_448 = arith.mulf %gather3A_445, %mul3A_447 : vector<16xf32>
        %scatter3A_449 = arith.constant 0 : i32
        %scatter3A_450 = arith.constant 0 : i32
        %scatter3A_451 = tpu.memref_slice %arg8[%scan3A_305, %scatter3A_449, %scatter3A_450] : memref<2x64x130xf32, #tpu.memory_space<vmem>> -> memref<1x64x130xf32, #tpu.memory_space<vmem>>
        %scatter3A_452 = tpu.memref_squeeze %scatter3A_451 : memref<1x64x130xf32, #tpu.memory_space<vmem>> -> memref<64x130xf32, #tpu.memory_space<vmem>>
        tpu.vector_store_idx %scatter3A_452[%add3A_437, %add3A_341], %mul3A_448 : memref<64x130xf32, #tpu.memory_space<vmem>>[vector<16xi32>, vector<16xi32>], vector<16xf32>,
        %add3A_453 = arith.constant 16 : i32
        %add3A_454 = vector.broadcast %add3A_453 : i32 to vector<16xi32>
        %add3A_455 = arith.addi %and3A_433, %add3A_454 : vector<16xi32>
        %add3A_456 = arith.constant 16 : i32
        %add3A_457 = vector.broadcast %add3A_456 : i32 to vector<16xi32>
        %add3A_458 = arith.addi %add3A_434, %add3A_457 : vector<16xi32>
        %gather3A_459 = arith.constant 0 : i32
        %gather3A_460 = arith.constant 0 : i32
        %gather3A_461 = tpu.memref_slice %arg7[%scan3A_304, %gather3A_459, %gather3A_460] : memref<2x128x128xf32, #tpu.memory_space<vmem>> -> memref<1x128x128xf32, #tpu.memory_space<vmem>>
        %gather3A_462 = tpu.memref_squeeze %gather3A_461 : memref<1x128x128xf32, #tpu.memory_space<vmem>> -> memref<128x128xf32, #tpu.memory_space<vmem>>
        %gather3A_463 = tpu.vector_load_idx %gather3A_462[%add3A_341, %add3A_458] : memref<128x128xf32, #tpu.memory_space<vmem>>[vector<16xi32>, vector<16xi32>], vector<16xf32>,
        %mul3A_464 = arith.constant 8.000000e+00 : f32
        %mul3A_465 = vector.broadcast %mul3A_464 : f32 to vector<16xf32>
        %mul3A_466 = arith.mulf %gather3A_463, %mul3A_465 : vector<16xf32>
        %scatter3A_467 = arith.constant 0 : i32
        %scatter3A_468 = arith.constant 0 : i32
        %scatter3A_469 = tpu.memref_slice %arg8[%scan3A_305, %scatter3A_467, %scatter3A_468] : memref<2x64x130xf32, #tpu.memory_space<vmem>> -> memref<1x64x130xf32, #tpu.memory_space<vmem>>
        %scatter3A_470 = tpu.memref_squeeze %scatter3A_469 : memref<1x64x130xf32, #tpu.memory_space<vmem>> -> memref<64x130xf32, #tpu.memory_space<vmem>>
        tpu.vector_store_idx %scatter3A_470[%add3A_455, %add3A_341], %mul3A_466 : memref<64x130xf32, #tpu.memory_space<vmem>>[vector<16xi32>, vector<16xi32>], vector<16xf32>,
        %add3A_471 = arith.constant 32 : i32
        %add3A_472 = vector.broadcast %add3A_471 : i32 to vector<16xi32>
        %add3A_473 = arith.addi %and3A_433, %add3A_472 : vector<16xi32>
        %add3A_474 = arith.constant 32 : i32
        %add3A_475 = vector.broadcast %add3A_474 : i32 to vector<16xi32>
        %add3A_476 = arith.addi %add3A_434, %add3A_475 : vector<16xi32>
        %gather3A_477 = arith.constant 0 : i32
        %gather3A_478 = arith.constant 0 : i32
        %gather3A_479 = tpu.memref_slice %arg7[%scan3A_304, %gather3A_477, %gather3A_478] : memref<2x128x128xf32, #tpu.memory_space<vmem>> -> memref<1x128x128xf32, #tpu.memory_space<vmem>>
        %gather3A_480 = tpu.memref_squeeze %gather3A_479 : memref<1x128x128xf32, #tpu.memory_space<vmem>> -> memref<128x128xf32, #tpu.memory_space<vmem>>
        %gather3A_481 = tpu.vector_load_idx %gather3A_480[%add3A_341, %add3A_476] : memref<128x128xf32, #tpu.memory_space<vmem>>[vector<16xi32>, vector<16xi32>], vector<16xf32>,
        %mul3A_482 = arith.constant 8.000000e+00 : f32
        %mul3A_483 = vector.broadcast %mul3A_482 : f32 to vector<16xf32>
        %mul3A_484 = arith.mulf %gather3A_481, %mul3A_483 : vector<16xf32>
        %scatter3A_485 = arith.constant 0 : i32
        %scatter3A_486 = arith.constant 0 : i32
        %scatter3A_487 = tpu.memref_slice %arg8[%scan3A_305, %scatter3A_485, %scatter3A_486] : memref<2x64x130xf32, #tpu.memory_space<vmem>> -> memref<1x64x130xf32, #tpu.memory_space<vmem>>
        %scatter3A_488 = tpu.memref_squeeze %scatter3A_487 : memref<1x64x130xf32, #tpu.memory_space<vmem>> -> memref<64x130xf32, #tpu.memory_space<vmem>>
        tpu.vector_store_idx %scatter3A_488[%add3A_473, %add3A_341], %mul3A_484 : memref<64x130xf32, #tpu.memory_space<vmem>>[vector<16xi32>, vector<16xi32>], vector<16xf32>,
        %add3A_489 = arith.constant 48 : i32
        %add3A_490 = vector.broadcast %add3A_489 : i32 to vector<16xi32>
        %add3A_491 = arith.addi %and3A_433, %add3A_490 : vector<16xi32>
        %add3A_492 = arith.constant 48 : i32
        %add3A_493 = vector.broadcast %add3A_492 : i32 to vector<16xi32>
        %add3A_494 = arith.addi %add3A_434, %add3A_493 : vector<16xi32>
        %gather3A_495 = arith.constant 0 : i32
        %gather3A_496 = arith.constant 0 : i32
        %gather3A_497 = tpu.memref_slice %arg7[%scan3A_304, %gather3A_495, %gather3A_496] : memref<2x128x128xf32, #tpu.memory_space<vmem>> -> memref<1x128x128xf32, #tpu.memory_space<vmem>>
        %gather3A_498 = tpu.memref_squeeze %gather3A_497 : memref<1x128x128xf32, #tpu.memory_space<vmem>> -> memref<128x128xf32, #tpu.memory_space<vmem>>
        %gather3A_499 = tpu.vector_load_idx %gather3A_498[%add3A_341, %add3A_494] : memref<128x128xf32, #tpu.memory_space<vmem>>[vector<16xi32>, vector<16xi32>], vector<16xf32>,
        %mul3A_500 = arith.constant 8.000000e+00 : f32
        %mul3A_501 = vector.broadcast %mul3A_500 : f32 to vector<16xf32>
        %mul3A_502 = arith.mulf %gather3A_499, %mul3A_501 : vector<16xf32>
        %scatter3A_503 = arith.constant 0 : i32
        %scatter3A_504 = arith.constant 0 : i32
        %scatter3A_505 = tpu.memref_slice %arg8[%scan3A_305, %scatter3A_503, %scatter3A_504] : memref<2x64x130xf32, #tpu.memory_space<vmem>> -> memref<1x64x130xf32, #tpu.memory_space<vmem>>
        %scatter3A_506 = tpu.memref_squeeze %scatter3A_505 : memref<1x64x130xf32, #tpu.memory_space<vmem>> -> memref<64x130xf32, #tpu.memory_space<vmem>>
        tpu.vector_store_idx %scatter3A_506[%add3A_491, %add3A_341], %mul3A_502 : memref<64x130xf32, #tpu.memory_space<vmem>>[vector<16xi32>, vector<16xi32>], vector<16xf32>,
        %add3A_507 = arith.constant 2 : i32
        %add3A_508 = vector.broadcast %add3A_507 : i32 to vector<16xi32>
        %add3A_509 = arith.addi %iota3A, %add3A_508 : vector<16xi32>
        %and3A_510 = arith.constant 15 : i32
        %and3A_511 = vector.broadcast %and3A_510 : i32 to vector<16xi32>
        %and3A_512 = arith.andi %add3A_509, %and3A_511 : vector<16xi32>
        %add3A_513 = arith.addi %shift_left3A_350, %and3A_512 : vector<16xi32>
        %add3A_514 = arith.constant 0 : i32
        %add3A_515 = vector.broadcast %add3A_514 : i32 to vector<16xi32>
        %add3A_516 = arith.addi %and3A_512, %add3A_515 : vector<16xi32>
        %add3A_517 = arith.constant 0 : i32
        %add3A_518 = vector.broadcast %add3A_517 : i32 to vector<16xi32>
        %add3A_519 = arith.addi %add3A_513, %add3A_518 : vector<16xi32>
        %gather3A_520 = arith.constant 0 : i32
        %gather3A_521 = arith.constant 0 : i32
        %gather3A_522 = tpu.memref_slice %arg7[%scan3A_304, %gather3A_520, %gather3A_521] : memref<2x128x128xf32, #tpu.memory_space<vmem>> -> memref<1x128x128xf32, #tpu.memory_space<vmem>>
        %gather3A_523 = tpu.memref_squeeze %gather3A_522 : memref<1x128x128xf32, #tpu.memory_space<vmem>> -> memref<128x128xf32, #tpu.memory_space<vmem>>
        %gather3A_524 = tpu.vector_load_idx %gather3A_523[%add3A_341, %add3A_519] : memref<128x128xf32, #tpu.memory_space<vmem>>[vector<16xi32>, vector<16xi32>], vector<16xf32>,
        %mul3A_525 = arith.constant 8.000000e+00 : f32
        %mul3A_526 = vector.broadcast %mul3A_525 : f32 to vector<16xf32>
        %mul3A_527 = arith.mulf %gather3A_524, %mul3A_526 : vector<16xf32>
        %scatter3A_528 = arith.constant 0 : i32
        %scatter3A_529 = arith.constant 0 : i32
        %scatter3A_530 = tpu.memref_slice %arg8[%scan3A_305, %scatter3A_528, %scatter3A_529] : memref<2x64x130xf32, #tpu.memory_space<vmem>> -> memref<1x64x130xf32, #tpu.memory_space<vmem>>
        %scatter3A_531 = tpu.memref_squeeze %scatter3A_530 : memref<1x64x130xf32, #tpu.memory_space<vmem>> -> memref<64x130xf32, #tpu.memory_space<vmem>>
        tpu.vector_store_idx %scatter3A_531[%add3A_516, %add3A_341], %mul3A_527 : memref<64x130xf32, #tpu.memory_space<vmem>>[vector<16xi32>, vector<16xi32>], vector<16xf32>,
        %add3A_532 = arith.constant 16 : i32
        %add3A_533 = vector.broadcast %add3A_532 : i32 to vector<16xi32>
        %add3A_534 = arith.addi %and3A_512, %add3A_533 : vector<16xi32>
        %add3A_535 = arith.constant 16 : i32
        %add3A_536 = vector.broadcast %add3A_535 : i32 to vector<16xi32>
        %add3A_537 = arith.addi %add3A_513, %add3A_536 : vector<16xi32>
        %gather3A_538 = arith.constant 0 : i32
        %gather3A_539 = arith.constant 0 : i32
        %gather3A_540 = tpu.memref_slice %arg7[%scan3A_304, %gather3A_538, %gather3A_539] : memref<2x128x128xf32, #tpu.memory_space<vmem>> -> memref<1x128x128xf32, #tpu.memory_space<vmem>>
        %gather3A_541 = tpu.memref_squeeze %gather3A_540 : memref<1x128x128xf32, #tpu.memory_space<vmem>> -> memref<128x128xf32, #tpu.memory_space<vmem>>
        %gather3A_542 = tpu.vector_load_idx %gather3A_541[%add3A_341, %add3A_537] : memref<128x128xf32, #tpu.memory_space<vmem>>[vector<16xi32>, vector<16xi32>], vector<16xf32>,
        %mul3A_543 = arith.constant 8.000000e+00 : f32
        %mul3A_544 = vector.broadcast %mul3A_543 : f32 to vector<16xf32>
        %mul3A_545 = arith.mulf %gather3A_542, %mul3A_544 : vector<16xf32>
        %scatter3A_546 = arith.constant 0 : i32
        %scatter3A_547 = arith.constant 0 : i32
        %scatter3A_548 = tpu.memref_slice %arg8[%scan3A_305, %scatter3A_546, %scatter3A_547] : memref<2x64x130xf32, #tpu.memory_space<vmem>> -> memref<1x64x130xf32, #tpu.memory_space<vmem>>
        %scatter3A_549 = tpu.memref_squeeze %scatter3A_548 : memref<1x64x130xf32, #tpu.memory_space<vmem>> -> memref<64x130xf32, #tpu.memory_space<vmem>>
        tpu.vector_store_idx %scatter3A_549[%add3A_534, %add3A_341], %mul3A_545 : memref<64x130xf32, #tpu.memory_space<vmem>>[vector<16xi32>, vector<16xi32>], vector<16xf32>,
        %add3A_550 = arith.constant 32 : i32
        %add3A_551 = vector.broadcast %add3A_550 : i32 to vector<16xi32>
        %add3A_552 = arith.addi %and3A_512, %add3A_551 : vector<16xi32>
        %add3A_553 = arith.constant 32 : i32
        %add3A_554 = vector.broadcast %add3A_553 : i32 to vector<16xi32>
        %add3A_555 = arith.addi %add3A_513, %add3A_554 : vector<16xi32>
        %gather3A_556 = arith.constant 0 : i32
        %gather3A_557 = arith.constant 0 : i32
        %gather3A_558 = tpu.memref_slice %arg7[%scan3A_304, %gather3A_556, %gather3A_557] : memref<2x128x128xf32, #tpu.memory_space<vmem>> -> memref<1x128x128xf32, #tpu.memory_space<vmem>>
        %gather3A_559 = tpu.memref_squeeze %gather3A_558 : memref<1x128x128xf32, #tpu.memory_space<vmem>> -> memref<128x128xf32, #tpu.memory_space<vmem>>
        %gather3A_560 = tpu.vector_load_idx %gather3A_559[%add3A_341, %add3A_555] : memref<128x128xf32, #tpu.memory_space<vmem>>[vector<16xi32>, vector<16xi32>], vector<16xf32>,
        %mul3A_561 = arith.constant 8.000000e+00 : f32
        %mul3A_562 = vector.broadcast %mul3A_561 : f32 to vector<16xf32>
        %mul3A_563 = arith.mulf %gather3A_560, %mul3A_562 : vector<16xf32>
        %scatter3A_564 = arith.constant 0 : i32
        %scatter3A_565 = arith.constant 0 : i32
        %scatter3A_566 = tpu.memref_slice %arg8[%scan3A_305, %scatter3A_564, %scatter3A_565] : memref<2x64x130xf32, #tpu.memory_space<vmem>> -> memref<1x64x130xf32, #tpu.memory_space<vmem>>
        %scatter3A_567 = tpu.memref_squeeze %scatter3A_566 : memref<1x64x130xf32, #tpu.memory_space<vmem>> -> memref<64x130xf32, #tpu.memory_space<vmem>>
        tpu.vector_store_idx %scatter3A_567[%add3A_552, %add3A_341], %mul3A_563 : memref<64x130xf32, #tpu.memory_space<vmem>>[vector<16xi32>, vector<16xi32>], vector<16xf32>,
        %add3A_568 = arith.constant 48 : i32
        %add3A_569 = vector.broadcast %add3A_568 : i32 to vector<16xi32>
        %add3A_570 = arith.addi %and3A_512, %add3A_569 : vector<16xi32>
        %add3A_571 = arith.constant 48 : i32
        %add3A_572 = vector.broadcast %add3A_571 : i32 to vector<16xi32>
        %add3A_573 = arith.addi %add3A_513, %add3A_572 : vector<16xi32>
        %gather3A_574 = arith.constant 0 : i32
        %gather3A_575 = arith.constant 0 : i32
        %gather3A_576 = tpu.memref_slice %arg7[%scan3A_304, %gather3A_574, %gather3A_575] : memref<2x128x128xf32, #tpu.memory_space<vmem>> -> memref<1x128x128xf32, #tpu.memory_space<vmem>>
        %gather3A_577 = tpu.memref_squeeze %gather3A_576 : memref<1x128x128xf32, #tpu.memory_space<vmem>> -> memref<128x128xf32, #tpu.memory_space<vmem>>
        %gather3A_578 = tpu.vector_load_idx %gather3A_577[%add3A_341, %add3A_573] : memref<128x128xf32, #tpu.memory_space<vmem>>[vector<16xi32>, vector<16xi32>], vector<16xf32>,
        %mul3A_579 = arith.constant 8.000000e+00 : f32
        %mul3A_580 = vector.broadcast %mul3A_579 : f32 to vector<16xf32>
        %mul3A_581 = arith.mulf %gather3A_578, %mul3A_580 : vector<16xf32>
        %scatter3A_582 = arith.constant 0 : i32
        %scatter3A_583 = arith.constant 0 : i32
        %scatter3A_584 = tpu.memref_slice %arg8[%scan3A_305, %scatter3A_582, %scatter3A_583] : memref<2x64x130xf32, #tpu.memory_space<vmem>> -> memref<1x64x130xf32, #tpu.memory_space<vmem>>
        %scatter3A_585 = tpu.memref_squeeze %scatter3A_584 : memref<1x64x130xf32, #tpu.memory_space<vmem>> -> memref<64x130xf32, #tpu.memory_space<vmem>>
        tpu.vector_store_idx %scatter3A_585[%add3A_570, %add3A_341], %mul3A_581 : memref<64x130xf32, #tpu.memory_space<vmem>>[vector<16xi32>, vector<16xi32>], vector<16xf32>,
        %add3A_586 = arith.constant 3 : i32
        %add3A_587 = vector.broadcast %add3A_586 : i32 to vector<16xi32>
        %add3A_588 = arith.addi %iota3A, %add3A_587 : vector<16xi32>
        %and3A_589 = arith.constant 15 : i32
        %and3A_590 = vector.broadcast %and3A_589 : i32 to vector<16xi32>
        %and3A_591 = arith.andi %add3A_588, %and3A_590 : vector<16xi32>
        %add3A_592 = arith.addi %shift_left3A_350, %and3A_591 : vector<16xi32>
        %add3A_593 = arith.constant 0 : i32
        %add3A_594 = vector.broadcast %add3A_593 : i32 to vector<16xi32>
        %add3A_595 = arith.addi %and3A_591, %add3A_594 : vector<16xi32>
        %add3A_596 = arith.constant 0 : i32
        %add3A_597 = vector.broadcast %add3A_596 : i32 to vector<16xi32>
        %add3A_598 = arith.addi %add3A_592, %add3A_597 : vector<16xi32>
        %gather3A_599 = arith.constant 0 : i32
        %gather3A_600 = arith.constant 0 : i32
        %gather3A_601 = tpu.memref_slice %arg7[%scan3A_304, %gather3A_599, %gather3A_600] : memref<2x128x128xf32, #tpu.memory_space<vmem>> -> memref<1x128x128xf32, #tpu.memory_space<vmem>>
        %gather3A_602 = tpu.memref_squeeze %gather3A_601 : memref<1x128x128xf32, #tpu.memory_space<vmem>> -> memref<128x128xf32, #tpu.memory_space<vmem>>
        %gather3A_603 = tpu.vector_load_idx %gather3A_602[%add3A_341, %add3A_598] : memref<128x128xf32, #tpu.memory_space<vmem>>[vector<16xi32>, vector<16xi32>], vector<16xf32>,
        %mul3A_604 = arith.constant 8.000000e+00 : f32
        %mul3A_605 = vector.broadcast %mul3A_604 : f32 to vector<16xf32>
        %mul3A_606 = arith.mulf %gather3A_603, %mul3A_605 : vector<16xf32>
        %scatter3A_607 = arith.constant 0 : i32
        %scatter3A_608 = arith.constant 0 : i32
        %scatter3A_609 = tpu.memref_slice %arg8[%scan3A_305, %scatter3A_607, %scatter3A_608] : memref<2x64x130xf32, #tpu.memory_space<vmem>> -> memref<1x64x130xf32, #tpu.memory_space<vmem>>
        %scatter3A_610 = tpu.memref_squeeze %scatter3A_609 : memref<1x64x130xf32, #tpu.memory_space<vmem>> -> memref<64x130xf32, #tpu.memory_space<vmem>>
        tpu.vector_store_idx %scatter3A_610[%add3A_595, %add3A_341], %mul3A_606 : memref<64x130xf32, #tpu.memory_space<vmem>>[vector<16xi32>, vector<16xi32>], vector<16xf32>,
        %add3A_611 = arith.constant 16 : i32
        %add3A_612 = vector.broadcast %add3A_611 : i32 to vector<16xi32>
        %add3A_613 = arith.addi %and3A_591, %add3A_612 : vector<16xi32>
        %add3A_614 = arith.constant 16 : i32
        %add3A_615 = vector.broadcast %add3A_614 : i32 to vector<16xi32>
        %add3A_616 = arith.addi %add3A_592, %add3A_615 : vector<16xi32>
        %gather3A_617 = arith.constant 0 : i32
        %gather3A_618 = arith.constant 0 : i32
        %gather3A_619 = tpu.memref_slice %arg7[%scan3A_304, %gather3A_617, %gather3A_618] : memref<2x128x128xf32, #tpu.memory_space<vmem>> -> memref<1x128x128xf32, #tpu.memory_space<vmem>>
        %gather3A_620 = tpu.memref_squeeze %gather3A_619 : memref<1x128x128xf32, #tpu.memory_space<vmem>> -> memref<128x128xf32, #tpu.memory_space<vmem>>
        %gather3A_621 = tpu.vector_load_idx %gather3A_620[%add3A_341, %add3A_616] : memref<128x128xf32, #tpu.memory_space<vmem>>[vector<16xi32>, vector<16xi32>], vector<16xf32>,
        %mul3A_622 = arith.constant 8.000000e+00 : f32
        %mul3A_623 = vector.broadcast %mul3A_622 : f32 to vector<16xf32>
        %mul3A_624 = arith.mulf %gather3A_621, %mul3A_623 : vector<16xf32>
        %scatter3A_625 = arith.constant 0 : i32
        %scatter3A_626 = arith.constant 0 : i32
        %scatter3A_627 = tpu.memref_slice %arg8[%scan3A_305, %scatter3A_625, %scatter3A_626] : memref<2x64x130xf32, #tpu.memory_space<vmem>> -> memref<1x64x130xf32, #tpu.memory_space<vmem>>
        %scatter3A_628 = tpu.memref_squeeze %scatter3A_627 : memref<1x64x130xf32, #tpu.memory_space<vmem>> -> memref<64x130xf32, #tpu.memory_space<vmem>>
        tpu.vector_store_idx %scatter3A_628[%add3A_613, %add3A_341], %mul3A_624 : memref<64x130xf32, #tpu.memory_space<vmem>>[vector<16xi32>, vector<16xi32>], vector<16xf32>,
        %add3A_629 = arith.constant 32 : i32
        %add3A_630 = vector.broadcast %add3A_629 : i32 to vector<16xi32>
        %add3A_631 = arith.addi %and3A_591, %add3A_630 : vector<16xi32>
        %add3A_632 = arith.constant 32 : i32
        %add3A_633 = vector.broadcast %add3A_632 : i32 to vector<16xi32>
        %add3A_634 = arith.addi %add3A_592, %add3A_633 : vector<16xi32>
        %gather3A_635 = arith.constant 0 : i32
        %gather3A_636 = arith.constant 0 : i32
        %gather3A_637 = tpu.memref_slice %arg7[%scan3A_304, %gather3A_635, %gather3A_636] : memref<2x128x128xf32, #tpu.memory_space<vmem>> -> memref<1x128x128xf32, #tpu.memory_space<vmem>>
        %gather3A_638 = tpu.memref_squeeze %gather3A_637 : memref<1x128x128xf32, #tpu.memory_space<vmem>> -> memref<128x128xf32, #tpu.memory_space<vmem>>
        %gather3A_639 = tpu.vector_load_idx %gather3A_638[%add3A_341, %add3A_634] : memref<128x128xf32, #tpu.memory_space<vmem>>[vector<16xi32>, vector<16xi32>], vector<16xf32>,
        %mul3A_640 = arith.constant 8.000000e+00 : f32
        %mul3A_641 = vector.broadcast %mul3A_640 : f32 to vector<16xf32>
        %mul3A_642 = arith.mulf %gather3A_639, %mul3A_641 : vector<16xf32>
        %scatter3A_643 = arith.constant 0 : i32
        %scatter3A_644 = arith.constant 0 : i32
        %scatter3A_645 = tpu.memref_slice %arg8[%scan3A_305, %scatter3A_643, %scatter3A_644] : memref<2x64x130xf32, #tpu.memory_space<vmem>> -> memref<1x64x130xf32, #tpu.memory_space<vmem>>
        %scatter3A_646 = tpu.memref_squeeze %scatter3A_645 : memref<1x64x130xf32, #tpu.memory_space<vmem>> -> memref<64x130xf32, #tpu.memory_space<vmem>>
        tpu.vector_store_idx %scatter3A_646[%add3A_631, %add3A_341], %mul3A_642 : memref<64x130xf32, #tpu.memory_space<vmem>>[vector<16xi32>, vector<16xi32>], vector<16xf32>,
        %add3A_647 = arith.constant 48 : i32
        %add3A_648 = vector.broadcast %add3A_647 : i32 to vector<16xi32>
        %add3A_649 = arith.addi %and3A_591, %add3A_648 : vector<16xi32>
        %add3A_650 = arith.constant 48 : i32
        %add3A_651 = vector.broadcast %add3A_650 : i32 to vector<16xi32>
        %add3A_652 = arith.addi %add3A_592, %add3A_651 : vector<16xi32>
        %gather3A_653 = arith.constant 0 : i32
        %gather3A_654 = arith.constant 0 : i32
        %gather3A_655 = tpu.memref_slice %arg7[%scan3A_304, %gather3A_653, %gather3A_654] : memref<2x128x128xf32, #tpu.memory_space<vmem>> -> memref<1x128x128xf32, #tpu.memory_space<vmem>>
        %gather3A_656 = tpu.memref_squeeze %gather3A_655 : memref<1x128x128xf32, #tpu.memory_space<vmem>> -> memref<128x128xf32, #tpu.memory_space<vmem>>
        %gather3A_657 = tpu.vector_load_idx %gather3A_656[%add3A_341, %add3A_652] : memref<128x128xf32, #tpu.memory_space<vmem>>[vector<16xi32>, vector<16xi32>], vector<16xf32>,
        %mul3A_658 = arith.constant 8.000000e+00 : f32
        %mul3A_659 = vector.broadcast %mul3A_658 : f32 to vector<16xf32>
        %mul3A_660 = arith.mulf %gather3A_657, %mul3A_659 : vector<16xf32>
        %scatter3A_661 = arith.constant 0 : i32
        %scatter3A_662 = arith.constant 0 : i32
        %scatter3A_663 = tpu.memref_slice %arg8[%scan3A_305, %scatter3A_661, %scatter3A_662] : memref<2x64x130xf32, #tpu.memory_space<vmem>> -> memref<1x64x130xf32, #tpu.memory_space<vmem>>
        %scatter3A_664 = tpu.memref_squeeze %scatter3A_663 : memref<1x64x130xf32, #tpu.memory_space<vmem>> -> memref<64x130xf32, #tpu.memory_space<vmem>>
        tpu.vector_store_idx %scatter3A_664[%add3A_649, %add3A_341], %mul3A_660 : memref<64x130xf32, #tpu.memory_space<vmem>>[vector<16xi32>, vector<16xi32>], vector<16xf32>,
        %add3A_665 = arith.constant 4 : i32
        %add3A_666 = vector.broadcast %add3A_665 : i32 to vector<16xi32>
        %add3A_667 = arith.addi %iota3A, %add3A_666 : vector<16xi32>
        %and3A_668 = arith.constant 15 : i32
        %and3A_669 = vector.broadcast %and3A_668 : i32 to vector<16xi32>
        %and3A_670 = arith.andi %add3A_667, %and3A_669 : vector<16xi32>
        %add3A_671 = arith.addi %shift_left3A_350, %and3A_670 : vector<16xi32>
        %add3A_672 = arith.constant 0 : i32
        %add3A_673 = vector.broadcast %add3A_672 : i32 to vector<16xi32>
        %add3A_674 = arith.addi %and3A_670, %add3A_673 : vector<16xi32>
        %add3A_675 = arith.constant 0 : i32
        %add3A_676 = vector.broadcast %add3A_675 : i32 to vector<16xi32>
        %add3A_677 = arith.addi %add3A_671, %add3A_676 : vector<16xi32>
        %gather3A_678 = arith.constant 0 : i32
        %gather3A_679 = arith.constant 0 : i32
        %gather3A_680 = tpu.memref_slice %arg7[%scan3A_304, %gather3A_678, %gather3A_679] : memref<2x128x128xf32, #tpu.memory_space<vmem>> -> memref<1x128x128xf32, #tpu.memory_space<vmem>>
        %gather3A_681 = tpu.memref_squeeze %gather3A_680 : memref<1x128x128xf32, #tpu.memory_space<vmem>> -> memref<128x128xf32, #tpu.memory_space<vmem>>
        %gather3A_682 = tpu.vector_load_idx %gather3A_681[%add3A_341, %add3A_677] : memref<128x128xf32, #tpu.memory_space<vmem>>[vector<16xi32>, vector<16xi32>], vector<16xf32>,
        %mul3A_683 = arith.constant 8.000000e+00 : f32
        %mul3A_684 = vector.broadcast %mul3A_683 : f32 to vector<16xf32>
        %mul3A_685 = arith.mulf %gather3A_682, %mul3A_684 : vector<16xf32>
        %scatter3A_686 = arith.constant 0 : i32
        %scatter3A_687 = arith.constant 0 : i32
        %scatter3A_688 = tpu.memref_slice %arg8[%scan3A_305, %scatter3A_686, %scatter3A_687] : memref<2x64x130xf32, #tpu.memory_space<vmem>> -> memref<1x64x130xf32, #tpu.memory_space<vmem>>
        %scatter3A_689 = tpu.memref_squeeze %scatter3A_688 : memref<1x64x130xf32, #tpu.memory_space<vmem>> -> memref<64x130xf32, #tpu.memory_space<vmem>>
        tpu.vector_store_idx %scatter3A_689[%add3A_674, %add3A_341], %mul3A_685 : memref<64x130xf32, #tpu.memory_space<vmem>>[vector<16xi32>, vector<16xi32>], vector<16xf32>,
        %add3A_690 = arith.constant 16 : i32
        %add3A_691 = vector.broadcast %add3A_690 : i32 to vector<16xi32>
        %add3A_692 = arith.addi %and3A_670, %add3A_691 : vector<16xi32>
        %add3A_693 = arith.constant 16 : i32
        %add3A_694 = vector.broadcast %add3A_693 : i32 to vector<16xi32>
        %add3A_695 = arith.addi %add3A_671, %add3A_694 : vector<16xi32>
        %gather3A_696 = arith.constant 0 : i32
        %gather3A_697 = arith.constant 0 : i32
        %gather3A_698 = tpu.memref_slice %arg7[%scan3A_304, %gather3A_696, %gather3A_697] : memref<2x128x128xf32, #tpu.memory_space<vmem>> -> memref<1x128x128xf32, #tpu.memory_space<vmem>>
        %gather3A_699 = tpu.memref_squeeze %gather3A_698 : memref<1x128x128xf32, #tpu.memory_space<vmem>> -> memref<128x128xf32, #tpu.memory_space<vmem>>
        %gather3A_700 = tpu.vector_load_idx %gather3A_699[%add3A_341, %add3A_695] : memref<128x128xf32, #tpu.memory_space<vmem>>[vector<16xi32>, vector<16xi32>], vector<16xf32>,
        %mul3A_701 = arith.constant 8.000000e+00 : f32
        %mul3A_702 = vector.broadcast %mul3A_701 : f32 to vector<16xf32>
        %mul3A_703 = arith.mulf %gather3A_700, %mul3A_702 : vector<16xf32>
        %scatter3A_704 = arith.constant 0 : i32
        %scatter3A_705 = arith.constant 0 : i32
        %scatter3A_706 = tpu.memref_slice %arg8[%scan3A_305, %scatter3A_704, %scatter3A_705] : memref<2x64x130xf32, #tpu.memory_space<vmem>> -> memref<1x64x130xf32, #tpu.memory_space<vmem>>
        %scatter3A_707 = tpu.memref_squeeze %scatter3A_706 : memref<1x64x130xf32, #tpu.memory_space<vmem>> -> memref<64x130xf32, #tpu.memory_space<vmem>>
        tpu.vector_store_idx %scatter3A_707[%add3A_692, %add3A_341], %mul3A_703 : memref<64x130xf32, #tpu.memory_space<vmem>>[vector<16xi32>, vector<16xi32>], vector<16xf32>,
        %add3A_708 = arith.constant 32 : i32
        %add3A_709 = vector.broadcast %add3A_708 : i32 to vector<16xi32>
        %add3A_710 = arith.addi %and3A_670, %add3A_709 : vector<16xi32>
        %add3A_711 = arith.constant 32 : i32
        %add3A_712 = vector.broadcast %add3A_711 : i32 to vector<16xi32>
        %add3A_713 = arith.addi %add3A_671, %add3A_712 : vector<16xi32>
        %gather3A_714 = arith.constant 0 : i32
        %gather3A_715 = arith.constant 0 : i32
        %gather3A_716 = tpu.memref_slice %arg7[%scan3A_304, %gather3A_714, %gather3A_715] : memref<2x128x128xf32, #tpu.memory_space<vmem>> -> memref<1x128x128xf32, #tpu.memory_space<vmem>>
        %gather3A_717 = tpu.memref_squeeze %gather3A_716 : memref<1x128x128xf32, #tpu.memory_space<vmem>> -> memref<128x128xf32, #tpu.memory_space<vmem>>
        %gather3A_718 = tpu.vector_load_idx %gather3A_717[%add3A_341, %add3A_713] : memref<128x128xf32, #tpu.memory_space<vmem>>[vector<16xi32>, vector<16xi32>], vector<16xf32>,
        %mul3A_719 = arith.constant 8.000000e+00 : f32
        %mul3A_720 = vector.broadcast %mul3A_719 : f32 to vector<16xf32>
        %mul3A_721 = arith.mulf %gather3A_718, %mul3A_720 : vector<16xf32>
        %scatter3A_722 = arith.constant 0 : i32
        %scatter3A_723 = arith.constant 0 : i32
        %scatter3A_724 = tpu.memref_slice %arg8[%scan3A_305, %scatter3A_722, %scatter3A_723] : memref<2x64x130xf32, #tpu.memory_space<vmem>> -> memref<1x64x130xf32, #tpu.memory_space<vmem>>
        %scatter3A_725 = tpu.memref_squeeze %scatter3A_724 : memref<1x64x130xf32, #tpu.memory_space<vmem>> -> memref<64x130xf32, #tpu.memory_space<vmem>>
        tpu.vector_store_idx %scatter3A_725[%add3A_710, %add3A_341], %mul3A_721 : memref<64x130xf32, #tpu.memory_space<vmem>>[vector<16xi32>, vector<16xi32>], vector<16xf32>,
        %add3A_726 = arith.constant 48 : i32
        %add3A_727 = vector.broadcast %add3A_726 : i32 to vector<16xi32>
        %add3A_728 = arith.addi %and3A_670, %add3A_727 : vector<16xi32>
        %add3A_729 = arith.constant 48 : i32
        %add3A_730 = vector.broadcast %add3A_729 : i32 to vector<16xi32>
        %add3A_731 = arith.addi %add3A_671, %add3A_730 : vector<16xi32>
        %gather3A_732 = arith.constant 0 : i32
        %gather3A_733 = arith.constant 0 : i32
        %gather3A_734 = tpu.memref_slice %arg7[%scan3A_304, %gather3A_732, %gather3A_733] : memref<2x128x128xf32, #tpu.memory_space<vmem>> -> memref<1x128x128xf32, #tpu.memory_space<vmem>>
        %gather3A_735 = tpu.memref_squeeze %gather3A_734 : memref<1x128x128xf32, #tpu.memory_space<vmem>> -> memref<128x128xf32, #tpu.memory_space<vmem>>
        %gather3A_736 = tpu.vector_load_idx %gather3A_735[%add3A_341, %add3A_731] : memref<128x128xf32, #tpu.memory_space<vmem>>[vector<16xi32>, vector<16xi32>], vector<16xf32>,
        %mul3A_737 = arith.constant 8.000000e+00 : f32
        %mul3A_738 = vector.broadcast %mul3A_737 : f32 to vector<16xf32>
        %mul3A_739 = arith.mulf %gather3A_736, %mul3A_738 : vector<16xf32>
        %scatter3A_740 = arith.constant 0 : i32
        %scatter3A_741 = arith.constant 0 : i32
        %scatter3A_742 = tpu.memref_slice %arg8[%scan3A_305, %scatter3A_740, %scatter3A_741] : memref<2x64x130xf32, #tpu.memory_space<vmem>> -> memref<1x64x130xf32, #tpu.memory_space<vmem>>
        %scatter3A_743 = tpu.memref_squeeze %scatter3A_742 : memref<1x64x130xf32, #tpu.memory_space<vmem>> -> memref<64x130xf32, #tpu.memory_space<vmem>>
        tpu.vector_store_idx %scatter3A_743[%add3A_728, %add3A_341], %mul3A_739 : memref<64x130xf32, #tpu.memory_space<vmem>>[vector<16xi32>, vector<16xi32>], vector<16xf32>,
        %add3A_744 = arith.constant 5 : i32
        %add3A_745 = vector.broadcast %add3A_744 : i32 to vector<16xi32>
        %add3A_746 = arith.addi %iota3A, %add3A_745 : vector<16xi32>
        %and3A_747 = arith.constant 15 : i32
        %and3A_748 = vector.broadcast %and3A_747 : i32 to vector<16xi32>
        %and3A_749 = arith.andi %add3A_746, %and3A_748 : vector<16xi32>
        %add3A_750 = arith.addi %shift_left3A_350, %and3A_749 : vector<16xi32>
        %add3A_751 = arith.constant 0 : i32
        %add3A_752 = vector.broadcast %add3A_751 : i32 to vector<16xi32>
        %add3A_753 = arith.addi %and3A_749, %add3A_752 : vector<16xi32>
        %add3A_754 = arith.constant 0 : i32
        %add3A_755 = vector.broadcast %add3A_754 : i32 to vector<16xi32>
        %add3A_756 = arith.addi %add3A_750, %add3A_755 : vector<16xi32>
        %gather3A_757 = arith.constant 0 : i32
        %gather3A_758 = arith.constant 0 : i32
        %gather3A_759 = tpu.memref_slice %arg7[%scan3A_304, %gather3A_757, %gather3A_758] : memref<2x128x128xf32, #tpu.memory_space<vmem>> -> memref<1x128x128xf32, #tpu.memory_space<vmem>>
        %gather3A_760 = tpu.memref_squeeze %gather3A_759 : memref<1x128x128xf32, #tpu.memory_space<vmem>> -> memref<128x128xf32, #tpu.memory_space<vmem>>
        %gather3A_761 = tpu.vector_load_idx %gather3A_760[%add3A_341, %add3A_756] : memref<128x128xf32, #tpu.memory_space<vmem>>[vector<16xi32>, vector<16xi32>], vector<16xf32>,
        %mul3A_762 = arith.constant 8.000000e+00 : f32
        %mul3A_763 = vector.broadcast %mul3A_762 : f32 to vector<16xf32>
        %mul3A_764 = arith.mulf %gather3A_761, %mul3A_763 : vector<16xf32>
        %scatter3A_765 = arith.constant 0 : i32
        %scatter3A_766 = arith.constant 0 : i32
        %scatter3A_767 = tpu.memref_slice %arg8[%scan3A_305, %scatter3A_765, %scatter3A_766] : memref<2x64x130xf32, #tpu.memory_space<vmem>> -> memref<1x64x130xf32, #tpu.memory_space<vmem>>
        %scatter3A_768 = tpu.memref_squeeze %scatter3A_767 : memref<1x64x130xf32, #tpu.memory_space<vmem>> -> memref<64x130xf32, #tpu.memory_space<vmem>>
        tpu.vector_store_idx %scatter3A_768[%add3A_753, %add3A_341], %mul3A_764 : memref<64x130xf32, #tpu.memory_space<vmem>>[vector<16xi32>, vector<16xi32>], vector<16xf32>,
        %add3A_769 = arith.constant 16 : i32
        %add3A_770 = vector.broadcast %add3A_769 : i32 to vector<16xi32>
        %add3A_771 = arith.addi %and3A_749, %add3A_770 : vector<16xi32>
        %add3A_772 = arith.constant 16 : i32
        %add3A_773 = vector.broadcast %add3A_772 : i32 to vector<16xi32>
        %add3A_774 = arith.addi %add3A_750, %add3A_773 : vector<16xi32>
        %gather3A_775 = arith.constant 0 : i32
        %gather3A_776 = arith.constant 0 : i32
        %gather3A_777 = tpu.memref_slice %arg7[%scan3A_304, %gather3A_775, %gather3A_776] : memref<2x128x128xf32, #tpu.memory_space<vmem>> -> memref<1x128x128xf32, #tpu.memory_space<vmem>>
        %gather3A_778 = tpu.memref_squeeze %gather3A_777 : memref<1x128x128xf32, #tpu.memory_space<vmem>> -> memref<128x128xf32, #tpu.memory_space<vmem>>
        %gather3A_779 = tpu.vector_load_idx %gather3A_778[%add3A_341, %add3A_774] : memref<128x128xf32, #tpu.memory_space<vmem>>[vector<16xi32>, vector<16xi32>], vector<16xf32>,
        %mul3A_780 = arith.constant 8.000000e+00 : f32
        %mul3A_781 = vector.broadcast %mul3A_780 : f32 to vector<16xf32>
        %mul3A_782 = arith.mulf %gather3A_779, %mul3A_781 : vector<16xf32>
        %scatter3A_783 = arith.constant 0 : i32
        %scatter3A_784 = arith.constant 0 : i32
        %scatter3A_785 = tpu.memref_slice %arg8[%scan3A_305, %scatter3A_783, %scatter3A_784] : memref<2x64x130xf32, #tpu.memory_space<vmem>> -> memref<1x64x130xf32, #tpu.memory_space<vmem>>
        %scatter3A_786 = tpu.memref_squeeze %scatter3A_785 : memref<1x64x130xf32, #tpu.memory_space<vmem>> -> memref<64x130xf32, #tpu.memory_space<vmem>>
        tpu.vector_store_idx %scatter3A_786[%add3A_771, %add3A_341], %mul3A_782 : memref<64x130xf32, #tpu.memory_space<vmem>>[vector<16xi32>, vector<16xi32>], vector<16xf32>,
        %add3A_787 = arith.constant 32 : i32
        %add3A_788 = vector.broadcast %add3A_787 : i32 to vector<16xi32>
        %add3A_789 = arith.addi %and3A_749, %add3A_788 : vector<16xi32>
        %add3A_790 = arith.constant 32 : i32
        %add3A_791 = vector.broadcast %add3A_790 : i32 to vector<16xi32>
        %add3A_792 = arith.addi %add3A_750, %add3A_791 : vector<16xi32>
        %gather3A_793 = arith.constant 0 : i32
        %gather3A_794 = arith.constant 0 : i32
        %gather3A_795 = tpu.memref_slice %arg7[%scan3A_304, %gather3A_793, %gather3A_794] : memref<2x128x128xf32, #tpu.memory_space<vmem>> -> memref<1x128x128xf32, #tpu.memory_space<vmem>>
        %gather3A_796 = tpu.memref_squeeze %gather3A_795 : memref<1x128x128xf32, #tpu.memory_space<vmem>> -> memref<128x128xf32, #tpu.memory_space<vmem>>
        %gather3A_797 = tpu.vector_load_idx %gather3A_796[%add3A_341, %add3A_792] : memref<128x128xf32, #tpu.memory_space<vmem>>[vector<16xi32>, vector<16xi32>], vector<16xf32>,
        %mul3A_798 = arith.constant 8.000000e+00 : f32
        %mul3A_799 = vector.broadcast %mul3A_798 : f32 to vector<16xf32>
        %mul3A_800 = arith.mulf %gather3A_797, %mul3A_799 : vector<16xf32>
        %scatter3A_801 = arith.constant 0 : i32
        %scatter3A_802 = arith.constant 0 : i32
        %scatter3A_803 = tpu.memref_slice %arg8[%scan3A_305, %scatter3A_801, %scatter3A_802] : memref<2x64x130xf32, #tpu.memory_space<vmem>> -> memref<1x64x130xf32, #tpu.memory_space<vmem>>
        %scatter3A_804 = tpu.memref_squeeze %scatter3A_803 : memref<1x64x130xf32, #tpu.memory_space<vmem>> -> memref<64x130xf32, #tpu.memory_space<vmem>>
        tpu.vector_store_idx %scatter3A_804[%add3A_789, %add3A_341], %mul3A_800 : memref<64x130xf32, #tpu.memory_space<vmem>>[vector<16xi32>, vector<16xi32>], vector<16xf32>,
        %add3A_805 = arith.constant 48 : i32
        %add3A_806 = vector.broadcast %add3A_805 : i32 to vector<16xi32>
        %add3A_807 = arith.addi %and3A_749, %add3A_806 : vector<16xi32>
        %add3A_808 = arith.constant 48 : i32
        %add3A_809 = vector.broadcast %add3A_808 : i32 to vector<16xi32>
        %add3A_810 = arith.addi %add3A_750, %add3A_809 : vector<16xi32>
        %gather3A_811 = arith.constant 0 : i32
        %gather3A_812 = arith.constant 0 : i32
        %gather3A_813 = tpu.memref_slice %arg7[%scan3A_304, %gather3A_811, %gather3A_812] : memref<2x128x128xf32, #tpu.memory_space<vmem>> -> memref<1x128x128xf32, #tpu.memory_space<vmem>>
        %gather3A_814 = tpu.memref_squeeze %gather3A_813 : memref<1x128x128xf32, #tpu.memory_space<vmem>> -> memref<128x128xf32, #tpu.memory_space<vmem>>
        %gather3A_815 = tpu.vector_load_idx %gather3A_814[%add3A_341, %add3A_810] : memref<128x128xf32, #tpu.memory_space<vmem>>[vector<16xi32>, vector<16xi32>], vector<16xf32>,
        %mul3A_816 = arith.constant 8.000000e+00 : f32
        %mul3A_817 = vector.broadcast %mul3A_816 : f32 to vector<16xf32>
        %mul3A_818 = arith.mulf %gather3A_815, %mul3A_817 : vector<16xf32>
        %scatter3A_819 = arith.constant 0 : i32
        %scatter3A_820 = arith.constant 0 : i32
        %scatter3A_821 = tpu.memref_slice %arg8[%scan3A_305, %scatter3A_819, %scatter3A_820] : memref<2x64x130xf32, #tpu.memory_space<vmem>> -> memref<1x64x130xf32, #tpu.memory_space<vmem>>
        %scatter3A_822 = tpu.memref_squeeze %scatter3A_821 : memref<1x64x130xf32, #tpu.memory_space<vmem>> -> memref<64x130xf32, #tpu.memory_space<vmem>>
        tpu.vector_store_idx %scatter3A_822[%add3A_807, %add3A_341], %mul3A_818 : memref<64x130xf32, #tpu.memory_space<vmem>>[vector<16xi32>, vector<16xi32>], vector<16xf32>,
        %add3A_823 = arith.constant 6 : i32
        %add3A_824 = vector.broadcast %add3A_823 : i32 to vector<16xi32>
        %add3A_825 = arith.addi %iota3A, %add3A_824 : vector<16xi32>
        %and3A_826 = arith.constant 15 : i32
        %and3A_827 = vector.broadcast %and3A_826 : i32 to vector<16xi32>
        %and3A_828 = arith.andi %add3A_825, %and3A_827 : vector<16xi32>
        %add3A_829 = arith.addi %shift_left3A_350, %and3A_828 : vector<16xi32>
        %add3A_830 = arith.constant 0 : i32
        %add3A_831 = vector.broadcast %add3A_830 : i32 to vector<16xi32>
        %add3A_832 = arith.addi %and3A_828, %add3A_831 : vector<16xi32>
        %add3A_833 = arith.constant 0 : i32
        %add3A_834 = vector.broadcast %add3A_833 : i32 to vector<16xi32>
        %add3A_835 = arith.addi %add3A_829, %add3A_834 : vector<16xi32>
        %gather3A_836 = arith.constant 0 : i32
        %gather3A_837 = arith.constant 0 : i32
        %gather3A_838 = tpu.memref_slice %arg7[%scan3A_304, %gather3A_836, %gather3A_837] : memref<2x128x128xf32, #tpu.memory_space<vmem>> -> memref<1x128x128xf32, #tpu.memory_space<vmem>>
        %gather3A_839 = tpu.memref_squeeze %gather3A_838 : memref<1x128x128xf32, #tpu.memory_space<vmem>> -> memref<128x128xf32, #tpu.memory_space<vmem>>
        %gather3A_840 = tpu.vector_load_idx %gather3A_839[%add3A_341, %add3A_835] : memref<128x128xf32, #tpu.memory_space<vmem>>[vector<16xi32>, vector<16xi32>], vector<16xf32>,
        %mul3A_841 = arith.constant 8.000000e+00 : f32
        %mul3A_842 = vector.broadcast %mul3A_841 : f32 to vector<16xf32>
        %mul3A_843 = arith.mulf %gather3A_840, %mul3A_842 : vector<16xf32>
        %scatter3A_844 = arith.constant 0 : i32
        %scatter3A_845 = arith.constant 0 : i32
        %scatter3A_846 = tpu.memref_slice %arg8[%scan3A_305, %scatter3A_844, %scatter3A_845] : memref<2x64x130xf32, #tpu.memory_space<vmem>> -> memref<1x64x130xf32, #tpu.memory_space<vmem>>
        %scatter3A_847 = tpu.memref_squeeze %scatter3A_846 : memref<1x64x130xf32, #tpu.memory_space<vmem>> -> memref<64x130xf32, #tpu.memory_space<vmem>>
        tpu.vector_store_idx %scatter3A_847[%add3A_832, %add3A_341], %mul3A_843 : memref<64x130xf32, #tpu.memory_space<vmem>>[vector<16xi32>, vector<16xi32>], vector<16xf32>,
        %add3A_848 = arith.constant 16 : i32
        %add3A_849 = vector.broadcast %add3A_848 : i32 to vector<16xi32>
        %add3A_850 = arith.addi %and3A_828, %add3A_849 : vector<16xi32>
        %add3A_851 = arith.constant 16 : i32
        %add3A_852 = vector.broadcast %add3A_851 : i32 to vector<16xi32>
        %add3A_853 = arith.addi %add3A_829, %add3A_852 : vector<16xi32>
        %gather3A_854 = arith.constant 0 : i32
        %gather3A_855 = arith.constant 0 : i32
        %gather3A_856 = tpu.memref_slice %arg7[%scan3A_304, %gather3A_854, %gather3A_855] : memref<2x128x128xf32, #tpu.memory_space<vmem>> -> memref<1x128x128xf32, #tpu.memory_space<vmem>>
        %gather3A_857 = tpu.memref_squeeze %gather3A_856 : memref<1x128x128xf32, #tpu.memory_space<vmem>> -> memref<128x128xf32, #tpu.memory_space<vmem>>
        %gather3A_858 = tpu.vector_load_idx %gather3A_857[%add3A_341, %add3A_853] : memref<128x128xf32, #tpu.memory_space<vmem>>[vector<16xi32>, vector<16xi32>], vector<16xf32>,
        %mul3A_859 = arith.constant 8.000000e+00 : f32
        %mul3A_860 = vector.broadcast %mul3A_859 : f32 to vector<16xf32>
        %mul3A_861 = arith.mulf %gather3A_858, %mul3A_860 : vector<16xf32>
        %scatter3A_862 = arith.constant 0 : i32
        %scatter3A_863 = arith.constant 0 : i32
        %scatter3A_864 = tpu.memref_slice %arg8[%scan3A_305, %scatter3A_862, %scatter3A_863] : memref<2x64x130xf32, #tpu.memory_space<vmem>> -> memref<1x64x130xf32, #tpu.memory_space<vmem>>
        %scatter3A_865 = tpu.memref_squeeze %scatter3A_864 : memref<1x64x130xf32, #tpu.memory_space<vmem>> -> memref<64x130xf32, #tpu.memory_space<vmem>>
        tpu.vector_store_idx %scatter3A_865[%add3A_850, %add3A_341], %mul3A_861 : memref<64x130xf32, #tpu.memory_space<vmem>>[vector<16xi32>, vector<16xi32>], vector<16xf32>,
        %add3A_866 = arith.constant 32 : i32
        %add3A_867 = vector.broadcast %add3A_866 : i32 to vector<16xi32>
        %add3A_868 = arith.addi %and3A_828, %add3A_867 : vector<16xi32>
        %add3A_869 = arith.constant 32 : i32
        %add3A_870 = vector.broadcast %add3A_869 : i32 to vector<16xi32>
        %add3A_871 = arith.addi %add3A_829, %add3A_870 : vector<16xi32>
        %gather3A_872 = arith.constant 0 : i32
        %gather3A_873 = arith.constant 0 : i32
        %gather3A_874 = tpu.memref_slice %arg7[%scan3A_304, %gather3A_872, %gather3A_873] : memref<2x128x128xf32, #tpu.memory_space<vmem>> -> memref<1x128x128xf32, #tpu.memory_space<vmem>>
        %gather3A_875 = tpu.memref_squeeze %gather3A_874 : memref<1x128x128xf32, #tpu.memory_space<vmem>> -> memref<128x128xf32, #tpu.memory_space<vmem>>
        %gather3A_876 = tpu.vector_load_idx %gather3A_875[%add3A_341, %add3A_871] : memref<128x128xf32, #tpu.memory_space<vmem>>[vector<16xi32>, vector<16xi32>], vector<16xf32>,
        %mul3A_877 = arith.constant 8.000000e+00 : f32
        %mul3A_878 = vector.broadcast %mul3A_877 : f32 to vector<16xf32>
        %mul3A_879 = arith.mulf %gather3A_876, %mul3A_878 : vector<16xf32>
        %scatter3A_880 = arith.constant 0 : i32
        %scatter3A_881 = arith.constant 0 : i32
        %scatter3A_882 = tpu.memref_slice %arg8[%scan3A_305, %scatter3A_880, %scatter3A_881] : memref<2x64x130xf32, #tpu.memory_space<vmem>> -> memref<1x64x130xf32, #tpu.memory_space<vmem>>
        %scatter3A_883 = tpu.memref_squeeze %scatter3A_882 : memref<1x64x130xf32, #tpu.memory_space<vmem>> -> memref<64x130xf32, #tpu.memory_space<vmem>>
        tpu.vector_store_idx %scatter3A_883[%add3A_868, %add3A_341], %mul3A_879 : memref<64x130xf32, #tpu.memory_space<vmem>>[vector<16xi32>, vector<16xi32>], vector<16xf32>,
        %add3A_884 = arith.constant 48 : i32
        %add3A_885 = vector.broadcast %add3A_884 : i32 to vector<16xi32>
        %add3A_886 = arith.addi %and3A_828, %add3A_885 : vector<16xi32>
        %add3A_887 = arith.constant 48 : i32
        %add3A_888 = vector.broadcast %add3A_887 : i32 to vector<16xi32>
        %add3A_889 = arith.addi %add3A_829, %add3A_888 : vector<16xi32>
        %gather3A_890 = arith.constant 0 : i32
        %gather3A_891 = arith.constant 0 : i32
        %gather3A_892 = tpu.memref_slice %arg7[%scan3A_304, %gather3A_890, %gather3A_891] : memref<2x128x128xf32, #tpu.memory_space<vmem>> -> memref<1x128x128xf32, #tpu.memory_space<vmem>>
        %gather3A_893 = tpu.memref_squeeze %gather3A_892 : memref<1x128x128xf32, #tpu.memory_space<vmem>> -> memref<128x128xf32, #tpu.memory_space<vmem>>
        %gather3A_894 = tpu.vector_load_idx %gather3A_893[%add3A_341, %add3A_889] : memref<128x128xf32, #tpu.memory_space<vmem>>[vector<16xi32>, vector<16xi32>], vector<16xf32>,
        %mul3A_895 = arith.constant 8.000000e+00 : f32
        %mul3A_896 = vector.broadcast %mul3A_895 : f32 to vector<16xf32>
        %mul3A_897 = arith.mulf %gather3A_894, %mul3A_896 : vector<16xf32>
        %scatter3A_898 = arith.constant 0 : i32
        %scatter3A_899 = arith.constant 0 : i32
        %scatter3A_900 = tpu.memref_slice %arg8[%scan3A_305, %scatter3A_898, %scatter3A_899] : memref<2x64x130xf32, #tpu.memory_space<vmem>> -> memref<1x64x130xf32, #tpu.memory_space<vmem>>
        %scatter3A_901 = tpu.memref_squeeze %scatter3A_900 : memref<1x64x130xf32, #tpu.memory_space<vmem>> -> memref<64x130xf32, #tpu.memory_space<vmem>>
        tpu.vector_store_idx %scatter3A_901[%add3A_886, %add3A_341], %mul3A_897 : memref<64x130xf32, #tpu.memory_space<vmem>>[vector<16xi32>, vector<16xi32>], vector<16xf32>,
        %add3A_902 = arith.constant 7 : i32
        %add3A_903 = vector.broadcast %add3A_902 : i32 to vector<16xi32>
        %add3A_904 = arith.addi %iota3A, %add3A_903 : vector<16xi32>
        %and3A_905 = arith.constant 15 : i32
        %and3A_906 = vector.broadcast %and3A_905 : i32 to vector<16xi32>
        %and3A_907 = arith.andi %add3A_904, %and3A_906 : vector<16xi32>
        %add3A_908 = arith.addi %shift_left3A_350, %and3A_907 : vector<16xi32>
        %add3A_909 = arith.constant 0 : i32
        %add3A_910 = vector.broadcast %add3A_909 : i32 to vector<16xi32>
        %add3A_911 = arith.addi %and3A_907, %add3A_910 : vector<16xi32>
        %add3A_912 = arith.constant 0 : i32
        %add3A_913 = vector.broadcast %add3A_912 : i32 to vector<16xi32>
        %add3A_914 = arith.addi %add3A_908, %add3A_913 : vector<16xi32>
        %gather3A_915 = arith.constant 0 : i32
        %gather3A_916 = arith.constant 0 : i32
        %gather3A_917 = tpu.memref_slice %arg7[%scan3A_304, %gather3A_915, %gather3A_916] : memref<2x128x128xf32, #tpu.memory_space<vmem>> -> memref<1x128x128xf32, #tpu.memory_space<vmem>>
        %gather3A_918 = tpu.memref_squeeze %gather3A_917 : memref<1x128x128xf32, #tpu.memory_space<vmem>> -> memref<128x128xf32, #tpu.memory_space<vmem>>
        %gather3A_919 = tpu.vector_load_idx %gather3A_918[%add3A_341, %add3A_914] : memref<128x128xf32, #tpu.memory_space<vmem>>[vector<16xi32>, vector<16xi32>], vector<16xf32>,
        %mul3A_920 = arith.constant 8.000000e+00 : f32
        %mul3A_921 = vector.broadcast %mul3A_920 : f32 to vector<16xf32>
        %mul3A_922 = arith.mulf %gather3A_919, %mul3A_921 : vector<16xf32>
        %scatter3A_923 = arith.constant 0 : i32
        %scatter3A_924 = arith.constant 0 : i32
        %scatter3A_925 = tpu.memref_slice %arg8[%scan3A_305, %scatter3A_923, %scatter3A_924] : memref<2x64x130xf32, #tpu.memory_space<vmem>> -> memref<1x64x130xf32, #tpu.memory_space<vmem>>
        %scatter3A_926 = tpu.memref_squeeze %scatter3A_925 : memref<1x64x130xf32, #tpu.memory_space<vmem>> -> memref<64x130xf32, #tpu.memory_space<vmem>>
        tpu.vector_store_idx %scatter3A_926[%add3A_911, %add3A_341], %mul3A_922 : memref<64x130xf32, #tpu.memory_space<vmem>>[vector<16xi32>, vector<16xi32>], vector<16xf32>,
        %add3A_927 = arith.constant 16 : i32
        %add3A_928 = vector.broadcast %add3A_927 : i32 to vector<16xi32>
        %add3A_929 = arith.addi %and3A_907, %add3A_928 : vector<16xi32>
        %add3A_930 = arith.constant 16 : i32
        %add3A_931 = vector.broadcast %add3A_930 : i32 to vector<16xi32>
        %add3A_932 = arith.addi %add3A_908, %add3A_931 : vector<16xi32>
        %gather3A_933 = arith.constant 0 : i32
        %gather3A_934 = arith.constant 0 : i32
        %gather3A_935 = tpu.memref_slice %arg7[%scan3A_304, %gather3A_933, %gather3A_934] : memref<2x128x128xf32, #tpu.memory_space<vmem>> -> memref<1x128x128xf32, #tpu.memory_space<vmem>>
        %gather3A_936 = tpu.memref_squeeze %gather3A_935 : memref<1x128x128xf32, #tpu.memory_space<vmem>> -> memref<128x128xf32, #tpu.memory_space<vmem>>
        %gather3A_937 = tpu.vector_load_idx %gather3A_936[%add3A_341, %add3A_932] : memref<128x128xf32, #tpu.memory_space<vmem>>[vector<16xi32>, vector<16xi32>], vector<16xf32>,
        %mul3A_938 = arith.constant 8.000000e+00 : f32
        %mul3A_939 = vector.broadcast %mul3A_938 : f32 to vector<16xf32>
        %mul3A_940 = arith.mulf %gather3A_937, %mul3A_939 : vector<16xf32>
        %scatter3A_941 = arith.constant 0 : i32
        %scatter3A_942 = arith.constant 0 : i32
        %scatter3A_943 = tpu.memref_slice %arg8[%scan3A_305, %scatter3A_941, %scatter3A_942] : memref<2x64x130xf32, #tpu.memory_space<vmem>> -> memref<1x64x130xf32, #tpu.memory_space<vmem>>
        %scatter3A_944 = tpu.memref_squeeze %scatter3A_943 : memref<1x64x130xf32, #tpu.memory_space<vmem>> -> memref<64x130xf32, #tpu.memory_space<vmem>>
        tpu.vector_store_idx %scatter3A_944[%add3A_929, %add3A_341], %mul3A_940 : memref<64x130xf32, #tpu.memory_space<vmem>>[vector<16xi32>, vector<16xi32>], vector<16xf32>,
        %add3A_945 = arith.constant 32 : i32
        %add3A_946 = vector.broadcast %add3A_945 : i32 to vector<16xi32>
        %add3A_947 = arith.addi %and3A_907, %add3A_946 : vector<16xi32>
        %add3A_948 = arith.constant 32 : i32
        %add3A_949 = vector.broadcast %add3A_948 : i32 to vector<16xi32>
        %add3A_950 = arith.addi %add3A_908, %add3A_949 : vector<16xi32>
        %gather3A_951 = arith.constant 0 : i32
        %gather3A_952 = arith.constant 0 : i32
        %gather3A_953 = tpu.memref_slice %arg7[%scan3A_304, %gather3A_951, %gather3A_952] : memref<2x128x128xf32, #tpu.memory_space<vmem>> -> memref<1x128x128xf32, #tpu.memory_space<vmem>>
        %gather3A_954 = tpu.memref_squeeze %gather3A_953 : memref<1x128x128xf32, #tpu.memory_space<vmem>> -> memref<128x128xf32, #tpu.memory_space<vmem>>
        %gather3A_955 = tpu.vector_load_idx %gather3A_954[%add3A_341, %add3A_950] : memref<128x128xf32, #tpu.memory_space<vmem>>[vector<16xi32>, vector<16xi32>], vector<16xf32>,
        %mul3A_956 = arith.constant 8.000000e+00 : f32
        %mul3A_957 = vector.broadcast %mul3A_956 : f32 to vector<16xf32>
        %mul3A_958 = arith.mulf %gather3A_955, %mul3A_957 : vector<16xf32>
        %scatter3A_959 = arith.constant 0 : i32
        %scatter3A_960 = arith.constant 0 : i32
        %scatter3A_961 = tpu.memref_slice %arg8[%scan3A_305, %scatter3A_959, %scatter3A_960] : memref<2x64x130xf32, #tpu.memory_space<vmem>> -> memref<1x64x130xf32, #tpu.memory_space<vmem>>
        %scatter3A_962 = tpu.memref_squeeze %scatter3A_961 : memref<1x64x130xf32, #tpu.memory_space<vmem>> -> memref<64x130xf32, #tpu.memory_space<vmem>>
        tpu.vector_store_idx %scatter3A_962[%add3A_947, %add3A_341], %mul3A_958 : memref<64x130xf32, #tpu.memory_space<vmem>>[vector<16xi32>, vector<16xi32>], vector<16xf32>,
        %add3A_963 = arith.constant 48 : i32
        %add3A_964 = vector.broadcast %add3A_963 : i32 to vector<16xi32>
        %add3A_965 = arith.addi %and3A_907, %add3A_964 : vector<16xi32>
        %add3A_966 = arith.constant 48 : i32
        %add3A_967 = vector.broadcast %add3A_966 : i32 to vector<16xi32>
        %add3A_968 = arith.addi %add3A_908, %add3A_967 : vector<16xi32>
        %gather3A_969 = arith.constant 0 : i32
        %gather3A_970 = arith.constant 0 : i32
        %gather3A_971 = tpu.memref_slice %arg7[%scan3A_304, %gather3A_969, %gather3A_970] : memref<2x128x128xf32, #tpu.memory_space<vmem>> -> memref<1x128x128xf32, #tpu.memory_space<vmem>>
        %gather3A_972 = tpu.memref_squeeze %gather3A_971 : memref<1x128x128xf32, #tpu.memory_space<vmem>> -> memref<128x128xf32, #tpu.memory_space<vmem>>
        %gather3A_973 = tpu.vector_load_idx %gather3A_972[%add3A_341, %add3A_968] : memref<128x128xf32, #tpu.memory_space<vmem>>[vector<16xi32>, vector<16xi32>], vector<16xf32>,
        %mul3A_974 = arith.constant 8.000000e+00 : f32
        %mul3A_975 = vector.broadcast %mul3A_974 : f32 to vector<16xf32>
        %mul3A_976 = arith.mulf %gather3A_973, %mul3A_975 : vector<16xf32>
        %scatter3A_977 = arith.constant 0 : i32
        %scatter3A_978 = arith.constant 0 : i32
        %scatter3A_979 = tpu.memref_slice %arg8[%scan3A_305, %scatter3A_977, %scatter3A_978] : memref<2x64x130xf32, #tpu.memory_space<vmem>> -> memref<1x64x130xf32, #tpu.memory_space<vmem>>
        %scatter3A_980 = tpu.memref_squeeze %scatter3A_979 : memref<1x64x130xf32, #tpu.memory_space<vmem>> -> memref<64x130xf32, #tpu.memory_space<vmem>>
        tpu.vector_store_idx %scatter3A_980[%add3A_965, %add3A_341], %mul3A_976 : memref<64x130xf32, #tpu.memory_space<vmem>>[vector<16xi32>, vector<16xi32>], vector<16xf32>,
        %add3A_981 = arith.constant 8 : i32
        %add3A_982 = vector.broadcast %add3A_981 : i32 to vector<16xi32>
        %add3A_983 = arith.addi %iota3A, %add3A_982 : vector<16xi32>
        %and3A_984 = arith.constant 15 : i32
        %and3A_985 = vector.broadcast %and3A_984 : i32 to vector<16xi32>
        %and3A_986 = arith.andi %add3A_983, %and3A_985 : vector<16xi32>
        %add3A_987 = arith.addi %shift_left3A_350, %and3A_986 : vector<16xi32>
        %add3A_988 = arith.constant 0 : i32
        %add3A_989 = vector.broadcast %add3A_988 : i32 to vector<16xi32>
        %add3A_990 = arith.addi %and3A_986, %add3A_989 : vector<16xi32>
        %add3A_991 = arith.constant 0 : i32
        %add3A_992 = vector.broadcast %add3A_991 : i32 to vector<16xi32>
        %add3A_993 = arith.addi %add3A_987, %add3A_992 : vector<16xi32>
        %gather3A_994 = arith.constant 0 : i32
        %gather3A_995 = arith.constant 0 : i32
        %gather3A_996 = tpu.memref_slice %arg7[%scan3A_304, %gather3A_994, %gather3A_995] : memref<2x128x128xf32, #tpu.memory_space<vmem>> -> memref<1x128x128xf32, #tpu.memory_space<vmem>>
        %gather3A_997 = tpu.memref_squeeze %gather3A_996 : memref<1x128x128xf32, #tpu.memory_space<vmem>> -> memref<128x128xf32, #tpu.memory_space<vmem>>
        %gather3A_998 = tpu.vector_load_idx %gather3A_997[%add3A_341, %add3A_993] : memref<128x128xf32, #tpu.memory_space<vmem>>[vector<16xi32>, vector<16xi32>], vector<16xf32>,
        %mul3A_999 = arith.constant 8.000000e+00 : f32
        %mul3A_1000 = vector.broadcast %mul3A_999 : f32 to vector<16xf32>
        %mul3A_1001 = arith.mulf %gather3A_998, %mul3A_1000 : vector<16xf32>
        %scatter3A_1002 = arith.constant 0 : i32
        %scatter3A_1003 = arith.constant 0 : i32
        %scatter3A_1004 = tpu.memref_slice %arg8[%scan3A_305, %scatter3A_1002, %scatter3A_1003] : memref<2x64x130xf32, #tpu.memory_space<vmem>> -> memref<1x64x130xf32, #tpu.memory_space<vmem>>
        %scatter3A_1005 = tpu.memref_squeeze %scatter3A_1004 : memref<1x64x130xf32, #tpu.memory_space<vmem>> -> memref<64x130xf32, #tpu.memory_space<vmem>>
        tpu.vector_store_idx %scatter3A_1005[%add3A_990, %add3A_341], %mul3A_1001 : memref<64x130xf32, #tpu.memory_space<vmem>>[vector<16xi32>, vector<16xi32>], vector<16xf32>,
        %add3A_1006 = arith.constant 16 : i32
        %add3A_1007 = vector.broadcast %add3A_1006 : i32 to vector<16xi32>
        %add3A_1008 = arith.addi %and3A_986, %add3A_1007 : vector<16xi32>
        %add3A_1009 = arith.constant 16 : i32
        %add3A_1010 = vector.broadcast %add3A_1009 : i32 to vector<16xi32>
        %add3A_1011 = arith.addi %add3A_987, %add3A_1010 : vector<16xi32>
        %gather3A_1012 = arith.constant 0 : i32
        %gather3A_1013 = arith.constant 0 : i32
        %gather3A_1014 = tpu.memref_slice %arg7[%scan3A_304, %gather3A_1012, %gather3A_1013] : memref<2x128x128xf32, #tpu.memory_space<vmem>> -> memref<1x128x128xf32, #tpu.memory_space<vmem>>
        %gather3A_1015 = tpu.memref_squeeze %gather3A_1014 : memref<1x128x128xf32, #tpu.memory_space<vmem>> -> memref<128x128xf32, #tpu.memory_space<vmem>>
        %gather3A_1016 = tpu.vector_load_idx %gather3A_1015[%add3A_341, %add3A_1011] : memref<128x128xf32, #tpu.memory_space<vmem>>[vector<16xi32>, vector<16xi32>], vector<16xf32>,
        %mul3A_1017 = arith.constant 8.000000e+00 : f32
        %mul3A_1018 = vector.broadcast %mul3A_1017 : f32 to vector<16xf32>
        %mul3A_1019 = arith.mulf %gather3A_1016, %mul3A_1018 : vector<16xf32>
        %scatter3A_1020 = arith.constant 0 : i32
        %scatter3A_1021 = arith.constant 0 : i32
        %scatter3A_1022 = tpu.memref_slice %arg8[%scan3A_305, %scatter3A_1020, %scatter3A_1021] : memref<2x64x130xf32, #tpu.memory_space<vmem>> -> memref<1x64x130xf32, #tpu.memory_space<vmem>>
        %scatter3A_1023 = tpu.memref_squeeze %scatter3A_1022 : memref<1x64x130xf32, #tpu.memory_space<vmem>> -> memref<64x130xf32, #tpu.memory_space<vmem>>
        tpu.vector_store_idx %scatter3A_1023[%add3A_1008, %add3A_341], %mul3A_1019 : memref<64x130xf32, #tpu.memory_space<vmem>>[vector<16xi32>, vector<16xi32>], vector<16xf32>,
        %add3A_1024 = arith.constant 32 : i32
        %add3A_1025 = vector.broadcast %add3A_1024 : i32 to vector<16xi32>
        %add3A_1026 = arith.addi %and3A_986, %add3A_1025 : vector<16xi32>
        %add3A_1027 = arith.constant 32 : i32
        %add3A_1028 = vector.broadcast %add3A_1027 : i32 to vector<16xi32>
        %add3A_1029 = arith.addi %add3A_987, %add3A_1028 : vector<16xi32>
        %gather3A_1030 = arith.constant 0 : i32
        %gather3A_1031 = arith.constant 0 : i32
        %gather3A_1032 = tpu.memref_slice %arg7[%scan3A_304, %gather3A_1030, %gather3A_1031] : memref<2x128x128xf32, #tpu.memory_space<vmem>> -> memref<1x128x128xf32, #tpu.memory_space<vmem>>
        %gather3A_1033 = tpu.memref_squeeze %gather3A_1032 : memref<1x128x128xf32, #tpu.memory_space<vmem>> -> memref<128x128xf32, #tpu.memory_space<vmem>>
        %gather3A_1034 = tpu.vector_load_idx %gather3A_1033[%add3A_341, %add3A_1029] : memref<128x128xf32, #tpu.memory_space<vmem>>[vector<16xi32>, vector<16xi32>], vector<16xf32>,
        %mul3A_1035 = arith.constant 8.000000e+00 : f32
        %mul3A_1036 = vector.broadcast %mul3A_1035 : f32 to vector<16xf32>
        %mul3A_1037 = arith.mulf %gather3A_1034, %mul3A_1036 : vector<16xf32>
        %scatter3A_1038 = arith.constant 0 : i32
        %scatter3A_1039 = arith.constant 0 : i32
        %scatter3A_1040 = tpu.memref_slice %arg8[%scan3A_305, %scatter3A_1038, %scatter3A_1039] : memref<2x64x130xf32, #tpu.memory_space<vmem>> -> memref<1x64x130xf32, #tpu.memory_space<vmem>>
        %scatter3A_1041 = tpu.memref_squeeze %scatter3A_1040 : memref<1x64x130xf32, #tpu.memory_space<vmem>> -> memref<64x130xf32, #tpu.memory_space<vmem>>
        tpu.vector_store_idx %scatter3A_1041[%add3A_1026, %add3A_341], %mul3A_1037 : memref<64x130xf32, #tpu.memory_space<vmem>>[vector<16xi32>, vector<16xi32>], vector<16xf32>,
        %add3A_1042 = arith.constant 48 : i32
        %add3A_1043 = vector.broadcast %add3A_1042 : i32 to vector<16xi32>
        %add3A_1044 = arith.addi %and3A_986, %add3A_1043 : vector<16xi32>
        %add3A_1045 = arith.constant 48 : i32
        %add3A_1046 = vector.broadcast %add3A_1045 : i32 to vector<16xi32>
        %add3A_1047 = arith.addi %add3A_987, %add3A_1046 : vector<16xi32>
        %gather3A_1048 = arith.constant 0 : i32
        %gather3A_1049 = arith.constant 0 : i32
        %gather3A_1050 = tpu.memref_slice %arg7[%scan3A_304, %gather3A_1048, %gather3A_1049] : memref<2x128x128xf32, #tpu.memory_space<vmem>> -> memref<1x128x128xf32, #tpu.memory_space<vmem>>
        %gather3A_1051 = tpu.memref_squeeze %gather3A_1050 : memref<1x128x128xf32, #tpu.memory_space<vmem>> -> memref<128x128xf32, #tpu.memory_space<vmem>>
        %gather3A_1052 = tpu.vector_load_idx %gather3A_1051[%add3A_341, %add3A_1047] : memref<128x128xf32, #tpu.memory_space<vmem>>[vector<16xi32>, vector<16xi32>], vector<16xf32>,
        %mul3A_1053 = arith.constant 8.000000e+00 : f32
        %mul3A_1054 = vector.broadcast %mul3A_1053 : f32 to vector<16xf32>
        %mul3A_1055 = arith.mulf %gather3A_1052, %mul3A_1054 : vector<16xf32>
        %scatter3A_1056 = arith.constant 0 : i32
        %scatter3A_1057 = arith.constant 0 : i32
        %scatter3A_1058 = tpu.memref_slice %arg8[%scan3A_305, %scatter3A_1056, %scatter3A_1057] : memref<2x64x130xf32, #tpu.memory_space<vmem>> -> memref<1x64x130xf32, #tpu.memory_space<vmem>>
        %scatter3A_1059 = tpu.memref_squeeze %scatter3A_1058 : memref<1x64x130xf32, #tpu.memory_space<vmem>> -> memref<64x130xf32, #tpu.memory_space<vmem>>
        tpu.vector_store_idx %scatter3A_1059[%add3A_1044, %add3A_341], %mul3A_1055 : memref<64x130xf32, #tpu.memory_space<vmem>>[vector<16xi32>, vector<16xi32>], vector<16xf32>,
        %add3A_1060 = arith.constant 9 : i32
        %add3A_1061 = vector.broadcast %add3A_1060 : i32 to vector<16xi32>
        %add3A_1062 = arith.addi %iota3A, %add3A_1061 : vector<16xi32>
        %and3A_1063 = arith.constant 15 : i32
        %and3A_1064 = vector.broadcast %and3A_1063 : i32 to vector<16xi32>
        %and3A_1065 = arith.andi %add3A_1062, %and3A_1064 : vector<16xi32>
        %add3A_1066 = arith.addi %shift_left3A_350, %and3A_1065 : vector<16xi32>
        %add3A_1067 = arith.constant 0 : i32
        %add3A_1068 = vector.broadcast %add3A_1067 : i32 to vector<16xi32>
        %add3A_1069 = arith.addi %and3A_1065, %add3A_1068 : vector<16xi32>
        %add3A_1070 = arith.constant 0 : i32
        %add3A_1071 = vector.broadcast %add3A_1070 : i32 to vector<16xi32>
        %add3A_1072 = arith.addi %add3A_1066, %add3A_1071 : vector<16xi32>
        %gather3A_1073 = arith.constant 0 : i32
        %gather3A_1074 = arith.constant 0 : i32
        %gather3A_1075 = tpu.memref_slice %arg7[%scan3A_304, %gather3A_1073, %gather3A_1074] : memref<2x128x128xf32, #tpu.memory_space<vmem>> -> memref<1x128x128xf32, #tpu.memory_space<vmem>>
        %gather3A_1076 = tpu.memref_squeeze %gather3A_1075 : memref<1x128x128xf32, #tpu.memory_space<vmem>> -> memref<128x128xf32, #tpu.memory_space<vmem>>
        %gather3A_1077 = tpu.vector_load_idx %gather3A_1076[%add3A_341, %add3A_1072] : memref<128x128xf32, #tpu.memory_space<vmem>>[vector<16xi32>, vector<16xi32>], vector<16xf32>,
        %mul3A_1078 = arith.constant 8.000000e+00 : f32
        %mul3A_1079 = vector.broadcast %mul3A_1078 : f32 to vector<16xf32>
        %mul3A_1080 = arith.mulf %gather3A_1077, %mul3A_1079 : vector<16xf32>
        %scatter3A_1081 = arith.constant 0 : i32
        %scatter3A_1082 = arith.constant 0 : i32
        %scatter3A_1083 = tpu.memref_slice %arg8[%scan3A_305, %scatter3A_1081, %scatter3A_1082] : memref<2x64x130xf32, #tpu.memory_space<vmem>> -> memref<1x64x130xf32, #tpu.memory_space<vmem>>
        %scatter3A_1084 = tpu.memref_squeeze %scatter3A_1083 : memref<1x64x130xf32, #tpu.memory_space<vmem>> -> memref<64x130xf32, #tpu.memory_space<vmem>>
        tpu.vector_store_idx %scatter3A_1084[%add3A_1069, %add3A_341], %mul3A_1080 : memref<64x130xf32, #tpu.memory_space<vmem>>[vector<16xi32>, vector<16xi32>], vector<16xf32>,
        %add3A_1085 = arith.constant 16 : i32
        %add3A_1086 = vector.broadcast %add3A_1085 : i32 to vector<16xi32>
        %add3A_1087 = arith.addi %and3A_1065, %add3A_1086 : vector<16xi32>
        %add3A_1088 = arith.constant 16 : i32
        %add3A_1089 = vector.broadcast %add3A_1088 : i32 to vector<16xi32>
        %add3A_1090 = arith.addi %add3A_1066, %add3A_1089 : vector<16xi32>
        %gather3A_1091 = arith.constant 0 : i32
        %gather3A_1092 = arith.constant 0 : i32
        %gather3A_1093 = tpu.memref_slice %arg7[%scan3A_304, %gather3A_1091, %gather3A_1092] : memref<2x128x128xf32, #tpu.memory_space<vmem>> -> memref<1x128x128xf32, #tpu.memory_space<vmem>>
        %gather3A_1094 = tpu.memref_squeeze %gather3A_1093 : memref<1x128x128xf32, #tpu.memory_space<vmem>> -> memref<128x128xf32, #tpu.memory_space<vmem>>
        %gather3A_1095 = tpu.vector_load_idx %gather3A_1094[%add3A_341, %add3A_1090] : memref<128x128xf32, #tpu.memory_space<vmem>>[vector<16xi32>, vector<16xi32>], vector<16xf32>,
        %mul3A_1096 = arith.constant 8.000000e+00 : f32
        %mul3A_1097 = vector.broadcast %mul3A_1096 : f32 to vector<16xf32>
        %mul3A_1098 = arith.mulf %gather3A_1095, %mul3A_1097 : vector<16xf32>
        %scatter3A_1099 = arith.constant 0 : i32
        %scatter3A_1100 = arith.constant 0 : i32
        %scatter3A_1101 = tpu.memref_slice %arg8[%scan3A_305, %scatter3A_1099, %scatter3A_1100] : memref<2x64x130xf32, #tpu.memory_space<vmem>> -> memref<1x64x130xf32, #tpu.memory_space<vmem>>
        %scatter3A_1102 = tpu.memref_squeeze %scatter3A_1101 : memref<1x64x130xf32, #tpu.memory_space<vmem>> -> memref<64x130xf32, #tpu.memory_space<vmem>>
        tpu.vector_store_idx %scatter3A_1102[%add3A_1087, %add3A_341], %mul3A_1098 : memref<64x130xf32, #tpu.memory_space<vmem>>[vector<16xi32>, vector<16xi32>], vector<16xf32>,
        %add3A_1103 = arith.constant 32 : i32
        %add3A_1104 = vector.broadcast %add3A_1103 : i32 to vector<16xi32>
        %add3A_1105 = arith.addi %and3A_1065, %add3A_1104 : vector<16xi32>
        %add3A_1106 = arith.constant 32 : i32
        %add3A_1107 = vector.broadcast %add3A_1106 : i32 to vector<16xi32>
        %add3A_1108 = arith.addi %add3A_1066, %add3A_1107 : vector<16xi32>
        %gather3A_1109 = arith.constant 0 : i32
        %gather3A_1110 = arith.constant 0 : i32
        %gather3A_1111 = tpu.memref_slice %arg7[%scan3A_304, %gather3A_1109, %gather3A_1110] : memref<2x128x128xf32, #tpu.memory_space<vmem>> -> memref<1x128x128xf32, #tpu.memory_space<vmem>>
        %gather3A_1112 = tpu.memref_squeeze %gather3A_1111 : memref<1x128x128xf32, #tpu.memory_space<vmem>> -> memref<128x128xf32, #tpu.memory_space<vmem>>
        %gather3A_1113 = tpu.vector_load_idx %gather3A_1112[%add3A_341, %add3A_1108] : memref<128x128xf32, #tpu.memory_space<vmem>>[vector<16xi32>, vector<16xi32>], vector<16xf32>,
        %mul3A_1114 = arith.constant 8.000000e+00 : f32
        %mul3A_1115 = vector.broadcast %mul3A_1114 : f32 to vector<16xf32>
        %mul3A_1116 = arith.mulf %gather3A_1113, %mul3A_1115 : vector<16xf32>
        %scatter3A_1117 = arith.constant 0 : i32
        %scatter3A_1118 = arith.constant 0 : i32
        %scatter3A_1119 = tpu.memref_slice %arg8[%scan3A_305, %scatter3A_1117, %scatter3A_1118] : memref<2x64x130xf32, #tpu.memory_space<vmem>> -> memref<1x64x130xf32, #tpu.memory_space<vmem>>
        %scatter3A_1120 = tpu.memref_squeeze %scatter3A_1119 : memref<1x64x130xf32, #tpu.memory_space<vmem>> -> memref<64x130xf32, #tpu.memory_space<vmem>>
        tpu.vector_store_idx %scatter3A_1120[%add3A_1105, %add3A_341], %mul3A_1116 : memref<64x130xf32, #tpu.memory_space<vmem>>[vector<16xi32>, vector<16xi32>], vector<16xf32>,
        %add3A_1121 = arith.constant 48 : i32
        %add3A_1122 = vector.broadcast %add3A_1121 : i32 to vector<16xi32>
        %add3A_1123 = arith.addi %and3A_1065, %add3A_1122 : vector<16xi32>
        %add3A_1124 = arith.constant 48 : i32
        %add3A_1125 = vector.broadcast %add3A_1124 : i32 to vector<16xi32>
        %add3A_1126 = arith.addi %add3A_1066, %add3A_1125 : vector<16xi32>
        %gather3A_1127 = arith.constant 0 : i32
        %gather3A_1128 = arith.constant 0 : i32
        %gather3A_1129 = tpu.memref_slice %arg7[%scan3A_304, %gather3A_1127, %gather3A_1128] : memref<2x128x128xf32, #tpu.memory_space<vmem>> -> memref<1x128x128xf32, #tpu.memory_space<vmem>>
        %gather3A_1130 = tpu.memref_squeeze %gather3A_1129 : memref<1x128x128xf32, #tpu.memory_space<vmem>> -> memref<128x128xf32, #tpu.memory_space<vmem>>
        %gather3A_1131 = tpu.vector_load_idx %gather3A_1130[%add3A_341, %add3A_1126] : memref<128x128xf32, #tpu.memory_space<vmem>>[vector<16xi32>, vector<16xi32>], vector<16xf32>,
        %mul3A_1132 = arith.constant 8.000000e+00 : f32
        %mul3A_1133 = vector.broadcast %mul3A_1132 : f32 to vector<16xf32>
        %mul3A_1134 = arith.mulf %gather3A_1131, %mul3A_1133 : vector<16xf32>
        %scatter3A_1135 = arith.constant 0 : i32
        %scatter3A_1136 = arith.constant 0 : i32
        %scatter3A_1137 = tpu.memref_slice %arg8[%scan3A_305, %scatter3A_1135, %scatter3A_1136] : memref<2x64x130xf32, #tpu.memory_space<vmem>> -> memref<1x64x130xf32, #tpu.memory_space<vmem>>
        %scatter3A_1138 = tpu.memref_squeeze %scatter3A_1137 : memref<1x64x130xf32, #tpu.memory_space<vmem>> -> memref<64x130xf32, #tpu.memory_space<vmem>>
        tpu.vector_store_idx %scatter3A_1138[%add3A_1123, %add3A_341], %mul3A_1134 : memref<64x130xf32, #tpu.memory_space<vmem>>[vector<16xi32>, vector<16xi32>], vector<16xf32>,
        %add3A_1139 = arith.constant 10 : i32
        %add3A_1140 = vector.broadcast %add3A_1139 : i32 to vector<16xi32>
        %add3A_1141 = arith.addi %iota3A, %add3A_1140 : vector<16xi32>
        %and3A_1142 = arith.constant 15 : i32
        %and3A_1143 = vector.broadcast %and3A_1142 : i32 to vector<16xi32>
        %and3A_1144 = arith.andi %add3A_1141, %and3A_1143 : vector<16xi32>
        %add3A_1145 = arith.addi %shift_left3A_350, %and3A_1144 : vector<16xi32>
        %add3A_1146 = arith.constant 0 : i32
        %add3A_1147 = vector.broadcast %add3A_1146 : i32 to vector<16xi32>
        %add3A_1148 = arith.addi %and3A_1144, %add3A_1147 : vector<16xi32>
        %add3A_1149 = arith.constant 0 : i32
        %add3A_1150 = vector.broadcast %add3A_1149 : i32 to vector<16xi32>
        %add3A_1151 = arith.addi %add3A_1145, %add3A_1150 : vector<16xi32>
        %gather3A_1152 = arith.constant 0 : i32
        %gather3A_1153 = arith.constant 0 : i32
        %gather3A_1154 = tpu.memref_slice %arg7[%scan3A_304, %gather3A_1152, %gather3A_1153] : memref<2x128x128xf32, #tpu.memory_space<vmem>> -> memref<1x128x128xf32, #tpu.memory_space<vmem>>
        %gather3A_1155 = tpu.memref_squeeze %gather3A_1154 : memref<1x128x128xf32, #tpu.memory_space<vmem>> -> memref<128x128xf32, #tpu.memory_space<vmem>>
        %gather3A_1156 = tpu.vector_load_idx %gather3A_1155[%add3A_341, %add3A_1151] : memref<128x128xf32, #tpu.memory_space<vmem>>[vector<16xi32>, vector<16xi32>], vector<16xf32>,
        %mul3A_1157 = arith.constant 8.000000e+00 : f32
        %mul3A_1158 = vector.broadcast %mul3A_1157 : f32 to vector<16xf32>
        %mul3A_1159 = arith.mulf %gather3A_1156, %mul3A_1158 : vector<16xf32>
        %scatter3A_1160 = arith.constant 0 : i32
        %scatter3A_1161 = arith.constant 0 : i32
        %scatter3A_1162 = tpu.memref_slice %arg8[%scan3A_305, %scatter3A_1160, %scatter3A_1161] : memref<2x64x130xf32, #tpu.memory_space<vmem>> -> memref<1x64x130xf32, #tpu.memory_space<vmem>>
        %scatter3A_1163 = tpu.memref_squeeze %scatter3A_1162 : memref<1x64x130xf32, #tpu.memory_space<vmem>> -> memref<64x130xf32, #tpu.memory_space<vmem>>
        tpu.vector_store_idx %scatter3A_1163[%add3A_1148, %add3A_341], %mul3A_1159 : memref<64x130xf32, #tpu.memory_space<vmem>>[vector<16xi32>, vector<16xi32>], vector<16xf32>,
        %add3A_1164 = arith.constant 16 : i32
        %add3A_1165 = vector.broadcast %add3A_1164 : i32 to vector<16xi32>
        %add3A_1166 = arith.addi %and3A_1144, %add3A_1165 : vector<16xi32>
        %add3A_1167 = arith.constant 16 : i32
        %add3A_1168 = vector.broadcast %add3A_1167 : i32 to vector<16xi32>
        %add3A_1169 = arith.addi %add3A_1145, %add3A_1168 : vector<16xi32>
        %gather3A_1170 = arith.constant 0 : i32
        %gather3A_1171 = arith.constant 0 : i32
        %gather3A_1172 = tpu.memref_slice %arg7[%scan3A_304, %gather3A_1170, %gather3A_1171] : memref<2x128x128xf32, #tpu.memory_space<vmem>> -> memref<1x128x128xf32, #tpu.memory_space<vmem>>
        %gather3A_1173 = tpu.memref_squeeze %gather3A_1172 : memref<1x128x128xf32, #tpu.memory_space<vmem>> -> memref<128x128xf32, #tpu.memory_space<vmem>>
        %gather3A_1174 = tpu.vector_load_idx %gather3A_1173[%add3A_341, %add3A_1169] : memref<128x128xf32, #tpu.memory_space<vmem>>[vector<16xi32>, vector<16xi32>], vector<16xf32>,
        %mul3A_1175 = arith.constant 8.000000e+00 : f32
        %mul3A_1176 = vector.broadcast %mul3A_1175 : f32 to vector<16xf32>
        %mul3A_1177 = arith.mulf %gather3A_1174, %mul3A_1176 : vector<16xf32>
        %scatter3A_1178 = arith.constant 0 : i32
        %scatter3A_1179 = arith.constant 0 : i32
        %scatter3A_1180 = tpu.memref_slice %arg8[%scan3A_305, %scatter3A_1178, %scatter3A_1179] : memref<2x64x130xf32, #tpu.memory_space<vmem>> -> memref<1x64x130xf32, #tpu.memory_space<vmem>>
        %scatter3A_1181 = tpu.memref_squeeze %scatter3A_1180 : memref<1x64x130xf32, #tpu.memory_space<vmem>> -> memref<64x130xf32, #tpu.memory_space<vmem>>
        tpu.vector_store_idx %scatter3A_1181[%add3A_1166, %add3A_341], %mul3A_1177 : memref<64x130xf32, #tpu.memory_space<vmem>>[vector<16xi32>, vector<16xi32>], vector<16xf32>,
        %add3A_1182 = arith.constant 32 : i32
        %add3A_1183 = vector.broadcast %add3A_1182 : i32 to vector<16xi32>
        %add3A_1184 = arith.addi %and3A_1144, %add3A_1183 : vector<16xi32>
        %add3A_1185 = arith.constant 32 : i32
        %add3A_1186 = vector.broadcast %add3A_1185 : i32 to vector<16xi32>
        %add3A_1187 = arith.addi %add3A_1145, %add3A_1186 : vector<16xi32>
        %gather3A_1188 = arith.constant 0 : i32
        %gather3A_1189 = arith.constant 0 : i32
        %gather3A_1190 = tpu.memref_slice %arg7[%scan3A_304, %gather3A_1188, %gather3A_1189] : memref<2x128x128xf32, #tpu.memory_space<vmem>> -> memref<1x128x128xf32, #tpu.memory_space<vmem>>
        %gather3A_1191 = tpu.memref_squeeze %gather3A_1190 : memref<1x128x128xf32, #tpu.memory_space<vmem>> -> memref<128x128xf32, #tpu.memory_space<vmem>>
        %gather3A_1192 = tpu.vector_load_idx %gather3A_1191[%add3A_341, %add3A_1187] : memref<128x128xf32, #tpu.memory_space<vmem>>[vector<16xi32>, vector<16xi32>], vector<16xf32>,
        %mul3A_1193 = arith.constant 8.000000e+00 : f32
        %mul3A_1194 = vector.broadcast %mul3A_1193 : f32 to vector<16xf32>
        %mul3A_1195 = arith.mulf %gather3A_1192, %mul3A_1194 : vector<16xf32>
        %scatter3A_1196 = arith.constant 0 : i32
        %scatter3A_1197 = arith.constant 0 : i32
        %scatter3A_1198 = tpu.memref_slice %arg8[%scan3A_305, %scatter3A_1196, %scatter3A_1197] : memref<2x64x130xf32, #tpu.memory_space<vmem>> -> memref<1x64x130xf32, #tpu.memory_space<vmem>>
        %scatter3A_1199 = tpu.memref_squeeze %scatter3A_1198 : memref<1x64x130xf32, #tpu.memory_space<vmem>> -> memref<64x130xf32, #tpu.memory_space<vmem>>
        tpu.vector_store_idx %scatter3A_1199[%add3A_1184, %add3A_341], %mul3A_1195 : memref<64x130xf32, #tpu.memory_space<vmem>>[vector<16xi32>, vector<16xi32>], vector<16xf32>,
        %add3A_1200 = arith.constant 48 : i32
        %add3A_1201 = vector.broadcast %add3A_1200 : i32 to vector<16xi32>
        %add3A_1202 = arith.addi %and3A_1144, %add3A_1201 : vector<16xi32>
        %add3A_1203 = arith.constant 48 : i32
        %add3A_1204 = vector.broadcast %add3A_1203 : i32 to vector<16xi32>
        %add3A_1205 = arith.addi %add3A_1145, %add3A_1204 : vector<16xi32>
        %gather3A_1206 = arith.constant 0 : i32
        %gather3A_1207 = arith.constant 0 : i32
        %gather3A_1208 = tpu.memref_slice %arg7[%scan3A_304, %gather3A_1206, %gather3A_1207] : memref<2x128x128xf32, #tpu.memory_space<vmem>> -> memref<1x128x128xf32, #tpu.memory_space<vmem>>
        %gather3A_1209 = tpu.memref_squeeze %gather3A_1208 : memref<1x128x128xf32, #tpu.memory_space<vmem>> -> memref<128x128xf32, #tpu.memory_space<vmem>>
        %gather3A_1210 = tpu.vector_load_idx %gather3A_1209[%add3A_341, %add3A_1205] : memref<128x128xf32, #tpu.memory_space<vmem>>[vector<16xi32>, vector<16xi32>], vector<16xf32>,
        %mul3A_1211 = arith.constant 8.000000e+00 : f32
        %mul3A_1212 = vector.broadcast %mul3A_1211 : f32 to vector<16xf32>
        %mul3A_1213 = arith.mulf %gather3A_1210, %mul3A_1212 : vector<16xf32>
        %scatter3A_1214 = arith.constant 0 : i32
        %scatter3A_1215 = arith.constant 0 : i32
        %scatter3A_1216 = tpu.memref_slice %arg8[%scan3A_305, %scatter3A_1214, %scatter3A_1215] : memref<2x64x130xf32, #tpu.memory_space<vmem>> -> memref<1x64x130xf32, #tpu.memory_space<vmem>>
        %scatter3A_1217 = tpu.memref_squeeze %scatter3A_1216 : memref<1x64x130xf32, #tpu.memory_space<vmem>> -> memref<64x130xf32, #tpu.memory_space<vmem>>
        tpu.vector_store_idx %scatter3A_1217[%add3A_1202, %add3A_341], %mul3A_1213 : memref<64x130xf32, #tpu.memory_space<vmem>>[vector<16xi32>, vector<16xi32>], vector<16xf32>,
        %add3A_1218 = arith.constant 11 : i32
        %add3A_1219 = vector.broadcast %add3A_1218 : i32 to vector<16xi32>
        %add3A_1220 = arith.addi %iota3A, %add3A_1219 : vector<16xi32>
        %and3A_1221 = arith.constant 15 : i32
        %and3A_1222 = vector.broadcast %and3A_1221 : i32 to vector<16xi32>
        %and3A_1223 = arith.andi %add3A_1220, %and3A_1222 : vector<16xi32>
        %add3A_1224 = arith.addi %shift_left3A_350, %and3A_1223 : vector<16xi32>
        %add3A_1225 = arith.constant 0 : i32
        %add3A_1226 = vector.broadcast %add3A_1225 : i32 to vector<16xi32>
        %add3A_1227 = arith.addi %and3A_1223, %add3A_1226 : vector<16xi32>
        %add3A_1228 = arith.constant 0 : i32
        %add3A_1229 = vector.broadcast %add3A_1228 : i32 to vector<16xi32>
        %add3A_1230 = arith.addi %add3A_1224, %add3A_1229 : vector<16xi32>
        %gather3A_1231 = arith.constant 0 : i32
        %gather3A_1232 = arith.constant 0 : i32
        %gather3A_1233 = tpu.memref_slice %arg7[%scan3A_304, %gather3A_1231, %gather3A_1232] : memref<2x128x128xf32, #tpu.memory_space<vmem>> -> memref<1x128x128xf32, #tpu.memory_space<vmem>>
        %gather3A_1234 = tpu.memref_squeeze %gather3A_1233 : memref<1x128x128xf32, #tpu.memory_space<vmem>> -> memref<128x128xf32, #tpu.memory_space<vmem>>
        %gather3A_1235 = tpu.vector_load_idx %gather3A_1234[%add3A_341, %add3A_1230] : memref<128x128xf32, #tpu.memory_space<vmem>>[vector<16xi32>, vector<16xi32>], vector<16xf32>,
        %mul3A_1236 = arith.constant 8.000000e+00 : f32
        %mul3A_1237 = vector.broadcast %mul3A_1236 : f32 to vector<16xf32>
        %mul3A_1238 = arith.mulf %gather3A_1235, %mul3A_1237 : vector<16xf32>
        %scatter3A_1239 = arith.constant 0 : i32
        %scatter3A_1240 = arith.constant 0 : i32
        %scatter3A_1241 = tpu.memref_slice %arg8[%scan3A_305, %scatter3A_1239, %scatter3A_1240] : memref<2x64x130xf32, #tpu.memory_space<vmem>> -> memref<1x64x130xf32, #tpu.memory_space<vmem>>
        %scatter3A_1242 = tpu.memref_squeeze %scatter3A_1241 : memref<1x64x130xf32, #tpu.memory_space<vmem>> -> memref<64x130xf32, #tpu.memory_space<vmem>>
        tpu.vector_store_idx %scatter3A_1242[%add3A_1227, %add3A_341], %mul3A_1238 : memref<64x130xf32, #tpu.memory_space<vmem>>[vector<16xi32>, vector<16xi32>], vector<16xf32>,
        %add3A_1243 = arith.constant 16 : i32
        %add3A_1244 = vector.broadcast %add3A_1243 : i32 to vector<16xi32>
        %add3A_1245 = arith.addi %and3A_1223, %add3A_1244 : vector<16xi32>
        %add3A_1246 = arith.constant 16 : i32
        %add3A_1247 = vector.broadcast %add3A_1246 : i32 to vector<16xi32>
        %add3A_1248 = arith.addi %add3A_1224, %add3A_1247 : vector<16xi32>
        %gather3A_1249 = arith.constant 0 : i32
        %gather3A_1250 = arith.constant 0 : i32
        %gather3A_1251 = tpu.memref_slice %arg7[%scan3A_304, %gather3A_1249, %gather3A_1250] : memref<2x128x128xf32, #tpu.memory_space<vmem>> -> memref<1x128x128xf32, #tpu.memory_space<vmem>>
        %gather3A_1252 = tpu.memref_squeeze %gather3A_1251 : memref<1x128x128xf32, #tpu.memory_space<vmem>> -> memref<128x128xf32, #tpu.memory_space<vmem>>
        %gather3A_1253 = tpu.vector_load_idx %gather3A_1252[%add3A_341, %add3A_1248] : memref<128x128xf32, #tpu.memory_space<vmem>>[vector<16xi32>, vector<16xi32>], vector<16xf32>,
        %mul3A_1254 = arith.constant 8.000000e+00 : f32
        %mul3A_1255 = vector.broadcast %mul3A_1254 : f32 to vector<16xf32>
        %mul3A_1256 = arith.mulf %gather3A_1253, %mul3A_1255 : vector<16xf32>
        %scatter3A_1257 = arith.constant 0 : i32
        %scatter3A_1258 = arith.constant 0 : i32
        %scatter3A_1259 = tpu.memref_slice %arg8[%scan3A_305, %scatter3A_1257, %scatter3A_1258] : memref<2x64x130xf32, #tpu.memory_space<vmem>> -> memref<1x64x130xf32, #tpu.memory_space<vmem>>
        %scatter3A_1260 = tpu.memref_squeeze %scatter3A_1259 : memref<1x64x130xf32, #tpu.memory_space<vmem>> -> memref<64x130xf32, #tpu.memory_space<vmem>>
        tpu.vector_store_idx %scatter3A_1260[%add3A_1245, %add3A_341], %mul3A_1256 : memref<64x130xf32, #tpu.memory_space<vmem>>[vector<16xi32>, vector<16xi32>], vector<16xf32>,
        %add3A_1261 = arith.constant 32 : i32
        %add3A_1262 = vector.broadcast %add3A_1261 : i32 to vector<16xi32>
        %add3A_1263 = arith.addi %and3A_1223, %add3A_1262 : vector<16xi32>
        %add3A_1264 = arith.constant 32 : i32
        %add3A_1265 = vector.broadcast %add3A_1264 : i32 to vector<16xi32>
        %add3A_1266 = arith.addi %add3A_1224, %add3A_1265 : vector<16xi32>
        %gather3A_1267 = arith.constant 0 : i32
        %gather3A_1268 = arith.constant 0 : i32
        %gather3A_1269 = tpu.memref_slice %arg7[%scan3A_304, %gather3A_1267, %gather3A_1268] : memref<2x128x128xf32, #tpu.memory_space<vmem>> -> memref<1x128x128xf32, #tpu.memory_space<vmem>>
        %gather3A_1270 = tpu.memref_squeeze %gather3A_1269 : memref<1x128x128xf32, #tpu.memory_space<vmem>> -> memref<128x128xf32, #tpu.memory_space<vmem>>
        %gather3A_1271 = tpu.vector_load_idx %gather3A_1270[%add3A_341, %add3A_1266] : memref<128x128xf32, #tpu.memory_space<vmem>>[vector<16xi32>, vector<16xi32>], vector<16xf32>,
        %mul3A_1272 = arith.constant 8.000000e+00 : f32
        %mul3A_1273 = vector.broadcast %mul3A_1272 : f32 to vector<16xf32>
        %mul3A_1274 = arith.mulf %gather3A_1271, %mul3A_1273 : vector<16xf32>
        %scatter3A_1275 = arith.constant 0 : i32
        %scatter3A_1276 = arith.constant 0 : i32
        %scatter3A_1277 = tpu.memref_slice %arg8[%scan3A_305, %scatter3A_1275, %scatter3A_1276] : memref<2x64x130xf32, #tpu.memory_space<vmem>> -> memref<1x64x130xf32, #tpu.memory_space<vmem>>
        %scatter3A_1278 = tpu.memref_squeeze %scatter3A_1277 : memref<1x64x130xf32, #tpu.memory_space<vmem>> -> memref<64x130xf32, #tpu.memory_space<vmem>>
        tpu.vector_store_idx %scatter3A_1278[%add3A_1263, %add3A_341], %mul3A_1274 : memref<64x130xf32, #tpu.memory_space<vmem>>[vector<16xi32>, vector<16xi32>], vector<16xf32>,
        %add3A_1279 = arith.constant 48 : i32
        %add3A_1280 = vector.broadcast %add3A_1279 : i32 to vector<16xi32>
        %add3A_1281 = arith.addi %and3A_1223, %add3A_1280 : vector<16xi32>
        %add3A_1282 = arith.constant 48 : i32
        %add3A_1283 = vector.broadcast %add3A_1282 : i32 to vector<16xi32>
        %add3A_1284 = arith.addi %add3A_1224, %add3A_1283 : vector<16xi32>
        %gather3A_1285 = arith.constant 0 : i32
        %gather3A_1286 = arith.constant 0 : i32
        %gather3A_1287 = tpu.memref_slice %arg7[%scan3A_304, %gather3A_1285, %gather3A_1286] : memref<2x128x128xf32, #tpu.memory_space<vmem>> -> memref<1x128x128xf32, #tpu.memory_space<vmem>>
        %gather3A_1288 = tpu.memref_squeeze %gather3A_1287 : memref<1x128x128xf32, #tpu.memory_space<vmem>> -> memref<128x128xf32, #tpu.memory_space<vmem>>
        %gather3A_1289 = tpu.vector_load_idx %gather3A_1288[%add3A_341, %add3A_1284] : memref<128x128xf32, #tpu.memory_space<vmem>>[vector<16xi32>, vector<16xi32>], vector<16xf32>,
        %mul3A_1290 = arith.constant 8.000000e+00 : f32
        %mul3A_1291 = vector.broadcast %mul3A_1290 : f32 to vector<16xf32>
        %mul3A_1292 = arith.mulf %gather3A_1289, %mul3A_1291 : vector<16xf32>
        %scatter3A_1293 = arith.constant 0 : i32
        %scatter3A_1294 = arith.constant 0 : i32
        %scatter3A_1295 = tpu.memref_slice %arg8[%scan3A_305, %scatter3A_1293, %scatter3A_1294] : memref<2x64x130xf32, #tpu.memory_space<vmem>> -> memref<1x64x130xf32, #tpu.memory_space<vmem>>
        %scatter3A_1296 = tpu.memref_squeeze %scatter3A_1295 : memref<1x64x130xf32, #tpu.memory_space<vmem>> -> memref<64x130xf32, #tpu.memory_space<vmem>>
        tpu.vector_store_idx %scatter3A_1296[%add3A_1281, %add3A_341], %mul3A_1292 : memref<64x130xf32, #tpu.memory_space<vmem>>[vector<16xi32>, vector<16xi32>], vector<16xf32>,
        %add3A_1297 = arith.constant 12 : i32
        %add3A_1298 = vector.broadcast %add3A_1297 : i32 to vector<16xi32>
        %add3A_1299 = arith.addi %iota3A, %add3A_1298 : vector<16xi32>
        %and3A_1300 = arith.constant 15 : i32
        %and3A_1301 = vector.broadcast %and3A_1300 : i32 to vector<16xi32>
        %and3A_1302 = arith.andi %add3A_1299, %and3A_1301 : vector<16xi32>
        %add3A_1303 = arith.addi %shift_left3A_350, %and3A_1302 : vector<16xi32>
        %add3A_1304 = arith.constant 0 : i32
        %add3A_1305 = vector.broadcast %add3A_1304 : i32 to vector<16xi32>
        %add3A_1306 = arith.addi %and3A_1302, %add3A_1305 : vector<16xi32>
        %add3A_1307 = arith.constant 0 : i32
        %add3A_1308 = vector.broadcast %add3A_1307 : i32 to vector<16xi32>
        %add3A_1309 = arith.addi %add3A_1303, %add3A_1308 : vector<16xi32>
        %gather3A_1310 = arith.constant 0 : i32
        %gather3A_1311 = arith.constant 0 : i32
        %gather3A_1312 = tpu.memref_slice %arg7[%scan3A_304, %gather3A_1310, %gather3A_1311] : memref<2x128x128xf32, #tpu.memory_space<vmem>> -> memref<1x128x128xf32, #tpu.memory_space<vmem>>
        %gather3A_1313 = tpu.memref_squeeze %gather3A_1312 : memref<1x128x128xf32, #tpu.memory_space<vmem>> -> memref<128x128xf32, #tpu.memory_space<vmem>>
        %gather3A_1314 = tpu.vector_load_idx %gather3A_1313[%add3A_341, %add3A_1309] : memref<128x128xf32, #tpu.memory_space<vmem>>[vector<16xi32>, vector<16xi32>], vector<16xf32>,
        %mul3A_1315 = arith.constant 8.000000e+00 : f32
        %mul3A_1316 = vector.broadcast %mul3A_1315 : f32 to vector<16xf32>
        %mul3A_1317 = arith.mulf %gather3A_1314, %mul3A_1316 : vector<16xf32>
        %scatter3A_1318 = arith.constant 0 : i32
        %scatter3A_1319 = arith.constant 0 : i32
        %scatter3A_1320 = tpu.memref_slice %arg8[%scan3A_305, %scatter3A_1318, %scatter3A_1319] : memref<2x64x130xf32, #tpu.memory_space<vmem>> -> memref<1x64x130xf32, #tpu.memory_space<vmem>>
        %scatter3A_1321 = tpu.memref_squeeze %scatter3A_1320 : memref<1x64x130xf32, #tpu.memory_space<vmem>> -> memref<64x130xf32, #tpu.memory_space<vmem>>
        tpu.vector_store_idx %scatter3A_1321[%add3A_1306, %add3A_341], %mul3A_1317 : memref<64x130xf32, #tpu.memory_space<vmem>>[vector<16xi32>, vector<16xi32>], vector<16xf32>,
        %add3A_1322 = arith.constant 16 : i32
        %add3A_1323 = vector.broadcast %add3A_1322 : i32 to vector<16xi32>
        %add3A_1324 = arith.addi %and3A_1302, %add3A_1323 : vector<16xi32>
        %add3A_1325 = arith.constant 16 : i32
        %add3A_1326 = vector.broadcast %add3A_1325 : i32 to vector<16xi32>
        %add3A_1327 = arith.addi %add3A_1303, %add3A_1326 : vector<16xi32>
        %gather3A_1328 = arith.constant 0 : i32
        %gather3A_1329 = arith.constant 0 : i32
        %gather3A_1330 = tpu.memref_slice %arg7[%scan3A_304, %gather3A_1328, %gather3A_1329] : memref<2x128x128xf32, #tpu.memory_space<vmem>> -> memref<1x128x128xf32, #tpu.memory_space<vmem>>
        %gather3A_1331 = tpu.memref_squeeze %gather3A_1330 : memref<1x128x128xf32, #tpu.memory_space<vmem>> -> memref<128x128xf32, #tpu.memory_space<vmem>>
        %gather3A_1332 = tpu.vector_load_idx %gather3A_1331[%add3A_341, %add3A_1327] : memref<128x128xf32, #tpu.memory_space<vmem>>[vector<16xi32>, vector<16xi32>], vector<16xf32>,
        %mul3A_1333 = arith.constant 8.000000e+00 : f32
        %mul3A_1334 = vector.broadcast %mul3A_1333 : f32 to vector<16xf32>
        %mul3A_1335 = arith.mulf %gather3A_1332, %mul3A_1334 : vector<16xf32>
        %scatter3A_1336 = arith.constant 0 : i32
        %scatter3A_1337 = arith.constant 0 : i32
        %scatter3A_1338 = tpu.memref_slice %arg8[%scan3A_305, %scatter3A_1336, %scatter3A_1337] : memref<2x64x130xf32, #tpu.memory_space<vmem>> -> memref<1x64x130xf32, #tpu.memory_space<vmem>>
        %scatter3A_1339 = tpu.memref_squeeze %scatter3A_1338 : memref<1x64x130xf32, #tpu.memory_space<vmem>> -> memref<64x130xf32, #tpu.memory_space<vmem>>
        tpu.vector_store_idx %scatter3A_1339[%add3A_1324, %add3A_341], %mul3A_1335 : memref<64x130xf32, #tpu.memory_space<vmem>>[vector<16xi32>, vector<16xi32>], vector<16xf32>,
        %add3A_1340 = arith.constant 32 : i32
        %add3A_1341 = vector.broadcast %add3A_1340 : i32 to vector<16xi32>
        %add3A_1342 = arith.addi %and3A_1302, %add3A_1341 : vector<16xi32>
        %add3A_1343 = arith.constant 32 : i32
        %add3A_1344 = vector.broadcast %add3A_1343 : i32 to vector<16xi32>
        %add3A_1345 = arith.addi %add3A_1303, %add3A_1344 : vector<16xi32>
        %gather3A_1346 = arith.constant 0 : i32
        %gather3A_1347 = arith.constant 0 : i32
        %gather3A_1348 = tpu.memref_slice %arg7[%scan3A_304, %gather3A_1346, %gather3A_1347] : memref<2x128x128xf32, #tpu.memory_space<vmem>> -> memref<1x128x128xf32, #tpu.memory_space<vmem>>
        %gather3A_1349 = tpu.memref_squeeze %gather3A_1348 : memref<1x128x128xf32, #tpu.memory_space<vmem>> -> memref<128x128xf32, #tpu.memory_space<vmem>>
        %gather3A_1350 = tpu.vector_load_idx %gather3A_1349[%add3A_341, %add3A_1345] : memref<128x128xf32, #tpu.memory_space<vmem>>[vector<16xi32>, vector<16xi32>], vector<16xf32>,
        %mul3A_1351 = arith.constant 8.000000e+00 : f32
        %mul3A_1352 = vector.broadcast %mul3A_1351 : f32 to vector<16xf32>
        %mul3A_1353 = arith.mulf %gather3A_1350, %mul3A_1352 : vector<16xf32>
        %scatter3A_1354 = arith.constant 0 : i32
        %scatter3A_1355 = arith.constant 0 : i32
        %scatter3A_1356 = tpu.memref_slice %arg8[%scan3A_305, %scatter3A_1354, %scatter3A_1355] : memref<2x64x130xf32, #tpu.memory_space<vmem>> -> memref<1x64x130xf32, #tpu.memory_space<vmem>>
        %scatter3A_1357 = tpu.memref_squeeze %scatter3A_1356 : memref<1x64x130xf32, #tpu.memory_space<vmem>> -> memref<64x130xf32, #tpu.memory_space<vmem>>
        tpu.vector_store_idx %scatter3A_1357[%add3A_1342, %add3A_341], %mul3A_1353 : memref<64x130xf32, #tpu.memory_space<vmem>>[vector<16xi32>, vector<16xi32>], vector<16xf32>,
        %add3A_1358 = arith.constant 48 : i32
        %add3A_1359 = vector.broadcast %add3A_1358 : i32 to vector<16xi32>
        %add3A_1360 = arith.addi %and3A_1302, %add3A_1359 : vector<16xi32>
        %add3A_1361 = arith.constant 48 : i32
        %add3A_1362 = vector.broadcast %add3A_1361 : i32 to vector<16xi32>
        %add3A_1363 = arith.addi %add3A_1303, %add3A_1362 : vector<16xi32>
        %gather3A_1364 = arith.constant 0 : i32
        %gather3A_1365 = arith.constant 0 : i32
        %gather3A_1366 = tpu.memref_slice %arg7[%scan3A_304, %gather3A_1364, %gather3A_1365] : memref<2x128x128xf32, #tpu.memory_space<vmem>> -> memref<1x128x128xf32, #tpu.memory_space<vmem>>
        %gather3A_1367 = tpu.memref_squeeze %gather3A_1366 : memref<1x128x128xf32, #tpu.memory_space<vmem>> -> memref<128x128xf32, #tpu.memory_space<vmem>>
        %gather3A_1368 = tpu.vector_load_idx %gather3A_1367[%add3A_341, %add3A_1363] : memref<128x128xf32, #tpu.memory_space<vmem>>[vector<16xi32>, vector<16xi32>], vector<16xf32>,
        %mul3A_1369 = arith.constant 8.000000e+00 : f32
        %mul3A_1370 = vector.broadcast %mul3A_1369 : f32 to vector<16xf32>
        %mul3A_1371 = arith.mulf %gather3A_1368, %mul3A_1370 : vector<16xf32>
        %scatter3A_1372 = arith.constant 0 : i32
        %scatter3A_1373 = arith.constant 0 : i32
        %scatter3A_1374 = tpu.memref_slice %arg8[%scan3A_305, %scatter3A_1372, %scatter3A_1373] : memref<2x64x130xf32, #tpu.memory_space<vmem>> -> memref<1x64x130xf32, #tpu.memory_space<vmem>>
        %scatter3A_1375 = tpu.memref_squeeze %scatter3A_1374 : memref<1x64x130xf32, #tpu.memory_space<vmem>> -> memref<64x130xf32, #tpu.memory_space<vmem>>
        tpu.vector_store_idx %scatter3A_1375[%add3A_1360, %add3A_341], %mul3A_1371 : memref<64x130xf32, #tpu.memory_space<vmem>>[vector<16xi32>, vector<16xi32>], vector<16xf32>,
        %add3A_1376 = arith.constant 13 : i32
        %add3A_1377 = vector.broadcast %add3A_1376 : i32 to vector<16xi32>
        %add3A_1378 = arith.addi %iota3A, %add3A_1377 : vector<16xi32>
        %and3A_1379 = arith.constant 15 : i32
        %and3A_1380 = vector.broadcast %and3A_1379 : i32 to vector<16xi32>
        %and3A_1381 = arith.andi %add3A_1378, %and3A_1380 : vector<16xi32>
        %add3A_1382 = arith.addi %shift_left3A_350, %and3A_1381 : vector<16xi32>
        %add3A_1383 = arith.constant 0 : i32
        %add3A_1384 = vector.broadcast %add3A_1383 : i32 to vector<16xi32>
        %add3A_1385 = arith.addi %and3A_1381, %add3A_1384 : vector<16xi32>
        %add3A_1386 = arith.constant 0 : i32
        %add3A_1387 = vector.broadcast %add3A_1386 : i32 to vector<16xi32>
        %add3A_1388 = arith.addi %add3A_1382, %add3A_1387 : vector<16xi32>
        %gather3A_1389 = arith.constant 0 : i32
        %gather3A_1390 = arith.constant 0 : i32
        %gather3A_1391 = tpu.memref_slice %arg7[%scan3A_304, %gather3A_1389, %gather3A_1390] : memref<2x128x128xf32, #tpu.memory_space<vmem>> -> memref<1x128x128xf32, #tpu.memory_space<vmem>>
        %gather3A_1392 = tpu.memref_squeeze %gather3A_1391 : memref<1x128x128xf32, #tpu.memory_space<vmem>> -> memref<128x128xf32, #tpu.memory_space<vmem>>
        %gather3A_1393 = tpu.vector_load_idx %gather3A_1392[%add3A_341, %add3A_1388] : memref<128x128xf32, #tpu.memory_space<vmem>>[vector<16xi32>, vector<16xi32>], vector<16xf32>,
        %mul3A_1394 = arith.constant 8.000000e+00 : f32
        %mul3A_1395 = vector.broadcast %mul3A_1394 : f32 to vector<16xf32>
        %mul3A_1396 = arith.mulf %gather3A_1393, %mul3A_1395 : vector<16xf32>
        %scatter3A_1397 = arith.constant 0 : i32
        %scatter3A_1398 = arith.constant 0 : i32
        %scatter3A_1399 = tpu.memref_slice %arg8[%scan3A_305, %scatter3A_1397, %scatter3A_1398] : memref<2x64x130xf32, #tpu.memory_space<vmem>> -> memref<1x64x130xf32, #tpu.memory_space<vmem>>
        %scatter3A_1400 = tpu.memref_squeeze %scatter3A_1399 : memref<1x64x130xf32, #tpu.memory_space<vmem>> -> memref<64x130xf32, #tpu.memory_space<vmem>>
        tpu.vector_store_idx %scatter3A_1400[%add3A_1385, %add3A_341], %mul3A_1396 : memref<64x130xf32, #tpu.memory_space<vmem>>[vector<16xi32>, vector<16xi32>], vector<16xf32>,
        %add3A_1401 = arith.constant 16 : i32
        %add3A_1402 = vector.broadcast %add3A_1401 : i32 to vector<16xi32>
        %add3A_1403 = arith.addi %and3A_1381, %add3A_1402 : vector<16xi32>
        %add3A_1404 = arith.constant 16 : i32
        %add3A_1405 = vector.broadcast %add3A_1404 : i32 to vector<16xi32>
        %add3A_1406 = arith.addi %add3A_1382, %add3A_1405 : vector<16xi32>
        %gather3A_1407 = arith.constant 0 : i32
        %gather3A_1408 = arith.constant 0 : i32
        %gather3A_1409 = tpu.memref_slice %arg7[%scan3A_304, %gather3A_1407, %gather3A_1408] : memref<2x128x128xf32, #tpu.memory_space<vmem>> -> memref<1x128x128xf32, #tpu.memory_space<vmem>>
        %gather3A_1410 = tpu.memref_squeeze %gather3A_1409 : memref<1x128x128xf32, #tpu.memory_space<vmem>> -> memref<128x128xf32, #tpu.memory_space<vmem>>
        %gather3A_1411 = tpu.vector_load_idx %gather3A_1410[%add3A_341, %add3A_1406] : memref<128x128xf32, #tpu.memory_space<vmem>>[vector<16xi32>, vector<16xi32>], vector<16xf32>,
        %mul3A_1412 = arith.constant 8.000000e+00 : f32
        %mul3A_1413 = vector.broadcast %mul3A_1412 : f32 to vector<16xf32>
        %mul3A_1414 = arith.mulf %gather3A_1411, %mul3A_1413 : vector<16xf32>
        %scatter3A_1415 = arith.constant 0 : i32
        %scatter3A_1416 = arith.constant 0 : i32
        %scatter3A_1417 = tpu.memref_slice %arg8[%scan3A_305, %scatter3A_1415, %scatter3A_1416] : memref<2x64x130xf32, #tpu.memory_space<vmem>> -> memref<1x64x130xf32, #tpu.memory_space<vmem>>
        %scatter3A_1418 = tpu.memref_squeeze %scatter3A_1417 : memref<1x64x130xf32, #tpu.memory_space<vmem>> -> memref<64x130xf32, #tpu.memory_space<vmem>>
        tpu.vector_store_idx %scatter3A_1418[%add3A_1403, %add3A_341], %mul3A_1414 : memref<64x130xf32, #tpu.memory_space<vmem>>[vector<16xi32>, vector<16xi32>], vector<16xf32>,
        %add3A_1419 = arith.constant 32 : i32
        %add3A_1420 = vector.broadcast %add3A_1419 : i32 to vector<16xi32>
        %add3A_1421 = arith.addi %and3A_1381, %add3A_1420 : vector<16xi32>
        %add3A_1422 = arith.constant 32 : i32
        %add3A_1423 = vector.broadcast %add3A_1422 : i32 to vector<16xi32>
        %add3A_1424 = arith.addi %add3A_1382, %add3A_1423 : vector<16xi32>
        %gather3A_1425 = arith.constant 0 : i32
        %gather3A_1426 = arith.constant 0 : i32
        %gather3A_1427 = tpu.memref_slice %arg7[%scan3A_304, %gather3A_1425, %gather3A_1426] : memref<2x128x128xf32, #tpu.memory_space<vmem>> -> memref<1x128x128xf32, #tpu.memory_space<vmem>>
        %gather3A_1428 = tpu.memref_squeeze %gather3A_1427 : memref<1x128x128xf32, #tpu.memory_space<vmem>> -> memref<128x128xf32, #tpu.memory_space<vmem>>
        %gather3A_1429 = tpu.vector_load_idx %gather3A_1428[%add3A_341, %add3A_1424] : memref<128x128xf32, #tpu.memory_space<vmem>>[vector<16xi32>, vector<16xi32>], vector<16xf32>,
        %mul3A_1430 = arith.constant 8.000000e+00 : f32
        %mul3A_1431 = vector.broadcast %mul3A_1430 : f32 to vector<16xf32>
        %mul3A_1432 = arith.mulf %gather3A_1429, %mul3A_1431 : vector<16xf32>
        %scatter3A_1433 = arith.constant 0 : i32
        %scatter3A_1434 = arith.constant 0 : i32
        %scatter3A_1435 = tpu.memref_slice %arg8[%scan3A_305, %scatter3A_1433, %scatter3A_1434] : memref<2x64x130xf32, #tpu.memory_space<vmem>> -> memref<1x64x130xf32, #tpu.memory_space<vmem>>
        %scatter3A_1436 = tpu.memref_squeeze %scatter3A_1435 : memref<1x64x130xf32, #tpu.memory_space<vmem>> -> memref<64x130xf32, #tpu.memory_space<vmem>>
        tpu.vector_store_idx %scatter3A_1436[%add3A_1421, %add3A_341], %mul3A_1432 : memref<64x130xf32, #tpu.memory_space<vmem>>[vector<16xi32>, vector<16xi32>], vector<16xf32>,
        %add3A_1437 = arith.constant 48 : i32
        %add3A_1438 = vector.broadcast %add3A_1437 : i32 to vector<16xi32>
        %add3A_1439 = arith.addi %and3A_1381, %add3A_1438 : vector<16xi32>
        %add3A_1440 = arith.constant 48 : i32
        %add3A_1441 = vector.broadcast %add3A_1440 : i32 to vector<16xi32>
        %add3A_1442 = arith.addi %add3A_1382, %add3A_1441 : vector<16xi32>
        %gather3A_1443 = arith.constant 0 : i32
        %gather3A_1444 = arith.constant 0 : i32
        %gather3A_1445 = tpu.memref_slice %arg7[%scan3A_304, %gather3A_1443, %gather3A_1444] : memref<2x128x128xf32, #tpu.memory_space<vmem>> -> memref<1x128x128xf32, #tpu.memory_space<vmem>>
        %gather3A_1446 = tpu.memref_squeeze %gather3A_1445 : memref<1x128x128xf32, #tpu.memory_space<vmem>> -> memref<128x128xf32, #tpu.memory_space<vmem>>
        %gather3A_1447 = tpu.vector_load_idx %gather3A_1446[%add3A_341, %add3A_1442] : memref<128x128xf32, #tpu.memory_space<vmem>>[vector<16xi32>, vector<16xi32>], vector<16xf32>,
        %mul3A_1448 = arith.constant 8.000000e+00 : f32
        %mul3A_1449 = vector.broadcast %mul3A_1448 : f32 to vector<16xf32>
        %mul3A_1450 = arith.mulf %gather3A_1447, %mul3A_1449 : vector<16xf32>
        %scatter3A_1451 = arith.constant 0 : i32
        %scatter3A_1452 = arith.constant 0 : i32
        %scatter3A_1453 = tpu.memref_slice %arg8[%scan3A_305, %scatter3A_1451, %scatter3A_1452] : memref<2x64x130xf32, #tpu.memory_space<vmem>> -> memref<1x64x130xf32, #tpu.memory_space<vmem>>
        %scatter3A_1454 = tpu.memref_squeeze %scatter3A_1453 : memref<1x64x130xf32, #tpu.memory_space<vmem>> -> memref<64x130xf32, #tpu.memory_space<vmem>>
        tpu.vector_store_idx %scatter3A_1454[%add3A_1439, %add3A_341], %mul3A_1450 : memref<64x130xf32, #tpu.memory_space<vmem>>[vector<16xi32>, vector<16xi32>], vector<16xf32>,
        %add3A_1455 = arith.constant 14 : i32
        %add3A_1456 = vector.broadcast %add3A_1455 : i32 to vector<16xi32>
        %add3A_1457 = arith.addi %iota3A, %add3A_1456 : vector<16xi32>
        %and3A_1458 = arith.constant 15 : i32
        %and3A_1459 = vector.broadcast %and3A_1458 : i32 to vector<16xi32>
        %and3A_1460 = arith.andi %add3A_1457, %and3A_1459 : vector<16xi32>
        %add3A_1461 = arith.addi %shift_left3A_350, %and3A_1460 : vector<16xi32>
        %add3A_1462 = arith.constant 0 : i32
        %add3A_1463 = vector.broadcast %add3A_1462 : i32 to vector<16xi32>
        %add3A_1464 = arith.addi %and3A_1460, %add3A_1463 : vector<16xi32>
        %add3A_1465 = arith.constant 0 : i32
        %add3A_1466 = vector.broadcast %add3A_1465 : i32 to vector<16xi32>
        %add3A_1467 = arith.addi %add3A_1461, %add3A_1466 : vector<16xi32>
        %gather3A_1468 = arith.constant 0 : i32
        %gather3A_1469 = arith.constant 0 : i32
        %gather3A_1470 = tpu.memref_slice %arg7[%scan3A_304, %gather3A_1468, %gather3A_1469] : memref<2x128x128xf32, #tpu.memory_space<vmem>> -> memref<1x128x128xf32, #tpu.memory_space<vmem>>
        %gather3A_1471 = tpu.memref_squeeze %gather3A_1470 : memref<1x128x128xf32, #tpu.memory_space<vmem>> -> memref<128x128xf32, #tpu.memory_space<vmem>>
        %gather3A_1472 = tpu.vector_load_idx %gather3A_1471[%add3A_341, %add3A_1467] : memref<128x128xf32, #tpu.memory_space<vmem>>[vector<16xi32>, vector<16xi32>], vector<16xf32>,
        %mul3A_1473 = arith.constant 8.000000e+00 : f32
        %mul3A_1474 = vector.broadcast %mul3A_1473 : f32 to vector<16xf32>
        %mul3A_1475 = arith.mulf %gather3A_1472, %mul3A_1474 : vector<16xf32>
        %scatter3A_1476 = arith.constant 0 : i32
        %scatter3A_1477 = arith.constant 0 : i32
        %scatter3A_1478 = tpu.memref_slice %arg8[%scan3A_305, %scatter3A_1476, %scatter3A_1477] : memref<2x64x130xf32, #tpu.memory_space<vmem>> -> memref<1x64x130xf32, #tpu.memory_space<vmem>>
        %scatter3A_1479 = tpu.memref_squeeze %scatter3A_1478 : memref<1x64x130xf32, #tpu.memory_space<vmem>> -> memref<64x130xf32, #tpu.memory_space<vmem>>
        tpu.vector_store_idx %scatter3A_1479[%add3A_1464, %add3A_341], %mul3A_1475 : memref<64x130xf32, #tpu.memory_space<vmem>>[vector<16xi32>, vector<16xi32>], vector<16xf32>,
        %add3A_1480 = arith.constant 16 : i32
        %add3A_1481 = vector.broadcast %add3A_1480 : i32 to vector<16xi32>
        %add3A_1482 = arith.addi %and3A_1460, %add3A_1481 : vector<16xi32>
        %add3A_1483 = arith.constant 16 : i32
        %add3A_1484 = vector.broadcast %add3A_1483 : i32 to vector<16xi32>
        %add3A_1485 = arith.addi %add3A_1461, %add3A_1484 : vector<16xi32>
        %gather3A_1486 = arith.constant 0 : i32
        %gather3A_1487 = arith.constant 0 : i32
        %gather3A_1488 = tpu.memref_slice %arg7[%scan3A_304, %gather3A_1486, %gather3A_1487] : memref<2x128x128xf32, #tpu.memory_space<vmem>> -> memref<1x128x128xf32, #tpu.memory_space<vmem>>
        %gather3A_1489 = tpu.memref_squeeze %gather3A_1488 : memref<1x128x128xf32, #tpu.memory_space<vmem>> -> memref<128x128xf32, #tpu.memory_space<vmem>>
        %gather3A_1490 = tpu.vector_load_idx %gather3A_1489[%add3A_341, %add3A_1485] : memref<128x128xf32, #tpu.memory_space<vmem>>[vector<16xi32>, vector<16xi32>], vector<16xf32>,
        %mul3A_1491 = arith.constant 8.000000e+00 : f32
        %mul3A_1492 = vector.broadcast %mul3A_1491 : f32 to vector<16xf32>
        %mul3A_1493 = arith.mulf %gather3A_1490, %mul3A_1492 : vector<16xf32>
        %scatter3A_1494 = arith.constant 0 : i32
        %scatter3A_1495 = arith.constant 0 : i32
        %scatter3A_1496 = tpu.memref_slice %arg8[%scan3A_305, %scatter3A_1494, %scatter3A_1495] : memref<2x64x130xf32, #tpu.memory_space<vmem>> -> memref<1x64x130xf32, #tpu.memory_space<vmem>>
        %scatter3A_1497 = tpu.memref_squeeze %scatter3A_1496 : memref<1x64x130xf32, #tpu.memory_space<vmem>> -> memref<64x130xf32, #tpu.memory_space<vmem>>
        tpu.vector_store_idx %scatter3A_1497[%add3A_1482, %add3A_341], %mul3A_1493 : memref<64x130xf32, #tpu.memory_space<vmem>>[vector<16xi32>, vector<16xi32>], vector<16xf32>,
        %add3A_1498 = arith.constant 32 : i32
        %add3A_1499 = vector.broadcast %add3A_1498 : i32 to vector<16xi32>
        %add3A_1500 = arith.addi %and3A_1460, %add3A_1499 : vector<16xi32>
        %add3A_1501 = arith.constant 32 : i32
        %add3A_1502 = vector.broadcast %add3A_1501 : i32 to vector<16xi32>
        %add3A_1503 = arith.addi %add3A_1461, %add3A_1502 : vector<16xi32>
        %gather3A_1504 = arith.constant 0 : i32
        %gather3A_1505 = arith.constant 0 : i32
        %gather3A_1506 = tpu.memref_slice %arg7[%scan3A_304, %gather3A_1504, %gather3A_1505] : memref<2x128x128xf32, #tpu.memory_space<vmem>> -> memref<1x128x128xf32, #tpu.memory_space<vmem>>
        %gather3A_1507 = tpu.memref_squeeze %gather3A_1506 : memref<1x128x128xf32, #tpu.memory_space<vmem>> -> memref<128x128xf32, #tpu.memory_space<vmem>>
        %gather3A_1508 = tpu.vector_load_idx %gather3A_1507[%add3A_341, %add3A_1503] : memref<128x128xf32, #tpu.memory_space<vmem>>[vector<16xi32>, vector<16xi32>], vector<16xf32>,
        %mul3A_1509 = arith.constant 8.000000e+00 : f32
        %mul3A_1510 = vector.broadcast %mul3A_1509 : f32 to vector<16xf32>
        %mul3A_1511 = arith.mulf %gather3A_1508, %mul3A_1510 : vector<16xf32>
        %scatter3A_1512 = arith.constant 0 : i32
        %scatter3A_1513 = arith.constant 0 : i32
        %scatter3A_1514 = tpu.memref_slice %arg8[%scan3A_305, %scatter3A_1512, %scatter3A_1513] : memref<2x64x130xf32, #tpu.memory_space<vmem>> -> memref<1x64x130xf32, #tpu.memory_space<vmem>>
        %scatter3A_1515 = tpu.memref_squeeze %scatter3A_1514 : memref<1x64x130xf32, #tpu.memory_space<vmem>> -> memref<64x130xf32, #tpu.memory_space<vmem>>
        tpu.vector_store_idx %scatter3A_1515[%add3A_1500, %add3A_341], %mul3A_1511 : memref<64x130xf32, #tpu.memory_space<vmem>>[vector<16xi32>, vector<16xi32>], vector<16xf32>,
        %add3A_1516 = arith.constant 48 : i32
        %add3A_1517 = vector.broadcast %add3A_1516 : i32 to vector<16xi32>
        %add3A_1518 = arith.addi %and3A_1460, %add3A_1517 : vector<16xi32>
        %add3A_1519 = arith.constant 48 : i32
        %add3A_1520 = vector.broadcast %add3A_1519 : i32 to vector<16xi32>
        %add3A_1521 = arith.addi %add3A_1461, %add3A_1520 : vector<16xi32>
        %gather3A_1522 = arith.constant 0 : i32
        %gather3A_1523 = arith.constant 0 : i32
        %gather3A_1524 = tpu.memref_slice %arg7[%scan3A_304, %gather3A_1522, %gather3A_1523] : memref<2x128x128xf32, #tpu.memory_space<vmem>> -> memref<1x128x128xf32, #tpu.memory_space<vmem>>
        %gather3A_1525 = tpu.memref_squeeze %gather3A_1524 : memref<1x128x128xf32, #tpu.memory_space<vmem>> -> memref<128x128xf32, #tpu.memory_space<vmem>>
        %gather3A_1526 = tpu.vector_load_idx %gather3A_1525[%add3A_341, %add3A_1521] : memref<128x128xf32, #tpu.memory_space<vmem>>[vector<16xi32>, vector<16xi32>], vector<16xf32>,
        %mul3A_1527 = arith.constant 8.000000e+00 : f32
        %mul3A_1528 = vector.broadcast %mul3A_1527 : f32 to vector<16xf32>
        %mul3A_1529 = arith.mulf %gather3A_1526, %mul3A_1528 : vector<16xf32>
        %scatter3A_1530 = arith.constant 0 : i32
        %scatter3A_1531 = arith.constant 0 : i32
        %scatter3A_1532 = tpu.memref_slice %arg8[%scan3A_305, %scatter3A_1530, %scatter3A_1531] : memref<2x64x130xf32, #tpu.memory_space<vmem>> -> memref<1x64x130xf32, #tpu.memory_space<vmem>>
        %scatter3A_1533 = tpu.memref_squeeze %scatter3A_1532 : memref<1x64x130xf32, #tpu.memory_space<vmem>> -> memref<64x130xf32, #tpu.memory_space<vmem>>
        tpu.vector_store_idx %scatter3A_1533[%add3A_1518, %add3A_341], %mul3A_1529 : memref<64x130xf32, #tpu.memory_space<vmem>>[vector<16xi32>, vector<16xi32>], vector<16xf32>,
        %add3A_1534 = arith.constant 15 : i32
        %add3A_1535 = vector.broadcast %add3A_1534 : i32 to vector<16xi32>
        %add3A_1536 = arith.addi %iota3A, %add3A_1535 : vector<16xi32>
        %and3A_1537 = arith.constant 15 : i32
        %and3A_1538 = vector.broadcast %and3A_1537 : i32 to vector<16xi32>
        %and3A_1539 = arith.andi %add3A_1536, %and3A_1538 : vector<16xi32>
        %add3A_1540 = arith.addi %shift_left3A_350, %and3A_1539 : vector<16xi32>
        %add3A_1541 = arith.constant 0 : i32
        %add3A_1542 = vector.broadcast %add3A_1541 : i32 to vector<16xi32>
        %add3A_1543 = arith.addi %and3A_1539, %add3A_1542 : vector<16xi32>
        %add3A_1544 = arith.constant 0 : i32
        %add3A_1545 = vector.broadcast %add3A_1544 : i32 to vector<16xi32>
        %add3A_1546 = arith.addi %add3A_1540, %add3A_1545 : vector<16xi32>
        %gather3A_1547 = arith.constant 0 : i32
        %gather3A_1548 = arith.constant 0 : i32
        %gather3A_1549 = tpu.memref_slice %arg7[%scan3A_304, %gather3A_1547, %gather3A_1548] : memref<2x128x128xf32, #tpu.memory_space<vmem>> -> memref<1x128x128xf32, #tpu.memory_space<vmem>>
        %gather3A_1550 = tpu.memref_squeeze %gather3A_1549 : memref<1x128x128xf32, #tpu.memory_space<vmem>> -> memref<128x128xf32, #tpu.memory_space<vmem>>
        %gather3A_1551 = tpu.vector_load_idx %gather3A_1550[%add3A_341, %add3A_1546] : memref<128x128xf32, #tpu.memory_space<vmem>>[vector<16xi32>, vector<16xi32>], vector<16xf32>,
        %mul3A_1552 = arith.constant 8.000000e+00 : f32
        %mul3A_1553 = vector.broadcast %mul3A_1552 : f32 to vector<16xf32>
        %mul3A_1554 = arith.mulf %gather3A_1551, %mul3A_1553 : vector<16xf32>
        %scatter3A_1555 = arith.constant 0 : i32
        %scatter3A_1556 = arith.constant 0 : i32
        %scatter3A_1557 = tpu.memref_slice %arg8[%scan3A_305, %scatter3A_1555, %scatter3A_1556] : memref<2x64x130xf32, #tpu.memory_space<vmem>> -> memref<1x64x130xf32, #tpu.memory_space<vmem>>
        %scatter3A_1558 = tpu.memref_squeeze %scatter3A_1557 : memref<1x64x130xf32, #tpu.memory_space<vmem>> -> memref<64x130xf32, #tpu.memory_space<vmem>>
        tpu.vector_store_idx %scatter3A_1558[%add3A_1543, %add3A_341], %mul3A_1554 : memref<64x130xf32, #tpu.memory_space<vmem>>[vector<16xi32>, vector<16xi32>], vector<16xf32>,
        %add3A_1559 = arith.constant 16 : i32
        %add3A_1560 = vector.broadcast %add3A_1559 : i32 to vector<16xi32>
        %add3A_1561 = arith.addi %and3A_1539, %add3A_1560 : vector<16xi32>
        %add3A_1562 = arith.constant 16 : i32
        %add3A_1563 = vector.broadcast %add3A_1562 : i32 to vector<16xi32>
        %add3A_1564 = arith.addi %add3A_1540, %add3A_1563 : vector<16xi32>
        %gather3A_1565 = arith.constant 0 : i32
        %gather3A_1566 = arith.constant 0 : i32
        %gather3A_1567 = tpu.memref_slice %arg7[%scan3A_304, %gather3A_1565, %gather3A_1566] : memref<2x128x128xf32, #tpu.memory_space<vmem>> -> memref<1x128x128xf32, #tpu.memory_space<vmem>>
        %gather3A_1568 = tpu.memref_squeeze %gather3A_1567 : memref<1x128x128xf32, #tpu.memory_space<vmem>> -> memref<128x128xf32, #tpu.memory_space<vmem>>
        %gather3A_1569 = tpu.vector_load_idx %gather3A_1568[%add3A_341, %add3A_1564] : memref<128x128xf32, #tpu.memory_space<vmem>>[vector<16xi32>, vector<16xi32>], vector<16xf32>,
        %mul3A_1570 = arith.constant 8.000000e+00 : f32
        %mul3A_1571 = vector.broadcast %mul3A_1570 : f32 to vector<16xf32>
        %mul3A_1572 = arith.mulf %gather3A_1569, %mul3A_1571 : vector<16xf32>
        %scatter3A_1573 = arith.constant 0 : i32
        %scatter3A_1574 = arith.constant 0 : i32
        %scatter3A_1575 = tpu.memref_slice %arg8[%scan3A_305, %scatter3A_1573, %scatter3A_1574] : memref<2x64x130xf32, #tpu.memory_space<vmem>> -> memref<1x64x130xf32, #tpu.memory_space<vmem>>
        %scatter3A_1576 = tpu.memref_squeeze %scatter3A_1575 : memref<1x64x130xf32, #tpu.memory_space<vmem>> -> memref<64x130xf32, #tpu.memory_space<vmem>>
        tpu.vector_store_idx %scatter3A_1576[%add3A_1561, %add3A_341], %mul3A_1572 : memref<64x130xf32, #tpu.memory_space<vmem>>[vector<16xi32>, vector<16xi32>], vector<16xf32>,
        %add3A_1577 = arith.constant 32 : i32
        %add3A_1578 = vector.broadcast %add3A_1577 : i32 to vector<16xi32>
        %add3A_1579 = arith.addi %and3A_1539, %add3A_1578 : vector<16xi32>
        %add3A_1580 = arith.constant 32 : i32
        %add3A_1581 = vector.broadcast %add3A_1580 : i32 to vector<16xi32>
        %add3A_1582 = arith.addi %add3A_1540, %add3A_1581 : vector<16xi32>
        %gather3A_1583 = arith.constant 0 : i32
        %gather3A_1584 = arith.constant 0 : i32
        %gather3A_1585 = tpu.memref_slice %arg7[%scan3A_304, %gather3A_1583, %gather3A_1584] : memref<2x128x128xf32, #tpu.memory_space<vmem>> -> memref<1x128x128xf32, #tpu.memory_space<vmem>>
        %gather3A_1586 = tpu.memref_squeeze %gather3A_1585 : memref<1x128x128xf32, #tpu.memory_space<vmem>> -> memref<128x128xf32, #tpu.memory_space<vmem>>
        %gather3A_1587 = tpu.vector_load_idx %gather3A_1586[%add3A_341, %add3A_1582] : memref<128x128xf32, #tpu.memory_space<vmem>>[vector<16xi32>, vector<16xi32>], vector<16xf32>,
        %mul3A_1588 = arith.constant 8.000000e+00 : f32
        %mul3A_1589 = vector.broadcast %mul3A_1588 : f32 to vector<16xf32>
        %mul3A_1590 = arith.mulf %gather3A_1587, %mul3A_1589 : vector<16xf32>
        %scatter3A_1591 = arith.constant 0 : i32
        %scatter3A_1592 = arith.constant 0 : i32
        %scatter3A_1593 = tpu.memref_slice %arg8[%scan3A_305, %scatter3A_1591, %scatter3A_1592] : memref<2x64x130xf32, #tpu.memory_space<vmem>> -> memref<1x64x130xf32, #tpu.memory_space<vmem>>
        %scatter3A_1594 = tpu.memref_squeeze %scatter3A_1593 : memref<1x64x130xf32, #tpu.memory_space<vmem>> -> memref<64x130xf32, #tpu.memory_space<vmem>>
        tpu.vector_store_idx %scatter3A_1594[%add3A_1579, %add3A_341], %mul3A_1590 : memref<64x130xf32, #tpu.memory_space<vmem>>[vector<16xi32>, vector<16xi32>], vector<16xf32>,
        %add3A_1595 = arith.constant 48 : i32
        %add3A_1596 = vector.broadcast %add3A_1595 : i32 to vector<16xi32>
        %add3A_1597 = arith.addi %and3A_1539, %add3A_1596 : vector<16xi32>
        %add3A_1598 = arith.constant 48 : i32
        %add3A_1599 = vector.broadcast %add3A_1598 : i32 to vector<16xi32>
        %add3A_1600 = arith.addi %add3A_1540, %add3A_1599 : vector<16xi32>
        %gather3A_1601 = arith.constant 0 : i32
        %gather3A_1602 = arith.constant 0 : i32
        %gather3A_1603 = tpu.memref_slice %arg7[%scan3A_304, %gather3A_1601, %gather3A_1602] : memref<2x128x128xf32, #tpu.memory_space<vmem>> -> memref<1x128x128xf32, #tpu.memory_space<vmem>>
        %gather3A_1604 = tpu.memref_squeeze %gather3A_1603 : memref<1x128x128xf32, #tpu.memory_space<vmem>> -> memref<128x128xf32, #tpu.memory_space<vmem>>
        %gather3A_1605 = tpu.vector_load_idx %gather3A_1604[%add3A_341, %add3A_1600] : memref<128x128xf32, #tpu.memory_space<vmem>>[vector<16xi32>, vector<16xi32>], vector<16xf32>,
        %mul3A_1606 = arith.constant 8.000000e+00 : f32
        %mul3A_1607 = vector.broadcast %mul3A_1606 : f32 to vector<16xf32>
        %mul3A_1608 = arith.mulf %gather3A_1605, %mul3A_1607 : vector<16xf32>
        %scatter3A_1609 = arith.constant 0 : i32
        %scatter3A_1610 = arith.constant 0 : i32
        %scatter3A_1611 = tpu.memref_slice %arg8[%scan3A_305, %scatter3A_1609, %scatter3A_1610] : memref<2x64x130xf32, #tpu.memory_space<vmem>> -> memref<1x64x130xf32, #tpu.memory_space<vmem>>
        %scatter3A_1612 = tpu.memref_squeeze %scatter3A_1611 : memref<1x64x130xf32, #tpu.memory_space<vmem>> -> memref<64x130xf32, #tpu.memory_space<vmem>>
        tpu.vector_store_idx %scatter3A_1612[%add3A_1597, %add3A_341], %mul3A_1608 : memref<64x130xf32, #tpu.memory_space<vmem>>[vector<16xi32>, vector<16xi32>], vector<16xf32>,
      }
      %scan3A_310 = arith.constant 8 : i32
      %add3A_311 = arith.constant 1 : i32
      %add3A_312 = arith.addi %add3A_281, %add3A_311 : i32
      %lt3A_313 = arith.constant 200 : i32
      %lt3A_314 = arith.cmpi slt, %add3A_312, %lt3A_313 : i32
      %convert_element_type3A_315 = arith.extui %lt3A_314 : i1 to i32
      %cond3A_316 = arith.constant 0 : i32
      %cond3A_317 = arith.cmpi ne, %convert_element_type3A_315, %cond3A_316 : i32
      scf.if %cond3A_317 {
        %add3A_333 = arith.constant 1 : i32
        %add3A_334 = arith.addi %add3A_281, %add3A_333 : i32
        %get3A_335 = arith.index_cast %add3A_334 : i32 to index
        %get3A_336 = arith.constant 0 : index
        %get3A_337 = tpu.vector_load %arg5[%get3A_335, %get3A_336] {strides = array<i32>} : memref<200x128xi32, #tpu.memory_space<vmem>>, vector<16xi32>,
        %shift_right_arithmetic3A_338 = arith.constant 1 : i32
        %shift_right_arithmetic3A_339 = vector.broadcast %shift_right_arithmetic3A_338 : i32 to vector<16xi32>
        %shift_right_arithmetic3A_340 = arith.shrsi %get3A_337, %shift_right_arithmetic3A_339 : vector<16xi32>
        %swap3A_341 = arith.constant 1 : i32
        %swap3A_342 = arith.index_cast %swap3A_341 : i32 to index
        %swap3A_343 = arith.constant 0 : index
        %swap3A_344 = tpu.vector_load %arg6[%swap3A_342, %swap3A_343] {strides = array<i32>} : memref<2x128xi32, #tpu.memory_space<vmem>>, vector<16xi32>,
        tpu.vector_store %arg6[%swap3A_342, %swap3A_343], %shift_right_arithmetic3A_340 {strides = array<i32>} : memref<2x128xi32, #tpu.memory_space<vmem>>, vector<16xi32>,
        %get3A_345 = arith.index_cast %add3A_334 : i32 to index
        %get3A_346 = arith.constant 16 : index
        %get3A_347 = tpu.vector_load %arg5[%get3A_345, %get3A_346] {strides = array<i32>} : memref<200x128xi32, #tpu.memory_space<vmem>>, vector<16xi32>,
        %shift_right_arithmetic3A_348 = arith.constant 1 : i32
        %shift_right_arithmetic3A_349 = vector.broadcast %shift_right_arithmetic3A_348 : i32 to vector<16xi32>
        %shift_right_arithmetic3A_350 = arith.shrsi %get3A_347, %shift_right_arithmetic3A_349 : vector<16xi32>
        %swap3A_351 = arith.constant 1 : i32
        %swap3A_352 = arith.index_cast %swap3A_351 : i32 to index
        %swap3A_353 = arith.constant 16 : index
        %swap3A_354 = tpu.vector_load %arg6[%swap3A_352, %swap3A_353] {strides = array<i32>} : memref<2x128xi32, #tpu.memory_space<vmem>>, vector<16xi32>,
        tpu.vector_store %arg6[%swap3A_352, %swap3A_353], %shift_right_arithmetic3A_350 {strides = array<i32>} : memref<2x128xi32, #tpu.memory_space<vmem>>, vector<16xi32>,
        %get3A_355 = arith.index_cast %add3A_334 : i32 to index
        %get3A_356 = arith.constant 32 : index
        %get3A_357 = tpu.vector_load %arg5[%get3A_355, %get3A_356] {strides = array<i32>} : memref<200x128xi32, #tpu.memory_space<vmem>>, vector<16xi32>,
        %shift_right_arithmetic3A_358 = arith.constant 1 : i32
        %shift_right_arithmetic3A_359 = vector.broadcast %shift_right_arithmetic3A_358 : i32 to vector<16xi32>
        %shift_right_arithmetic3A_360 = arith.shrsi %get3A_357, %shift_right_arithmetic3A_359 : vector<16xi32>
        %swap3A_361 = arith.constant 1 : i32
        %swap3A_362 = arith.index_cast %swap3A_361 : i32 to index
        %swap3A_363 = arith.constant 32 : index
        %swap3A_364 = tpu.vector_load %arg6[%swap3A_362, %swap3A_363] {strides = array<i32>} : memref<2x128xi32, #tpu.memory_space<vmem>>, vector<16xi32>,
        tpu.vector_store %arg6[%swap3A_362, %swap3A_363], %shift_right_arithmetic3A_360 {strides = array<i32>} : memref<2x128xi32, #tpu.memory_space<vmem>>, vector<16xi32>,
        %get3A_365 = arith.index_cast %add3A_334 : i32 to index
        %get3A_366 = arith.constant 48 : index
        %get3A_367 = tpu.vector_load %arg5[%get3A_365, %get3A_366] {strides = array<i32>} : memref<200x128xi32, #tpu.memory_space<vmem>>, vector<16xi32>,
        %shift_right_arithmetic3A_368 = arith.constant 1 : i32
        %shift_right_arithmetic3A_369 = vector.broadcast %shift_right_arithmetic3A_368 : i32 to vector<16xi32>
        %shift_right_arithmetic3A_370 = arith.shrsi %get3A_367, %shift_right_arithmetic3A_369 : vector<16xi32>
        %swap3A_371 = arith.constant 1 : i32
        %swap3A_372 = arith.index_cast %swap3A_371 : i32 to index
        %swap3A_373 = arith.constant 48 : index
        %swap3A_374 = tpu.vector_load %arg6[%swap3A_372, %swap3A_373] {strides = array<i32>} : memref<2x128xi32, #tpu.memory_space<vmem>>, vector<16xi32>,
        tpu.vector_store %arg6[%swap3A_372, %swap3A_373], %shift_right_arithmetic3A_370 {strides = array<i32>} : memref<2x128xi32, #tpu.memory_space<vmem>>, vector<16xi32>,
        %get3A_375 = arith.index_cast %add3A_334 : i32 to index
        %get3A_376 = arith.constant 64 : index
        %get3A_377 = tpu.vector_load %arg5[%get3A_375, %get3A_376] {strides = array<i32>} : memref<200x128xi32, #tpu.memory_space<vmem>>, vector<16xi32>,
        %shift_right_arithmetic3A_378 = arith.constant 1 : i32
        %shift_right_arithmetic3A_379 = vector.broadcast %shift_right_arithmetic3A_378 : i32 to vector<16xi32>
        %shift_right_arithmetic3A_380 = arith.shrsi %get3A_377, %shift_right_arithmetic3A_379 : vector<16xi32>
        %swap3A_381 = arith.constant 1 : i32
        %swap3A_382 = arith.index_cast %swap3A_381 : i32 to index
        %swap3A_383 = arith.constant 64 : index
        %swap3A_384 = tpu.vector_load %arg6[%swap3A_382, %swap3A_383] {strides = array<i32>} : memref<2x128xi32, #tpu.memory_space<vmem>>, vector<16xi32>,
        tpu.vector_store %arg6[%swap3A_382, %swap3A_383], %shift_right_arithmetic3A_380 {strides = array<i32>} : memref<2x128xi32, #tpu.memory_space<vmem>>, vector<16xi32>,
        %get3A_385 = arith.index_cast %add3A_334 : i32 to index
        %get3A_386 = arith.constant 80 : index
        %get3A_387 = tpu.vector_load %arg5[%get3A_385, %get3A_386] {strides = array<i32>} : memref<200x128xi32, #tpu.memory_space<vmem>>, vector<16xi32>,
        %shift_right_arithmetic3A_388 = arith.constant 1 : i32
        %shift_right_arithmetic3A_389 = vector.broadcast %shift_right_arithmetic3A_388 : i32 to vector<16xi32>
        %shift_right_arithmetic3A_390 = arith.shrsi %get3A_387, %shift_right_arithmetic3A_389 : vector<16xi32>
        %swap3A_391 = arith.constant 1 : i32
        %swap3A_392 = arith.index_cast %swap3A_391 : i32 to index
        %swap3A_393 = arith.constant 80 : index
        %swap3A_394 = tpu.vector_load %arg6[%swap3A_392, %swap3A_393] {strides = array<i32>} : memref<2x128xi32, #tpu.memory_space<vmem>>, vector<16xi32>,
        tpu.vector_store %arg6[%swap3A_392, %swap3A_393], %shift_right_arithmetic3A_390 {strides = array<i32>} : memref<2x128xi32, #tpu.memory_space<vmem>>, vector<16xi32>,
        %get3A_395 = arith.index_cast %add3A_334 : i32 to index
        %get3A_396 = arith.constant 96 : index
        %get3A_397 = tpu.vector_load %arg5[%get3A_395, %get3A_396] {strides = array<i32>} : memref<200x128xi32, #tpu.memory_space<vmem>>, vector<16xi32>,
        %shift_right_arithmetic3A_398 = arith.constant 1 : i32
        %shift_right_arithmetic3A_399 = vector.broadcast %shift_right_arithmetic3A_398 : i32 to vector<16xi32>
        %shift_right_arithmetic3A_400 = arith.shrsi %get3A_397, %shift_right_arithmetic3A_399 : vector<16xi32>
        %swap3A_401 = arith.constant 1 : i32
        %swap3A_402 = arith.index_cast %swap3A_401 : i32 to index
        %swap3A_403 = arith.constant 96 : index
        %swap3A_404 = tpu.vector_load %arg6[%swap3A_402, %swap3A_403] {strides = array<i32>} : memref<2x128xi32, #tpu.memory_space<vmem>>, vector<16xi32>,
        tpu.vector_store %arg6[%swap3A_402, %swap3A_403], %shift_right_arithmetic3A_400 {strides = array<i32>} : memref<2x128xi32, #tpu.memory_space<vmem>>, vector<16xi32>,
        %get3A_405 = arith.index_cast %add3A_334 : i32 to index
        %get3A_406 = arith.constant 112 : index
        %get3A_407 = tpu.vector_load %arg5[%get3A_405, %get3A_406] {strides = array<i32>} : memref<200x128xi32, #tpu.memory_space<vmem>>, vector<16xi32>,
        %shift_right_arithmetic3A_408 = arith.constant 1 : i32
        %shift_right_arithmetic3A_409 = vector.broadcast %shift_right_arithmetic3A_408 : i32 to vector<16xi32>
        %shift_right_arithmetic3A_410 = arith.shrsi %get3A_407, %shift_right_arithmetic3A_409 : vector<16xi32>
        %swap3A_411 = arith.constant 1 : i32
        %swap3A_412 = arith.index_cast %swap3A_411 : i32 to index
        %swap3A_413 = arith.constant 112 : index
        %swap3A_414 = tpu.vector_load %arg6[%swap3A_412, %swap3A_413] {strides = array<i32>} : memref<2x128xi32, #tpu.memory_space<vmem>>, vector<16xi32>,
        tpu.vector_store %arg6[%swap3A_412, %swap3A_413], %shift_right_arithmetic3A_410 {strides = array<i32>} : memref<2x128xi32, #tpu.memory_space<vmem>>, vector<16xi32>,
      } else {
      }
      %dma_start3A_318 = arith.constant 1 : i32
      %dma_start3A_319 = arith.constant 0 : i32
      %dma_start3A_320 = arith.constant 0 : i32
      %dma_start3A_321 = tpu.memref_slice %arg8[%dma_start3A_318, %dma_start3A_319, %dma_start3A_320] : memref<2x64x130xf32, #tpu.memory_space<vmem>> -> memref<1x64x128xf32, #tpu.memory_space<vmem>>
      %dma_start3A_322 = tpu.memref_squeeze %dma_start3A_321 : memref<1x64x128xf32, #tpu.memory_space<vmem>> -> memref<64x128xf32, #tpu.memory_space<vmem>>
      %dma_start3A_323 = arith.constant 0 : i32
      %dma_start3A_324 = tpu.memref_slice %arg4[%add3A_279, %dma_start3A_323, %mul3A_2] : memref<200x64x4096xf32, #tpu.memory_space<hbm>> -> memref<1x64x128xf32, #tpu.memory_space<hbm>>
      %dma_start3A_325 = tpu.memref_squeeze %dma_start3A_324 : memref<1x64x128xf32, #tpu.memory_space<hbm>> -> memref<64x128xf32, #tpu.memory_space<hbm>>
      %dma_start3A_326 = arith.constant 0 : i32
      %dma_start3A_327 = tpu.memref_slice %arg4[%add3A_279, %dma_start3A_326, %mul3A_2] : memref<200x64x4096xf32, #tpu.memory_space<hbm>> -> memref<1x64x128xf32, #tpu.memory_space<hbm>>
      %dma_start3A_328 = tpu.memref_squeeze %dma_start3A_327 : memref<1x64x128xf32, #tpu.memory_space<hbm>> -> memref<64x128xf32, #tpu.memory_space<hbm>>
      %dma_start3A_329 = arith.constant 0 : i32
      %dma_start3A_330 = arith.constant 0 : i32
      %dma_start3A_331 = tpu.memref_slice %arg8[%dma_start3A_318, %dma_start3A_329, %dma_start3A_330] : memref<2x64x130xf32, #tpu.memory_space<vmem>> -> memref<1x64x128xf32, #tpu.memory_space<vmem>>
      %dma_start3A_332 = tpu.memref_squeeze %dma_start3A_331 : memref<1x64x128xf32, #tpu.memory_space<vmem>> -> memref<64x128xf32, #tpu.memory_space<vmem>>
      tpu.enqueue_dma source(%dma_start3A_332 : memref<64x128xf32, #tpu.memory_space<vmem>>) target(%dma_start3A_328 : memref<64x128xf32, #tpu.memory_space<hbm>>) target_semaphore(%arg10 : memref<!tpu.dma_semaphore, #tpu.memory_space<semaphore_mem>>)
    }
    %scan3A_190 = arith.constant 100 : i32
    %dma_wait3A = arith.constant 0 : i32
    %dma_wait3A_191 = arith.constant 0 : i32
    %dma_wait3A_192 = arith.constant 0 : i32
    %dma_wait3A_193 = arith.constant 0 : i32
    %dma_wait3A_194 = tpu.memref_slice %arg8[%dma_wait3A, %dma_wait3A_192, %dma_wait3A_193] : memref<2x64x130xf32, #tpu.memory_space<vmem>> -> memref<1x64x128xf32, #tpu.memory_space<vmem>>
    %dma_wait3A_195 = tpu.memref_squeeze %dma_wait3A_194 : memref<1x64x128xf32, #tpu.memory_space<vmem>> -> memref<64x128xf32, #tpu.memory_space<vmem>>
    %dma_wait3A_196 = arith.constant 0 : i32
    %dma_wait3A_197 = tpu.memref_slice %arg4[%dma_wait3A_191, %dma_wait3A_196, %mul3A_2] : memref<200x64x4096xf32, #tpu.memory_space<hbm>> -> memref<1x64x128xf32, #tpu.memory_space<hbm>>
    %dma_wait3A_198 = tpu.memref_squeeze %dma_wait3A_197 : memref<1x64x128xf32, #tpu.memory_space<hbm>> -> memref<64x128xf32, #tpu.memory_space<hbm>>
    %dma_wait3A_199 = arith.constant 0 : i32
    %dma_wait3A_200 = tpu.memref_slice %arg4[%dma_wait3A_191, %dma_wait3A_199, %mul3A_2] : memref<200x64x4096xf32, #tpu.memory_space<hbm>> -> memref<1x64x128xf32, #tpu.memory_space<hbm>>
    %dma_wait3A_201 = tpu.memref_squeeze %dma_wait3A_200 : memref<1x64x128xf32, #tpu.memory_space<hbm>> -> memref<64x128xf32, #tpu.memory_space<hbm>>
    %dma_wait3A_202 = arith.constant 0 : i32
    %dma_wait3A_203 = arith.constant 0 : i32
    %dma_wait3A_204 = tpu.memref_slice %arg8[%dma_wait3A, %dma_wait3A_202, %dma_wait3A_203] : memref<2x64x130xf32, #tpu.memory_space<vmem>> -> memref<1x64x128xf32, #tpu.memory_space<vmem>>
    %dma_wait3A_205 = tpu.memref_squeeze %dma_wait3A_204 : memref<1x64x128xf32, #tpu.memory_space<vmem>> -> memref<64x128xf32, #tpu.memory_space<vmem>>
    tpu.wait_dma2 semaphore(%arg10 : memref<!tpu.dma_semaphore, #tpu.memory_space<semaphore_mem>>) src(%dma_wait3A_205 : memref<64x128xf32, #tpu.memory_space<vmem>>) dst(%dma_wait3A_201 : memref<64x128xf32, #tpu.memory_space<hbm>>)
    %dma_wait3A_206 = arith.constant 1 : i32
    %dma_wait3A_207 = arith.constant 0 : i32
    %dma_wait3A_208 = arith.constant 0 : i32
    %dma_wait3A_209 = arith.constant 0 : i32
    %dma_wait3A_210 = tpu.memref_slice %arg8[%dma_wait3A_206, %dma_wait3A_208, %dma_wait3A_209] : memref<2x64x130xf32, #tpu.memory_space<vmem>> -> memref<1x64x128xf32, #tpu.memory_space<vmem>>
    %dma_wait3A_211 = tpu.memref_squeeze %dma_wait3A_210 : memref<1x64x128xf32, #tpu.memory_space<vmem>> -> memref<64x128xf32, #tpu.memory_space<vmem>>
    %dma_wait3A_212 = arith.constant 0 : i32
    %dma_wait3A_213 = tpu.memref_slice %arg4[%dma_wait3A_207, %dma_wait3A_212, %mul3A_2] : memref<200x64x4096xf32, #tpu.memory_space<hbm>> -> memref<1x64x128xf32, #tpu.memory_space<hbm>>
    %dma_wait3A_214 = tpu.memref_squeeze %dma_wait3A_213 : memref<1x64x128xf32, #tpu.memory_space<hbm>> -> memref<64x128xf32, #tpu.memory_space<hbm>>
    %dma_wait3A_215 = arith.constant 0 : i32
    %dma_wait3A_216 = tpu.memref_slice %arg4[%dma_wait3A_207, %dma_wait3A_215, %mul3A_2] : memref<200x64x4096xf32, #tpu.memory_space<hbm>> -> memref<1x64x128xf32, #tpu.memory_space<hbm>>
    %dma_wait3A_217 = tpu.memref_squeeze %dma_wait3A_216 : memref<1x64x128xf32, #tpu.memory_space<hbm>> -> memref<64x128xf32, #tpu.memory_space<hbm>>
    %dma_wait3A_218 = arith.constant 0 : i32
    %dma_wait3A_219 = arith.constant 0 : i32
    %dma_wait3A_220 = tpu.memref_slice %arg8[%dma_wait3A_206, %dma_wait3A_218, %dma_wait3A_219] : memref<2x64x130xf32, #tpu.memory_space<vmem>> -> memref<1x64x128xf32, #tpu.memory_space<vmem>>
    %dma_wait3A_221 = tpu.memref_squeeze %dma_wait3A_220 : memref<1x64x128xf32, #tpu.memory_space<vmem>> -> memref<64x128xf32, #tpu.memory_space<vmem>>
    tpu.wait_dma2 semaphore(%arg10 : memref<!tpu.dma_semaphore, #tpu.memory_space<semaphore_mem>>) src(%dma_wait3A_221 : memref<64x128xf32, #tpu.memory_space<vmem>>) dst(%dma_wait3A_217 : memref<64x128xf32, #tpu.memory_space<hbm>>)
    return
  }
}

</mosaic_0001>

<sc_bundles>
// kernel: kernel.3.cloned.1.call-start
scs
__scs_entry_jumppad:
0x0: {  	(pc) =	sbr.rel $0x88, $3  }
0x1: {  	(tag) =	ssettag $0x0;
	lr =	simm.s32 $0x1  }
0x2: {  	[smem:$0x3F9F] =	sst lr;
	_ =	strace $0xD0000000  }
0x3: {  	_ = 	snop  }
0x4: {  	_ = 	snop  }
0x5: {  	_ = 	snop  }
0x6: {  	_ = 	snop  }
0x7: {  	_ = 	snop  }
__scs_overlays_trampoline_lowered:
0x8: {  	[smem:$0x3FAE] =	sst s0  }
0x9: {  	[smem:$0x3FAF] =	sst s1  }
0xa: {  	[smem:$0x3FB0] =	sst s2  }
0xb: {  	[smem:$0x3FB1] =	sst s3  }
0xc: {  	[smem:$0x3FB2] =	sst s4  }
0xd: {  	[smem:$0x3FB3] =	sst s5  }
0xe: {  	[smem:$0x3FB4] =	sst s6  }
0xf: {  	[smem:$0x3FB5] =	sst s7  }
0x10: {  	[smem:$0x3FB6] =	sst s8  }
0x11: {  	[smem:$0x3FB7] =	sst s9;
	s0 =	simm.s32 @!p0 $0x0  }
0x12: {  	s1 =	sld [smem:$0x3F9D];
	s0 =	simm.s32 @p0 $0x1  }
0x13: {  	[smem:$0x3FB8] =	sst s0;
	s0 =	simm.s32 @!p1 $0x0  }
0x14: {  	s2 =	sld [smem:$0x3F9C];
	s0 =	simm.s32 @p1 $0x1  }
0x15: {  	[smem:$0x3FB9] =	sst s0;
	s0 =	simm.s32 @!p2 $0x0  }
0x16: {  	s3 =	sld [smem:$0x3FDB];
	s0 =	simm.s32 @p2 $0x1  }
0x17: {  	s4 =	simm.s32 $0x1BF5;
	[smem:$0x3FBB] =	sst s0  }
0x18: {  	s0 =	sld [smem:$0x3F9E];
	_ =	swait.ge [sflag:s4], $0x0  }
0x19: {  	s7 =	sld [smem:$0x3F9F]  }
0x1a: {  	s8 =	sadd.s32 $0xFFFFE003, lr  }
0x1b: {  	s9 =	sadd.s32 $0xFFFFFEF7, lr;
	s5 =	simm.s32 $0xFFFFFFFF;
	p2 =	slt.u32 s8, $0xFFFFF086  }
0x1c: {  	p1 =	slt.u32 s9, $0xF7A;
	s5 =	simm.s32 @!p2 $0x0  }
0x1d: {  	s5 =	simm.s32 @p1 $0x1;
	p0 =	seq.s32 s7, s2  }
0x1e: {  	s7 =	smul.u32 @!p0 $0xF7A, s2;
	p2 =	seq.s32 @!p0 s5, $0x0  }
0x1f: {  	s9 =	smul.u32 $0xF7A, s1;
	s8 =	simm.s32 @!p0 $0x1BF5;
	p2 =	por !p2, p0  }
0x20: {  	[sflag:s8] =	ssyncset.s32 @!p0 $0xFFFFF086;
	s6 =	sadd.s32 @!p0 s3, s7;
	s7 =	simm.s32 @!p0 $0x108  }
0x21: {  	s3 =	sadd.s32 s3, s9;
	s6 =	sadd.s32 @!p0 $0x88, s6;
	s7 =	simm.s32 @p2 $0x1082  }
0x22: {  	[simem:s7], [sflag:s8] =	dma.local @!p0 [hbm:s6], $0xF7A  }
0x23: {  	s9 =	sor.u32 $0xD0000000, s2;
	s6 =	simm.s32 $0x108;
	_ =	swait.ge @!p0 [sflag:s8], $0x0  }
0x24: {  	s3 =	sadd.s32 $0x88, s3;
	s6 =	simm.s32 @!p1 $0x1082;
	[sflag:s4] =	ssyncset.s32 $0xFFFFF086  }
0x25: {  	[simem:s6], [sflag:s4] =	dma.local [hbm:s3], $0xF7A  }
0x26: {  	[smem:$0x3F9F] =	sst s1;
	(tag) =	ssettag s2;
	_ =	strace s9  }
0x27: {  	s1 =	sld [smem:$0x3FAF]  }
0x28: {  	s2 =	sld [smem:$0x3FB0]  }
0x29: {  	s4 =	sld [smem:$0x3FB2]  }
0x2a: {  	p0 =	seq.s32 s5, $0x0;
	s5 =	sld [smem:$0x3FB3]  }
0x2b: {  	s6 =	sld [smem:$0x3FB4]  }
0x2c: {  	s7 =	sld [smem:$0x3FB5]  }
0x2d: {  	s3 =	simm.s32 $0x108;
	s8 =	sld [smem:$0x3FB6]  }
0x2e: {  	s3 =	simm.s32 @!p0 $0x1082;
	s9 =	sld [smem:$0x3FB7]  }
0x2f: {  	lr =	sadd.s32 s0, s3;
	s0 =	sld [smem:$0x3FAE]  }
0x30: {  	s3 =	sld [smem:$0x3FB1]  }
0x31: {  	[smem:$0x3FBA] =	sst s10  }
0x32: {  	s10 =	sld [smem:$0x3FB8];
	_ =	sdelay $0x3  }
0x33: {  	p0 =	seq.s32 s10, $0x1;
	s10 =	sld [smem:$0x3FBA];
	_ =	sdelay $0x3  }
0x34: {  	[smem:$0x3FBA] =	sst s10  }
0x35: {  	s10 =	sld [smem:$0x3FB9];
	_ =	sdelay $0x3  }
0x36: {  	p1 =	seq.s32 s10, $0x1;
	s10 =	sld [smem:$0x3FBA];
	_ =	sdelay $0x3  }
0x37: {  	[smem:$0x3FBA] =	sst s10  }
0x38: {  	s10 =	sld [smem:$0x3FBB]  }
0x39: {  	_ = 	snop;
	(pc) =	sbr.ind lr, $3  }
0x3a: {  	_ = 	snop  }
0x3b: {  	_ = 	snop  }
0x3c: {  	p2 =	seq.s32 s10, $0x1;
	s10 =	sld [smem:$0x3FBA]  }
0x3d: {  	_ =	shalt  }
0x3e: {  	_ =	shalt  }
0x3f: {  	_ =	shalt  }
0x40: {  	_ =	shalt  }
0x41: {  	_ =	shalt  }
0x42: {  	_ =	shalt  }
0x43: {  	_ =	shalt  }
0x44: {  	_ =	shalt  }
0x45: {  	_ =	shalt  }
0x46: {  	_ =	shalt  }
0x47: {  	_ =	shalt  }
0x48: {  	_ =	shalt  }
0x49: {  	_ =	shalt  }
0x4a: {  	_ =	shalt  }
0x4b: {  	_ =	shalt  }
0x4c: {  	_ =	shalt  }
0x4d: {  	_ =	shalt  }
0x4e: {  	_ =	shalt  }
0x4f: {  	_ =	shalt  }
0x50: {  	_ =	shalt  }
0x51: {  	_ =	shalt  }
0x52: {  	_ =	shalt  }
0x53: {  	_ =	shalt  }
0x54: {  	_ =	shalt  }
0x55: {  	_ =	shalt  }
0x56: {  	_ =	shalt  }
0x57: {  	_ =	shalt  }
0x58: {  	_ =	shalt  }
0x59: {  	_ =	shalt  }
0x5a: {  	_ =	shalt  }
0x5b: {  	_ =	shalt  }
0x5c: {  	_ =	shalt  }
0x5d: {  	_ =	shalt  }
0x5e: {  	_ =	shalt  }
0x5f: {  	_ =	shalt  }
0x60: {  	_ =	shalt  }
0x61: {  	_ =	shalt  }
0x62: {  	_ =	shalt  }
0x63: {  	_ =	shalt  }
0x64: {  	_ =	shalt  }
0x65: {  	_ =	shalt  }
0x66: {  	_ =	shalt  }
0x67: {  	_ =	shalt  }
0x68: {  	_ =	shalt  }
0x69: {  	_ =	shalt  }
0x6a: {  	_ =	shalt  }
0x6b: {  	_ =	shalt  }
0x6c: {  	_ =	shalt  }
0x6d: {  	_ =	shalt  }
0x6e: {  	_ =	shalt  }
0x6f: {  	_ =	shalt  }
0x70: {  	_ =	shalt  }
0x71: {  	_ =	shalt  }
0x72: {  	_ =	shalt  }
0x73: {  	_ =	shalt  }
0x74: {  	_ =	shalt  }
0x75: {  	_ =	shalt  }
0x76: {  	_ =	shalt  }
0x77: {  	_ =	shalt  }
0x78: {  	_ =	shalt  }
0x79: {  	_ =	shalt  }
0x7a: {  	_ =	shalt  }
0x7b: {  	_ =	shalt  }
0x7c: {  	_ =	shalt  }
0x7d: {  	_ =	shalt  }
0x7e: {  	_ =	shalt  }
0x7f: {  	_ =	shalt  }
0x80: {  	_ =	shalt  }
0x81: {  	_ =	shalt  }
0x82: {  	_ =	shalt  }
0x83: {  	_ =	shalt  }
0x84: {  	_ =	shalt  }
0x85: {  	_ =	shalt  }
0x86: {  	_ =	shalt  }
0x87: {  	_ =	shalt  }
.Lfunc_end0:
.L_simem_size_0:
called_computation_lowered:
.L_overlay_start_0:
0x88: {  	s2 =	sld [smem:$0x3FD9]  }
0x89: {  	s3 =	sld [smem:$0x3FFE];
	_ =	sdelay $0x1  }
0x8a: {  	s1 =	srdreg.scid  }
0x8b: {  	s0 =	sand.u32 $0x1, s1  }
0x8c: {  	s17 =	sshll.u32 s0, $0xA;
	s2 =	sadd.s32 s3, s2  }
0x8d: {  	s2 =	sadd.s32 s2, s17  }
0x8e: {  	[smem:$0x3FC6] =	sst s2  }
0x8f: {  	_ = 	snop  }
0x90: {  	s2 =	sld [smem:$0x3FC9]  }
0x91: {  	s18 =	sld [smem:$0x3FD0];
	(tm) =	ssettm $0x1  }
0x92: {  	s4 =	sld [smem:$0x3FFB];
	_ =	sdelay $0x3  }
0x93: {  	_ =	strace s4  }
0x94: {  	s4 =	sld [smem:$0x3FFC];
	_ =	sdelay $0x3  }
0x95: {  	_ =	strace s4  }
0x96: {  	s4 =	sld [smem:$0x3FFD];
	_ =	sdelay $0x3  }
0x97: {  	_ =	strace s4  }
0x98: {  	_ =	strace $0x8FFFFFFF  }
0x99: {  	s19 =	sld [smem:$0x3FDB];
	_ =	sdelay $0x1  }
0x9a: {  	s5 =	simm.s32 $_scs_section_size  }
0x9b: {  	s6 =	simm.s32 $_size__tile_overlayer_lowered;
	s7 =	simm.s32 $_tile_overlayer_lowered  }
0x9c: {  	s22 =	simm.s32 $0x1BFF;
	s21 =	sshll.u32 s7, $0x1;
	s4 =	sadd.s32 s5, s19  }
0x9d: {  	s8 =	simm.s32 $0x0;
	s20 =	sshll.u32 s6, $0x1;
	s6 =	sadd.s32 s21, s4  }
0x9e: {  	[timem:s8], [sflag:s22] =	dma.local [hbm:s6], s20  }
0x9f: {  	_ =	swait.ge [sflag:s22], s20  }
0xa0: {  	s5 =	ssub.s32 $0x0, s20;
	[sflag:s22] =	ssyncset.done $0x0  }
0xa1: {  	[sflag:s22] =	ssyncadd.s32 s5;
	_ =	sdelay $0x1  }
0xa2: {  	s23 =	simm.s32 $0x1B8B  }
0xa3: {  	_ =	swait.ge [sflag:s23], $0x1  }
0xa4: {  	[sflag:s23] =	ssyncset.done $0x0  }
0xa5: {  	s25 =	simm.s32 $0x1B8E;
	s24 =	sld [smem:$0x3FFE];
	[sflag:s23] =	ssyncadd.s32 $0xFFFFFFFF  }
0xa6: {  	s26 =	simm.s32 $execute0_lowered;
	[smem:$0x3FD2] =	sst s25  }
0xa7: {  	s6 =	sshll.u32 s26, $0x1;
	_ =	strace $0x80000046;
	[dreg:$0x1] =	wrdreg $0xFFFFFFFF  }
0xa8: {  	s28 =	simm.s32 $_size_execute0_lowered;
	s4 =	sadd.s32 s4, s6;
	[dreg:$0x0] =	wrdreg $0x0  }
0xa9: {  	s6 =	sshll.u32 s28, $0x1;
	[dreg:$0x2] =	wrdreg s4  }
0xaa: {  	[dreg:$0x3] =	wrdreg s6  }
0xab: {  	[dreg:$0x4] =	wrdreg $0xC0  }
0xac: {  	_ =	task [dreg:s8], $0x5FFFF  }
0xad: {  	[dreg:$0x1] =	wrdreg $0xFFFFFFFF  }
0xae: {  	[dreg:$0x0] =	wrdreg $0x60  }
0xaf: {  	[dreg:$0x2] =	wrdreg s2  }
0xb0: {  	[dreg:$0x3] =	wrdreg s24  }
0xb1: {  	[dreg:$0x4] =	wrdreg s18  }
0xb2: {  	[dreg:$0x5] =	wrdreg $0x9  }
0xb3: {  	_ =	task.clear_ibuf [dreg:s8], $0x6FFFF;
	_ =	strace $0x90000046  }
0xb4: {  	s29 =	simm.s32 $0x9;
	_ =	strace $0x80000048  }
0xb5: {  	_ =	swait.ge [sflag:s29], $0x1  }
0xb6: {  	[sflag:s29] =	ssyncadd.s32 $0xFFFFFFFF  }
0xb7: {  	_ =	strace $0x90000048  }
0xb8: {  	_ =	sfence  }
0xb9: {  	s30 =	sld [smem:$0x0];
	_ =	sdelay $0x2  }
0xba: {  	s31 =	sshll.u32 s1, $0xD;
	s1 =	sshrl.u32 s1, $0x2  }
0xbb: {  	s3 =	sand.u32 $0x4000, s31;
	s1 =	sadd.s32 s1, s30  }
0xbc: {  	s0 =	sor.u32 s3, s0;
	s1 =	sshll.u32 s1, $0x11  }
0xbd: {  	s0 =	sor.u32 s1, s0  }
0xbe: {  	s0 =	sadd.s32 $0x8F2B, s0  }
0xbf: {  	[sflag:s0] =	ssyncadd.remote.s32 $0x1  }
0xc0: {  	_ =	sfence.sel $0xFFFF  }
0xc1: {  	[dreg:$0x0] =	wrdreg $0xFFFFFFFF;
	(pc) =	sbr.abs _section_cstart, $3  }
0xc2: {  	[dreg:$0x1] =	wrdreg $0xFFFFFFFF  }
0xc3: {  	_ =	task.clear_ibuf [dreg:s8], $0x2FFFF;
	_ =	strace $0x9FFFFFFF  }
0xc4: {  	(tm) =	ssettm $0x7FFFFFFF  }
0xc5: {  	_ =	shalt  }
tec
execute0_lowered:
.L_overlay_start_1:
0x0: {  	(tag) =	ssettag $0x1  }
0x1: {  	v0 =	vimm.s32 $0xB8F;
	vm14 =	vcmask $0x300  }
0x2: {  	vm13 =	vcmask $0x704;
	vm12 =	vcmask $0xB08;
	vm11 =	vcmask $0xF0C  }
0x3: {  	vm10 =	vcmask $0x1310;
	vm9 =	vcmask $0x1714;
	vm8 =	vcmask $0x1B18  }
0x4: {  	vm6 =	vcmask $0x1F1C;
	vm7 =	vcmask $0x2320;
	v1 =	vimm.s32 $0x1B8F  }
0x5: {  	vm5 =	vcmask $0x2724;
	vm3 =	vcmask $0x2B28;
	vm4 =	vcmask $0x2F2C  }
0x6: {  	vm2 =	vcmask $0x3330;
	vm0 =	vcmask $0x3734;
	v2 =	vimm.s32 $0x2B8F  }
0x7: {  	vm1 =	vcmask $0x3B38;
	v3 =	vimm.s32 $0x87654321;
	v4 =	vimm.s32 $0x100F  }
0x8: {  	v55 =	vimm.s32 $0x208F;
	v56 =	vimm.s32 $0x308F;
	v6 =	vimm.s32 $0x10F  }
0x9: {  	v7 =	vimm.s32 $0x110F;
	v8 =	vimm.s32 $0x210F;
	v9 =	vimm.s32 $0x310F  }
0xa: {  	v10 =	vimm.s32 $0x18F;
	v11 =	vimm.s32 $0x118F;
	v12 =	vimm.s32 $0x218F  }
0xb: {  	v13 =	vimm.s32 $0x318F;
	v14 =	vimm.s32 $0x20F;
	v15 =	vimm.s32 $0x120F  }
0xc: {  	v16 =	vimm.s32 $0x220F;
	v17 =	vimm.s32 $0x320F;
	v18 =	vimm.s32 $0x28F  }
0xd: {  	v19 =	vimm.s32 $0x128F;
	v20 =	vimm.s32 $0x228F;
	v21 =	vimm.s32 $0x328F  }
0xe: {  	v22 =	vimm.s32 $0xFEDCBA98;
	v23 =	vimm.s32 $0x76543210;
	v24 =	vimm.s32 $0x30F  }
0xf: {  	v25 =	vimm.s32 $0x130F;
	v26 =	vimm.s32 $0x230F;
	v27 =	vimm.s32 $0x330F  }
0x10: {  	v57 =	vimm.s32 $0x38F;
	v58 =	vimm.s32 $0x138F;
	v28 =	vimm.s32 $0x238F  }
0x11: {  	v29 =	vimm.s32 $0x338F;
	v30 =	vimm.s32 $0x80F;
	v31 =	vimm.s32 $0x180F  }
0x12: {  	v32 =	vimm.s32 $0x280F;
	v33 =	vimm.s32 $0x380F;
	v34 =	vimm.s32 $0x88F  }
0x13: {  	v35 =	vimm.s32 $0x188F;
	v36 =	vimm.s32 $0x288F;
	v37 =	vimm.s32 $0x388F  }
0x14: {  	v38 =	vimm.s32 $0x90F;
	v39 =	vimm.s32 $0x190F;
	v40 =	vimm.s32 $0x290F  }
0x15: {  	v41 =	vimm.s32 $0x390F;
	v42 =	vimm.s32 $0x98F;
	v43 =	vimm.s32 $0x198F  }
0x16: {  	v44 =	vimm.s32 $0x298F;
	v45 =	vimm.s32 $0x398F;
	v46 =	vimm.s32 $0xA0F  }
0x17: {  	v47 =	vimm.s32 $0x1A0F;
	v48 =	vimm.s32 $0x2A0F;
	v0 =	vsel vm14, $0x0, v0  }
0x18: {  	v49 =	vimm.s32 $0x3A0F;
	v50 =	vimm.s32 $0xA8F;
	v0 =	vsel vm13, $0x81, v0  }
0x19: {  	v51 =	vimm.s32 $0x1A8F;
	v52 =	vimm.s32 $0x2A8F;
	v0 =	vsel vm12, $0x102, v0  }
0x1a: {  	v53 =	vimm.s32 $0x3A8F;
	v54 =	vimm.s32 $0xB0F;
	v0 =	vsel vm11, $0x183, v0  }
0x1b: {  	v1 =	vsel vm14, $0x1000, v1;
	v2 =	vsel vm14, $0x2000, v2;
	v0 =	vsel vm10, $0x204, v0  }
0x1c: {  	v3 =	vunpack.c.l.s4.s8 v3;
	v6 =	vsel vm14, $0x180, v6;
	v0 =	vsel vm9, $0x285, v0  }
0x1d: {  	v7 =	vsel vm14, $0x1180, v7;
	v8 =	vsel vm14, $0x2180, v8;
	v0 =	vsel vm8, $0x306, v0  }
0x1e: {  	v9 =	vsel vm14, $0x3180, v9;
	v10 =	vsel vm14, $0x200, v10;
	v0 =	vsel vm6, $0x387, v0  }
0x1f: {  	v11 =	vsel vm14, $0x1200, v11;
	v12 =	vsel vm14, $0x2200, v12;
	v0 =	vsel vm7, $0x808, v0  }
0x20: {  	v13 =	vsel vm14, $0x3200, v13;
	v1 =	vsel vm13, $0x1081, v1;
	v0 =	vsel vm5, $0x889, v0  }
0x21: {  	v14 =	vsel vm14, $0x280, v14;
	v1 =	vsel vm12, $0x1102, v1;
	v0 =	vsel vm3, $0x90A, v0  }
0x22: {  	v15 =	vsel vm14, $0x1280, v15;
	v1 =	vsel vm11, $0x1183, v1;
	v0 =	vsel vm4, $0x98B, v0  }
0x23: {  	v16 =	vsel vm14, $0x2280, v16;
	v1 =	vsel vm10, $0x1204, v1;
	v0 =	vsel vm2, $0xA0C, v0  }
0x24: {  	v17 =	vsel vm14, $0x3280, v17;
	v1 =	vsel vm9, $0x1285, v1;
	v0 =	vsel vm0, $0xA8D, v0  }
0x25: {  	v18 =	vsel vm14, $0x300, v18;
	v1 =	vsel vm8, $0x1306, v1;
	v0 =	vsel vm1, $0xB0E, v0  }
0x26: {  	v19 =	vsel vm14, $0x1300, v19;
	v20 =	vsel vm14, $0x2300, v20;
	[tilespmem:$0x1F690] =	vst v0;
	v0 =	vsel vm6, $0x1387, v1  }
0x27: {  	v21 =	vsel vm14, $0x3300, v21;
	v1 =	vsel vm13, $0x2081, v2;
	v0 =	vsel vm7, $0x1808, v0  }
0x28: {  	v22 =	vunpack.c.l.s4.s8 v22;
	v1 =	vsel vm12, $0x2102, v1;
	v0 =	vsel vm5, $0x1889, v0  }
0x29: {  	v2 =	vimm.s32 $0x3B8F;
	v1 =	vsel vm11, $0x2183, v1;
	v0 =	vsel vm3, $0x190A, v0  }
0x2a: {  	v2 =	vsel vm14, $0x3000, v2;
	v1 =	vsel vm10, $0x2204, v1;
	v0 =	vsel vm4, $0x198B, v0  }
0x2b: {  	v2 =	vsel vm13, $0x3081, v2;
	v1 =	vsel vm9, $0x2285, v1;
	v0 =	vsel vm2, $0x1A0C, v0  }
0x2c: {  	v2 =	vsel vm12, $0x3102, v2;
	v1 =	vsel vm8, $0x2306, v1;
	v0 =	vsel vm0, $0x1A8D, v0  }
0x2d: {  	v2 =	vsel vm11, $0x3183, v2;
	v1 =	vsel vm6, $0x2387, v1;
	v0 =	vsel vm1, $0x1B0E, v0  }
0x2e: {  	v23 =	vunpack.c.l.s4.s8 v23;
	v2 =	vsel vm10, $0x3204, v2;
	[tilespmem:$0x1F6A0] =	vst v0;
	v0 =	vsel vm7, $0x2808, v1  }
0x2f: {  	v24 =	vsel vm14, $0x380, v24;
	v1 =	vsel vm9, $0x3285, v2;
	v0 =	vsel vm5, $0x2889, v0  }
0x30: {  	v2 =	vimm.s32 $0xF;
	v1 =	vsel vm8, $0x3306, v1;
	v0 =	vsel vm3, $0x290A, v0  }
0x31: {  	v2 =	vsel vm14, $0x80, v2;
	v1 =	vsel vm6, $0x3387, v1;
	v0 =	vsel vm4, $0x298B, v0  }
0x32: {  	v2 =	vsel vm13, $0x101, v2;
	v1 =	vsel vm7, $0x3808, v1;
	v0 =	vsel vm2, $0x2A0C, v0  }
0x33: {  	v2 =	vsel vm12, $0x182, v2;
	v1 =	vsel vm5, $0x3889, v1;
	v0 =	vsel vm0, $0x2A8D, v0  }
0x34: {  	v2 =	vsel vm11, $0x203, v2;
	v1 =	vsel vm3, $0x390A, v1;
	v0 =	vsel vm1, $0x2B0E, v0  }
0x35: {  	v25 =	vsel vm14, $0x1380, v25;
	[tilespmem:$0x1F6B0] =	vst v0;
	v0 =	vsel vm4, $0x398B, v1;
	v1 =	vsel vm10, $0x284, v2  }
0x36: {  	v26 =	vsel vm14, $0x2380, v26;
	v27 =	vsel vm14, $0x3380, v27;
	v1 =	vsel vm9, $0x305, v1  }
0x37: {  	v28 =	vsel vm14, $0x2800, v28;
	v29 =	vsel vm14, $0x3800, v29;
	v1 =	vsel vm8, $0x386, v1  }
0x38: {  	v30 =	vsel vm14, $0x880, v30;
	v2 =	vimm.s32 $0xFEDCBA9;
	v1 =	vsel vm6, $0x807, v1  }
0x39: {  	v31 =	vsel vm14, $0x1880, v31;
	v2 =	vunpack.c.l.s4.s8 v2;
	v1 =	vsel vm7, $0x888, v1  }
0x3a: {  	v32 =	vsel vm14, $0x2880, v32;
	v0 =	vsel vm2, $0x3A0C, v0;
	v1 =	vsel vm5, $0x909, v1  }
0x3b: {  	v0 =	vsel vm0, $0x3A8D, v0;
	v5 =	vunpack.c.0.s8.s32 v2;
	v1 =	vsel vm3, $0x98A, v1  }
0x3c: {  	v2 =	vsel vm14, $0x1080, v4;
	v0 =	vsel vm1, $0x3B0E, v0;
	v1 =	vsel vm4, $0xA0B, v1  }
0x3d: {  	v33 =	vsel vm14, $0x3880, v33;
	v2 =	vsel vm13, $0x1101, v2;
	[tilespmem:$0x1F6E0] =	vst v0;
	v0 =	vsel vm2, $0xA8C, v1  }
0x3e: {  	v34 =	vsel vm14, $0x900, v34;
	v2 =	vsel vm12, $0x1182, v2;
	v0 =	vsel vm0, $0xB0D, v0  }
0x3f: {  	v35 =	vsel vm14, $0x1900, v35;
	v2 =	vsel vm11, $0x1203, v2;
	v0 =	vsel vm1, $0xB8E, v0  }
0x40: {  	v36 =	vsel vm14, $0x2900, v36;
	v1 =	vsel vm10, $0x1284, v2;
	[tilespmem:$0x1F810] =	vst v0;
	v0 =	vimm.s32 $0x1C1B1A19  }
0x41: {  	v37 =	vsel vm14, $0x3900, v37;
	v1 =	vsel vm9, $0x1305, v1;
	v0 =	vunpack.c.0.s8.s32 v0  }
0x42: {  	v38 =	vsel vm14, $0x980, v38;
	v39 =	vsel vm14, $0x1980, v39;
	v1 =	vsel vm8, $0x1386, v1  }
0x43: {  	v40 =	vsel vm14, $0x2980, v40;
	v41 =	vsel vm14, $0x3980, v41;
	[tilespmem:$0x1F840] =	vst v0;
	v0 =	vsel vm6, $0x1807, v1  }
0x44: {  	v42 =	vsel vm14, $0xA00, v42;
	v43 =	vsel vm14, $0x1A00, v43;
	v0 =	vsel vm7, $0x1888, v0  }
0x45: {  	v44 =	vsel vm14, $0x2A00, v44;
	v45 =	vsel vm14, $0x3A00, v45;
	v0 =	vsel vm5, $0x1909, v0  }
0x46: {  	v46 =	vsel vm14, $0xA80, v46;
	v1 =	vimm.s32 $0x200F;
	v0 =	vsel vm3, $0x198A, v0  }
0x47: {  	v3 =	vunpack.c.0.s8.s32 v3;
	v1 =	vsel vm14, $0x2080, v1;
	v0 =	vsel vm4, $0x1A0B, v0  }
0x48: {  	v47 =	vsel vm14, $0x1A80, v47;
	v1 =	vsel vm13, $0x2101, v1;
	v0 =	vsel vm2, $0x1A8C, v0  }
0x49: {  	[tilespmem:$0x1F6D0] =	vst v3;
	v3 =	vcombine.low v3, v5;
	v1 =	vsel vm12, $0x2182, v1;
	v0 =	vsel vm0, $0x1B0D, v0  }
0x4a: {  	v48 =	vsel vm14, $0x2A80, v48;
	v1 =	vsel vm11, $0x2203, v1;
	v0 =	vsel vm1, $0x1B8E, v0  }
0x4b: {  	v2 =	vand.u32 $0xF, v3;
	v1 =	vsel vm10, $0x2284, v1;
	[tilespmem:$0x1F700] =	vst v0;
	v0 =	vimm.s32 $0x2C2B2A29  }
0x4c: {  	[tilespmem:$0x1F6F0] =	vst v2;
	v2 =	vimm.s32 $0x101F1E1D;
	v1 =	vsel vm9, $0x2305, v1;
	v0 =	vunpack.c.0.s8.s32 v0  }
0x4d: {  	v49 =	vsel vm14, $0x3A80, v49;
	v2 =	vunpack.c.0.s8.s32 v2;
	v1 =	vsel vm8, $0x2386, v1  }
0x4e: {  	v50 =	vsel vm14, $0xB00, v50;
	v51 =	vsel vm14, $0x1B00, v51;
	[tilespmem:$0x1F8F0] =	vst v0;
	v0 =	vsel vm6, $0x2807, v1  }
0x4f: {  	v52 =	vsel vm14, $0x2B00, v52;
	[tilespmem:$0x1F860] =	vst v2;
	v2 =	vimm.s32 $0x14131211;
	v0 =	vsel vm7, $0x2888, v0  }
0x50: {  	v53 =	vsel vm14, $0x3B00, v53;
	v2 =	vunpack.c.0.s8.s32 v2;
	v0 =	vsel vm5, $0x2909, v0  }
0x51: {  	v54 =	vsel vm14, $0xB80, v54;
	v22 =	vunpack.c.0.s8.s32 v22;
	v0 =	vsel vm3, $0x298A, v0  }
0x52: {  	v23 =	vunpack.c.0.s8.s32 v23;
	[tilespmem:$0x1F870] =	vst v2;
	v2 =	vimm.s32 $0x18171615;
	v0 =	vsel vm4, $0x2A0B, v0  }
0x53: {  	v22 =	vand.u32 $0xF, v22;
	v2 =	vunpack.c.0.s8.s32 v2;
	v0 =	vsel vm2, $0x2A8C, v0  }
0x54: {  	v4 =	vsel vm14, $0x2100, v55;
	v55 =	vimm.s32 $0x1B0F;
	v0 =	vsel vm0, $0x2B0D, v0  }
0x55: {  	[tilespmem:$0x1F8A0] =	vst v2;
	v2 =	vimm.s32 $0x202F2E2D;
	v1 =	vimm.s32 $0x300F;
	v0 =	vsel vm1, $0x2B8E, v0  }
0x56: {  	v2 =	vunpack.c.0.s8.s32 v2;
	v1 =	vsel vm14, $0x3080, v1;
	[tilespmem:$0x1F9A0] =	vst v0;
	v0 =	vimm.s32 $0x3C3B3A39  }
0x57: {  	v55 =	vsel vm14, $0x1B80, v55;
	[tilespmem:$0x1F6C0] =	vst v5;
	v1 =	vsel vm13, $0x3101, v1;
	v0 =	vunpack.c.0.s8.s32 v0  }
0x58: {  	v5 =	vsel vm14, $0x3100, v56;
	[tilespmem:$0x1F930] =	vst v2;
	v2 =	vimm.s32 $0x24232221;
	v1 =	vsel vm12, $0x3182, v1  }
0x59: {  	v2 =	vunpack.c.0.s8.s32 v2;
	v1 =	vsel vm11, $0x3203, v1;
	[tilespmem:$0x1FA00] =	vst v0;
	v0 =	vimm.s32 $0x303F3E3D  }
0x5a: {  	v56 =	vimm.s32 $0x2B0F;
	v1 =	vsel vm10, $0x3284, v1;
	v0 =	vunpack.c.0.s8.s32 v0  }
0x5b: {  	v60 =	vsel vm13, $0x1001, v55;
	[tilespmem:$0x1F950] =	vst v2;
	v2 =	vimm.s32 $0x28272625;
	v1 =	vsel vm9, $0x3305, v1  }
0x5c: {  	v2 =	vunpack.c.0.s8.s32 v2;
	v1 =	vsel vm8, $0x3386, v1;
	[tilespmem:$0x1FA20] =	vst v0;
	v0 =	vimm.s32 $0x34333231  }
0x5d: {  	v56 =	vsel vm14, $0x2B80, v56;
	v1 =	vsel vm6, $0x3807, v1;
	v0 =	vunpack.c.0.s8.s32 v0  }
0x5e: {  	v61 =	vsel vm13, $0x2001, v56;
	v3 =	vimm.s32 $0x108F;
	[tilespmem:$0x1F990] =	vst v2;
	v1 =	vsel vm7, $0x3888, v1  }
0x5f: {  	v3 =	vsel vm14, $0x1100, v3;
	v2 =	vimm.s32 $0x38373635;
	[tilespmem:$0x1FA30] =	vst v0;
	v0 =	vsel vm5, $0x3909, v1  }
0x60: {  	v2 =	vunpack.c.0.s8.s32 v2;
	v1 =	vimm.s32 $0x8F;
	v0 =	vsel vm3, $0x398A, v0  }
0x61: {  	v3 =	vsel vm13, $0x1181, v3;
	v1 =	vsel vm14, $0x100, v1;
	v0 =	vsel vm4, $0x3A0B, v0  }
0x62: {  	[tilespmem:$0x1F8E0] =	vst v2;
	v2 =	vimm.s32 $0x10FEDCBA;
	v1 =	vsel vm13, $0x181, v1;
	v0 =	vsel vm2, $0x3A8C, v0  }
0x63: {  	v2 =	vunpack.c.l.s4.s8 v2;
	v1 =	vsel vm12, $0x202, v1;
	v59 =	vsel vm0, $0x3B0D, v0  }
0x64: {  	v1 =	vsel vm11, $0x283, v1;
	v0 =	vcombine.low v22, v23;
	v22 =	vsel vm14, $0x800, v57  }
0x65: {  	v23 =	vsel vm14, $0x1800, v58;
	v57 =	vimm.s32 $0x3B0F;
	v58 =	vimm.s32 $0x98765432  }
0x66: {  	v1 =	vsel vm10, $0x304, v1;
	v57 =	vsel vm14, $0x3B80, v57;
	v58 =	vunpack.c.l.s4.s8 v58  }
0x67: {  	v22 =	vsel vm13, $0x881, v22;
	v23 =	vsel vm13, $0x1881, v23;
	v1 =	vsel vm9, $0x385, v1  }
0x68: {  	[tilespmem:$0x1F710] =	vst v0;
	v0 =	vunpack.c.0.s8.s32 v2;
	v2 =	vsel vm12, $0x1202, v3;
	v3 =	vsel vm13, $0x2181, v4  }
0x69: {  	v4 =	vsel vm13, $0x3181, v5;
	v5 =	vsel vm13, $0x201, v6;
	v6 =	vsel vm13, $0x1201, v7  }
0x6a: {  	v7 =	vsel vm13, $0x2201, v8;
	v8 =	vsel vm13, $0x3201, v9;
	v9 =	vsel vm13, $0x281, v10  }
0x6b: {  	v10 =	vsel vm13, $0x1281, v11;
	v11 =	vsel vm13, $0x2281, v12;
	v12 =	vsel vm13, $0x3281, v13  }
0x6c: {  	v13 =	vsel vm13, $0x301, v14;
	v14 =	vsel vm13, $0x1301, v15;
	v15 =	vsel vm13, $0x2301, v16  }
0x6d: {  	v16 =	vsel vm13, $0x3301, v17;
	v17 =	vsel vm13, $0x381, v18;
	v18 =	vsel vm13, $0x1381, v19  }
0x6e: {  	v19 =	vsel vm13, $0x2381, v20;
	v20 =	vsel vm13, $0x3381, v21;
	v21 =	vsel vm13, $0x801, v24  }
0x6f: {  	v24 =	vsel vm13, $0x1801, v25;
	v25 =	vsel vm13, $0x2801, v26;
	v26 =	vsel vm13, $0x3801, v27  }
0x70: {  	v27 =	vsel vm13, $0x2881, v28;
	v28 =	vsel vm13, $0x3881, v29;
	v29 =	vsel vm13, $0x901, v30  }
0x71: {  	v30 =	vsel vm13, $0x1901, v31;
	v31 =	vsel vm13, $0x2901, v32;
	v32 =	vsel vm13, $0x3901, v33  }
0x72: {  	v33 =	vsel vm13, $0x981, v34;
	v34 =	vsel vm13, $0x1981, v35;
	v35 =	vsel vm13, $0x2981, v36  }
0x73: {  	v36 =	vsel vm13, $0x3981, v37;
	v37 =	vsel vm13, $0xA01, v38;
	v38 =	vsel vm13, $0x1A01, v39  }
0x74: {  	v39 =	vsel vm13, $0x2A01, v40;
	v40 =	vsel vm13, $0x3A01, v41;
	v41 =	vsel vm13, $0xA81, v42  }
0x75: {  	v42 =	vsel vm13, $0x1A81, v43;
	v43 =	vsel vm13, $0x2A81, v44;
	v44 =	vsel vm13, $0x3A81, v45  }
0x76: {  	v45 =	vsel vm13, $0xB01, v46;
	v46 =	vsel vm13, $0x1B01, v47;
	v47 =	vsel vm13, $0x2B01, v48  }
0x77: {  	v48 =	vsel vm13, $0x3B01, v49;
	v49 =	vsel vm13, $0xB81, v50;
	v50 =	vsel vm13, $0x1B81, v51  }
0x78: {  	v51 =	vsel vm13, $0x2B81, v52;
	v52 =	vsel vm13, $0x3B81, v53;
	v53 =	vsel vm13, $0x1, v54  }
0x79: {  	v62 =	vsel vm13, $0x3001, v57;
	v22 =	vsel vm12, $0x902, v22;
	v23 =	vsel vm12, $0x1902, v23  }
0x7a: {  	v57 =	vsel vm12, $0x1082, v60;
	v1 =	vsel vm8, $0x806, v1;
	v58 =	vunpack.c.0.s8.s32 v58  }
0x7b: {  	v2 =	vsel vm11, $0x1283, v2;
	v22 =	vsel vm11, $0x983, v22;
	v23 =	vsel vm11, $0x1983, v23  }
0x7c: {  	v1 =	vsel vm6, $0x887, v1;
	v2 =	vsel vm10, $0x1304, v2;
	v22 =	vsel vm10, $0xA04, v22  }
0x7d: {  	[tilespmem:$0x1F720] =	vst v0;
	v23 =	vsel vm10, $0x1A04, v23;
	v1 =	vsel vm7, $0x908, v1;
	v63 =	vcombine.low v58, v0  }
0x7e: {  	[tilespmem:$0x1F730] =	vst v58;
	v0 =	vsel vm1, $0x3B8E, v59;
	v58 =	vsel vm12, $0x2082, v61;
	v59 =	vsel vm12, $0x3082, v62  }
0x7f: {  	v61 =	vimm.s32 $0x1D1C1B1A;
	v62 =	vimm.s32 $0x11101F1E;
	v22 =	vsel vm9, $0xA85, v22  }
0x80: {  	v23 =	vsel vm9, $0x1A85, v23;
	[tilespmem:$0x1F920] =	vst v0;
	v0 =	vsel vm5, $0x989, v1;
	v1 =	vsel vm9, $0x1385, v2  }
0x81: {  	v60 =	vunpack.c.0.s8.s32 v61;
	v54 =	vsel vm11, $0x3103, v59;
	v55 =	vunpack.c.0.s8.s32 v62  }
0x82: {  	v22 =	vsel vm8, $0xB06, v22;
	v23 =	vsel vm8, $0x1B06, v23;
	v2 =	vand.u32 $0xF, v63  }
0x83: {  	v0 =	vsel vm3, $0xA0A, v0;
	v1 =	vsel vm8, $0x1806, v1;
	v54 =	vsel vm10, $0x3184, v54  }
0x84: {  	v63 =	vimm.s32 $0x15141312;
	v22 =	vsel vm6, $0xB87, v22;
	v23 =	vsel vm6, $0x1B87, v23  }
0x85: {  	[tilespmem:$0x1F940] =	vst v2;
	v0 =	vsel vm4, $0xA8B, v0;
	v1 =	vsel vm6, $0x1887, v1;
	v2 =	vsel vm12, $0x2202, v3  }
0x86: {  	v3 =	vsel vm12, $0x282, v5;
	v5 =	vsel vm12, $0x2282, v7;
	v7 =	vsel vm12, $0x302, v9  }
0x87: {  	v9 =	vsel vm12, $0x2302, v11;
	v11 =	vsel vm12, $0x382, v13;
	v13 =	vsel vm12, $0x2382, v15  }
0x88: {  	v15 =	vsel vm12, $0x802, v17;
	v17 =	vsel vm12, $0x2802, v19;
	v19 =	vsel vm12, $0x882, v21  }
0x89: {  	v21 =	vsel vm12, $0x2882, v25;
	v25 =	vsel vm12, $0x2902, v27;
	v27 =	vsel vm12, $0x982, v29  }
0x8a: {  	v29 =	vsel vm12, $0x2982, v31;
	v31 =	vsel vm12, $0xA02, v33;
	v33 =	vsel vm12, $0x2A02, v35  }
0x8b: {  	v35 =	vsel vm12, $0xA82, v37;
	v37 =	vsel vm12, $0x2A82, v39;
	v39 =	vsel vm12, $0xB02, v41  }
0x8c: {  	v41 =	vsel vm12, $0x2B02, v43;
	v43 =	vsel vm12, $0xB82, v45;
	v45 =	vsel vm12, $0x2B82, v47  }
0x8d: {  	v47 =	vsel vm12, $0x2, v49;
	v49 =	vsel vm12, $0x2002, v51;
	v51 =	vsel vm12, $0x82, v53  }
0x8e: {  	v53 =	vsel vm11, $0x2103, v58;
	v58 =	vunpack.c.0.s8.s32 v63;
	v54 =	vsel vm9, $0x3205, v54  }
0x8f: {  	v22 =	vsel vm7, $0x8, v22;
	v23 =	vsel vm7, $0x1008, v23;
	v63 =	vimm.s32 $0x21202F2E  }
0x90: {  	v0 =	vsel vm2, $0xB0C, v0;
	v1 =	vsel vm7, $0x1908, v1;
	v2 =	vsel vm11, $0x2283, v2  }
0x91: {  	v3 =	vsel vm11, $0x303, v3;
	v5 =	vsel vm11, $0x2303, v5;
	v7 =	vsel vm11, $0x383, v7  }
0x92: {  	v9 =	vsel vm11, $0x2383, v9;
	v11 =	vsel vm11, $0x803, v11;
	v13 =	vsel vm11, $0x2803, v13  }
0x93: {  	v15 =	vsel vm11, $0x883, v15;
	v17 =	vsel vm11, $0x2883, v17;
	v19 =	vsel vm11, $0x903, v19  }
0x94: {  	v21 =	vsel vm11, $0x2903, v21;
	v25 =	vsel vm11, $0x2983, v25;
	v27 =	vsel vm11, $0xA03, v27  }
0x95: {  	v29 =	vsel vm11, $0x2A03, v29;
	v31 =	vsel vm11, $0xA83, v31;
	v33 =	vsel vm11, $0x2A83, v33  }
0x96: {  	v35 =	vsel vm11, $0xB03, v35;
	v37 =	vsel vm11, $0x2B03, v37;
	v39 =	vsel vm11, $0xB83, v39  }
0x97: {  	v41 =	vsel vm11, $0x2B83, v41;
	v43 =	vsel vm11, $0x3, v43;
	v45 =	vsel vm11, $0x2003, v45  }
0x98: {  	v47 =	vsel vm11, $0x83, v47;
	v49 =	vsel vm11, $0x2083, v49;
	v51 =	vsel vm11, $0x103, v51  }
0x99: {  	v53 =	vsel vm10, $0x2184, v53;
	v59 =	vsel vm8, $0x3286, v54;
	v61 =	vunpack.c.0.s8.s32 v63  }
0x9a: {  	v22 =	vsel vm5, $0x89, v22;
	v23 =	vsel vm5, $0x1089, v23;
	v63 =	vimm.s32 $0x29282726  }
0x9b: {  	v0 =	vsel vm0, $0xB8D, v0;
	v1 =	vsel vm5, $0x1989, v1;
	v2 =	vsel vm10, $0x2304, v2  }
0x9c: {  	v3 =	vsel vm10, $0x384, v3;
	v5 =	vsel vm10, $0x2384, v5;
	v7 =	vsel vm10, $0x804, v7  }
0x9d: {  	v9 =	vsel vm10, $0x2804, v9;
	v11 =	vsel vm10, $0x884, v11;
	v13 =	vsel vm10, $0x2884, v13  }
0x9e: {  	v15 =	vsel vm10, $0x904, v15;
	v17 =	vsel vm10, $0x2904, v17;
	v19 =	vsel vm10, $0x984, v19  }
0x9f: {  	v21 =	vsel vm10, $0x2984, v21;
	v25 =	vsel vm10, $0x2A04, v25;
	v27 =	vsel vm10, $0xA84, v27  }
0xa0: {  	v29 =	vsel vm10, $0x2A84, v29;
	v31 =	vsel vm10, $0xB04, v31;
	v33 =	vsel vm10, $0x2B04, v33  }
0xa1: {  	v35 =	vsel vm10, $0xB84, v35;
	v37 =	vsel vm10, $0x2B84, v37;
	v39 =	vsel vm10, $0x4, v39  }
0xa2: {  	v41 =	vsel vm10, $0x2004, v41;
	v43 =	vsel vm10, $0x84, v43;
	v45 =	vsel vm10, $0x2084, v45  }
0xa3: {  	v47 =	vsel vm10, $0x104, v47;
	v49 =	vsel vm10, $0x2104, v49;
	v51 =	vsel vm10, $0x184, v51  }
0xa4: {  	v53 =	vsel vm9, $0x2205, v53;
	v54 =	vunpack.c.0.s8.s32 v63;
	v56 =	vsel vm3, $0x10A, v22  }
0xa5: {  	v0 =	vsel vm1, $0xE, v0;
	v3 =	vsel vm9, $0x805, v3;
	v5 =	vsel vm9, $0x2805, v5  }
0xa6: {  	v7 =	vsel vm9, $0x885, v7;
	v9 =	vsel vm9, $0x2885, v9;
	v11 =	vsel vm9, $0x905, v11  }
0xa7: {  	v13 =	vsel vm9, $0x2905, v13;
	v15 =	vsel vm9, $0x985, v15;
	v17 =	vsel vm9, $0x2985, v17  }
0xa8: {  	v19 =	vsel vm9, $0xA05, v19;
	v21 =	vsel vm9, $0x2A05, v21;
	v25 =	vsel vm9, $0x2A85, v25  }
0xa9: {  	v27 =	vsel vm9, $0xB05, v27;
	v29 =	vsel vm9, $0x2B05, v29;
	v31 =	vsel vm9, $0xB85, v31  }
0xaa: {  	v33 =	vsel vm9, $0x2B85, v33;
	v35 =	vsel vm9, $0x5, v35;
	v37 =	vsel vm9, $0x2005, v37  }
0xab: {  	v39 =	vsel vm9, $0x85, v39;
	v41 =	vsel vm9, $0x2085, v41;
	v43 =	vsel vm9, $0x105, v43  }
0xac: {  	v45 =	vsel vm9, $0x2105, v45;
	v47 =	vsel vm9, $0x185, v47;
	v49 =	vsel vm9, $0x2185, v49  }
0xad: {  	v51 =	vsel vm9, $0x205, v51;
	[tilespmem:$0x1F740] =	vst v0;
	v0 =	vsel vm3, $0x1A0A, v1;
	v1 =	vsel vm9, $0x2385, v2  }
0xae: {  	v2 =	vsel vm12, $0x3202, v4;
	v4 =	vsel vm12, $0x1282, v6;
	v6 =	vsel vm12, $0x3282, v8  }
0xaf: {  	v8 =	vsel vm12, $0x1302, v10;
	v10 =	vsel vm12, $0x3302, v12;
	v12 =	vsel vm12, $0x1382, v14  }
0xb0: {  	v14 =	vsel vm12, $0x3382, v16;
	v16 =	vsel vm12, $0x1802, v18;
	v18 =	vsel vm12, $0x3802, v20  }
0xb1: {  	v20 =	vsel vm12, $0x1882, v24;
	v24 =	vsel vm12, $0x3882, v26;
	v26 =	vsel vm12, $0x3902, v28  }
0xb2: {  	v28 =	vsel vm12, $0x1982, v30;
	v30 =	vsel vm12, $0x3982, v32;
	v32 =	vsel vm12, $0x1A02, v34  }
0xb3: {  	v34 =	vsel vm12, $0x3A02, v36;
	v36 =	vsel vm12, $0x1A82, v38;
	v38 =	vsel vm12, $0x3A82, v40  }
0xb4: {  	v40 =	vsel vm12, $0x1B02, v42;
	v42 =	vsel vm12, $0x3B02, v44;
	v44 =	vsel vm12, $0x1B82, v46  }
0xb5: {  	v46 =	vsel vm12, $0x3B82, v48;
	v48 =	vsel vm12, $0x1002, v50;
	v50 =	vsel vm12, $0x3002, v52  }
0xb6: {  	v52 =	vsel vm11, $0x1103, v57;
	v0 =	vsel vm4, $0x1A8B, v0;
	v1 =	vsel vm8, $0x2806, v1  }
0xb7: {  	v2 =	vsel vm11, $0x3283, v2;
	v4 =	vsel vm11, $0x1303, v4;
	v6 =	vsel vm11, $0x3303, v6  }
0xb8: {  	v8 =	vsel vm11, $0x1383, v8;
	v10 =	vsel vm11, $0x3383, v10;
	v12 =	vsel vm11, $0x1803, v12  }
0xb9: {  	v14 =	vsel vm11, $0x3803, v14;
	v16 =	vsel vm11, $0x1883, v16;
	v18 =	vsel vm11, $0x3883, v18  }
0xba: {  	v20 =	vsel vm11, $0x1903, v20;
	v24 =	vsel vm11, $0x3903, v24;
	v26 =	vsel vm11, $0x3983, v26  }
0xbb: {  	v28 =	vsel vm11, $0x1A03, v28;
	v30 =	vsel vm11, $0x3A03, v30;
	v32 =	vsel vm11, $0x1A83, v32  }
0xbc: {  	v34 =	vsel vm11, $0x3A83, v34;
	v36 =	vsel vm11, $0x1B03, v36;
	v38 =	vsel vm11, $0x3B03, v38  }
0xbd: {  	v40 =	vsel vm11, $0x1B83, v40;
	v42 =	vsel vm11, $0x3B83, v42;
	v44 =	vsel vm11, $0x1003, v44  }
0xbe: {  	v46 =	vsel vm11, $0x3003, v46;
	v48 =	vsel vm11, $0x1083, v48;
	v50 =	vsel vm11, $0x3083, v50  }
0xbf: {  	v52 =	vsel vm10, $0x1184, v52;
	v0 =	vsel vm2, $0x1B0C, v0;
	v1 =	vsel vm6, $0x2887, v1  }
0xc0: {  	v2 =	vsel vm10, $0x3304, v2;
	v4 =	vsel vm10, $0x1384, v4;
	v6 =	vsel vm10, $0x3384, v6  }
0xc1: {  	v8 =	vsel vm10, $0x1804, v8;
	v10 =	vsel vm10, $0x3804, v10;
	v12 =	vsel vm10, $0x1884, v12  }
0xc2: {  	v14 =	vsel vm10, $0x3884, v14;
	v16 =	vsel vm10, $0x1904, v16;
	v18 =	vsel vm10, $0x3904, v18  }
0xc3: {  	v20 =	vsel vm10, $0x1984, v20;
	v24 =	vsel vm10, $0x3984, v24;
	v26 =	vsel vm10, $0x3A04, v26  }
0xc4: {  	v28 =	vsel vm10, $0x1A84, v28;
	v30 =	vsel vm10, $0x3A84, v30;
	v32 =	vsel vm10, $0x1B04, v32  }
0xc5: {  	v34 =	vsel vm10, $0x3B04, v34;
	v36 =	vsel vm10, $0x1B84, v36;
	v38 =	vsel vm10, $0x3B84, v38  }
0xc6: {  	v40 =	vsel vm10, $0x1004, v40;
	v42 =	vsel vm10, $0x3004, v42;
	v44 =	vsel vm10, $0x1084, v44  }
0xc7: {  	v46 =	vsel vm10, $0x3084, v46;
	v48 =	vsel vm10, $0x1104, v48;
	v50 =	vsel vm10, $0x3104, v50  }
0xc8: {  	v52 =	vsel vm9, $0x1205, v52;
	v0 =	vsel vm0, $0x1B8D, v0;
	v1 =	vsel vm7, $0x2908, v1  }
0xc9: {  	v2 =	vsel vm9, $0x3385, v2;
	v4 =	vsel vm9, $0x1805, v4;
	v6 =	vsel vm9, $0x3805, v6  }
0xca: {  	v8 =	vsel vm9, $0x1885, v8;
	v10 =	vsel vm9, $0x3885, v10;
	v12 =	vsel vm9, $0x1905, v12  }
0xcb: {  	v14 =	vsel vm9, $0x3905, v14;
	v16 =	vsel vm9, $0x1985, v16;
	v18 =	vsel vm9, $0x3985, v18  }
0xcc: {  	v20 =	vsel vm9, $0x1A05, v20;
	v24 =	vsel vm9, $0x3A05, v24;
	v26 =	vsel vm9, $0x3A85, v26  }
0xcd: {  	v28 =	vsel vm9, $0x1B05, v28;
	v30 =	vsel vm9, $0x3B05, v30;
	v32 =	vsel vm9, $0x1B85, v32  }
0xce: {  	v34 =	vsel vm9, $0x3B85, v34;
	v36 =	vsel vm9, $0x1005, v36;
	v38 =	vsel vm9, $0x3005, v38  }
0xcf: {  	v40 =	vsel vm9, $0x1085, v40;
	v42 =	vsel vm9, $0x3085, v42;
	v44 =	vsel vm9, $0x1105, v44  }
0xd0: {  	v46 =	vsel vm9, $0x3105, v46;
	v48 =	vsel vm9, $0x1185, v48;
	v0 =	vsel vm1, $0x100E, v0  }
0xd1: {  	v50 =	vsel vm9, $0x3185, v50;
	[tilespmem:$0x1F910] =	vst v0;
	v0 =	vsel vm5, $0x2989, v1;
	v1 =	vsel vm8, $0x3806, v2  }
0xd2: {  	v2 =	vsel vm8, $0x886, v3;
	v3 =	vsel vm8, $0x1886, v4;
	v4 =	vsel vm8, $0x2886, v5  }
0xd3: {  	v5 =	vsel vm8, $0x3886, v6;
	v6 =	vsel vm8, $0x906, v7;
	v7 =	vsel vm8, $0x1906, v8  }
0xd4: {  	v8 =	vsel vm8, $0x2906, v9;
	v9 =	vsel vm8, $0x3906, v10;
	v10 =	vsel vm8, $0x986, v11  }
0xd5: {  	v11 =	vsel vm8, $0x1986, v12;
	v12 =	vsel vm8, $0x2986, v13;
	v13 =	vsel vm8, $0x3986, v14  }
0xd6: {  	v14 =	vsel vm8, $0xA06, v15;
	v15 =	vsel vm8, $0x1A06, v16;
	v16 =	vsel vm8, $0x2A06, v17  }
0xd7: {  	v17 =	vsel vm8, $0x3A06, v18;
	v18 =	vsel vm8, $0xA86, v19;
	v19 =	vsel vm8, $0x1A86, v20  }
0xd8: {  	v20 =	vsel vm8, $0x2A86, v21;
	v21 =	vsel vm8, $0x3A86, v24;
	v24 =	vsel vm8, $0x2B06, v25  }
0xd9: {  	v25 =	vsel vm8, $0x3B06, v26;
	v26 =	vsel vm8, $0xB86, v27;
	v27 =	vsel vm8, $0x1B86, v28  }
0xda: {  	v28 =	vsel vm8, $0x2B86, v29;
	v29 =	vsel vm8, $0x3B86, v30;
	v30 =	vsel vm8, $0x6, v31  }
0xdb: {  	v31 =	vsel vm8, $0x1006, v32;
	v32 =	vsel vm8, $0x2006, v33;
	v33 =	vsel vm8, $0x3006, v34  }
0xdc: {  	v34 =	vsel vm8, $0x86, v35;
	v35 =	vsel vm8, $0x1086, v36;
	v36 =	vsel vm8, $0x2086, v37  }
0xdd: {  	v37 =	vsel vm8, $0x3086, v38;
	v38 =	vsel vm8, $0x106, v39;
	v39 =	vsel vm8, $0x1106, v40  }
0xde: {  	v40 =	vsel vm8, $0x2106, v41;
	v41 =	vsel vm8, $0x3106, v42;
	v42 =	vsel vm8, $0x186, v43  }
0xdf: {  	v43 =	vsel vm8, $0x1186, v44;
	v44 =	vsel vm8, $0x2186, v45;
	v45 =	vsel vm8, $0x3186, v46  }
0xe0: {  	v46 =	vsel vm8, $0x206, v47;
	v47 =	vsel vm8, $0x1206, v48;
	v48 =	vsel vm8, $0x2206, v49  }
0xe1: {  	v49 =	vsel vm8, $0x3206, v50;
	v50 =	vsel vm8, $0x286, v51;
	v51 =	vsel vm8, $0x1286, v52  }
0xe2: {  	v52 =	vsel vm8, $0x2286, v53;
	v53 =	vsel vm6, $0x3307, v59;
	v59 =	vimm.s32 $0x25242322  }
0xe3: {  	v0 =	vsel vm3, $0x2A0A, v0;
	v1 =	vsel vm6, $0x3887, v1;
	v2 =	vsel vm6, $0x907, v2  }
0xe4: {  	v3 =	vsel vm6, $0x1907, v3;
	v4 =	vsel vm6, $0x2907, v4;
	v5 =	vsel vm6, $0x3907, v5  }
0xe5: {  	v6 =	vsel vm6, $0x987, v6;
	v7 =	vsel vm6, $0x1987, v7;
	v8 =	vsel vm6, $0x2987, v8  }
0xe6: {  	v9 =	vsel vm6, $0x3987, v9;
	v10 =	vsel vm6, $0xA07, v10;
	v11 =	vsel vm6, $0x1A07, v11  }
0xe7: {  	v12 =	vsel vm6, $0x2A07, v12;
	v13 =	vsel vm6, $0x3A07, v13;
	v14 =	vsel vm6, $0xA87, v14  }
0xe8: {  	v15 =	vsel vm6, $0x1A87, v15;
	v16 =	vsel vm6, $0x2A87, v16;
	v17 =	vsel vm6, $0x3A87, v17  }
0xe9: {  	v18 =	vsel vm6, $0xB07, v18;
	v19 =	vsel vm6, $0x1B07, v19;
	v20 =	vsel vm6, $0x2B07, v20  }
0xea: {  	v21 =	vsel vm6, $0x3B07, v21;
	v24 =	vsel vm6, $0x2B87, v24;
	v25 =	vsel vm6, $0x3B87, v25  }
0xeb: {  	v26 =	vsel vm6, $0x7, v26;
	v27 =	vsel vm6, $0x1007, v27;
	v28 =	vsel vm6, $0x2007, v28  }
0xec: {  	v29 =	vsel vm6, $0x3007, v29;
	v30 =	vsel vm6, $0x87, v30;
	v31 =	vsel vm6, $0x1087, v31  }
0xed: {  	v32 =	vsel vm6, $0x2087, v32;
	v33 =	vsel vm6, $0x3087, v33;
	v34 =	vsel vm6, $0x107, v34  }
0xee: {  	v35 =	vsel vm6, $0x1107, v35;
	v36 =	vsel vm6, $0x2107, v36;
	v37 =	vsel vm6, $0x3107, v37  }
0xef: {  	v38 =	vsel vm6, $0x187, v38;
	v39 =	vsel vm6, $0x1187, v39;
	v40 =	vsel vm6, $0x2187, v40  }
0xf0: {  	v41 =	vsel vm6, $0x3187, v41;
	v42 =	vsel vm6, $0x207, v42;
	v43 =	vsel vm6, $0x1207, v43  }
0xf1: {  	v44 =	vsel vm6, $0x2207, v44;
	v45 =	vsel vm6, $0x3207, v45;
	v46 =	vsel vm6, $0x287, v46  }
0xf2: {  	v47 =	vsel vm6, $0x1287, v47;
	v48 =	vsel vm6, $0x2287, v48;
	v49 =	vsel vm6, $0x3287, v49  }
0xf3: {  	v50 =	vsel vm6, $0x307, v50;
	v51 =	vsel vm6, $0x1307, v51;
	v52 =	vsel vm6, $0x2307, v52  }
0xf4: {  	v53 =	vsel vm7, $0x3388, v53;
	v59 =	vunpack.c.0.s8.s32 v59;
	v0 =	vsel vm4, $0x2A8B, v0  }
0xf5: {  	v1 =	vsel vm7, $0x3908, v1;
	v2 =	vsel vm7, $0x988, v2;
	v3 =	vsel vm7, $0x1988, v3  }
0xf6: {  	v4 =	vsel vm7, $0x2988, v4;
	v5 =	vsel vm7, $0x3988, v5;
	v6 =	vsel vm7, $0xA08, v6  }
0xf7: {  	v7 =	vsel vm7, $0x1A08, v7;
	v8 =	vsel vm7, $0x2A08, v8;
	v9 =	vsel vm7, $0x3A08, v9  }
0xf8: {  	v10 =	vsel vm7, $0xA88, v10;
	v11 =	vsel vm7, $0x1A88, v11;
	v12 =	vsel vm7, $0x2A88, v12  }
0xf9: {  	v13 =	vsel vm7, $0x3A88, v13;
	v14 =	vsel vm7, $0xB08, v14;
	v15 =	vsel vm7, $0x1B08, v15  }
0xfa: {  	v16 =	vsel vm7, $0x2B08, v16;
	v17 =	vsel vm7, $0x3B08, v17;
	v18 =	vsel vm7, $0xB88, v18  }
0xfb: {  	v19 =	vsel vm7, $0x1B88, v19;
	v20 =	vsel vm7, $0x2B88, v20;
	v21 =	vsel vm7, $0x3B88, v21  }
0xfc: {  	v24 =	vsel vm7, $0x2008, v24;
	v25 =	vsel vm7, $0x3008, v25;
	v26 =	vsel vm7, $0x88, v26  }
0xfd: {  	v27 =	vsel vm7, $0x1088, v27;
	v28 =	vsel vm7, $0x2088, v28;
	v29 =	vsel vm7, $0x3088, v29  }
0xfe: {  	v30 =	vsel vm7, $0x108, v30;
	v31 =	vsel vm7, $0x1108, v31;
	v32 =	vsel vm7, $0x2108, v32  }
0xff: {  	v33 =	vsel vm7, $0x3108, v33;
	v34 =	vsel vm7, $0x188, v34;
	v35 =	vsel vm7, $0x1188, v35  }
0x100: {  	v36 =	vsel vm7, $0x2188, v36;
	v37 =	vsel vm7, $0x3188, v37;
	v38 =	vsel vm7, $0x208, v38  }
0x101: {  	v39 =	vsel vm7, $0x1208, v39;
	v40 =	vsel vm7, $0x2208, v40;
	v41 =	vsel vm7, $0x3208, v41  }
0x102: {  	v42 =	vsel vm7, $0x288, v42;
	v43 =	vsel vm7, $0x1288, v43;
	v44 =	vsel vm7, $0x2288, v44  }
0x103: {  	v45 =	vsel vm7, $0x3288, v45;
	v46 =	vsel vm7, $0x308, v46;
	v47 =	vsel vm7, $0x1308, v47  }
0x104: {  	v48 =	vsel vm7, $0x2308, v48;
	v49 =	vsel vm7, $0x3308, v49;
	v50 =	vsel vm7, $0x388, v50  }
0x105: {  	v51 =	vsel vm7, $0x1388, v51;
	v52 =	vsel vm7, $0x2388, v52;
	v53 =	vsel vm5, $0x3809, v53  }
0x106: {  	v0 =	vsel vm2, $0x2B0C, v0;
	v1 =	vsel vm5, $0x3989, v1;
	v2 =	vsel vm5, $0xA09, v2  }
0x107: {  	v3 =	vsel vm5, $0x1A09, v3;
	v4 =	vsel vm5, $0x2A09, v4;
	v5 =	vsel vm5, $0x3A09, v5  }
0x108: {  	v6 =	vsel vm5, $0xA89, v6;
	v7 =	vsel vm5, $0x1A89, v7;
	v8 =	vsel vm5, $0x2A89, v8  }
0x109: {  	v9 =	vsel vm5, $0x3A89, v9;
	v10 =	vsel vm5, $0xB09, v10;
	v11 =	vsel vm5, $0x1B09, v11  }
0x10a: {  	v12 =	vsel vm5, $0x2B09, v12;
	v13 =	vsel vm5, $0x3B09, v13;
	v14 =	vsel vm5, $0xB89, v14  }
0x10b: {  	v15 =	vsel vm5, $0x1B89, v15;
	v16 =	vsel vm5, $0x2B89, v16;
	v17 =	vsel vm5, $0x3B89, v17  }
0x10c: {  	v18 =	vsel vm5, $0x9, v18;
	v19 =	vsel vm5, $0x1009, v19;
	v20 =	vsel vm5, $0x2009, v20  }
0x10d: {  	v21 =	vsel vm5, $0x3009, v21;
	v24 =	vsel vm5, $0x2089, v24;
	v25 =	vsel vm5, $0x3089, v25  }
0x10e: {  	v26 =	vsel vm5, $0x109, v26;
	v27 =	vsel vm5, $0x1109, v27;
	v28 =	vsel vm5, $0x2109, v28  }
0x10f: {  	v29 =	vsel vm5, $0x3109, v29;
	v30 =	vsel vm5, $0x189, v30;
	v31 =	vsel vm5, $0x1189, v31  }
0x110: {  	v32 =	vsel vm5, $0x2189, v32;
	v33 =	vsel vm5, $0x3189, v33;
	v34 =	vsel vm5, $0x209, v34  }
0x111: {  	v35 =	vsel vm5, $0x1209, v35;
	v36 =	vsel vm5, $0x2209, v36;
	v37 =	vsel vm5, $0x3209, v37  }
0x112: {  	v38 =	vsel vm5, $0x289, v38;
	v39 =	vsel vm5, $0x1289, v39;
	v40 =	vsel vm5, $0x2289, v40  }
0x113: {  	v41 =	vsel vm5, $0x3289, v41;
	v42 =	vsel vm5, $0x309, v42;
	v43 =	vsel vm5, $0x1309, v43  }
0x114: {  	v44 =	vsel vm5, $0x2309, v44;
	v45 =	vsel vm5, $0x3309, v45;
	v46 =	vsel vm5, $0x389, v46  }
0x115: {  	v47 =	vsel vm5, $0x1389, v47;
	v48 =	vsel vm5, $0x2389, v48;
	v49 =	vsel vm5, $0x3389, v49  }
0x116: {  	[tilespmem:$0x1FA90] =	vst v55;
	v50 =	vsel vm5, $0x809, v50;
	v51 =	vsel vm5, $0x1809, v51;
	v52 =	vsel vm5, $0x2809, v52  }
0x117: {  	[tilespmem:$0x1FE10] =	vst v59;
	v0 =	vsel vm0, $0x2B8D, v0;
	v1 =	vsel vm3, $0x3A0A, v1;
	v59 =	vsel vm3, $0x3A8A, v5  }
0x118: {  	[tilespmem:$0x1FF20] =	vst v54;
	v63 =	vsel vm3, $0xB0A, v6;
	v54 =	vsel vm3, $0x1B0A, v7;
	v55 =	vsel vm3, $0x2B0A, v8  }
0x119: {  	v8 =	vsel vm3, $0x3B0A, v9;
	v9 =	vsel vm3, $0xB8A, v10;
	v10 =	vsel vm3, $0x1B8A, v11  }
0x11a: {  	v11 =	vsel vm3, $0x2B8A, v12;
	v12 =	vsel vm3, $0x3B8A, v13;
	v13 =	vsel vm3, $0xA, v14  }
0x11b: {  	v14 =	vsel vm3, $0x100A, v15;
	v15 =	vsel vm3, $0x200A, v16;
	v16 =	vsel vm3, $0x300A, v17  }
0x11c: {  	v17 =	vsel vm3, $0x8A, v18;
	v18 =	vsel vm3, $0x108A, v19;
	v19 =	vsel vm3, $0x208A, v20  }
0x11d: {  	v20 =	vsel vm3, $0x308A, v21;
	v21 =	vsel vm4, $0x18B, v56;
	v56 =	vsel vm3, $0x118A, v27  }
0x11e: {  	v27 =	vsel vm3, $0x218A, v28;
	v28 =	vsel vm3, $0x318A, v29;
	v29 =	vsel vm3, $0x20A, v30  }
0x11f: {  	v30 =	vsel vm3, $0x120A, v31;
	v31 =	vsel vm3, $0x220A, v32;
	v0 =	vsel vm1, $0x200E, v0  }
0x120: {  	v5 =	vsel vm4, $0xB8B, v63;
	[tilespmem:$0x1F750] =	vst v0;
	v0 =	vsel vm4, $0x3A8B, v1;
	v1 =	vsel vm3, $0xA8A, v2  }
0x121: {  	v6 =	vsel vm4, $0x1B8B, v54;
	v7 =	vsel vm4, $0x2B8B, v55;
	v1 =	vsel vm4, $0xB0B, v1  }
0x122: {  	v8 =	vsel vm4, $0x3B8B, v8;
	v2 =	vsel vm3, $0x1A8A, v3;
	v1 =	vsel vm2, $0xB8C, v1  }
0x123: {  	v3 =	vsel vm3, $0x2A8A, v4;
	v2 =	vsel vm4, $0x1B0B, v2;
	v1 =	vsel vm0, $0xD, v1  }
0x124: {  	v3 =	vsel vm4, $0x2B0B, v3;
	v2 =	vsel vm2, $0x1B8C, v2;
	v1 =	vsel vm1, $0x8E, v1  }
0x125: {  	v9 =	vsel vm4, $0xB, v9;
	v3 =	vsel vm2, $0x2B8C, v3;
	[tilespmem:$0x1F770] =	vst v1;
	v1 =	vsel vm0, $0x100D, v2  }
0x126: {  	v4 =	vsel vm4, $0x3B0B, v59;
	v2 =	vsel vm0, $0x200D, v3;
	v1 =	vsel vm1, $0x108E, v1  }
0x127: {  	v10 =	vsel vm4, $0x100B, v10;
	v4 =	vsel vm2, $0x3B8C, v4;
	[tilespmem:$0x1F780] =	vst v1;
	v1 =	vsel vm1, $0x208E, v2  }
0x128: {  	v11 =	vsel vm4, $0x200B, v11;
	v12 =	vsel vm4, $0x300B, v12;
	[tilespmem:$0x1F790] =	vst v1;
	v1 =	vsel vm0, $0x300D, v4  }
0x129: {  	v13 =	vsel vm4, $0x8B, v13;
	v5 =	vsel vm2, $0xC, v5;
	v1 =	vsel vm1, $0x308E, v1  }
0x12a: {  	v14 =	vsel vm4, $0x108B, v14;
	v6 =	vsel vm2, $0x100C, v6;
	[tilespmem:$0x1F7A0] =	vst v1;
	v1 =	vsel vm0, $0x8D, v5  }
0x12b: {  	v15 =	vsel vm4, $0x208B, v15;
	v2 =	vsel vm0, $0x108D, v6;
	v1 =	vsel vm1, $0x10E, v1  }
0x12c: {  	v16 =	vsel vm4, $0x308B, v16;
	v7 =	vsel vm2, $0x200C, v7;
	[tilespmem:$0x1F7B0] =	vst v1;
	v1 =	vsel vm1, $0x110E, v2  }
0x12d: {  	v17 =	vsel vm4, $0x10B, v17;
	v18 =	vsel vm4, $0x110B, v18;
	[tilespmem:$0x1F7C0] =	vst v1;
	v1 =	vsel vm0, $0x208D, v7  }
0x12e: {  	v19 =	vsel vm4, $0x210B, v19;
	v8 =	vsel vm2, $0x300C, v8;
	v1 =	vsel vm1, $0x210E, v1  }
0x12f: {  	v20 =	vsel vm4, $0x310B, v20;
	v9 =	vsel vm2, $0x8C, v9;
	[tilespmem:$0x1F7D0] =	vst v1;
	v1 =	vsel vm0, $0x308D, v8  }
0x130: {  	v63 =	vsel vm3, $0x210A, v24;
	v2 =	vsel vm0, $0x10D, v9;
	v1 =	vsel vm1, $0x310E, v1  }
0x131: {  	v54 =	vsel vm3, $0x310A, v25;
	v10 =	vsel vm2, $0x108C, v10;
	[tilespmem:$0x1F7E0] =	vst v1;
	v1 =	vsel vm1, $0x18E, v2  }
0x132: {  	v55 =	vsel vm3, $0x18A, v26;
	v26 =	vsel vm4, $0x120B, v56;
	[tilespmem:$0x1F7F0] =	vst v1;
	v1 =	vsel vm0, $0x110D, v10  }
0x133: {  	v27 =	vsel vm4, $0x220B, v27;
	v11 =	vsel vm2, $0x208C, v11;
	v1 =	vsel vm1, $0x118E, v1  }
0x134: {  	v28 =	vsel vm4, $0x320B, v28;
	v12 =	vsel vm2, $0x308C, v12;
	[tilespmem:$0x1F800] =	vst v1;
	v1 =	vsel vm0, $0x210D, v11  }
0x135: {  	v29 =	vsel vm4, $0x28B, v29;
	v2 =	vsel vm0, $0x310D, v12;
	v1 =	vsel vm1, $0x218E, v1  }
0x136: {  	v30 =	vsel vm4, $0x128B, v30;
	v13 =	vsel vm2, $0x10C, v13;
	[tilespmem:$0x1F820] =	vst v1;
	v1 =	vsel vm1, $0x318E, v2  }
0x137: {  	v31 =	vsel vm4, $0x228B, v31;
	v56 =	vsel vm3, $0x328A, v37;
	[tilespmem:$0x1F830] =	vst v1;
	v1 =	vsel vm0, $0x18D, v13  }
0x138: {  	v21 =	vsel vm2, $0x20C, v21;
	v14 =	vsel vm2, $0x110C, v14;
	v1 =	vsel vm1, $0x20E, v1  }
0x139: {  	v59 =	vsel vm3, $0x110A, v23;
	v15 =	vsel vm2, $0x210C, v15;
	[tilespmem:$0x1F850] =	vst v1;
	v1 =	vsel vm0, $0x118D, v14  }
0x13a: {  	v23 =	vsel vm4, $0x218B, v63;
	v2 =	vsel vm0, $0x218D, v15;
	v1 =	vsel vm1, $0x120E, v1  }
0x13b: {  	v24 =	vsel vm4, $0x318B, v54;
	v16 =	vsel vm2, $0x310C, v16;
	[tilespmem:$0x1F880] =	vst v1;
	v1 =	vsel vm1, $0x220E, v2  }
0x13c: {  	v25 =	vsel vm4, $0x20B, v55;
	v63 =	vsel vm3, $0x28A, v34;
	[tilespmem:$0x1F890] =	vst v1;
	v1 =	vsel vm0, $0x318D, v16  }
0x13d: {  	v54 =	vsel vm3, $0x128A, v35;
	v17 =	vsel vm2, $0x18C, v17;
	v1 =	vsel vm1, $0x320E, v1  }
0x13e: {  	v55 =	vsel vm3, $0x228A, v36;
	v18 =	vsel vm2, $0x118C, v18;
	[tilespmem:$0x1F8B0] =	vst v1;
	v1 =	vsel vm0, $0x20D, v17  }
0x13f: {  	v36 =	vsel vm4, $0x330B, v56;
	v2 =	vsel vm0, $0x120D, v18;
	v1 =	vsel vm1, $0x28E, v1  }
0x140: {  	v56 =	vsel vm3, $0x38A, v42;
	v19 =	vsel vm2, $0x218C, v19;
	[tilespmem:$0x1F8C0] =	vst v1;
	v1 =	vsel vm1, $0x128E, v2  }
0x141: {  	v20 =	vsel vm2, $0x318C, v20;
	v26 =	vsel vm2, $0x128C, v26;
	[tilespmem:$0x1F8D0] =	vst v1;
	v1 =	vsel vm0, $0x220D, v19  }
0x142: {  	v27 =	vsel vm2, $0x228C, v27;
	v22 =	vsel vm4, $0x118B, v59;
	v1 =	vsel vm1, $0x228E, v1  }
0x143: {  	v59 =	vsel vm3, $0x320A, v33;
	v33 =	vsel vm4, $0x30B, v63;
	[tilespmem:$0x1F900] =	vst v1;
	v1 =	vsel vm0, $0x320D, v20  }
0x144: {  	v34 =	vsel vm4, $0x130B, v54;
	v2 =	vsel vm0, $0x28D, v21;
	v1 =	vsel vm1, $0x328E, v1  }
0x145: {  	v63 =	vsel vm3, $0x130A, v39;
	v22 =	vsel vm2, $0x120C, v22;
	[tilespmem:$0x1F960] =	vst v1;
	v1 =	vsel vm1, $0x30E, v2  }
0x146: {  	v54 =	vsel vm3, $0x230A, v40;
	v23 =	vsel vm2, $0x220C, v23;
	[tilespmem:$0x1F970] =	vst v1;
	v1 =	vsel vm0, $0x128D, v22  }
0x147: {  	v24 =	vsel vm2, $0x320C, v24;
	v25 =	vsel vm2, $0x28C, v25;
	v1 =	vsel vm1, $0x130E, v1  }
0x148: {  	v32 =	vsel vm4, $0x328B, v59;
	v59 =	vsel vm3, $0x30A, v38;
	[tilespmem:$0x1F980] =	vst v1;
	v1 =	vsel vm0, $0x228D, v23  }
0x149: {  	v38 =	vsel vm4, $0x138B, v63;
	v2 =	vsel vm0, $0x328D, v24;
	v1 =	vsel vm1, $0x230E, v1  }
0x14a: {  	v39 =	vsel vm4, $0x238B, v54;
	v63 =	vsel vm3, $0x238A, v44;
	[tilespmem:$0x1F9B0] =	vst v1;
	v1 =	vsel vm1, $0x330E, v2  }
0x14b: {  	v54 =	vsel vm3, $0x338A, v45;
	v37 =	vsel vm4, $0x38B, v59;
	[tilespmem:$0x1F9C0] =	vst v1;
	v1 =	vsel vm0, $0x30D, v25  }
0x14c: {  	v59 =	vsel vm3, $0x138A, v43;
	v43 =	vsel vm4, $0x280B, v63;
	v1 =	vsel vm1, $0x38E, v1  }
0x14d: {  	v44 =	vsel vm4, $0x380B, v54;
	v63 =	vsel vm3, $0x380A, v49;
	[tilespmem:$0x1F9D0] =	vst v1;
	v1 =	vsel vm0, $0x130D, v26  }
0x14e: {  	v54 =	vsel vm3, $0x88A, v50;
	v2 =	vsel vm0, $0x230D, v27;
	v1 =	vsel vm1, $0x138E, v1  }
0x14f: {  	v49 =	vsel vm4, $0x90B, v54;
	v54 =	vsel vm2, $0x328C, v28;
	[tilespmem:$0x1F9E0] =	vst v1;
	v1 =	vsel vm1, $0x238E, v2  }
0x150: {  	v29 =	vsel vm2, $0x30C, v29;
	v30 =	vsel vm2, $0x130C, v30;
	[tilespmem:$0x1F9F0] =	vst v1;
	v1 =	vsel vm0, $0x330D, v54  }
0x151: {  	v31 =	vsel vm2, $0x230C, v31;
	v35 =	vsel vm4, $0x230B, v55;
	v1 =	vsel vm1, $0x338E, v1  }
0x152: {  	v55 =	vsel vm3, $0x330A, v41;
	v41 =	vsel vm4, $0x80B, v56;
	[tilespmem:$0x1FA10] =	vst v1;
	v1 =	vsel vm0, $0x38D, v29  }
0x153: {  	v56 =	vsel vm3, $0x180A, v47;
	v2 =	vsel vm0, $0x138D, v30;
	v1 =	vsel vm1, $0x80E, v1  }
0x154: {  	v40 =	vsel vm4, $0x338B, v55;
	v55 =	vsel vm3, $0x80A, v46;
	[tilespmem:$0x1FA40] =	vst v1;
	v1 =	vsel vm1, $0x180E, v2  }
0x155: {  	v46 =	vsel vm4, $0x188B, v56;
	v56 =	vsel vm3, $0x288A, v52;
	[tilespmem:$0x1FA50] =	vst v1;
	v1 =	vsel vm0, $0x238D, v31  }
0x156: {  	v33 =	vsel vm2, $0x38C, v33;
	v32 =	vsel vm2, $0x330C, v32;
	v1 =	vsel vm1, $0x280E, v1  }
0x157: {  	v35 =	vsel vm2, $0x238C, v35;
	v45 =	vsel vm4, $0x88B, v55;
	[tilespmem:$0x1FA60] =	vst v1;
	v1 =	vsel vm0, $0x338D, v32  }
0x158: {  	v55 =	vsel vm3, $0x188A, v51;
	v2 =	vsel vm0, $0x80D, v33;
	v1 =	vsel vm1, $0x380E, v1  }
0x159: {  	v51 =	vsel vm4, $0x290B, v56;
	v28 =	vsel vm2, $0x138C, v34;
	[tilespmem:$0x1FA70] =	vst v1;
	v1 =	vsel vm1, $0x88E, v2  }
0x15a: {  	v56 =	vsel vm2, $0x180C, v38;
	v42 =	vsel vm4, $0x180B, v59;
	[tilespmem:$0x1FA80] =	vst v1;
	v1 =	vsel vm0, $0x180D, v28  }
0x15b: {  	v59 =	vsel vm3, $0x280A, v48;
	v48 =	vsel vm4, $0x388B, v63;
	v1 =	vsel vm1, $0x188E, v1  }
0x15c: {  	v50 =	vsel vm4, $0x190B, v55;
	v55 =	vsel vm2, $0x338C, v36;
	[tilespmem:$0x1FAA0] =	vst v1;
	v1 =	vsel vm0, $0x280D, v35  }
0x15d: {  	v63 =	vimm.s32 $0x3D3C3B3A;
	v2 =	vsel vm0, $0x380D, v55;
	v1 =	vsel vm1, $0x288E, v1  }
0x15e: {  	v37 =	vsel vm2, $0x80C, v37;
	v47 =	vsel vm4, $0x288B, v59;
	[tilespmem:$0x1FAB0] =	vst v1;
	v1 =	vsel vm1, $0x388E, v2  }
0x15f: {  	v59 =	vsel vm3, $0x388A, v53;
	v53 =	vunpack.c.0.s8.s32 v63;
	[tilespmem:$0x1FAC0] =	vst v1;
	v1 =	vsel vm0, $0x88D, v37  }
0x160: {  	v52 =	vsel vm4, $0x390B, v59;
	v59 =	vimm.s32 $0x31303F3E;
	v1 =	vsel vm1, $0x90E, v1  }
0x161: {  	v63 =	vunpack.c.0.s8.s32 v59;
	v59 =	vsel vm2, $0x280C, v39;
	[tilespmem:$0x1FAD0] =	vst v1;
	v1 =	vsel vm0, $0x188D, v56  }
0x162: {  	v2 =	vsel vm0, $0x288D, v59;
	v1 =	vsel vm1, $0x190E, v1  }
0x163: {  	v40 =	vsel vm2, $0x380C, v40;
	[tilespmem:$0x1FAE0] =	vst v1;
	v1 =	vsel vm1, $0x290E, v2  }
0x164: {  	[tilespmem:$0x1FAF0] =	vst v1;
	v1 =	vsel vm0, $0x388D, v40  }
0x165: {  	v41 =	vsel vm2, $0x88C, v41;
	v1 =	vsel vm1, $0x390E, v1  }
0x166: {  	v42 =	vsel vm2, $0x188C, v42;
	[tilespmem:$0x1FB00] =	vst v1;
	v1 =	vsel vm0, $0x90D, v41  }
0x167: {  	v2 =	vsel vm0, $0x190D, v42;
	v1 =	vsel vm1, $0x98E, v1  }
0x168: {  	v0 =	vsel vm2, $0x3B0C, v0;
	v43 =	vsel vm2, $0x288C, v43;
	[tilespmem:$0x1FB10] =	vst v1;
	v1 =	vsel vm1, $0x198E, v2  }
0x169: {  	v0 =	vsel vm0, $0x3B8D, v0;
	[tilespmem:$0x1FB20] =	vst v1;
	v1 =	vsel vm0, $0x290D, v43  }
0x16a: {  	v0 =	vsel vm1, $0x300E, v0;
	v44 =	vsel vm2, $0x388C, v44;
	v1 =	vsel vm1, $0x298E, v1  }
0x16b: {  	v45 =	vsel vm2, $0x90C, v45;
	v34 =	vsel vm2, $0x390C, v48;
	[tilespmem:$0x1FB30] =	vst v1;
	v1 =	vsel vm0, $0x390D, v44  }
0x16c: {  	[tilespmem:$0x1F760] =	vst v0;
	v48 =	vimm.s32 $0x210FEDCB;
	v2 =	vsel vm0, $0x98D, v45;
	v1 =	vsel vm1, $0x398E, v1  }
0x16d: {  	v46 =	vsel vm2, $0x190C, v46;
	v0 =	vunpack.c.l.s4.s8 v48;
	[tilespmem:$0x1FB40] =	vst v1;
	v1 =	vsel vm1, $0xA0E, v2  }
0x16e: {  	[tilespmem:$0x1FB50] =	vst v1;
	v1 =	vsel vm0, $0x198D, v46  }
0x16f: {  	v47 =	vsel vm2, $0x290C, v47;
	v0 =	vunpack.c.0.s8.s32 v0;
	v1 =	vsel vm1, $0x1A0E, v1  }
0x170: {  	[tilespmem:$0x1FB60] =	vst v1;
	v1 =	vsel vm0, $0x298D, v47  }
0x171: {  	[tilespmem:$0x1FBC0] =	vst v0;
	v2 =	vsel vm0, $0x398D, v34;
	v1 =	vsel vm1, $0x2A0E, v1  }
0x172: {  	v49 =	vsel vm2, $0x98C, v49;
	[tilespmem:$0x1FB70] =	vst v1;
	v1 =	vsel vm1, $0x3A0E, v2  }
0x173: {  	v0 =	vimm.s32 $0x1E1D1C1B;
	[tilespmem:$0x1FB80] =	vst v1;
	v1 =	vsel vm0, $0xA0D, v49  }
0x174: {  	v50 =	vsel vm2, $0x198C, v50;
	v0 =	vunpack.c.0.s8.s32 v0;
	v1 =	vsel vm1, $0xA8E, v1  }
0x175: {  	v36 =	vsel vm2, $0x298C, v51;
	[tilespmem:$0x1FB90] =	vst v1;
	v1 =	vsel vm0, $0x1A0D, v50  }
0x176: {  	[tilespmem:$0x1FBE0] =	vst v0;
	v2 =	vsel vm0, $0x2A0D, v36;
	v1 =	vsel vm1, $0x1A8E, v1  }
0x177: {  	v52 =	vsel vm2, $0x398C, v52;
	[tilespmem:$0x1FBA0] =	vst v1;
	v1 =	vsel vm1, $0x2A8E, v2  }
0x178: {  	v0 =	vimm.s32 $0x1211101F;
	[tilespmem:$0x1FBB0] =	vst v1;
	v1 =	vsel vm0, $0x3A0D, v52  }
0x179: {  	v2 =	vimm.s32 $0xA9876543;
	v46 =	vsel vm1, $0x3A8E, v1;
	v1 =	vimm.s32 $0x35343332  }
0x17a: {  	v0 =	vunpack.c.0.s8.s32 v0;
	v47 =	vunpack.c.0.s8.s32 v1;
	v1 =	vunpack.c.l.s4.s8 v2;
	_ =	sdelay $0x1  }
0x17b: {  	[tilespmem:$0x1FBF0] =	vst v0;
	v0 =	vimm.s32 $0x16151413;
	v1 =	vunpack.c.0.s8.s32 v1  }
0x17c: {  	v0 =	vunpack.c.0.s8.s32 v0  }
0x17d: {  	[tilespmem:$0x1FBD0] =	vst v1;
	v1 =	vimm.s32 $0x1A191817  }
0x17e: {  	[tilespmem:$0x1FC00] =	vst v0;
	v0 =	vunpack.c.0.s8.s32 v1;
	_ =	sdelay $0x1  }
0x17f: {  	[tilespmem:$0x1FC10] =	vst v0;
	v0 =	vimm.s32 $0x2E2D2C2B  }
0x180: {  	v0 =	vunpack.c.0.s8.s32 v0;
	_ =	sdelay $0x1  }
0x181: {  	[tilespmem:$0x1FC20] =	vst v0;
	v0 =	vimm.s32 $0x2221202F  }
0x182: {  	v0 =	vunpack.c.0.s8.s32 v0  }
0x183: {  	v1 =	vimm.s32 $0x26252423  }
0x184: {  	[tilespmem:$0x1FC30] =	vst v0;
	v0 =	vunpack.c.0.s8.s32 v1;
	_ =	sdelay $0x1  }
0x185: {  	[tilespmem:$0x1FC40] =	vst v0;
	v0 =	vimm.s32 $0x2A292827  }
0x186: {  	v0 =	vunpack.c.0.s8.s32 v0;
	_ =	sdelay $0x1  }
0x187: {  	[tilespmem:$0x1FC50] =	vst v0;
	v0 =	vimm.s32 $0x3E3D3C3B  }
0x188: {  	v0 =	vunpack.c.0.s8.s32 v0  }
0x189: {  	v1 =	vimm.s32 $0x3231303F  }
0x18a: {  	[tilespmem:$0x1FC60] =	vst v0;
	v0 =	vunpack.c.0.s8.s32 v1;
	_ =	sdelay $0x1  }
0x18b: {  	[tilespmem:$0x1FC70] =	vst v0;
	v0 =	vimm.s32 $0x3210FEDC  }
0x18c: {  	v0 =	vunpack.c.l.s4.s8 v0;
	_ =	sdelay $0x1  }
0x18d: {  	v0 =	vunpack.c.0.s8.s32 v0;
	_ =	sdelay $0x1  }
0x18e: {  	[tilespmem:$0x1FCA0] =	vst v0;
	v0 =	vimm.s32 $0x1F1E1D1C  }
0x18f: {  	v1 =	vimm.s32 $0x36353433;
	v0 =	vunpack.c.0.s8.s32 v0  }
0x190: {  	v2 =	vimm.s32 $0x39383736;
	v1 =	vunpack.c.0.s8.s32 v1  }
0x191: {  	v52 =	vunpack.c.0.s8.s32 v2;
	v2 =	vimm.s32 $0xBA987654;
	[tilespmem:$0x1FCC0] =	vst v0;
	v0 =	vimm.s32 $0x13121110  }
0x192: {  	[tilespmem:$0x1FC80] =	vst v1;
	v1 =	vunpack.c.l.s4.s8 v2;
	v0 =	vunpack.c.0.s8.s32 v0;
	_ =	sdelay $0x1  }
0x193: {  	v1 =	vunpack.c.0.s8.s32 v1;
	[tilespmem:$0x1FCD0] =	vst v0;
	v0 =	vimm.s32 $0x17161514  }
0x194: {  	v0 =	vunpack.c.0.s8.s32 v0  }
0x195: {  	[tilespmem:$0x1FCB0] =	vst v1;
	v1 =	vimm.s32 $0x1B1A1918  }
0x196: {  	[tilespmem:$0x1FCE0] =	vst v0;
	v0 =	vunpack.c.0.s8.s32 v1;
	_ =	sdelay $0x1  }
0x197: {  	[tilespmem:$0x1FCF0] =	vst v0;
	v0 =	vimm.s32 $0x2F2E2D2C  }
0x198: {  	v0 =	vunpack.c.0.s8.s32 v0;
	_ =	sdelay $0x1  }
0x199: {  	[tilespmem:$0x1FD00] =	vst v0;
	v0 =	vimm.s32 $0x23222120  }
0x19a: {  	v0 =	vunpack.c.0.s8.s32 v0  }
0x19b: {  	v38 =	vld [tilespmem:$0x1F840];
	v1 =	vimm.s32 $0x27262524  }
0x19c: {  	v51 =	vld [tilespmem:$0x1F9A0];
	[tilespmem:$0x1FD10] =	vst v0;
	v0 =	vunpack.c.0.s8.s32 v1  }
0x19d: {  	v48 =	vld [tilespmem:$0x1FA30];
	[tilespmem:$0x1FF30] =	vst v53  }
0x19e: {  	v53 =	vld [tilespmem:$0x1F8E0];
	[tilespmem:$0x1FD20] =	vst v0;
	v0 =	vimm.s32 $0x2B2A2928  }
0x19f: {  	v6 =	vld [tilespmem:$0x1F8F0];
	v0 =	vunpack.c.0.s8.s32 v0  }
0x1a0: {  	[tilespmem:$0x1FF40] =	vst v63;
	v63 =	vld [tilespmem:$0x1F8A0]  }
0x1a1: {  	v5 =	vld [tilespmem:$0x1F870];
	[tilespmem:$0x1FD30] =	vst v0;
	v0 =	vimm.s32 $0x3F3E3D3C  }
0x1a2: {  	v8 =	vld [tilespmem:$0x1F990];
	v0 =	vunpack.c.0.s8.s32 v0  }
0x1a3: {  	v12 =	vld [tilespmem:$0x1F950];
	v1 =	vimm.s32 $0x33323130  }
0x1a4: {  	v10 =	vld [tilespmem:$0x1F920];
	v2 =	vimm.s32 $0x3A393837;
	[tilespmem:$0x1FD40] =	vst v0;
	v0 =	vunpack.c.0.s8.s32 v1  }
0x1a5: {  	v11 =	vld [tilespmem:$0x1F810];
	v2 =	vunpack.c.0.s8.s32 v2;
	v1 =	vimm.s32 $0x37363534  }
0x1a6: {  	v13 =	vld [tilespmem:$0x1F860];
	v1 =	vunpack.c.0.s8.s32 v1;
	[tilespmem:$0x1FD50] =	vst v0;
	v0 =	vimm.s32 $0x43210FED  }
0x1a7: {  	v14 =	vld [tilespmem:$0x1F910];
	[tilespmem:$0x1FC90] =	vst v2;
	v2 =	vimm.s32 $0x3B3A3938;
	v0 =	vunpack.c.l.s4.s8 v0  }
0x1a8: {  	v18 =	vld [tilespmem:$0x1F940];
	[tilespmem:$0x1FD60] =	vst v1;
	v1 =	vunpack.c.0.s8.s32 v2  }
0x1a9: {  	s0 =	rddreg [dreg:$0x0];
	v17 =	vld [tilespmem:$0x1F930];
	v0 =	vunpack.c.0.s8.s32 v0  }
0x1aa: {  	s2 =	rddreg [dreg:$0x1];
	s3 =	simm.s32 $0x0;
	v24 =	vld [tilespmem:$0x1FA20];
	vm0 =	vcmask $0x1F10;
	[tilespmem:$0x1FD70] =	vst v1;
	v1 =	vimm.s32 $0xCBA98765  }
0x1ab: {  	[smem:$0x7FF] =	sst s3;
	v57 =	vimm.s32 $0x19181716;
	v27 =	vld [tilespmem:$0x1FA00];
	v56 =	vsel vm0, v8, v12;
	[tilespmem:$0x1FD80] =	vst v0;
	v0 =	vunpack.c.l.s4.s8 v1  }
0x1ac: {  	s1 =	rddreg [dreg:$0x2];
	v33 =	vld [tilespmem:$0x1FA90];
	v1 =	vimm.s32 $0x543210FE;
	_ =	strace $0x80000047;
	[tilespmem:$0x1FE60] =	vst v56  }
0x1ad: {  	v2 =	vimm.s32 $0xDCBA9876;
	v1 =	vunpack.c.l.s4.s8 v1;
	[tilespmem:$0x1FE80] =	vst v60;
	v0 =	vunpack.c.0.s8.s32 v0  }
0x1ae: {  	v62 =	vimm.s32 $0x2D2C2B2A;
	v57 =	vunpack.c.0.s8.s32 v57;
	v2 =	vunpack.c.l.s4.s8 v2;
	[tilespmem:$0x1FE90] =	vst v58  }
0x1af: {  	v62 =	vunpack.c.0.s8.s32 v62;
	v3 =	vimm.s32 $0x6543210F;
	[tilespmem:$0x1FD90] =	vst v0;
	v0 =	vunpack.c.0.s8.s32 v1  }
0x1b0: {  	v3 =	vunpack.c.l.s4.s8 v3;
	v54 =	vimm.s32 $0xEDCBA987;
	[tilespmem:$0x1FEA0] =	vst v57;
	v1 =	vunpack.c.0.s8.s32 v2  }
0x1b1: {  	[tilespmem:$0x1FDA0] =	vst v0;
	v0 =	vunpack.c.l.s4.s8 v54  }
0x1b2: {  	v20 =	vmov v62;
	[tilespmem:$0x1FDB0] =	vst v1;
	v1 =	vunpack.c.0.s8.s32 v3  }
0x1b3: {  	[tilespmem:$0x1FF10] =	vst v20;
	v0 =	vunpack.c.0.s8.s32 v0  }
0x1b4: {  	[tilespmem:$0x1FDC0] =	vst v1;
	v1 =	vlaneseq.u32  }
0x1b5: {  	[tilespmem:$0x1FDD0] =	vst v0;
	v0 =	vmul.u32 $0x80, v1  }
0x1b6: {  	[tilespmem:$0x1FF50] =	vst v47  }
0x1b7: {  	[tilespmem:$0x1FDE0] =	vst v0;
	v0 =	vor.u32 $0x10, v1  }
0x1b8: {  	[tilespmem:$0x1FDF0] =	vst v0;
	v0 =	vor.u32 $0x20, v1  }
0x1b9: {  	v2 =	vsel vm0, v63, v5;
	[tilespmem:$0x1FE00] =	vst v0;
	v0 =	vsel vm0, v13, v38  }
0x1ba: {  	[tilespmem:$0x1FE20] =	vst v0;
	v0 =	vcombine.low v2, v0  }
0x1bb: {  	[tilespmem:$0x1FE30] =	vst v2;
	v3 =	vsel vm0, v17, v6  }
0x1bc: {  	[tilespmem:$0x1FE40] =	vst v0;
	v0 =	vcombine.low v56, v3  }
0x1bd: {  	[tilespmem:$0x1FE50] =	vst v3  }
0x1be: {  	v2 =	vsel vm0, v53, v48;
	[tilespmem:$0x1FE70] =	vst v0;
	v0 =	vsel vm0, v24, v27  }
0x1bf: {  	v3 =	vsel vm0, v33, v60;
	[tilespmem:$0x1FEB0] =	vst v0;
	v0 =	vcombine.low v2, v0  }
0x1c0: {  	v57 =	vsel vm0, v57, v58;
	v55 =	vld [tilespmem:$0x1FE10];
	[tilespmem:$0x1FEE0] =	vst v3  }
0x1c1: {  	[tilespmem:$0x1FED0] =	vst v0;
	v0 =	vcombine.low v57, v3;
	v3 =	vld [tilespmem:$0x1FF20]  }
0x1c2: {  	[tilespmem:$0x1FF60] =	vst v52  }
0x1c3: {  	s4 =	srdreg.scid;
	s6 =	stileid.u32;
	s12 =	simm.s32 $0x6500;
	v21 =	vmov v61;
	[tilespmem:$0x1FFE0] =	vst v46  }
0x1c4: {  	s13 =	simm.s32 $0x80;
	s15 =	simm.s32 $0xA500;
	s16 =	simm.s32 $0x1;
	[tilespmem:$0x1FFF0] =	vst v21  }
0x1c5: {  	s17 =	simm.s32 $0xE500;
	s18 =	simm.s32 $0xED00;
	s19 =	simm.s32 $0xF500;
	[tilespmem:$0x1FEF0] =	vst v57;
	v58 =	vld [tilespmem:$0x1FF40];
	v1 =	vor.u32 $0x30, v1  }
0x1c6: {  	s20 =	simm.s32 $0xFD00;
	s21 =	simm.s32 $0x10500;
	s22 =	simm.s32 $0x10D00;
	v15 =	vmov v8;
	[tilespmem:$0x1FF70] =	vst v1;
	v8 =	vsel vm0, v3, v55;
	v3 =	vld [tilespmem:$0x1FF30]  }
0x1c7: {  	s23 =	simm.s32 $0x11500;
	s28 =	simm.s32 $0x13500;
	s29 =	simm.s32 $0x13D00;
	[tilespmem:$0x1FEC0] =	vst v2;
	v60 =	vsel vm0, v52, v47  }
0x1c8: {  	s30 =	simm.s32 $0x14500;
	s31 =	simm.s32 $0x14D00;
	s4 =	sand.u32 $0x1, s4;
	[tilespmem:$0x1FFC0] =	vst v60  }
0x1c9: {  	s6 =	sshll.u32 s6, $0xB;
	s5 =	ssub.s32 $0x2, s4;
	s4 =	sshll.u32 s4, $0xA;
	[tilespmem:$0x1FF00] =	vst v0;
	v0 =	vsel vm0, v21, v20  }
0x1ca: {  	s8 =	simm.s32 $0x0;
	s7 =	sshrl.u32 s5, $0x1;
	s4 =	sor.u32 s4, s6;
	[tilespmem:$0x1FF80] =	vst v0;
	v0 =	vcombine.low v8, v0  }
0x1cb: {  	s24 =	ssub.s32 s5, s7;
	s25 =	sshrl.u32 s4, $0x3;
	s5 =	sadd.s32 $0xF42800, s2;
	[tilespmem:$0x1FF90] =	vst v8;
	v3 =	vsel vm0, v58, v3  }
0x1cc: {  	s2 =	simm.s32 $0x15D00;
	s0 =	sadd.s32 s0, s25;
	s26 =	smax.u32 s24, $0x1;
	[tilespmem:$0x1FFA0] =	vst v0;
	v0 =	vcombine.low v60, v3  }
0x1cd: {  	s24 =	simm.s32 $0x11D00;
	s25 =	simm.s32 $0x12500;
	v16 =	vmov v53;
	v61 =	vmov v6;
	[dreg:$0x4] =	wrdreg s0;
	[tilespmem:$0x1FFB0] =	vst v3  }
0x1ce: {  	v62 =	vmovc v12;
	v28 =	vmovc v13;
	[dreg:$0x5] =	wrdreg s26;
	s26 =	simm.s32 $0x12D00;
	s0 =	simm.s32 $0x15500;
	v63 =	vmov v17;
	v49 =	vmov v55;
	v2 =	vmov v21;
	[tilespmem:$0x1FFD0] =	vst v0  }
.LBB2_1:
0x1cf: {  	[dreg:$0x6] =	wrdreg s8  }
0x1d0: {  	s6 =	rddreg [dreg:$0x4]  }
0x1d1: {  	s7 =	simm.s32 $0x400;
	s10 =	simm.s32 $0x8000;
	s11 =	simm.s32 $0x3  }
0x1d2: {  	[tilespmem:s3], [sflag:$0x3] =	stream.strided.gather [hbm4b:s6+s7], $0x6400, s10, s7, $0x38;
	[tilespmem:$0x16500] =	vst v63  }
0x1d3: {  	_ =	swait.ge [sflag:s11], $0x6400  }
0x1d4: {  	[sflag:s11] =	ssyncset.done $0x0  }
0x1d5: {  	[sflag:s11] =	ssyncadd.s32 $0xFFFF9C00  }
0x1d6: {  	v0 =	vld [tilespmem:$0x0]  }
0x1d7: {  	v1 =	vld [tilespmem:$0x10]  }
0x1d8: {  	v12 =	vld [tilespmem:$0x20]  }
0x1d9: {  	v3 =	vld [tilespmem:$0x30]  }
0x1da: {  	v4 =	vld [tilespmem:$0x40]  }
0x1db: {  	v8 =	vld [tilespmem:$0x50];
	v0 =	vshra.s32 v0, $0x1  }
0x1dc: {  	[tilespmem:$0x6400] =	vst v0;
	v0 =	vshra.s32 v1, $0x1;
	v1 =	vld [tilespmem:$0x60]  }
0x1dd: {  	[tilespmem:$0x6410] =	vst v0;
	v0 =	vshra.s32 v12, $0x1;
	v12 =	vld [tilespmem:$0x70]  }
0x1de: {  	[tilespmem:$0x6420] =	vst v0;
	v0 =	vshra.s32 v3, $0x1  }
0x1df: {  	[tilespmem:$0x6430] =	vst v0;
	v0 =	vshra.s32 v4, $0x1  }
0x1e0: {  	[tilespmem:$0x6440] =	vst v0;
	v0 =	vshra.s32 v8, $0x1  }
0x1e1: {  	[tilespmem:$0x6450] =	vst v0;
	v0 =	vshra.s32 v1, $0x1  }
0x1e2: {  	[tilespmem:$0x6460] =	vst v0;
	v0 =	vshra.s32 v12, $0x1  }
0x1e3: {  	s14 =	simm.s32 $0x6400;
	[tilespmem:$0x6470] =	vst v0  }
0x1e4: {  	[tilespmem:s12], [sflag:$0x1] =	stream.indirect.gather [hbm4b:s5+s13], $0x80, s14, s13, $0xb8;
	[tilespmem:$0x16500] =	vst v63  }
0x1e5: {  	v0 =	vld [tilespmem:$0x80]  }
0x1e6: {  	v1 =	vld [tilespmem:$0x90]  }
0x1e7: {  	v12 =	vld [tilespmem:$0xA0]  }
0x1e8: {  	v3 =	vld [tilespmem:$0xB0]  }
0x1e9: {  	v60 =	vld [tilespmem:$0xC0]  }
0x1ea: {  	v8 =	vld [tilespmem:$0xD0];
	v0 =	vshra.s32 v0, $0x1  }
0x1eb: {  	[tilespmem:$0x6480] =	vst v0;
	v0 =	vshra.s32 v1, $0x1;
	v1 =	vld [tilespmem:$0xE0]  }
0x1ec: {  	[tilespmem:$0x6490] =	vst v0;
	v0 =	vshra.s32 v12, $0x1;
	v12 =	vld [tilespmem:$0xF0]  }
0x1ed: {  	[tilespmem:$0x64A0] =	vst v0;
	v0 =	vshra.s32 v3, $0x1  }
0x1ee: {  	[tilespmem:$0x64B0] =	vst v0;
	v0 =	vshra.s32 v60, $0x1  }
0x1ef: {  	[tilespmem:$0x64C0] =	vst v0;
	v0 =	vshra.s32 v8, $0x1  }
0x1f0: {  	[tilespmem:$0x64D0] =	vst v0;
	v0 =	vshra.s32 v1, $0x1  }
0x1f1: {  	[tilespmem:$0x64E0] =	vst v0;
	v0 =	vshra.s32 v12, $0x1  }
0x1f2: {  	s6 =	simm.s32 $0x80;
	s10 =	simm.s32 $0x0;
	s14 =	simm.s32 $0x0;
	[tilespmem:$0x64F0] =	vst v0  }
.LBB2_2:
0x1f3: {  	p0 =	seq.s32 s10, $0x0  }
0x1f4: {  	s7 =	simm.s32 @!p0 $0x2  }
0x1f5: {  	_ =	swait.ge @!p0 [sflag:s7], $0x2000  }
0x1f6: {  	[sflag:s7] =	ssyncset.done @!p0 $0x0  }
0x1f7: {  	s9 =	simm.s32 $0x6480;
	[sflag:s7] =	ssyncadd.s32 @!p0 $0xFFFFE000  }
0x1f8: {  	[tilespmem:s15], [sflag:$0x1] =	stream.indirect.gather [hbm4b:s5+s13], $0x80, s9, s13, $0xb8;
	[tilespmem:$0x16500] =	vst v63  }
0x1f9: {  	s8 =	sshllo.u32 s10, $0x1;
	_ =	swait.ge [sflag:s16], $0x4000  }
0x1fa: {  	s11 =	sshll.u32 s10, $0x8;
	s7 =	smov.u32 s14;
	[sflag:s16] =	ssyncset.done $0x0  }
0x1fb: {  	s9 =	sand.u32 $0x3FFFFF00, s11;
	s11 =	simm.s32 $0x0;
	[sflag:s16] =	ssyncadd.s32 $0xFFFFC000  }
.LBB2_3:
0x1fc: {  	v0 =	vld [tilespmem:s7+$0x0]  }
0x1fd: {  	v9 =	vld [tilespmem:$0x1FDE0];
	_ =	sdelay $0x2  }
0x1fe: {  	v1 =	vmov s11  }
0x1ff: {  	v1 =	vshll.u32 v1, $0x7;
	v0 =	vshll.u32 v0, $0x6  }
0x200: {  	v8 =	vmov v2;
	v2 =	vld [tilespmem:$0x1F690];
	v1 =	vor.u32 v9, v1;
	v0 =	vand.u32 $0x40, v0  }
0x201: {  	v59 =	vor.u32 v1, v0;
	v0 =	vlaneseq.u32  }
0x202: {  	v0 =	vor.u32 v0, v59;
	_ =	sdelay $0x2  }
0x203: {  	v1 =	vor.u32 s11, v2;
	v2 =	vld [tilespmem:$0x1FDF0];
	_ =	sdelay $0x1  }
0x204: {  	v0 =	vld.idx.msk [tilespmem:v0+s12+$0x0], $0xffff;
	_ =	sdelay $0x2  }
0x205: {  	v2 =	vor.u32 v2, v59;
	_ =	sdelay $0x1  }
0x206: {  	v0 =	vmul.f32 $8.000000000e+00, v0;
	_ =	sdelay $0x1  }
0x207: {  	v3 =	vld [tilespmem:$0x1F6A0];
	[tilespmem:v1+s17+$0x0] =	vst.idx.msk $0xffff, v0  }
0x208: {  	v0 =	vld.idx.msk [tilespmem:v2+s12+$0x0], $0xffff  }
0x209: {  	v2 =	vld [tilespmem:$0x1FE00];
	_ =	sdelay $0x3  }
0x20a: {  	v1 =	vor.u32 s11, v3  }
0x20b: {  	v2 =	vor.u32 v2, v59;
	_ =	sdelay $0x1  }
0x20c: {  	v0 =	vmul.f32 $8.000000000e+00, v0;
	_ =	sdelay $0x1  }
0x20d: {  	[tilespmem:v1+s17+$0x0] =	vst.idx.msk $0xffff, v0;
	v1 =	vld [tilespmem:$0x1F6B0]  }
0x20e: {  	v0 =	vld.idx.msk [tilespmem:v2+s12+$0x0], $0xffff  }
0x20f: {  	v2 =	vld [tilespmem:$0x1FF70];
	_ =	sdelay $0x3  }
0x210: {  	v1 =	vor.u32 s11, v1  }
0x211: {  	v2 =	vor.u32 v2, v59;
	_ =	sdelay $0x1  }
0x212: {  	v5 =	vld [tilespmem:$0x1F6E0];
	v0 =	vmul.f32 $8.000000000e+00, v0  }
0x213: {  	v7 =	vld [tilespmem:$0x1F6F0]  }
0x214: {  	[tilespmem:v1+s17+$0x0] =	vst.idx.msk $0xffff, v0  }
0x215: {  	v0 =	vld.idx.msk [tilespmem:v2+s12+$0x0], $0xffff;
	_ =	sdelay $0x1  }
0x216: {  	v1 =	vor.u32 s11, v5  }
0x217: {  	v2 =	vor.u32 v7, v59;
	_ =	sdelay $0x1  }
0x218: {  	v0 =	vmul.f32 $8.000000000e+00, v0;
	_ =	sdelay $0x1  }
0x219: {  	[tilespmem:v1+s17+$0x0] =	vst.idx.msk $0xffff, v0  }
0x21a: {  	v0 =	vld.idx.msk [tilespmem:v2+s12+$0x0], $0xffff  }
0x21b: {  	v2 =	vld [tilespmem:$0x1FE40];
	_ =	sdelay $0x3  }
0x21c: {  	v1 =	vor.u32 s11, v11  }
0x21d: {  	v2 =	vor.u32 v2, v59;
	_ =	sdelay $0x1  }
0x21e: {  	v0 =	vmul.f32 $8.000000000e+00, v0;
	_ =	sdelay $0x1  }
0x21f: {  	[tilespmem:v1+s17+$0x0] =	vst.idx.msk $0xffff, v0;
	v1 =	vld [tilespmem:$0x1F700]  }
0x220: {  	v0 =	vld.idx.msk [tilespmem:v2+s12+$0x0], $0xffff  }
0x221: {  	v2 =	vld [tilespmem:$0x1FE70];
	_ =	sdelay $0x3  }
0x222: {  	v1 =	vor.u32 s11, v1  }
0x223: {  	v2 =	vor.u32 v2, v59;
	_ =	sdelay $0x1  }
0x224: {  	v0 =	vmul.f32 $8.000000000e+00, v0;
	_ =	sdelay $0x1  }
0x225: {  	[tilespmem:v1+s17+$0x0] =	vst.idx.msk $0xffff, v0  }
0x226: {  	v0 =	vld.idx.msk [tilespmem:v2+s12+$0x0], $0xffff  }
0x227: {  	v2 =	vld [tilespmem:$0x1FED0];
	_ =	sdelay $0x3  }
0x228: {  	v1 =	vor.u32 s11, v51  }
0x229: {  	v2 =	vor.u32 v2, v59;
	_ =	sdelay $0x1  }
0x22a: {  	v0 =	vmul.f32 $8.000000000e+00, v0;
	_ =	sdelay $0x1  }
0x22b: {  	[tilespmem:v1+s17+$0x0] =	vst.idx.msk $0xffff, v0  }
0x22c: {  	v0 =	vld.idx.msk [tilespmem:v2+s12+$0x0], $0xffff;
	_ =	sdelay $0x1  }
0x22d: {  	v1 =	vor.u32 s11, v10  }
0x22e: {  	v2 =	vor.u32 v18, v59;
	_ =	sdelay $0x1  }
0x22f: {  	v0 =	vmul.f32 $8.000000000e+00, v0;
	_ =	sdelay $0x1  }
0x230: {  	[tilespmem:v1+s17+$0x0] =	vst.idx.msk $0xffff, v0;
	v1 =	vld [tilespmem:$0x1F740]  }
0x231: {  	v0 =	vld.idx.msk [tilespmem:v2+s12+$0x0], $0xffff  }
0x232: {  	v2 =	vld [tilespmem:$0x1FF00];
	_ =	sdelay $0x3  }
0x233: {  	v1 =	vor.u32 s11, v1  }
0x234: {  	v2 =	vor.u32 v2, v59;
	_ =	sdelay $0x1  }
0x235: {  	v0 =	vmul.f32 $8.000000000e+00, v0;
	_ =	sdelay $0x1  }
0x236: {  	[tilespmem:v1+s17+$0x0] =	vst.idx.msk $0xffff, v0  }
0x237: {  	v0 =	vld.idx.msk [tilespmem:v2+s12+$0x0], $0xffff  }
0x238: {  	v2 =	vld [tilespmem:$0x1FFA0];
	_ =	sdelay $0x3  }
0x239: {  	v1 =	vor.u32 s11, v14  }
0x23a: {  	v2 =	vor.u32 v2, v59;
	_ =	sdelay $0x1  }
0x23b: {  	v0 =	vmul.f32 $8.000000000e+00, v0;
	_ =	sdelay $0x1  }
0x23c: {  	[tilespmem:v1+s17+$0x0] =	vst.idx.msk $0xffff, v0;
	v1 =	vld [tilespmem:$0x1F750]  }
0x23d: {  	v0 =	vld.idx.msk [tilespmem:v2+s12+$0x0], $0xffff  }
0x23e: {  	v2 =	vld [tilespmem:$0x1FFD0];
	_ =	sdelay $0x3  }
0x23f: {  	v1 =	vor.u32 s11, v1  }
0x240: {  	v2 =	vor.u32 v2, v59;
	_ =	sdelay $0x1  }
0x241: {  	v0 =	vmul.f32 $8.000000000e+00, v0  }
0x242: {  	v19 =	vld [tilespmem:$0x1FBD0]  }
0x243: {  	v18 =	vld [tilespmem:$0x1FBC0];
	[tilespmem:v1+s17+$0x0] =	vst.idx.msk $0xffff, v0  }
0x244: {  	v0 =	vld.idx.msk [tilespmem:v2+s12+$0x0], $0xffff  }
0x245: {  	v2 =	vld [tilespmem:$0x1F760];
	_ =	sdelay $0x2  }
0x246: {  	v9 =	vld [tilespmem:$0x1FC00];
	v1 =	vcombine.low v19, v18  }
0x247: {  	v5 =	vld [tilespmem:$0x1FBE0]  }
0x248: {  	v10 =	vld [tilespmem:$0x1FC10];
	v1 =	vand.u32 $0xF, v1;
	v2 =	vor.u32 s11, v2  }
0x249: {  	v7 =	vld [tilespmem:$0x1FBF0];
	[tilespmem:$0x1F560] =	vst v1;
	v1 =	vor.u32 v1, v59;
	_ =	sdelay $0x1  }
0x24a: {  	v0 =	vmul.f32 $8.000000000e+00, v0;
	_ =	sdelay $0x1  }
0x24b: {  	[tilespmem:v2+s17+$0x0] =	vst.idx.msk $0xffff, v0;
	v2 =	vsel vm0, v10, v9  }
0x24c: {  	v0 =	vld.idx.msk [tilespmem:v1+s12+$0x0], $0xffff;
	v1 =	vsel vm0, v7, v5;
	[tilespmem:$0x1F5D0] =	vst v2  }
0x24d: {  	[tilespmem:$0x1F5E0] =	vst v1;
	v2 =	vcombine.low v2, v1;
	v1 =	vld [tilespmem:$0x1F770];
	_ =	sdelay $0x2  }
0x24e: {  	v12 =	vld [tilespmem:$0x1FC30]  }
0x24f: {  	v6 =	vmov v15;
	v15 =	vld [tilespmem:$0x1FC50]  }
0x250: {  	v11 =	vld [tilespmem:$0x1FC20];
	v1 =	vor.u32 s11, v1  }
0x251: {  	v14 =	vld [tilespmem:$0x1FC40];
	[tilespmem:$0x1F570] =	vst v2;
	v2 =	vor.u32 v2, v59;
	_ =	sdelay $0x1  }
0x252: {  	v0 =	vmul.f32 $8.000000000e+00, v0;
	_ =	sdelay $0x1  }
0x253: {  	[tilespmem:v1+s17+$0x0] =	vst.idx.msk $0xffff, v0;
	v1 =	vsel vm0, v12, v11  }
0x254: {  	v0 =	vld.idx.msk [tilespmem:v2+s12+$0x0], $0xffff;
	[tilespmem:$0x1F5F0] =	vst v1;
	v2 =	vsel vm0, v15, v14  }
0x255: {  	[tilespmem:$0x1F600] =	vst v2;
	v2 =	vcombine.low v2, v1;
	v1 =	vld [tilespmem:$0x1F780];
	_ =	sdelay $0x2  }
0x256: {  	v17 =	vld [tilespmem:$0x1FC70]  }
0x257: {  	v20 =	vld [tilespmem:$0x1FC80]  }
0x258: {  	v4 =	vmov v16;
	v16 =	vld [tilespmem:$0x1FC60];
	v1 =	vor.u32 s11, v1  }
0x259: {  	v22 =	vld [tilespmem:$0x1FC90];
	[tilespmem:$0x1F580] =	vst v2;
	v2 =	vor.u32 v2, v59;
	_ =	sdelay $0x1  }
0x25a: {  	v0 =	vmul.f32 $8.000000000e+00, v0;
	_ =	sdelay $0x1  }
0x25b: {  	[tilespmem:v1+s17+$0x0] =	vst.idx.msk $0xffff, v0;
	v1 =	vsel vm0, v17, v16  }
0x25c: {  	v0 =	vld.idx.msk [tilespmem:v2+s12+$0x0], $0xffff;
	[tilespmem:$0x1F610] =	vst v1;
	v2 =	vsel vm0, v22, v20  }
0x25d: {  	[tilespmem:$0x1F620] =	vst v2;
	v2 =	vcombine.low v2, v1;
	v1 =	vld [tilespmem:$0x1F790];
	_ =	sdelay $0x4  }
0x25e: {  	v1 =	vor.u32 s11, v1  }
0x25f: {  	[tilespmem:$0x1F590] =	vst v2;
	v2 =	vor.u32 v2, v59;
	_ =	sdelay $0x1  }
0x260: {  	v0 =	vmul.f32 $8.000000000e+00, v0  }
0x261: {  	v29 =	vld [tilespmem:$0x1FCB0]  }
0x262: {  	v3 =	vld [tilespmem:$0x1FCA0];
	[tilespmem:v1+s17+$0x0] =	vst.idx.msk $0xffff, v0  }
0x263: {  	v0 =	vld.idx.msk [tilespmem:v2+s12+$0x0], $0xffff  }
0x264: {  	v2 =	vld [tilespmem:$0x1F7A0];
	_ =	sdelay $0x2  }
0x265: {  	v23 =	vld [tilespmem:$0x1FCC0];
	v1 =	vcombine.low v29, v3  }
0x266: {  	v26 =	vld [tilespmem:$0x1FCE0]  }
0x267: {  	v27 =	vld [tilespmem:$0x1FCF0];
	v1 =	vand.u32 $0xF, v1;
	v2 =	vor.u32 s11, v2  }
0x268: {  	v25 =	vld [tilespmem:$0x1FCD0];
	[tilespmem:$0x1F5A0] =	vst v1;
	v1 =	vor.u32 v1, v59;
	_ =	sdelay $0x1  }
0x269: {  	v0 =	vmul.f32 $8.000000000e+00, v0;
	_ =	sdelay $0x1  }
0x26a: {  	[tilespmem:v2+s17+$0x0] =	vst.idx.msk $0xffff, v0;
	v2 =	vsel vm0, v27, v26  }
0x26b: {  	v0 =	vld.idx.msk [tilespmem:v1+s12+$0x0], $0xffff;
	v1 =	vsel vm0, v25, v23;
	[tilespmem:$0x1F630] =	vst v2  }
0x26c: {  	[tilespmem:$0x1F640] =	vst v1;
	v2 =	vcombine.low v2, v1;
	v1 =	vld [tilespmem:$0x1F7B0];
	_ =	sdelay $0x2  }
0x26d: {  	v30 =	vld [tilespmem:$0x1FD00]  }
0x26e: {  	v32 =	vld [tilespmem:$0x1FD10]  }
0x26f: {  	v37 =	vld [tilespmem:$0x1FD20];
	v1 =	vor.u32 s11, v1  }
0x270: {  	v40 =	vld [tilespmem:$0x1FD30];
	[tilespmem:$0x1F5B0] =	vst v2;
	v2 =	vor.u32 v2, v59;
	_ =	sdelay $0x1  }
0x271: {  	v0 =	vmul.f32 $8.000000000e+00, v0;
	_ =	sdelay $0x1  }
0x272: {  	[tilespmem:v1+s17+$0x0] =	vst.idx.msk $0xffff, v0;
	v1 =	vsel vm0, v32, v30  }
0x273: {  	v0 =	vld.idx.msk [tilespmem:v2+s12+$0x0], $0xffff;
	[tilespmem:$0x1F660] =	vst v1;
	v2 =	vsel vm0, v40, v37  }
0x274: {  	[tilespmem:$0x1F650] =	vst v2;
	v2 =	vcombine.low v2, v1;
	v1 =	vld [tilespmem:$0x1F7C0];
	_ =	sdelay $0x2  }
0x275: {  	v36 =	vld [tilespmem:$0x1FD40]  }
0x276: {  	v44 =	vld [tilespmem:$0x1FD50]  }
0x277: {  	v45 =	vld [tilespmem:$0x1FD60];
	v1 =	vor.u32 s11, v1  }
0x278: {  	v43 =	vld [tilespmem:$0x1FD70];
	[tilespmem:$0x1F5C0] =	vst v2;
	v2 =	vor.u32 v2, v59;
	_ =	sdelay $0x1  }
0x279: {  	v0 =	vmul.f32 $8.000000000e+00, v0;
	_ =	sdelay $0x1  }
0x27a: {  	[tilespmem:v1+s17+$0x0] =	vst.idx.msk $0xffff, v0  }
0x27b: {  	v1 =	vsel vm0, v44, v36;
	v0 =	vld.idx.msk [tilespmem:v2+s12+$0x0], $0xffff;
	v2 =	vsel vm0, v43, v45  }
0x27c: {  	[tilespmem:$0x1F670] =	vst v1;
	v52 =	vcombine.low v2, v1;
	v1 =	vld [tilespmem:$0x1F7D0];
	_ =	sdelay $0x4  }
0x27d: {  	v1 =	vor.u32 s11, v1  }
0x27e: {  	[tilespmem:$0x1F680] =	vst v2;
	v2 =	vor.u32 v52, v59;
	_ =	sdelay $0x1  }
0x27f: {  	v0 =	vmul.f32 $8.000000000e+00, v0  }
0x280: {  	v13 =	vld [tilespmem:$0x1FD80]  }
0x281: {  	v47 =	vld [tilespmem:$0x1FD90];
	[tilespmem:v1+s17+$0x0] =	vst.idx.msk $0xffff, v0  }
0x282: {  	v0 =	vld.idx.msk [tilespmem:v2+s12+$0x0], $0xffff  }
0x283: {  	v2 =	vld [tilespmem:$0x1F7E0];
	_ =	sdelay $0x2  }
0x284: {  	v1 =	vcombine.low v47, v13;
	_ =	sdelay $0x1  }
0x285: {  	v38 =	vand.u32 $0xF, v1;
	v2 =	vor.u32 s11, v2  }
0x286: {  	v1 =	vor.u32 v38, v59;
	_ =	sdelay $0x1  }
0x287: {  	v0 =	vmul.f32 $8.000000000e+00, v0;
	_ =	sdelay $0x1  }
0x288: {  	[tilespmem:v2+s17+$0x0] =	vst.idx.msk $0xffff, v0  }
0x289: {  	v0 =	vld.idx.msk [tilespmem:v1+s12+$0x0], $0xffff  }
0x28a: {  	v1 =	vld [tilespmem:$0x1F870];
	_ =	sdelay $0x4  }
0x28b: {  	v53 =	vsel vm0, v1, v28;
	v1 =	vld [tilespmem:$0x1F8A0]  }
0x28c: {  	v28 =	vld [tilespmem:$0x1F840];
	_ =	sdelay $0x4  }
0x28d: {  	v54 =	vsel vm0, v28, v1;
	v1 =	vld [tilespmem:$0x1F7F0];
	_ =	sdelay $0x4  }
0x28e: {  	v1 =	vor.u32 s11, v1  }
0x28f: {  	v41 =	vcombine.low v54, v53;
	_ =	sdelay $0x1  }
0x290: {  	v0 =	vmul.f32 $8.000000000e+00, v0;
	v2 =	vor.u32 v41, v59;
	_ =	sdelay $0x1  }
0x291: {  	[tilespmem:v1+s17+$0x0] =	vst.idx.msk $0xffff, v0;
	v1 =	vld [tilespmem:$0x1F800];
	_ =	sdelay $0x2  }
0x292: {  	v55 =	vsel vm0, v62, v63;
	v56 =	vsel vm0, v61, v6;
	v0 =	vld.idx.msk [tilespmem:v2+s12+$0x0], $0xffff  }
0x293: {  	v46 =	vcombine.low v56, v55  }
0x294: {  	v1 =	vor.u32 s11, v1  }
0x295: {  	v2 =	vor.u32 v46, v59;
	_ =	sdelay $0x1  }
0x296: {  	v0 =	vmul.f32 $8.000000000e+00, v0;
	_ =	sdelay $0x1  }
0x297: {  	[tilespmem:v1+s17+$0x0] =	vst.idx.msk $0xffff, v0;
	v1 =	vld [tilespmem:$0x1FA30]  }
0x298: {  	v0 =	vld.idx.msk [tilespmem:v2+s12+$0x0], $0xffff  }
0x299: {  	v2 =	vld [tilespmem:$0x1FA20];
	_ =	sdelay $0x4  }
0x29a: {  	v57 =	vsel vm0, v1, v2;
	v1 =	vld [tilespmem:$0x1FA00];
	_ =	sdelay $0x4  }
0x29b: {  	v58 =	vsel vm0, v1, v4;
	v1 =	vld [tilespmem:$0x1F820];
	_ =	sdelay $0x3  }
0x29c: {  	v35 =	vcombine.low v58, v57  }
0x29d: {  	v1 =	vor.u32 s11, v1  }
0x29e: {  	v2 =	vor.u32 v35, v59;
	_ =	sdelay $0x1  }
0x29f: {  	v0 =	vmul.f32 $8.000000000e+00, v0  }
0x2a0: {  	v48 =	vld [tilespmem:$0x1FDB0]  }
0x2a1: {  	v4 =	vld [tilespmem:$0x1FDA0];
	[tilespmem:v1+s17+$0x0] =	vst.idx.msk $0xffff, v0  }
0x2a2: {  	v0 =	vld.idx.msk [tilespmem:v2+s12+$0x0], $0xffff  }
0x2a3: {  	v2 =	vld [tilespmem:$0x1F830];
	_ =	sdelay $0x2  }
0x2a4: {  	v1 =	vcombine.low v48, v4;
	_ =	sdelay $0x1  }
0x2a5: {  	v21 =	vand.u32 $0xF, v1;
	v2 =	vor.u32 s11, v2  }
0x2a6: {  	v1 =	vor.u32 v21, v59;
	_ =	sdelay $0x1  }
0x2a7: {  	v0 =	vmul.f32 $8.000000000e+00, v0;
	_ =	sdelay $0x1  }
0x2a8: {  	[tilespmem:v2+s17+$0x0] =	vst.idx.msk $0xffff, v0;
	v2 =	vld [tilespmem:$0x1FE90]  }
0x2a9: {  	v0 =	vld.idx.msk [tilespmem:v1+s12+$0x0], $0xffff  }
0x2aa: {  	v1 =	vld [tilespmem:$0x1FA90];
	_ =	sdelay $0x4  }
0x2ab: {  	v60 =	vsel vm0, v2, v1;
	v1 =	vld [tilespmem:$0x1FE80]  }
0x2ac: {  	v2 =	vld [tilespmem:$0x1FEA0];
	_ =	sdelay $0x4  }
0x2ad: {  	v61 =	vsel vm0, v1, v2;
	v1 =	vld [tilespmem:$0x1F850];
	_ =	sdelay $0x3  }
0x2ae: {  	v24 =	vcombine.low v61, v60  }
0x2af: {  	v1 =	vor.u32 s11, v1  }
0x2b0: {  	v2 =	vor.u32 v24, v59;
	_ =	sdelay $0x1  }
0x2b1: {  	v0 =	vmul.f32 $8.000000000e+00, v0;
	_ =	sdelay $0x1  }
0x2b2: {  	[tilespmem:v1+s17+$0x0] =	vst.idx.msk $0xffff, v0;
	v1 =	vld [tilespmem:$0x1FF10]  }
0x2b3: {  	v0 =	vld.idx.msk [tilespmem:v2+s12+$0x0], $0xffff  }
0x2b4: {  	v2 =	vld [tilespmem:$0x1FF20];
	_ =	sdelay $0x4  }
0x2b5: {  	v63 =	vsel vm0, v1, v2;
	v1 =	vld [tilespmem:$0x1F880];
	_ =	sdelay $0x2  }
0x2b6: {  	v62 =	vsel vm0, v49, v8  }
0x2b7: {  	v42 =	vcombine.low v63, v62  }
0x2b8: {  	v1 =	vor.u32 s11, v1  }
0x2b9: {  	v2 =	vor.u32 v42, v59;
	_ =	sdelay $0x1  }
0x2ba: {  	v0 =	vmul.f32 $8.000000000e+00, v0;
	_ =	sdelay $0x1  }
0x2bb: {  	[tilespmem:v1+s17+$0x0] =	vst.idx.msk $0xffff, v0;
	v1 =	vld [tilespmem:$0x1FF40]  }
0x2bc: {  	v0 =	vld.idx.msk [tilespmem:v2+s12+$0x0], $0xffff  }
0x2bd: {  	v2 =	vld [tilespmem:$0x1FF50];
	_ =	sdelay $0x4  }
0x2be: {  	v33 =	vsel vm0, v2, v1;
	v1 =	vld [tilespmem:$0x1FF30]  }
0x2bf: {  	v2 =	vld [tilespmem:$0x1FF60];
	_ =	sdelay $0x4  }
0x2c0: {  	v31 =	vsel vm0, v1, v2;
	v1 =	vld [tilespmem:$0x1F890];
	_ =	sdelay $0x3  }
0x2c1: {  	v39 =	vcombine.low v31, v33  }
0x2c2: {  	v1 =	vor.u32 s11, v1  }
0x2c3: {  	v2 =	vor.u32 v39, v59;
	_ =	sdelay $0x1  }
0x2c4: {  	v0 =	vmul.f32 $8.000000000e+00, v0  }
0x2c5: {  	v49 =	vld [tilespmem:$0x1FDC0]  }
0x2c6: {  	v51 =	vld [tilespmem:$0x1FDD0];
	[tilespmem:v1+s17+$0x0] =	vst.idx.msk $0xffff, v0  }
0x2c7: {  	v0 =	vld.idx.msk [tilespmem:v2+s12+$0x0], $0xffff  }
0x2c8: {  	v2 =	vld [tilespmem:$0x1F8B0];
	_ =	sdelay $0x4  }
0x2c9: {  	v1 =	vcombine.low v51, v49;
	v2 =	vor.u32 s11, v2;
	_ =	sdelay $0x1  }
0x2ca: {  	v34 =	vand.u32 $0xF, v1  }
0x2cb: {  	v1 =	vor.u32 v34, v59;
	v0 =	vmul.f32 $8.000000000e+00, v0;
	_ =	sdelay $0x1  }
0x2cc: {  	[tilespmem:v2+s17+$0x0] =	vst.idx.msk $0xffff, v0;
	v2 =	vld [tilespmem:$0x1F8C0];
	_ =	sdelay $0x2  }
0x2cd: {  	v8 =	vsel vm0, v5, v10;
	v28 =	vsel vm0, v9, v7;
	v1 =	vld.idx.msk [tilespmem:v1+s12+$0x0], $0xffff  }
0x2ce: {  	v0 =	vcombine.low v8, v28  }
0x2cf: {  	v2 =	vor.u32 s11, v2  }
0x2d0: {  	v5 =	vor.u32 v0, v59;
	_ =	sdelay $0x1  }
0x2d1: {  	v1 =	vmul.f32 $8.000000000e+00, v1;
	_ =	sdelay $0x1  }
0x2d2: {  	[tilespmem:v2+s17+$0x0] =	vst.idx.msk $0xffff, v1  }
0x2d3: {  	v2 =	vld.idx.msk [tilespmem:v5+s12+$0x0], $0xffff  }
0x2d4: {  	v5 =	vld [tilespmem:$0x1F8D0];
	_ =	sdelay $0x4  }
0x2d5: {  	v10 =	vsel vm0, v14, v12;
	v11 =	vsel vm0, v11, v15;
	v5 =	vor.u32 s11, v5  }
0x2d6: {  	v1 =	vcombine.low v11, v10;
	_ =	sdelay $0x1  }
0x2d7: {  	v6 =	vor.u32 v1, v59;
	v2 =	vmul.f32 $8.000000000e+00, v2;
	_ =	sdelay $0x1  }
0x2d8: {  	[tilespmem:v5+s17+$0x0] =	vst.idx.msk $0xffff, v2;
	v2 =	vld [tilespmem:$0x1F900];
	_ =	sdelay $0x2  }
0x2d9: {  	v5 =	vld.idx.msk [tilespmem:v6+s12+$0x0], $0xffff  }
0x2da: {  	v14 =	vsel vm0, v16, v22;
	v9 =	vsel vm0, v20, v17  }
0x2db: {  	v20 =	vcombine.low v14, v9;
	v6 =	vor.u32 s11, v2;
	v2 =	vld [tilespmem:$0x1F960];
	_ =	sdelay $0x1  }
0x2dc: {  	v7 =	vor.u32 v20, v59  }
0x2dd: {  	v5 =	vmul.f32 $8.000000000e+00, v5;
	_ =	sdelay $0x1  }
0x2de: {  	[tilespmem:v6+s17+$0x0] =	vst.idx.msk $0xffff, v5;
	v6 =	vor.u32 s11, v2;
	v2 =	vld [tilespmem:$0x1F710];
	_ =	sdelay $0x1  }
0x2df: {  	v5 =	vld.idx.msk [tilespmem:v7+s12+$0x0], $0xffff;
	_ =	sdelay $0x2  }
0x2e0: {  	v7 =	vor.u32 v2, v59;
	_ =	sdelay $0x1  }
0x2e1: {  	v2 =	vld [tilespmem:$0x1F970];
	v5 =	vmul.f32 $8.000000000e+00, v5;
	_ =	sdelay $0x1  }
0x2e2: {  	[tilespmem:v6+s17+$0x0] =	vst.idx.msk $0xffff, v5  }
0x2e3: {  	v5 =	vsel vm0, v26, v25;
	v6 =	vld.idx.msk [tilespmem:v7+s12+$0x0], $0xffff;
	v7 =	vsel vm0, v23, v27  }
0x2e4: {  	v5 =	vcombine.low v7, v5  }
0x2e5: {  	v7 =	vor.u32 s11, v2  }
0x2e6: {  	v12 =	vor.u32 v5, v59;
	_ =	sdelay $0x1  }
0x2e7: {  	v2 =	vld [tilespmem:$0x1F980];
	v6 =	vmul.f32 $8.000000000e+00, v6;
	_ =	sdelay $0x1  }
0x2e8: {  	[tilespmem:v7+s17+$0x0] =	vst.idx.msk $0xffff, v6  }
0x2e9: {  	v6 =	vsel vm0, v37, v32;
	v7 =	vld.idx.msk [tilespmem:v12+s12+$0x0], $0xffff;
	v12 =	vsel vm0, v30, v40  }
0x2ea: {  	v6 =	vcombine.low v12, v6  }
0x2eb: {  	v12 =	vor.u32 s11, v2  }
0x2ec: {  	v17 =	vor.u32 v6, v59;
	_ =	sdelay $0x1  }
0x2ed: {  	v2 =	vld [tilespmem:$0x1F9B0];
	v7 =	vmul.f32 $8.000000000e+00, v7;
	_ =	sdelay $0x1  }
0x2ee: {  	[tilespmem:v12+s17+$0x0] =	vst.idx.msk $0xffff, v7  }
0x2ef: {  	v12 =	vld.idx.msk [tilespmem:v17+s12+$0x0], $0xffff  }
0x2f0: {  	v7 =	vsel vm0, v45, v44;
	v17 =	vsel vm0, v36, v43  }
0x2f1: {  	v7 =	vcombine.low v17, v7;
	v17 =	vor.u32 s11, v2;
	_ =	sdelay $0x2  }
0x2f2: {  	v12 =	vmul.f32 $8.000000000e+00, v12  }
0x2f3: {  	v2 =	vld [tilespmem:$0x1F6C0]  }
0x2f4: {  	[tilespmem:v17+s17+$0x0] =	vst.idx.msk $0xffff, v12;
	v12 =	vld [tilespmem:$0x1F6D0];
	_ =	sdelay $0x2  }
0x2f5: {  	v22 =	vor.u32 v7, v59;
	_ =	sdelay $0x1  }
0x2f6: {  	v12 =	vcombine.low v2, v12;
	v2 =	vld [tilespmem:$0x1F9C0];
	_ =	sdelay $0x2  }
0x2f7: {  	v17 =	vld.idx.msk [tilespmem:v22+s12+$0x0], $0xffff  }
0x2f8: {  	v15 =	vld [tilespmem:$0x1FE30]  }
0x2f9: {  	v22 =	vor.u32 s11, v2;
	v2 =	vld [tilespmem:$0x1FE20];
	_ =	sdelay $0x1  }
0x2fa: {  	v12 =	vand.u32 $0xF, v12  }
0x2fb: {  	v17 =	vmul.f32 $8.000000000e+00, v17;
	v25 =	vor.u32 v12, v59;
	_ =	sdelay $0x1  }
0x2fc: {  	[tilespmem:v22+s17+$0x0] =	vst.idx.msk $0xffff, v17;
	v17 =	vcombine.low v2, v15;
	v2 =	vld [tilespmem:$0x1F9D0];
	_ =	sdelay $0x2  }
0x2fd: {  	v22 =	vld.idx.msk [tilespmem:v25+s12+$0x0], $0xffff  }
0x2fe: {  	v15 =	vld [tilespmem:$0x1FE60]  }
0x2ff: {  	v25 =	vor.u32 s11, v2;
	v2 =	vld [tilespmem:$0x1FE50];
	_ =	sdelay $0x2  }
0x300: {  	v22 =	vmul.f32 $8.000000000e+00, v22  }
0x301: {  	v26 =	vor.u32 v17, v59  }
0x302: {  	[tilespmem:v25+s17+$0x0] =	vst.idx.msk $0xffff, v22;
	v22 =	vcombine.low v2, v15;
	v2 =	vld [tilespmem:$0x1F9E0];
	_ =	sdelay $0x2  }
0x303: {  	v15 =	vld [tilespmem:$0x1FEC0]  }
0x304: {  	v25 =	vld.idx.msk [tilespmem:v26+s12+$0x0], $0xffff  }
0x305: {  	v26 =	vor.u32 s11, v2;
	v2 =	vld [tilespmem:$0x1FEB0];
	_ =	sdelay $0x2  }
0x306: {  	v27 =	vor.u32 v22, v59;
	_ =	sdelay $0x1  }
0x307: {  	v25 =	vmul.f32 $8.000000000e+00, v25;
	v23 =	vcombine.low v2, v15;
	v2 =	vld [tilespmem:$0x1F9F0];
	_ =	sdelay $0x1  }
0x308: {  	[tilespmem:v26+s17+$0x0] =	vst.idx.msk $0xffff, v25  }
0x309: {  	v26 =	vld.idx.msk [tilespmem:v27+s12+$0x0], $0xffff  }
0x30a: {  	v15 =	vld [tilespmem:$0x1F730]  }
0x30b: {  	v27 =	vor.u32 s11, v2;
	v2 =	vld [tilespmem:$0x1F720];
	_ =	sdelay $0x2  }
0x30c: {  	v26 =	vmul.f32 $8.000000000e+00, v26  }
0x30d: {  	v40 =	vor.u32 v23, v59  }
0x30e: {  	[tilespmem:v27+s17+$0x0] =	vst.idx.msk $0xffff, v26;
	v26 =	vcombine.low v2, v15;
	v2 =	vld [tilespmem:$0x1FA10];
	_ =	sdelay $0x2  }
0x30f: {  	v15 =	vld [tilespmem:$0x1FEF0]  }
0x310: {  	v27 =	vld.idx.msk [tilespmem:v40+s12+$0x0], $0xffff  }
0x311: {  	v43 =	vor.u32 s11, v2;
	v2 =	vld [tilespmem:$0x1FEE0];
	_ =	sdelay $0x1  }
0x312: {  	v25 =	vand.u32 $0xF, v26  }
0x313: {  	v44 =	vor.u32 v25, v59;
	_ =	sdelay $0x1  }
0x314: {  	v27 =	vmul.f32 $8.000000000e+00, v27;
	v50 =	vcombine.low v2, v15;
	v2 =	vld [tilespmem:$0x1FA40];
	_ =	sdelay $0x1  }
0x315: {  	[tilespmem:v43+s17+$0x0] =	vst.idx.msk $0xffff, v27  }
0x316: {  	v32 =	vld.idx.msk [tilespmem:v44+s12+$0x0], $0xffff  }
0x317: {  	v15 =	vld [tilespmem:$0x1FF90]  }
0x318: {  	v45 =	vor.u32 s11, v2;
	v2 =	vld [tilespmem:$0x1FF80];
	_ =	sdelay $0x2  }
0x319: {  	v36 =	vor.u32 v50, v59;
	v32 =	vmul.f32 $8.000000000e+00, v32;
	_ =	sdelay $0x1  }
0x31a: {  	[tilespmem:v45+s17+$0x0] =	vst.idx.msk $0xffff, v32;
	v32 =	vcombine.low v2, v15;
	v2 =	vld [tilespmem:$0x1FA50];
	_ =	sdelay $0x2  }
0x31b: {  	v37 =	vld.idx.msk [tilespmem:v36+s12+$0x0], $0xffff  }
0x31c: {  	v16 =	vld [tilespmem:$0x1FFC0]  }
0x31d: {  	v44 =	vor.u32 s11, v2;
	v2 =	vld [tilespmem:$0x1FFB0];
	_ =	sdelay $0x2  }
0x31e: {  	v15 =	vor.u32 v32, v59;
	v37 =	vmul.f32 $8.000000000e+00, v37;
	_ =	sdelay $0x1  }
0x31f: {  	[tilespmem:v44+s17+$0x0] =	vst.idx.msk $0xffff, v37;
	v37 =	vcombine.low v2, v16;
	v2 =	vld [tilespmem:$0x1FA60];
	_ =	sdelay $0x2  }
0x320: {  	v15 =	vld.idx.msk [tilespmem:v15+s12+$0x0], $0xffff;
	_ =	sdelay $0x1  }
0x321: {  	v45 =	vor.u32 s11, v2  }
0x322: {  	v16 =	vor.u32 v37, v59;
	_ =	sdelay $0x1  }
0x323: {  	v2 =	vld [tilespmem:$0x1FA70];
	v15 =	vmul.f32 $8.000000000e+00, v15;
	_ =	sdelay $0x1  }
0x324: {  	[tilespmem:v45+s17+$0x0] =	vst.idx.msk $0xffff, v15  }
0x325: {  	v15 =	vld.idx.msk [tilespmem:v16+s12+$0x0], $0xffff;
	v16 =	vcombine.low v18, v19;
	_ =	sdelay $0x1  }
0x326: {  	v40 =	vand.u32 $0xF, v16;
	v16 =	vor.u32 s11, v2;
	_ =	sdelay $0x2  }
0x327: {  	v15 =	vmul.f32 $8.000000000e+00, v15  }
0x328: {  	v2 =	vld [tilespmem:$0x1F5D0]  }
0x329: {  	[tilespmem:v16+s17+$0x0] =	vst.idx.msk $0xffff, v15;
	v16 =	vld [tilespmem:$0x1F5E0];
	_ =	sdelay $0x2  }
0x32a: {  	v18 =	vor.u32 v40, v59;
	_ =	sdelay $0x1  }
0x32b: {  	v19 =	vcombine.low v16, v2;
	v2 =	vld [tilespmem:$0x1FA80];
	_ =	sdelay $0x2  }
0x32c: {  	v15 =	vld.idx.msk [tilespmem:v18+s12+$0x0], $0xffff;
	_ =	sdelay $0x1  }
0x32d: {  	v16 =	vor.u32 s11, v2;
	_ =	sdelay $0x2  }
0x32e: {  	v15 =	vmul.f32 $8.000000000e+00, v15  }
0x32f: {  	v2 =	vld [tilespmem:$0x1F5F0]  }
0x330: {  	[tilespmem:v16+s17+$0x0] =	vst.idx.msk $0xffff, v15;
	v16 =	vld [tilespmem:$0x1F600];
	_ =	sdelay $0x2  }
0x331: {  	v18 =	vor.u32 v19, v59;
	_ =	sdelay $0x1  }
0x332: {  	v26 =	vcombine.low v2, v16;
	v2 =	vld [tilespmem:$0x1FAA0];
	_ =	sdelay $0x2  }
0x333: {  	v15 =	vld.idx.msk [tilespmem:v18+s12+$0x0], $0xffff;
	_ =	sdelay $0x1  }
0x334: {  	v16 =	vor.u32 s11, v2;
	_ =	sdelay $0x2  }
0x335: {  	v15 =	vmul.f32 $8.000000000e+00, v15  }
0x336: {  	v2 =	vld [tilespmem:$0x1F610]  }
0x337: {  	[tilespmem:v16+s17+$0x0] =	vst.idx.msk $0xffff, v15;
	v16 =	vld [tilespmem:$0x1F620];
	_ =	sdelay $0x2  }
0x338: {  	v18 =	vor.u32 v26, v59;
	_ =	sdelay $0x1  }
0x339: {  	v27 =	vcombine.low v2, v16;
	v2 =	vld [tilespmem:$0x1FAB0];
	_ =	sdelay $0x2  }
0x33a: {  	v15 =	vld.idx.msk [tilespmem:v18+s12+$0x0], $0xffff;
	_ =	sdelay $0x1  }
0x33b: {  	v16 =	vor.u32 s11, v2  }
0x33c: {  	v18 =	vor.u32 v27, v59  }
0x33d: {  	v2 =	vld [tilespmem:$0x1FAC0]  }
0x33e: {  	v15 =	vmul.f32 $8.000000000e+00, v15;
	_ =	sdelay $0x1  }
0x33f: {  	[tilespmem:v16+s17+$0x0] =	vst.idx.msk $0xffff, v15;
	v16 =	vcombine.low v3, v29;
	v3 =	vld [tilespmem:$0x1F640]  }
0x340: {  	v15 =	vld.idx.msk [tilespmem:v18+s12+$0x0], $0xffff  }
0x341: {  	v18 =	vor.u32 s11, v2;
	v2 =	vld [tilespmem:$0x1F630];
	_ =	sdelay $0x2  }
0x342: {  	v29 =	vand.u32 $0xF, v16  }
0x343: {  	v16 =	vor.u32 v29, v59  }
0x344: {  	v44 =	vcombine.low v3, v2;
	v2 =	vld [tilespmem:$0x1FAD0]  }
0x345: {  	v15 =	vmul.f32 $8.000000000e+00, v15;
	_ =	sdelay $0x1  }
0x346: {  	v3 =	vld [tilespmem:$0x1F660];
	[tilespmem:v18+s17+$0x0] =	vst.idx.msk $0xffff, v15  }
0x347: {  	v15 =	vld.idx.msk [tilespmem:v16+s12+$0x0], $0xffff  }
0x348: {  	v16 =	vor.u32 s11, v2;
	v2 =	vld [tilespmem:$0x1F650];
	_ =	sdelay $0x3  }
0x349: {  	v18 =	vor.u32 v44, v59  }
0x34a: {  	v45 =	vcombine.low v3, v2;
	v2 =	vld [tilespmem:$0x1FAE0]  }
0x34b: {  	v15 =	vmul.f32 $8.000000000e+00, v15;
	_ =	sdelay $0x1  }
0x34c: {  	[tilespmem:v16+s17+$0x0] =	vst.idx.msk $0xffff, v15;
	v3 =	vld [tilespmem:$0x1F680]  }
0x34d: {  	v15 =	vld.idx.msk [tilespmem:v18+s12+$0x0], $0xffff  }
0x34e: {  	v16 =	vor.u32 s11, v2;
	v2 =	vld [tilespmem:$0x1F670];
	_ =	sdelay $0x2  }
0x34f: {  	v18 =	vor.u32 v45, v59;
	_ =	sdelay $0x1  }
0x350: {  	v15 =	vmul.f32 $8.000000000e+00, v15;
	v43 =	vcombine.low v2, v3;
	v2 =	vld [tilespmem:$0x1FAF0];
	_ =	sdelay $0x1  }
0x351: {  	[tilespmem:v16+s17+$0x0] =	vst.idx.msk $0xffff, v15  }
0x352: {  	v15 =	vld.idx.msk [tilespmem:v18+s12+$0x0], $0xffff;
	_ =	sdelay $0x1  }
0x353: {  	v16 =	vor.u32 s11, v2  }
0x354: {  	v18 =	vor.u32 v43, v59;
	_ =	sdelay $0x1  }
0x355: {  	v2 =	vld [tilespmem:$0x1FB00];
	v15 =	vmul.f32 $8.000000000e+00, v15;
	_ =	sdelay $0x1  }
0x356: {  	[tilespmem:v16+s17+$0x0] =	vst.idx.msk $0xffff, v15  }
0x357: {  	v16 =	vcombine.low v13, v47;
	v15 =	vld.idx.msk [tilespmem:v18+s12+$0x0], $0xffff;
	_ =	sdelay $0x1  }
0x358: {  	v18 =	vor.u32 s11, v2;
	v47 =	vand.u32 $0xF, v16  }
0x359: {  	v16 =	vor.u32 v47, v59;
	_ =	sdelay $0x1  }
0x35a: {  	v2 =	vld [tilespmem:$0x1FB10];
	v15 =	vmul.f32 $8.000000000e+00, v15;
	_ =	sdelay $0x1  }
0x35b: {  	[tilespmem:v18+s17+$0x0] =	vst.idx.msk $0xffff, v15  }
0x35c: {  	v15 =	vld.idx.msk [tilespmem:v16+s12+$0x0], $0xffff  }
0x35d: {  	v36 =	vcombine.low v53, v54  }
0x35e: {  	v16 =	vor.u32 s11, v2  }
0x35f: {  	v18 =	vor.u32 v36, v59;
	_ =	sdelay $0x1  }
0x360: {  	v2 =	vld [tilespmem:$0x1FB20];
	v15 =	vmul.f32 $8.000000000e+00, v15;
	_ =	sdelay $0x1  }
0x361: {  	[tilespmem:v16+s17+$0x0] =	vst.idx.msk $0xffff, v15  }
0x362: {  	v15 =	vld.idx.msk [tilespmem:v18+s12+$0x0], $0xffff  }
0x363: {  	v13 =	vcombine.low v55, v56  }
0x364: {  	v16 =	vor.u32 s11, v2  }
0x365: {  	v18 =	vor.u32 v13, v59;
	_ =	sdelay $0x1  }
0x366: {  	v2 =	vld [tilespmem:$0x1FB30];
	v15 =	vmul.f32 $8.000000000e+00, v15;
	_ =	sdelay $0x1  }
0x367: {  	[tilespmem:v16+s17+$0x0] =	vst.idx.msk $0xffff, v15  }
0x368: {  	v15 =	vld.idx.msk [tilespmem:v18+s12+$0x0], $0xffff  }
0x369: {  	v30 =	vcombine.low v57, v58  }
0x36a: {  	v16 =	vor.u32 s11, v2  }
0x36b: {  	v18 =	vor.u32 v30, v59;
	_ =	sdelay $0x1  }
0x36c: {  	v2 =	vld [tilespmem:$0x1FB40];
	v15 =	vmul.f32 $8.000000000e+00, v15;
	_ =	sdelay $0x1  }
0x36d: {  	[tilespmem:v16+s17+$0x0] =	vst.idx.msk $0xffff, v15  }
0x36e: {  	v16 =	vcombine.low v4, v48;
	v15 =	vld.idx.msk [tilespmem:v18+s12+$0x0], $0xffff;
	_ =	sdelay $0x1  }
0x36f: {  	v18 =	vor.u32 s11, v2;
	v48 =	vand.u32 $0xF, v16  }
0x370: {  	v16 =	vor.u32 v48, v59;
	_ =	sdelay $0x1  }
0x371: {  	v2 =	vld [tilespmem:$0x1FB50];
	v15 =	vmul.f32 $8.000000000e+00, v15;
	_ =	sdelay $0x1  }
0x372: {  	[tilespmem:v18+s17+$0x0] =	vst.idx.msk $0xffff, v15  }
0x373: {  	v15 =	vld.idx.msk [tilespmem:v16+s12+$0x0], $0xffff  }
0x374: {  	v53 =	vcombine.low v60, v61  }
0x375: {  	v16 =	vor.u32 s11, v2  }
0x376: {  	v18 =	vor.u32 v53, v59;
	_ =	sdelay $0x1  }
0x377: {  	v2 =	vld [tilespmem:$0x1FB60];
	v15 =	vmul.f32 $8.000000000e+00, v15;
	_ =	sdelay $0x1  }
0x378: {  	[tilespmem:v16+s17+$0x0] =	vst.idx.msk $0xffff, v15  }
0x379: {  	v15 =	vld.idx.msk [tilespmem:v18+s12+$0x0], $0xffff  }
0x37a: {  	v54 =	vcombine.low v62, v63  }
0x37b: {  	v16 =	vor.u32 s11, v2  }
0x37c: {  	v18 =	vor.u32 v54, v59;
	_ =	sdelay $0x1  }
0x37d: {  	v2 =	vld [tilespmem:$0x1FB70];
	v15 =	vmul.f32 $8.000000000e+00, v15;
	_ =	sdelay $0x1  }
0x37e: {  	[tilespmem:v16+s17+$0x0] =	vst.idx.msk $0xffff, v15  }
0x37f: {  	v15 =	vld.idx.msk [tilespmem:v18+s12+$0x0], $0xffff  }
0x380: {  	v55 =	vcombine.low v33, v31  }
0x381: {  	v3 =	vor.u32 s11, v2  }
0x382: {  	v4 =	vor.u32 v55, v59;
	_ =	sdelay $0x1  }
0x383: {  	v2 =	vld [tilespmem:$0x1FB80];
	v15 =	vmul.f32 $8.000000000e+00, v15;
	_ =	sdelay $0x1  }
0x384: {  	[tilespmem:v3+s17+$0x0] =	vst.idx.msk $0xffff, v15  }
0x385: {  	v3 =	vld.idx.msk [tilespmem:v4+s12+$0x0], $0xffff;
	v4 =	vcombine.low v49, v51;
	_ =	sdelay $0x1  }
0x386: {  	v15 =	vor.u32 s11, v2;
	v56 =	vand.u32 $0xF, v4  }
0x387: {  	v4 =	vor.u32 v56, v59;
	_ =	sdelay $0x1  }
0x388: {  	v2 =	vld [tilespmem:$0x1FB90];
	v3 =	vmul.f32 $8.000000000e+00, v3;
	_ =	sdelay $0x1  }
0x389: {  	[tilespmem:v15+s17+$0x0] =	vst.idx.msk $0xffff, v3  }
0x38a: {  	v3 =	vld.idx.msk [tilespmem:v4+s12+$0x0], $0xffff  }
0x38b: {  	v57 =	vcombine.low v28, v8  }
0x38c: {  	v4 =	vor.u32 s11, v2  }
0x38d: {  	v8 =	vor.u32 v57, v59;
	_ =	sdelay $0x1  }
0x38e: {  	v2 =	vld [tilespmem:$0x1FBA0];
	v3 =	vmul.f32 $8.000000000e+00, v3;
	_ =	sdelay $0x1  }
0x38f: {  	[tilespmem:v4+s17+$0x0] =	vst.idx.msk $0xffff, v3  }
0x390: {  	v3 =	vld.idx.msk [tilespmem:v8+s12+$0x0], $0xffff;
	_ =	sdelay $0x1  }
0x391: {  	v4 =	vor.u32 s11, v2  }
0x392: {  	v58 =	vcombine.low v10, v11;
	_ =	sdelay $0x1  }
0x393: {  	v8 =	vor.u32 v58, v59;
	v3 =	vmul.f32 $8.000000000e+00, v3;
	_ =	sdelay $0x1  }
0x394: {  	[tilespmem:v4+s17+$0x0] =	vst.idx.msk $0xffff, v3;
	v4 =	vld [tilespmem:$0x1FBB0];
	_ =	sdelay $0x2  }
0x395: {  	v3 =	vld.idx.msk [tilespmem:v8+s12+$0x0], $0xffff  }
0x396: {  	v11 =	vld [tilespmem:$0x1F810];
	v60 =	vcombine.low v9, v14  }
0x397: {  	v10 =	vld [tilespmem:$0x1F920];
	v4 =	vor.u32 s11, v4  }
0x398: {  	v28 =	vld [tilespmem:$0x1F860];
	v8 =	vor.u32 v60, v59  }
0x399: {  	v61 =	vld [tilespmem:$0x1F8F0]  }
0x39a: {  	v33 =	vld [tilespmem:$0x1FFE0];
	v3 =	vmul.f32 $8.000000000e+00, v3  }
0x39b: {  	v62 =	vld [tilespmem:$0x1F950]  }
0x39c: {  	v63 =	vld [tilespmem:$0x1F930];
	[tilespmem:v4+s17+$0x0] =	vst.idx.msk $0xffff, v3  }
0x39d: {  	v3 =	vld.idx.msk [tilespmem:v8+s12+$0x0], $0xffff  }
0x39e: {  	v14 =	vld [tilespmem:$0x1F910]  }
0x39f: {  	p1 =	sne.s32 s11, $0x70;
	v16 =	vld [tilespmem:$0x1F8E0];
	v4 =	vor.u32 s11, v33  }
.Ltmp0:
0x3a0: {  	v18 =	vld [tilespmem:$0x1F940];
	(pc) =	sbr.rel @p1 .LBB2_3-.Ltmp0, $4  }
0x3a1: {  	v51 =	vld [tilespmem:$0x1F9A0]  }
0x3a2: {  	v49 =	vld [tilespmem:$0x1FE10];
	v3 =	vmul.f32 $8.000000000e+00, v3  }
0x3a3: {  	v15 =	vld [tilespmem:$0x1F990]  }
0x3a4: {  	s7 =	sadd.s32 $0x10, s7;
	v2 =	vld [tilespmem:$0x1FFF0];
	s11 =	sadd.s32 $0x10, s11;
	[tilespmem:v4+s17+$0x0] =	vst.idx.msk $0xffff, v3  }
0x3a5: {  	p1 =	seq.s32 s10, $0x63  }
0x3a6: {  	v3 =	vld @!p1 [tilespmem:s9+$0x100];
	_ =	sdelay $0x4  }
0x3a7: {  	v3 =	vshra.s32 @!p1 v3, $0x1  }
0x3a8: {  	[tilespmem:$0x6400] =	vst @!p1 v3  }
0x3a9: {  	v3 =	vld @!p1 [tilespmem:s9+$0x110];
	_ =	sdelay $0x4  }
0x3aa: {  	v3 =	vshra.s32 @!p1 v3, $0x1  }
0x3ab: {  	[tilespmem:$0x6410] =	vst @!p1 v3  }
0x3ac: {  	v3 =	vld @!p1 [tilespmem:s9+$0x120];
	_ =	sdelay $0x4  }
0x3ad: {  	v3 =	vshra.s32 @!p1 v3, $0x1  }
0x3ae: {  	[tilespmem:$0x6420] =	vst @!p1 v3  }
0x3af: {  	v3 =	vld @!p1 [tilespmem:s9+$0x130];
	_ =	sdelay $0x4  }
0x3b0: {  	v3 =	vshra.s32 @!p1 v3, $0x1  }
0x3b1: {  	[tilespmem:$0x6430] =	vst @!p1 v3  }
0x3b2: {  	v3 =	vld @!p1 [tilespmem:s9+$0x140];
	_ =	sdelay $0x4  }
0x3b3: {  	v3 =	vshra.s32 @!p1 v3, $0x1  }
0x3b4: {  	[tilespmem:$0x6440] =	vst @!p1 v3  }
0x3b5: {  	v3 =	vld @!p1 [tilespmem:s9+$0x150];
	_ =	sdelay $0x4  }
0x3b6: {  	v3 =	vshra.s32 @!p1 v3, $0x1  }
0x3b7: {  	[tilespmem:$0x6450] =	vst @!p1 v3  }
0x3b8: {  	v3 =	vld @!p1 [tilespmem:s9+$0x160];
	_ =	sdelay $0x4  }
0x3b9: {  	v3 =	vshra.s32 @!p1 v3, $0x1  }
0x3ba: {  	[tilespmem:$0x6460] =	vst @!p1 v3  }
0x3bb: {  	v3 =	vld @!p1 [tilespmem:s9+$0x170];
	_ =	sdelay $0x2  }
0x3bc: {  	s7 =	sshll.u32 s10, $0x13  }
0x3bd: {  	s7 =	sor.u32 s4, s7  }
0x3be: {  	s7 =	sshrl.u32 s7, $0x3;
	v3 =	vshra.s32 @!p1 v3, $0x1  }
0x3bf: {  	s7 =	sadd.s32 s1, s7;
	[tilespmem:$0x6470] =	vst @!p1 v3  }
0x3c0: {  	[hbm4b:s7+s3] =	stream.linear.scatter [tilespmem:s17], [sflag:$0x2], $0x400, $0x38;
	[tilespmem:$0x16500] =	vst v63  }
0x3c1: {  	s11 =	sadd.s32 $0x1000, s7  }
0x3c2: {  	[hbm4b:s11+s3] =	stream.linear.scatter [tilespmem:s18], [sflag:$0x2], $0x400, $0x38;
	[tilespmem:$0x16500] =	vst v63  }
0x3c3: {  	s11 =	sadd.s32 $0x2000, s7  }
0x3c4: {  	[hbm4b:s11+s3] =	stream.linear.scatter [tilespmem:s19], [sflag:$0x2], $0x400, $0x38;
	[tilespmem:$0x16500] =	vst v63  }
0x3c5: {  	s11 =	sadd.s32 $0x3000, s7  }
0x3c6: {  	[hbm4b:s11+s3] =	stream.linear.scatter [tilespmem:s20], [sflag:$0x2], $0x400, $0x38;
	[tilespmem:$0x16500] =	vst v63  }
0x3c7: {  	s11 =	sadd.s32 $0x4000, s7  }
0x3c8: {  	[hbm4b:s11+s3] =	stream.linear.scatter [tilespmem:s21], [sflag:$0x2], $0x400, $0x38;
	[tilespmem:$0x16500] =	vst v63  }
0x3c9: {  	s11 =	sadd.s32 $0x5000, s7  }
0x3ca: {  	[hbm4b:s11+s3] =	stream.linear.scatter [tilespmem:s22], [sflag:$0x2], $0x400, $0x38;
	[tilespmem:$0x16500] =	vst v63  }
0x3cb: {  	[tilespmem:$0x1F530] =	vst v50;
	s11 =	sadd.s32 $0x6000, s7  }
0x3cc: {  	[hbm4b:s11+s3] =	stream.linear.scatter [tilespmem:s23], [sflag:$0x2], $0x400, $0x38;
	[tilespmem:$0x16500] =	vst v63  }
0x3cd: {  	[tilespmem:$0x1F540] =	vst v20;
	s7 =	sadd.s32 $0x7000, s7  }
0x3ce: {  	[hbm4b:s7+s3] =	stream.linear.scatter [tilespmem:s24], [sflag:$0x2], $0x400, $0x38;
	[tilespmem:$0x16500] =	vst v63  }
0x3cf: {  	[tilespmem:$0x1F550] =	vst v1;
	s7 =	simm.s32 @!p0 $0x2  }
0x3d0: {  	p2 =	seq.s32 @!p0 s10, $0x63;
	_ =	swait.ge @!p0 [sflag:s7], $0x2000  }
0x3d1: {  	p2 =	por p0, !p2;
	[sflag:s7] =	ssyncset.done @!p0 $0x0  }
0x3d2: {  	[sflag:s7] =	ssyncadd.s32 @!p0 $0xFFFFE000;
	s7 =	simm.s32 @p2 $0x6400  }
0x3d3: {  	[tilespmem:s12], [sflag:$0x1] =	stream.indirect.gather @p2 [hbm4b:s5+s13], $0x80, s7, s13, $0xb8;
	[tilespmem:$0x16500] =	vst v63  }
0x3d4: {  	_ =	swait.ge [sflag:s16], $0x4000  }
0x3d5: {  	v31 =	vmov v52;
	v52 =	vld [tilespmem:$0x1F750]  }
0x3d6: {  	v59 =	vmovc v0;
	v8 =	vmovc v24;
	v4 =	vmov v21;
	v0 =	vmov v35;
	v1 =	vmov v46;
	v50 =	vld [tilespmem:$0x1F760]  }
0x3d7: {  	v21 =	vmovc v42;
	v42 =	vmovc v39;
	v39 =	vmov v34;
	v46 =	vmov v5;
	v5 =	vmov v6;
	v24 =	vld [tilespmem:$0x1F550]  }
0x3d8: {  	v6 =	vmovc v7;
	v7 =	vmovc v12;
	v12 =	vmov v17;
	v17 =	vmov v22;
	v22 =	vmov v23;
	[sflag:s16] =	ssyncset.done $0x0;
	v20 =	vld [tilespmem:$0x1F540]  }
0x3d9: {  	v23 =	vmovc v25;
	v33 =	vmovc v0;
	v9 =	vmov v4;
	v35 =	vmov v8;
	v34 =	vmov v59;
	s11 =	smov.u32 s6;
	s7 =	simm.s32 $0x0;
	v25 =	vld [tilespmem:$0x1F530];
	[sflag:s16] =	ssyncadd.s32 $0xFFFFC000  }
.LBB2_5:
0x3da: {  	v3 =	vld [tilespmem:s11+$0x0]  }
0x3db: {  	v0 =	vld [tilespmem:$0x1FDE0];
	_ =	sdelay $0x2  }
0x3dc: {  	v4 =	vmov s7  }
0x3dd: {  	v4 =	vshll.u32 v4, $0x7;
	v3 =	vshll.u32 v3, $0x6  }
0x3de: {  	v4 =	vor.u32 v0, v4;
	v3 =	vand.u32 $0x40, v3  }
0x3df: {  	v0 =	vlaneseq.u32;
	v59 =	vor.u32 v4, v3  }
0x3e0: {  	v3 =	vor.u32 v0, v59;
	v0 =	vld [tilespmem:$0x1F690];
	_ =	sdelay $0x4  }
0x3e1: {  	v4 =	vor.u32 s7, v0;
	v0 =	vld [tilespmem:$0x1FDF0];
	_ =	sdelay $0x2  }
0x3e2: {  	v3 =	vld.idx.msk [tilespmem:v3+s15+$0x0], $0xffff;
	_ =	sdelay $0x1  }
0x3e3: {  	v8 =	vor.u32 v0, v59;
	v0 =	vld [tilespmem:$0x1F6A0];
	_ =	sdelay $0x2  }
0x3e4: {  	v3 =	vmul.f32 $8.000000000e+00, v3;
	_ =	sdelay $0x1  }
0x3e5: {  	[tilespmem:v4+s25+$0x0] =	vst.idx.msk $0xffff, v3;
	v4 =	vor.u32 s7, v0;
	v0 =	vld [tilespmem:$0x1FE00];
	_ =	sdelay $0x2  }
0x3e6: {  	v3 =	vld.idx.msk [tilespmem:v8+s15+$0x0], $0xffff;
	_ =	sdelay $0x1  }
0x3e7: {  	v8 =	vor.u32 v0, v59;
	v0 =	vld [tilespmem:$0x1F6B0];
	_ =	sdelay $0x2  }
0x3e8: {  	v3 =	vmul.f32 $8.000000000e+00, v3;
	_ =	sdelay $0x1  }
0x3e9: {  	[tilespmem:v4+s25+$0x0] =	vst.idx.msk $0xffff, v3;
	v4 =	vor.u32 s7, v0;
	v0 =	vld [tilespmem:$0x1FF70];
	_ =	sdelay $0x2  }
0x3ea: {  	v3 =	vld.idx.msk [tilespmem:v8+s15+$0x0], $0xffff;
	_ =	sdelay $0x1  }
0x3eb: {  	v8 =	vor.u32 v0, v59;
	v0 =	vld [tilespmem:$0x1F6E0];
	_ =	sdelay $0x2  }
0x3ec: {  	v3 =	vmul.f32 $8.000000000e+00, v3;
	_ =	sdelay $0x1  }
0x3ed: {  	[tilespmem:v4+s25+$0x0] =	vst.idx.msk $0xffff, v3;
	v4 =	vor.u32 s7, v0;
	v0 =	vld [tilespmem:$0x1F6F0];
	_ =	sdelay $0x1  }
0x3ee: {  	v3 =	vld.idx.msk [tilespmem:v8+s15+$0x0], $0xffff;
	_ =	sdelay $0x2  }
0x3ef: {  	v8 =	vor.u32 v0, v59;
	_ =	sdelay $0x1  }
0x3f0: {  	v3 =	vmul.f32 $8.000000000e+00, v3;
	v0 =	vld [tilespmem:$0x1FE40];
	_ =	sdelay $0x1  }
0x3f1: {  	[tilespmem:v4+s25+$0x0] =	vst.idx.msk $0xffff, v3  }
0x3f2: {  	v3 =	vld.idx.msk [tilespmem:v8+s15+$0x0], $0xffff;
	_ =	sdelay $0x1  }
0x3f3: {  	v4 =	vor.u32 s7, v11;
	v8 =	vor.u32 v0, v59;
	v0 =	vld [tilespmem:$0x1F700];
	_ =	sdelay $0x2  }
0x3f4: {  	v3 =	vmul.f32 $8.000000000e+00, v3;
	_ =	sdelay $0x1  }
0x3f5: {  	[tilespmem:v4+s25+$0x0] =	vst.idx.msk $0xffff, v3;
	v4 =	vor.u32 s7, v0;
	v0 =	vld [tilespmem:$0x1FE70];
	_ =	sdelay $0x1  }
0x3f6: {  	v3 =	vld.idx.msk [tilespmem:v8+s15+$0x0], $0xffff;
	_ =	sdelay $0x2  }
0x3f7: {  	v8 =	vor.u32 v0, v59;
	_ =	sdelay $0x1  }
0x3f8: {  	v3 =	vmul.f32 $8.000000000e+00, v3  }
0x3f9: {  	v0 =	vld [tilespmem:$0x1FED0]  }
0x3fa: {  	[tilespmem:v4+s25+$0x0] =	vst.idx.msk $0xffff, v3  }
0x3fb: {  	v3 =	vld.idx.msk [tilespmem:v8+s15+$0x0], $0xffff;
	_ =	sdelay $0x1  }
0x3fc: {  	v4 =	vor.u32 s7, v51  }
0x3fd: {  	v8 =	vor.u32 v0, v59;
	_ =	sdelay $0x1  }
0x3fe: {  	v3 =	vmul.f32 $8.000000000e+00, v3;
	_ =	sdelay $0x1  }
0x3ff: {  	[tilespmem:v4+s25+$0x0] =	vst.idx.msk $0xffff, v3  }
0x400: {  	v3 =	vld.idx.msk [tilespmem:v8+s15+$0x0], $0xffff;
	_ =	sdelay $0x1  }
0x401: {  	v0 =	vld [tilespmem:$0x1F740];
	v4 =	vor.u32 s7, v10;
	_ =	sdelay $0x1  }
0x402: {  	v8 =	vor.u32 v18, v59  }
0x403: {  	v3 =	vmul.f32 $8.000000000e+00, v3;
	_ =	sdelay $0x1  }
0x404: {  	[tilespmem:v4+s25+$0x0] =	vst.idx.msk $0xffff, v3;
	v4 =	vor.u32 s7, v0;
	v0 =	vld [tilespmem:$0x1FF00];
	_ =	sdelay $0x1  }
0x405: {  	v3 =	vld.idx.msk [tilespmem:v8+s15+$0x0], $0xffff;
	_ =	sdelay $0x2  }
0x406: {  	v8 =	vor.u32 v0, v59;
	_ =	sdelay $0x1  }
0x407: {  	v3 =	vmul.f32 $8.000000000e+00, v3  }
0x408: {  	v0 =	vld [tilespmem:$0x1FFA0]  }
0x409: {  	[tilespmem:v4+s25+$0x0] =	vst.idx.msk $0xffff, v3  }
0x40a: {  	v3 =	vld.idx.msk [tilespmem:v8+s15+$0x0], $0xffff;
	_ =	sdelay $0x1  }
0x40b: {  	v4 =	vor.u32 s7, v14  }
0x40c: {  	v8 =	vor.u32 v0, v59;
	_ =	sdelay $0x1  }
0x40d: {  	v3 =	vmul.f32 $8.000000000e+00, v3  }
0x40e: {  	v0 =	vld [tilespmem:$0x1FFD0]  }
0x40f: {  	[tilespmem:v4+s25+$0x0] =	vst.idx.msk $0xffff, v3  }
0x410: {  	v3 =	vld.idx.msk [tilespmem:v8+s15+$0x0], $0xffff;
	_ =	sdelay $0x1  }
0x411: {  	v4 =	vor.u32 s7, v52  }
0x412: {  	v8 =	vor.u32 v0, v59;
	_ =	sdelay $0x1  }
0x413: {  	v0 =	vld [tilespmem:$0x1F560];
	v3 =	vmul.f32 $8.000000000e+00, v3;
	_ =	sdelay $0x1  }
0x414: {  	[tilespmem:v4+s25+$0x0] =	vst.idx.msk $0xffff, v3  }
0x415: {  	v3 =	vld.idx.msk [tilespmem:v8+s15+$0x0], $0xffff;
	_ =	sdelay $0x1  }
0x416: {  	v4 =	vor.u32 s7, v50;
	v8 =	vor.u32 v0, v59;
	v0 =	vld [tilespmem:$0x1F770];
	_ =	sdelay $0x2  }
0x417: {  	v3 =	vmul.f32 $8.000000000e+00, v3;
	_ =	sdelay $0x1  }
0x418: {  	[tilespmem:v4+s25+$0x0] =	vst.idx.msk $0xffff, v3;
	v4 =	vor.u32 s7, v0;
	v0 =	vld [tilespmem:$0x1F570];
	_ =	sdelay $0x2  }
0x419: {  	v3 =	vld.idx.msk [tilespmem:v8+s15+$0x0], $0xffff;
	_ =	sdelay $0x1  }
0x41a: {  	v8 =	vor.u32 v0, v59;
	v0 =	vld [tilespmem:$0x1F780];
	_ =	sdelay $0x2  }
0x41b: {  	v3 =	vmul.f32 $8.000000000e+00, v3;
	_ =	sdelay $0x1  }
0x41c: {  	[tilespmem:v4+s25+$0x0] =	vst.idx.msk $0xffff, v3;
	v4 =	vor.u32 s7, v0;
	v0 =	vld [tilespmem:$0x1F580];
	_ =	sdelay $0x2  }
0x41d: {  	v3 =	vld.idx.msk [tilespmem:v8+s15+$0x0], $0xffff;
	_ =	sdelay $0x1  }
0x41e: {  	v8 =	vor.u32 v0, v59;
	v0 =	vld [tilespmem:$0x1F790];
	_ =	sdelay $0x2  }
0x41f: {  	v3 =	vmul.f32 $8.000000000e+00, v3;
	_ =	sdelay $0x1  }
0x420: {  	[tilespmem:v4+s25+$0x0] =	vst.idx.msk $0xffff, v3;
	v4 =	vor.u32 s7, v0;
	v0 =	vld [tilespmem:$0x1F590];
	_ =	sdelay $0x2  }
0x421: {  	v3 =	vld.idx.msk [tilespmem:v8+s15+$0x0], $0xffff;
	_ =	sdelay $0x1  }
0x422: {  	v8 =	vor.u32 v0, v59;
	v0 =	vld [tilespmem:$0x1F7A0];
	_ =	sdelay $0x2  }
0x423: {  	v3 =	vmul.f32 $8.000000000e+00, v3;
	_ =	sdelay $0x1  }
0x424: {  	[tilespmem:v4+s25+$0x0] =	vst.idx.msk $0xffff, v3;
	v4 =	vor.u32 s7, v0;
	v0 =	vld [tilespmem:$0x1F5A0];
	_ =	sdelay $0x2  }
0x425: {  	v3 =	vld.idx.msk [tilespmem:v8+s15+$0x0], $0xffff;
	_ =	sdelay $0x1  }
0x426: {  	v8 =	vor.u32 v0, v59;
	v0 =	vld [tilespmem:$0x1F7B0];
	_ =	sdelay $0x2  }
0x427: {  	v3 =	vmul.f32 $8.000000000e+00, v3;
	_ =	sdelay $0x1  }
0x428: {  	[tilespmem:v4+s25+$0x0] =	vst.idx.msk $0xffff, v3;
	v4 =	vor.u32 s7, v0;
	v0 =	vld [tilespmem:$0x1F5B0];
	_ =	sdelay $0x2  }
0x429: {  	v3 =	vld.idx.msk [tilespmem:v8+s15+$0x0], $0xffff;
	_ =	sdelay $0x1  }
0x42a: {  	v8 =	vor.u32 v0, v59;
	v0 =	vld [tilespmem:$0x1F7C0];
	_ =	sdelay $0x2  }
0x42b: {  	v3 =	vmul.f32 $8.000000000e+00, v3;
	_ =	sdelay $0x1  }
0x42c: {  	[tilespmem:v4+s25+$0x0] =	vst.idx.msk $0xffff, v3;
	v4 =	vor.u32 s7, v0;
	v0 =	vld [tilespmem:$0x1F5C0];
	_ =	sdelay $0x1  }
0x42d: {  	v3 =	vld.idx.msk [tilespmem:v8+s15+$0x0], $0xffff;
	_ =	sdelay $0x2  }
0x42e: {  	v8 =	vor.u32 v0, v59;
	_ =	sdelay $0x1  }
0x42f: {  	v3 =	vmul.f32 $8.000000000e+00, v3;
	v0 =	vld [tilespmem:$0x1F7D0];
	_ =	sdelay $0x1  }
0x430: {  	[tilespmem:v4+s25+$0x0] =	vst.idx.msk $0xffff, v3  }
0x431: {  	v3 =	vld.idx.msk [tilespmem:v8+s15+$0x0], $0xffff;
	_ =	sdelay $0x1  }
0x432: {  	v4 =	vor.u32 s7, v0  }
0x433: {  	v8 =	vor.u32 v31, v59;
	_ =	sdelay $0x1  }
0x434: {  	v0 =	vld [tilespmem:$0x1F7E0];
	v3 =	vmul.f32 $8.000000000e+00, v3;
	_ =	sdelay $0x1  }
0x435: {  	[tilespmem:v4+s25+$0x0] =	vst.idx.msk $0xffff, v3  }
0x436: {  	v3 =	vld.idx.msk [tilespmem:v8+s15+$0x0], $0xffff;
	_ =	sdelay $0x1  }
0x437: {  	v4 =	vor.u32 s7, v0  }
0x438: {  	v8 =	vor.u32 v38, v59;
	_ =	sdelay $0x1  }
0x439: {  	v0 =	vld [tilespmem:$0x1F7F0];
	v3 =	vmul.f32 $8.000000000e+00, v3;
	_ =	sdelay $0x1  }
0x43a: {  	[tilespmem:v4+s25+$0x0] =	vst.idx.msk $0xffff, v3  }
0x43b: {  	v3 =	vld.idx.msk [tilespmem:v8+s15+$0x0], $0xffff;
	_ =	sdelay $0x1  }
0x43c: {  	v4 =	vor.u32 s7, v0  }
0x43d: {  	v8 =	vor.u32 v41, v59;
	_ =	sdelay $0x1  }
0x43e: {  	v0 =	vld [tilespmem:$0x1F800];
	v3 =	vmul.f32 $8.000000000e+00, v3;
	_ =	sdelay $0x1  }
0x43f: {  	[tilespmem:v4+s25+$0x0] =	vst.idx.msk $0xffff, v3  }
0x440: {  	v3 =	vld.idx.msk [tilespmem:v8+s15+$0x0], $0xffff;
	_ =	sdelay $0x1  }
0x441: {  	v4 =	vor.u32 s7, v0  }
0x442: {  	v8 =	vor.u32 v1, v59;
	_ =	sdelay $0x1  }
0x443: {  	v0 =	vld [tilespmem:$0x1F820];
	v3 =	vmul.f32 $8.000000000e+00, v3;
	_ =	sdelay $0x1  }
0x444: {  	[tilespmem:v4+s25+$0x0] =	vst.idx.msk $0xffff, v3  }
0x445: {  	v3 =	vld.idx.msk [tilespmem:v8+s15+$0x0], $0xffff;
	_ =	sdelay $0x1  }
0x446: {  	v4 =	vor.u32 s7, v0  }
0x447: {  	v8 =	vor.u32 v33, v59;
	_ =	sdelay $0x1  }
0x448: {  	v0 =	vld [tilespmem:$0x1F830];
	v3 =	vmul.f32 $8.000000000e+00, v3;
	_ =	sdelay $0x1  }
0x449: {  	[tilespmem:v4+s25+$0x0] =	vst.idx.msk $0xffff, v3  }
0x44a: {  	v3 =	vld.idx.msk [tilespmem:v8+s15+$0x0], $0xffff;
	_ =	sdelay $0x1  }
0x44b: {  	v4 =	vor.u32 s7, v0  }
0x44c: {  	v8 =	vor.u32 v9, v59;
	_ =	sdelay $0x1  }
0x44d: {  	v0 =	vld [tilespmem:$0x1F850];
	v3 =	vmul.f32 $8.000000000e+00, v3;
	_ =	sdelay $0x1  }
0x44e: {  	[tilespmem:v4+s25+$0x0] =	vst.idx.msk $0xffff, v3  }
0x44f: {  	v3 =	vld.idx.msk [tilespmem:v8+s15+$0x0], $0xffff;
	_ =	sdelay $0x1  }
0x450: {  	v4 =	vor.u32 s7, v0  }
0x451: {  	v8 =	vor.u32 v35, v59;
	_ =	sdelay $0x1  }
0x452: {  	v0 =	vld [tilespmem:$0x1F880];
	v3 =	vmul.f32 $8.000000000e+00, v3;
	_ =	sdelay $0x1  }
0x453: {  	[tilespmem:v4+s25+$0x0] =	vst.idx.msk $0xffff, v3  }
0x454: {  	v3 =	vld.idx.msk [tilespmem:v8+s15+$0x0], $0xffff;
	_ =	sdelay $0x1  }
0x455: {  	v4 =	vor.u32 s7, v0  }
0x456: {  	v8 =	vor.u32 v21, v59;
	_ =	sdelay $0x1  }
0x457: {  	v0 =	vld [tilespmem:$0x1F890];
	v3 =	vmul.f32 $8.000000000e+00, v3;
	_ =	sdelay $0x1  }
0x458: {  	[tilespmem:v4+s25+$0x0] =	vst.idx.msk $0xffff, v3  }
0x459: {  	v3 =	vld.idx.msk [tilespmem:v8+s15+$0x0], $0xffff;
	_ =	sdelay $0x1  }
0x45a: {  	v4 =	vor.u32 s7, v0  }
0x45b: {  	v8 =	vor.u32 v42, v59;
	_ =	sdelay $0x1  }
0x45c: {  	v0 =	vld [tilespmem:$0x1F8B0];
	v3 =	vmul.f32 $8.000000000e+00, v3;
	_ =	sdelay $0x1  }
0x45d: {  	[tilespmem:v4+s25+$0x0] =	vst.idx.msk $0xffff, v3  }
0x45e: {  	v3 =	vld.idx.msk [tilespmem:v8+s15+$0x0], $0xffff;
	_ =	sdelay $0x1  }
0x45f: {  	v4 =	vor.u32 s7, v0  }
0x460: {  	v8 =	vor.u32 v39, v59;
	_ =	sdelay $0x1  }
0x461: {  	v0 =	vld [tilespmem:$0x1F8C0];
	v3 =	vmul.f32 $8.000000000e+00, v3;
	_ =	sdelay $0x1  }
0x462: {  	[tilespmem:v4+s25+$0x0] =	vst.idx.msk $0xffff, v3  }
0x463: {  	v3 =	vld.idx.msk [tilespmem:v8+s15+$0x0], $0xffff;
	_ =	sdelay $0x1  }
0x464: {  	v4 =	vor.u32 s7, v0  }
0x465: {  	v8 =	vor.u32 v34, v59;
	_ =	sdelay $0x1  }
0x466: {  	v0 =	vld [tilespmem:$0x1F8D0];
	v3 =	vmul.f32 $8.000000000e+00, v3;
	_ =	sdelay $0x1  }
0x467: {  	[tilespmem:v4+s25+$0x0] =	vst.idx.msk $0xffff, v3  }
0x468: {  	v3 =	vld.idx.msk [tilespmem:v8+s15+$0x0], $0xffff;
	_ =	sdelay $0x1  }
0x469: {  	v4 =	vor.u32 s7, v0  }
0x46a: {  	v8 =	vor.u32 v24, v59;
	_ =	sdelay $0x1  }
0x46b: {  	v0 =	vld [tilespmem:$0x1F900];
	v3 =	vmul.f32 $8.000000000e+00, v3;
	_ =	sdelay $0x1  }
0x46c: {  	[tilespmem:v4+s25+$0x0] =	vst.idx.msk $0xffff, v3  }
0x46d: {  	v3 =	vld.idx.msk [tilespmem:v8+s15+$0x0], $0xffff;
	_ =	sdelay $0x1  }
0x46e: {  	v4 =	vor.u32 s7, v0;
	v0 =	vld [tilespmem:$0x1F960];
	_ =	sdelay $0x1  }
0x46f: {  	v8 =	vor.u32 v20, v59  }
0x470: {  	v3 =	vmul.f32 $8.000000000e+00, v3;
	_ =	sdelay $0x1  }
0x471: {  	[tilespmem:v4+s25+$0x0] =	vst.idx.msk $0xffff, v3;
	v4 =	vor.u32 s7, v0;
	v0 =	vld [tilespmem:$0x1F710];
	_ =	sdelay $0x1  }
0x472: {  	v3 =	vld.idx.msk [tilespmem:v8+s15+$0x0], $0xffff;
	_ =	sdelay $0x2  }
0x473: {  	v8 =	vor.u32 v0, v59;
	_ =	sdelay $0x1  }
0x474: {  	v0 =	vld [tilespmem:$0x1F970];
	v3 =	vmul.f32 $8.000000000e+00, v3;
	_ =	sdelay $0x1  }
0x475: {  	[tilespmem:v4+s25+$0x0] =	vst.idx.msk $0xffff, v3  }
0x476: {  	v3 =	vld.idx.msk [tilespmem:v8+s15+$0x0], $0xffff;
	_ =	sdelay $0x1  }
0x477: {  	v4 =	vor.u32 s7, v0  }
0x478: {  	v8 =	vor.u32 v46, v59;
	_ =	sdelay $0x1  }
0x479: {  	v0 =	vld [tilespmem:$0x1F980];
	v3 =	vmul.f32 $8.000000000e+00, v3;
	_ =	sdelay $0x1  }
0x47a: {  	[tilespmem:v4+s25+$0x0] =	vst.idx.msk $0xffff, v3  }
0x47b: {  	v3 =	vld.idx.msk [tilespmem:v8+s15+$0x0], $0xffff;
	_ =	sdelay $0x1  }
0x47c: {  	v4 =	vor.u32 s7, v0  }
0x47d: {  	v8 =	vor.u32 v5, v59;
	_ =	sdelay $0x1  }
0x47e: {  	v0 =	vld [tilespmem:$0x1F9B0];
	v3 =	vmul.f32 $8.000000000e+00, v3;
	_ =	sdelay $0x1  }
0x47f: {  	[tilespmem:v4+s25+$0x0] =	vst.idx.msk $0xffff, v3  }
0x480: {  	v3 =	vld.idx.msk [tilespmem:v8+s15+$0x0], $0xffff;
	_ =	sdelay $0x1  }
0x481: {  	v4 =	vor.u32 s7, v0  }
0x482: {  	v8 =	vor.u32 v6, v59;
	_ =	sdelay $0x1  }
0x483: {  	v0 =	vld [tilespmem:$0x1F9C0];
	v3 =	vmul.f32 $8.000000000e+00, v3;
	_ =	sdelay $0x1  }
0x484: {  	[tilespmem:v4+s25+$0x0] =	vst.idx.msk $0xffff, v3  }
0x485: {  	v3 =	vld.idx.msk [tilespmem:v8+s15+$0x0], $0xffff;
	_ =	sdelay $0x1  }
0x486: {  	v4 =	vor.u32 s7, v0  }
0x487: {  	v8 =	vor.u32 v7, v59;
	_ =	sdelay $0x1  }
0x488: {  	v0 =	vld [tilespmem:$0x1F9D0];
	v3 =	vmul.f32 $8.000000000e+00, v3;
	_ =	sdelay $0x1  }
0x489: {  	[tilespmem:v4+s25+$0x0] =	vst.idx.msk $0xffff, v3  }
0x48a: {  	v3 =	vld.idx.msk [tilespmem:v8+s15+$0x0], $0xffff;
	_ =	sdelay $0x1  }
0x48b: {  	v4 =	vor.u32 s7, v0  }
0x48c: {  	v8 =	vor.u32 v12, v59;
	_ =	sdelay $0x1  }
0x48d: {  	v0 =	vld [tilespmem:$0x1F9E0];
	v3 =	vmul.f32 $8.000000000e+00, v3;
	_ =	sdelay $0x1  }
0x48e: {  	[tilespmem:v4+s25+$0x0] =	vst.idx.msk $0xffff, v3  }
0x48f: {  	v3 =	vld.idx.msk [tilespmem:v8+s15+$0x0], $0xffff;
	_ =	sdelay $0x1  }
0x490: {  	v4 =	vor.u32 s7, v0  }
0x491: {  	v8 =	vor.u32 v17, v59;
	_ =	sdelay $0x1  }
0x492: {  	v0 =	vld [tilespmem:$0x1F9F0];
	v3 =	vmul.f32 $8.000000000e+00, v3;
	_ =	sdelay $0x1  }
0x493: {  	[tilespmem:v4+s25+$0x0] =	vst.idx.msk $0xffff, v3  }
0x494: {  	v3 =	vld.idx.msk [tilespmem:v8+s15+$0x0], $0xffff;
	_ =	sdelay $0x1  }
0x495: {  	v4 =	vor.u32 s7, v0  }
0x496: {  	v8 =	vor.u32 v22, v59;
	_ =	sdelay $0x1  }
0x497: {  	v0 =	vld [tilespmem:$0x1FA10];
	v3 =	vmul.f32 $8.000000000e+00, v3;
	_ =	sdelay $0x1  }
0x498: {  	[tilespmem:v4+s25+$0x0] =	vst.idx.msk $0xffff, v3  }
0x499: {  	v3 =	vld.idx.msk [tilespmem:v8+s15+$0x0], $0xffff;
	_ =	sdelay $0x1  }
0x49a: {  	v4 =	vor.u32 s7, v0  }
0x49b: {  	v8 =	vor.u32 v23, v59;
	_ =	sdelay $0x1  }
0x49c: {  	v0 =	vld [tilespmem:$0x1FA40];
	v3 =	vmul.f32 $8.000000000e+00, v3;
	_ =	sdelay $0x1  }
0x49d: {  	[tilespmem:v4+s25+$0x0] =	vst.idx.msk $0xffff, v3  }
0x49e: {  	v3 =	vld.idx.msk [tilespmem:v8+s15+$0x0], $0xffff;
	_ =	sdelay $0x1  }
0x49f: {  	v4 =	vor.u32 s7, v0  }
0x4a0: {  	v8 =	vor.u32 v25, v59;
	_ =	sdelay $0x1  }
0x4a1: {  	v0 =	vld [tilespmem:$0x1FA50];
	v3 =	vmul.f32 $8.000000000e+00, v3;
	_ =	sdelay $0x1  }
0x4a2: {  	[tilespmem:v4+s25+$0x0] =	vst.idx.msk $0xffff, v3  }
0x4a3: {  	v3 =	vld.idx.msk [tilespmem:v8+s15+$0x0], $0xffff;
	_ =	sdelay $0x1  }
0x4a4: {  	v4 =	vor.u32 s7, v0  }
0x4a5: {  	v8 =	vor.u32 v32, v59;
	_ =	sdelay $0x1  }
0x4a6: {  	v0 =	vld [tilespmem:$0x1FA60];
	v3 =	vmul.f32 $8.000000000e+00, v3;
	_ =	sdelay $0x1  }
0x4a7: {  	[tilespmem:v4+s25+$0x0] =	vst.idx.msk $0xffff, v3  }
0x4a8: {  	v3 =	vld.idx.msk [tilespmem:v8+s15+$0x0], $0xffff;
	_ =	sdelay $0x1  }
0x4a9: {  	v4 =	vor.u32 s7, v0  }
0x4aa: {  	v8 =	vor.u32 v37, v59;
	_ =	sdelay $0x1  }
0x4ab: {  	v0 =	vld [tilespmem:$0x1FA70];
	v3 =	vmul.f32 $8.000000000e+00, v3;
	_ =	sdelay $0x1  }
0x4ac: {  	[tilespmem:v4+s25+$0x0] =	vst.idx.msk $0xffff, v3  }
0x4ad: {  	v3 =	vld.idx.msk [tilespmem:v8+s15+$0x0], $0xffff;
	_ =	sdelay $0x1  }
0x4ae: {  	v4 =	vor.u32 s7, v0  }
0x4af: {  	v8 =	vor.u32 v40, v59;
	_ =	sdelay $0x1  }
0x4b0: {  	v0 =	vld [tilespmem:$0x1FA80];
	v3 =	vmul.f32 $8.000000000e+00, v3;
	_ =	sdelay $0x1  }
0x4b1: {  	[tilespmem:v4+s25+$0x0] =	vst.idx.msk $0xffff, v3  }
0x4b2: {  	v3 =	vld.idx.msk [tilespmem:v8+s15+$0x0], $0xffff;
	_ =	sdelay $0x1  }
0x4b3: {  	v4 =	vor.u32 s7, v0  }
0x4b4: {  	v8 =	vor.u32 v19, v59;
	_ =	sdelay $0x1  }
0x4b5: {  	v0 =	vld [tilespmem:$0x1FAA0];
	v3 =	vmul.f32 $8.000000000e+00, v3;
	_ =	sdelay $0x1  }
0x4b6: {  	[tilespmem:v4+s25+$0x0] =	vst.idx.msk $0xffff, v3  }
0x4b7: {  	v3 =	vld.idx.msk [tilespmem:v8+s15+$0x0], $0xffff;
	_ =	sdelay $0x1  }
0x4b8: {  	v4 =	vor.u32 s7, v0  }
0x4b9: {  	v8 =	vor.u32 v26, v59;
	_ =	sdelay $0x1  }
0x4ba: {  	v0 =	vld [tilespmem:$0x1FAB0];
	v3 =	vmul.f32 $8.000000000e+00, v3;
	_ =	sdelay $0x1  }
0x4bb: {  	[tilespmem:v4+s25+$0x0] =	vst.idx.msk $0xffff, v3  }
0x4bc: {  	v3 =	vld.idx.msk [tilespmem:v8+s15+$0x0], $0xffff;
	_ =	sdelay $0x1  }
0x4bd: {  	v4 =	vor.u32 s7, v0  }
0x4be: {  	v8 =	vor.u32 v27, v59;
	_ =	sdelay $0x1  }
0x4bf: {  	v0 =	vld [tilespmem:$0x1FAC0];
	v3 =	vmul.f32 $8.000000000e+00, v3;
	_ =	sdelay $0x1  }
0x4c0: {  	[tilespmem:v4+s25+$0x0] =	vst.idx.msk $0xffff, v3  }
0x4c1: {  	v3 =	vld.idx.msk [tilespmem:v8+s15+$0x0], $0xffff;
	_ =	sdelay $0x1  }
0x4c2: {  	v4 =	vor.u32 s7, v0  }
0x4c3: {  	v8 =	vor.u32 v29, v59;
	_ =	sdelay $0x1  }
0x4c4: {  	v0 =	vld [tilespmem:$0x1FAD0];
	v3 =	vmul.f32 $8.000000000e+00, v3;
	_ =	sdelay $0x1  }
0x4c5: {  	[tilespmem:v4+s25+$0x0] =	vst.idx.msk $0xffff, v3  }
0x4c6: {  	v3 =	vld.idx.msk [tilespmem:v8+s15+$0x0], $0xffff;
	_ =	sdelay $0x1  }
0x4c7: {  	v4 =	vor.u32 s7, v0  }
0x4c8: {  	v8 =	vor.u32 v44, v59;
	_ =	sdelay $0x1  }
0x4c9: {  	v0 =	vld [tilespmem:$0x1FAE0];
	v3 =	vmul.f32 $8.000000000e+00, v3;
	_ =	sdelay $0x1  }
0x4ca: {  	[tilespmem:v4+s25+$0x0] =	vst.idx.msk $0xffff, v3  }
0x4cb: {  	v3 =	vld.idx.msk [tilespmem:v8+s15+$0x0], $0xffff;
	_ =	sdelay $0x1  }
0x4cc: {  	v4 =	vor.u32 s7, v0  }
0x4cd: {  	v8 =	vor.u32 v45, v59;
	_ =	sdelay $0x1  }
0x4ce: {  	v0 =	vld [tilespmem:$0x1FAF0];
	v3 =	vmul.f32 $8.000000000e+00, v3;
	_ =	sdelay $0x1  }
0x4cf: {  	[tilespmem:v4+s25+$0x0] =	vst.idx.msk $0xffff, v3  }
0x4d0: {  	v3 =	vld.idx.msk [tilespmem:v8+s15+$0x0], $0xffff;
	_ =	sdelay $0x1  }
0x4d1: {  	v4 =	vor.u32 s7, v0  }
0x4d2: {  	v8 =	vor.u32 v43, v59;
	_ =	sdelay $0x1  }
0x4d3: {  	v0 =	vld [tilespmem:$0x1FB00];
	v3 =	vmul.f32 $8.000000000e+00, v3;
	_ =	sdelay $0x1  }
0x4d4: {  	[tilespmem:v4+s25+$0x0] =	vst.idx.msk $0xffff, v3  }
0x4d5: {  	v3 =	vld.idx.msk [tilespmem:v8+s15+$0x0], $0xffff;
	_ =	sdelay $0x1  }
0x4d6: {  	v4 =	vor.u32 s7, v0  }
0x4d7: {  	v8 =	vor.u32 v47, v59;
	_ =	sdelay $0x1  }
0x4d8: {  	v0 =	vld [tilespmem:$0x1FB10];
	v3 =	vmul.f32 $8.000000000e+00, v3;
	_ =	sdelay $0x1  }
0x4d9: {  	[tilespmem:v4+s25+$0x0] =	vst.idx.msk $0xffff, v3  }
0x4da: {  	v3 =	vld.idx.msk [tilespmem:v8+s15+$0x0], $0xffff;
	_ =	sdelay $0x1  }
0x4db: {  	v4 =	vor.u32 s7, v0  }
0x4dc: {  	v8 =	vor.u32 v36, v59;
	_ =	sdelay $0x1  }
0x4dd: {  	v0 =	vld [tilespmem:$0x1FB20];
	v3 =	vmul.f32 $8.000000000e+00, v3;
	_ =	sdelay $0x1  }
0x4de: {  	[tilespmem:v4+s25+$0x0] =	vst.idx.msk $0xffff, v3  }
0x4df: {  	v3 =	vld.idx.msk [tilespmem:v8+s15+$0x0], $0xffff;
	_ =	sdelay $0x1  }
0x4e0: {  	v4 =	vor.u32 s7, v0  }
0x4e1: {  	v8 =	vor.u32 v13, v59;
	_ =	sdelay $0x1  }
0x4e2: {  	v0 =	vld [tilespmem:$0x1FB30];
	v3 =	vmul.f32 $8.000000000e+00, v3;
	_ =	sdelay $0x1  }
0x4e3: {  	[tilespmem:v4+s25+$0x0] =	vst.idx.msk $0xffff, v3  }
0x4e4: {  	v3 =	vld.idx.msk [tilespmem:v8+s15+$0x0], $0xffff;
	_ =	sdelay $0x1  }
0x4e5: {  	v4 =	vor.u32 s7, v0  }
0x4e6: {  	v8 =	vor.u32 v30, v59;
	_ =	sdelay $0x1  }
0x4e7: {  	v0 =	vld [tilespmem:$0x1FB40];
	v3 =	vmul.f32 $8.000000000e+00, v3;
	_ =	sdelay $0x1  }
0x4e8: {  	[tilespmem:v4+s25+$0x0] =	vst.idx.msk $0xffff, v3  }
0x4e9: {  	v3 =	vld.idx.msk [tilespmem:v8+s15+$0x0], $0xffff;
	_ =	sdelay $0x1  }
0x4ea: {  	v4 =	vor.u32 s7, v0  }
0x4eb: {  	v8 =	vor.u32 v48, v59;
	_ =	sdelay $0x1  }
0x4ec: {  	v0 =	vld [tilespmem:$0x1FB50];
	v3 =	vmul.f32 $8.000000000e+00, v3;
	_ =	sdelay $0x1  }
0x4ed: {  	[tilespmem:v4+s25+$0x0] =	vst.idx.msk $0xffff, v3  }
0x4ee: {  	v3 =	vld.idx.msk [tilespmem:v8+s15+$0x0], $0xffff;
	_ =	sdelay $0x1  }
0x4ef: {  	v4 =	vor.u32 s7, v0  }
0x4f0: {  	v8 =	vor.u32 v53, v59;
	_ =	sdelay $0x1  }
0x4f1: {  	v0 =	vld [tilespmem:$0x1FB60];
	v3 =	vmul.f32 $8.000000000e+00, v3;
	_ =	sdelay $0x1  }
0x4f2: {  	[tilespmem:v4+s25+$0x0] =	vst.idx.msk $0xffff, v3  }
0x4f3: {  	v3 =	vld.idx.msk [tilespmem:v8+s15+$0x0], $0xffff;
	_ =	sdelay $0x1  }
0x4f4: {  	v4 =	vor.u32 s7, v0  }
0x4f5: {  	v8 =	vor.u32 v54, v59;
	_ =	sdelay $0x1  }
0x4f6: {  	v0 =	vld [tilespmem:$0x1FB70];
	v3 =	vmul.f32 $8.000000000e+00, v3;
	_ =	sdelay $0x1  }
0x4f7: {  	[tilespmem:v4+s25+$0x0] =	vst.idx.msk $0xffff, v3  }
0x4f8: {  	v3 =	vld.idx.msk [tilespmem:v8+s15+$0x0], $0xffff;
	_ =	sdelay $0x1  }
0x4f9: {  	v4 =	vor.u32 s7, v0  }
0x4fa: {  	v8 =	vor.u32 v55, v59;
	_ =	sdelay $0x1  }
0x4fb: {  	v0 =	vld [tilespmem:$0x1FB80];
	v3 =	vmul.f32 $8.000000000e+00, v3;
	_ =	sdelay $0x1  }
0x4fc: {  	[tilespmem:v4+s25+$0x0] =	vst.idx.msk $0xffff, v3  }
0x4fd: {  	v3 =	vld.idx.msk [tilespmem:v8+s15+$0x0], $0xffff;
	_ =	sdelay $0x1  }
0x4fe: {  	v4 =	vor.u32 s7, v0  }
0x4ff: {  	v8 =	vor.u32 v56, v59;
	_ =	sdelay $0x1  }
0x500: {  	v0 =	vld [tilespmem:$0x1FB90];
	v3 =	vmul.f32 $8.000000000e+00, v3;
	_ =	sdelay $0x1  }
0x501: {  	[tilespmem:v4+s25+$0x0] =	vst.idx.msk $0xffff, v3  }
0x502: {  	v3 =	vld.idx.msk [tilespmem:v8+s15+$0x0], $0xffff;
	_ =	sdelay $0x1  }
0x503: {  	v4 =	vor.u32 s7, v0  }
0x504: {  	v8 =	vor.u32 v57, v59;
	_ =	sdelay $0x1  }
0x505: {  	v0 =	vld [tilespmem:$0x1FBA0];
	v3 =	vmul.f32 $8.000000000e+00, v3;
	_ =	sdelay $0x1  }
0x506: {  	[tilespmem:v4+s25+$0x0] =	vst.idx.msk $0xffff, v3  }
0x507: {  	v3 =	vld.idx.msk [tilespmem:v8+s15+$0x0], $0xffff;
	_ =	sdelay $0x1  }
0x508: {  	v4 =	vor.u32 s7, v0  }
0x509: {  	v8 =	vor.u32 v58, v59;
	_ =	sdelay $0x1  }
0x50a: {  	v0 =	vld [tilespmem:$0x1FBB0];
	v3 =	vmul.f32 $8.000000000e+00, v3;
	_ =	sdelay $0x1  }
0x50b: {  	[tilespmem:v4+s25+$0x0] =	vst.idx.msk $0xffff, v3  }
0x50c: {  	v3 =	vld.idx.msk [tilespmem:v8+s15+$0x0], $0xffff;
	_ =	sdelay $0x1  }
0x50d: {  	v4 =	vor.u32 s7, v0  }
0x50e: {  	v8 =	vor.u32 v60, v59;
	_ =	sdelay $0x1  }
0x50f: {  	v59 =	vld [tilespmem:$0x1FFE0];
	v3 =	vmul.f32 $8.000000000e+00, v3;
	_ =	sdelay $0x1  }
0x510: {  	[tilespmem:v4+s25+$0x0] =	vst.idx.msk $0xffff, v3  }
0x511: {  	v3 =	vld.idx.msk [tilespmem:v8+s15+$0x0], $0xffff;
	_ =	sdelay $0x1  }
0x512: {  	p0 =	sne.s32 s7, $0x70;
	v4 =	vor.u32 s7, v59  }
.Ltmp1:
0x513: {  	_ = 	snop;
	(pc) =	sbr.rel @p0 .LBB2_5-.Ltmp1, $3  }
0x514: {  	_ = 	snop  }
0x515: {  	v3 =	vmul.f32 $8.000000000e+00, v3;
	_ =	sdelay $0x1  }
0x516: {  	s11 =	sadd.s32 $0x10, s11;
	s7 =	sadd.s32 $0x10, s7;
	[tilespmem:v4+s25+$0x0] =	vst.idx.msk $0xffff, v3  }
0x517: {  	v0 =	vld @!p1 [tilespmem:s9+$0x180];
	_ =	sdelay $0x4  }
0x518: {  	v0 =	vshra.s32 @!p1 v0, $0x1  }
0x519: {  	[tilespmem:$0x6480] =	vst @!p1 v0  }
0x51a: {  	v0 =	vld @!p1 [tilespmem:s9+$0x190];
	_ =	sdelay $0x4  }
0x51b: {  	v0 =	vshra.s32 @!p1 v0, $0x1  }
0x51c: {  	[tilespmem:$0x6490] =	vst @!p1 v0  }
0x51d: {  	v0 =	vld @!p1 [tilespmem:s9+$0x1A0];
	_ =	sdelay $0x4  }
0x51e: {  	v0 =	vshra.s32 @!p1 v0, $0x1  }
0x51f: {  	[tilespmem:$0x64A0] =	vst @!p1 v0  }
0x520: {  	v0 =	vld @!p1 [tilespmem:s9+$0x1B0];
	_ =	sdelay $0x4  }
0x521: {  	v0 =	vshra.s32 @!p1 v0, $0x1  }
0x522: {  	[tilespmem:$0x64B0] =	vst @!p1 v0  }
0x523: {  	v0 =	vld @!p1 [tilespmem:s9+$0x1C0];
	_ =	sdelay $0x4  }
0x524: {  	v0 =	vshra.s32 @!p1 v0, $0x1  }
0x525: {  	[tilespmem:$0x64C0] =	vst @!p1 v0  }
0x526: {  	v0 =	vld @!p1 [tilespmem:s9+$0x1D0];
	_ =	sdelay $0x4  }
0x527: {  	v0 =	vshra.s32 @!p1 v0, $0x1  }
0x528: {  	[tilespmem:$0x64D0] =	vst @!p1 v0  }
0x529: {  	v0 =	vld @!p1 [tilespmem:s9+$0x1E0];
	_ =	sdelay $0x4  }
0x52a: {  	v0 =	vshra.s32 @!p1 v0, $0x1  }
0x52b: {  	[tilespmem:$0x64E0] =	vst @!p1 v0  }
0x52c: {  	v0 =	vld @!p1 [tilespmem:s9+$0x1F0];
	_ =	sdelay $0x2  }
0x52d: {  	s7 =	sshll.u32 s8, $0x12  }
0x52e: {  	s7 =	sor.u32 s4, s7  }
0x52f: {  	s7 =	sshrl.u32 s7, $0x3;
	v0 =	vshra.s32 @!p1 v0, $0x1  }
0x530: {  	s7 =	sadd.s32 s1, s7;
	[tilespmem:$0x64F0] =	vst @!p1 v0  }
0x531: {  	[hbm4b:s7+s3] =	stream.linear.scatter [tilespmem:s25], [sflag:$0x2], $0x400, $0x38;
	[tilespmem:$0x16500] =	vst v63  }
0x532: {  	s9 =	sadd.s32 $0x1000, s7  }
0x533: {  	[hbm4b:s9+s3] =	stream.linear.scatter [tilespmem:s26], [sflag:$0x2], $0x400, $0x38;
	[tilespmem:$0x16500] =	vst v63  }
0x534: {  	s11 =	sadd.s32 $0x2000, s7  }
0x535: {  	[hbm4b:s11+s3] =	stream.linear.scatter [tilespmem:s28], [sflag:$0x2], $0x400, $0x38;
	[tilespmem:$0x16500] =	vst v63  }
0x536: {  	s9 =	sadd.s32 $0x3000, s7  }
0x537: {  	[hbm4b:s9+s3] =	stream.linear.scatter [tilespmem:s29], [sflag:$0x2], $0x400, $0x38;
	[tilespmem:$0x16500] =	vst v63  }
0x538: {  	s10 =	sadd.s32 $0x1, s10;
	s11 =	sadd.s32 $0x4000, s7  }
0x539: {  	[hbm4b:s11+s3] =	stream.linear.scatter [tilespmem:s30], [sflag:$0x2], $0x400, $0x38;
	[tilespmem:$0x16500] =	vst v63  }
0x53a: {  	p0 =	sne.s32 s10, $0x64;
	s9 =	sadd.s32 $0x5000, s7  }
0x53b: {  	[hbm4b:s9+s3] =	stream.linear.scatter [tilespmem:s31], [sflag:$0x2], $0x400, $0x38;
	[tilespmem:$0x16500] =	vst v63  }
.Ltmp2:
0x53c: {  	_ = 	snop;
	(pc) =	sbr.rel @p0 .LBB2_2-.Ltmp2, $4  }
0x53d: {  	s11 =	sadd.s32 $0x6000, s7  }
0x53e: {  	[hbm4b:s11+s3] =	stream.linear.scatter [tilespmem:s0], [sflag:$0x2], $0x400, $0x38;
	[tilespmem:$0x16500] =	vst v63  }
0x53f: {  	s14 =	sadd.s32 $0x100, s14;
	s6 =	sadd.s32 $0x100, s6;
	s7 =	sadd.s32 $0x7000, s7  }
0x540: {  	[hbm4b:s7+s3] =	stream.linear.scatter [tilespmem:s2], [sflag:$0x2], $0x400, $0x38;
	[tilespmem:$0x16500] =	vst v63  }
0x541: {  	s7 =	simm.s32 $0x2  }
0x542: {  	_ =	swait.ge [sflag:s7], $0x2000  }
0x543: {  	[sflag:s7] =	ssyncset.done $0x0  }
0x544: {  	[sflag:s7] =	ssyncadd.s32 $0xFFFFE000  }
0x545: {  	_ =	swait.ge [sflag:s7], $0x2000  }
0x546: {  	s8 =	rddreg [dreg:$0x6]  }
0x547: {  	s6 =	rddreg [dreg:$0x5];
	s8 =	sadd.s32 $0x1, s8  }
0x548: {  	p0 =	sne.s32 s8, s6  }
.Ltmp3:
0x549: {  	_ = 	snop;
	(pc) =	sbr.rel @p0 .LBB2_1-.Ltmp3, $3  }
0x54a: {  	_ =	sdelay $0x1  }
0x54b: {  	[sflag:s7] =	ssyncset.done $0x0  }
0x54c: {  	[sflag:s7] =	ssyncadd.s32 $0xFFFFE000  }
0x54d: {  	_ =	sfence.sel $0x180000  }
0x54e: {  	[bflag:$0x0] =	sbarrier.arrive $0xFFFF  }
0x54f: {  	_ =	strace $0x90000047  }
0x550: {  	s0 =	stileid.u32;
	[bflag:$0x2] =	sbarrier.arrive $0xFFFF  }
0x551: {  	p0 =	sne.s32 s0, $0x0;
	s0 =	rddreg [dreg:$0x3]  }
0x552: {  	s0 =	sadd.s32 @!p0 $0x100000, s0  }
0x553: {  	[sflag:s0] =	ssyncadd.tile.s32 @!p0 $0x1;
	_ =	shalt  }
.Lfunc_end2:
_tile_overlayer_lowered:
.L_overlay_start_2:
0x554: {  	(tag) =	ssettag $0x2  }
0x555: {  	s0 =	rddreg [dreg:$0x0];
	s2 =	stileid.u32  }
0x556: {  	s1 =	rddreg [dreg:$0x1];
	p0 =	sne.s32 s2, $0x0  }
0x557: {  	s3 =	rddreg [dreg:$0x2];
	[bflag:$0x3] =	sbarrier.arrive $0xFFFF;
	s2 =	simm.s32 @!p0 $0x1C03  }
0x558: {  	[timem:s3], [sflag:s2] =	dma.local @!p0 [hbm:s0], s1  }
0x559: {  	s0 =	simm.s32 @!p0 $0x3  }
0x55a: {  	_ =	swait.ge @!p0 [sflag:s0], s1  }
0x55b: {  	s1 =	ssub.s32 @!p0 $0x0, s1;
	[sflag:s0] =	ssyncset.done @!p0 $0x0  }
0x55c: {  	[sflag:s0] =	ssyncadd.s32 @!p0 s1  }
0x55d: {  	[bflag:$0x3] =	sbarrier.arrive $0xFFFF  }
0x55e: {  	_ =	shalt  }

</sc_bundles>
